<compile_context>
chip_gen: v7x
topology: tpu7x:2x2x1
jax: 0.10.2.dev20260603
libtpu: 0.0.44.dev20260713+nightly
codegen_flags: <defaults>
</compile_context>

<pallas_src>
import jax
import jax.numpy as jnp
from jax import lax
from jax.experimental import pallas as pl
from jax.experimental.pallas import tpu as pltpu
from jax.experimental.pallas import tpu_sc as plsc

SEQ = 200
BATCH = 1024
D = 128
ROWS = SEQ * BATCH
NW = 32
ROWS_PER_W = ROWS // NW
CHUNK = 128
NCHUNK = ROWS_PER_W // CHUNK
NBUF = 5
NROUND = NCHUNK // NBUF
PE_ROWS = 16
LANES = 16
VPD = D // LANES
UNROLL = 8


def _embed_body(x_hbm, table_hbm, pe_hbm, out_hbm, idx_v, pe_v, *ring):
    bufs = ring[:NBUF]
    sems = ring[NBUF:2 * NBUF]
    wid = lax.axis_index("s") * 2 + lax.axis_index("c")
    base = wid * ROWS_PER_W
    s0 = lax.min((base // BATCH) // 8 * 8, SEQ - PE_ROWS)
    pltpu.sync_copy(x_hbm.at[wid], idx_v)

    def gather(c, b):
        pltpu.async_copy(table_hbm.at[idx_v.at[c]], bufs[b], sems[b])

    for b in range(NBUF):
        gather(b, b)
    pltpu.sync_copy(pe_hbm.at[pl.ds(s0, PE_ROWS)], pe_v)

    def add_pe(buf, s):
        pe_regs = [pe_v[s, pl.ds(LANES * j, LANES)] for j in range(VPD)]

        def row_body(r, carry):
            for u in range(UNROLL):
                for j in range(VPD):
                    plsc.addupdate(
                        buf.at[r * UNROLL + u, pl.ds(LANES * j, LANES)],
                        pe_regs[j])
            return carry

        lax.fori_loop(0, CHUNK // UNROLL, row_body, 0)

    def round_body(g, carry):
        for b in range(NBUF):
            c = g * NBUF + b
            start = base + c * CHUNK
            pltpu.make_async_copy(
                table_hbm.at[idx_v.at[c]], bufs[b], sems[b]).wait()
            add_pe(bufs[b], start // BATCH - s0)
            pltpu.async_copy(
                bufs[b], out_hbm.at[start // BATCH, pl.ds(start % BATCH, CHUNK)],
                sems[b])

            if b > 0:
                @pl.when(g < NROUND - 1)
                def _refill_prev(b=b):
                    pltpu.make_async_copy(
                        bufs[b - 1], out_hbm.at[base // BATCH, pl.ds(0, CHUNK)],
                        sems[b - 1]).wait()
                    gather((g + 1) * NBUF + b - 1, b - 1)

        @pl.when(g < NROUND - 1)
        def _refill_last():
            pltpu.make_async_copy(
                bufs[NBUF - 1], out_hbm.at[base // BATCH, pl.ds(0, CHUNK)],
                sems[NBUF - 1]).wait()
            gather((g + 1) * NBUF + NBUF - 1, NBUF - 1)

        return carry

    lax.fori_loop(0, NROUND, round_body, 0)
    for b in range(NBUF):
        pltpu.make_async_copy(
            bufs[b], out_hbm.at[base // BATCH, pl.ds(0, CHUNK)], sems[b]).wait()


def kernel(x, table, pe):
    xf = x.reshape(NW, NCHUNK, CHUNK).astype(jnp.int32)
    pef = pe.reshape(SEQ, D)
    mesh = plsc.VectorSubcoreMesh(core_axis_name="c", subcore_axis_name="s")
    out = pl.kernel(
        _embed_body,
        mesh=mesh,
        out_type=jax.ShapeDtypeStruct((SEQ, BATCH, D), jnp.float32),
        scratch_types=(
            [pltpu.VMEM((NCHUNK, CHUNK), jnp.int32),
             pltpu.VMEM((PE_ROWS, D), jnp.float32)]
            + [pltpu.VMEM((CHUNK, D), jnp.float32) for _ in range(NBUF)]
            + [pltpu.SemaphoreType.DMA for _ in range(NBUF)]
        ),
    )(xf, table, pef)
    return out

# --- scband reference (transcript-rebuilt; emitter-appended) ---
"""Pipeline reference for scband-embedder-43267500540124 (READ-ONLY COPY).

The authoritative reference and input builder live on the scoring server;
editing this copy changes nothing except your own understanding.
"""

import jax, jax.numpy as jnp
import numpy as np

VOCAB = 1000000
D_MODEL = 128
MAX_SEQ_LEN = 200
SEQ = 200
BATCH = 1024


def make_positional_encodings():
    position = np.arange(0, MAX_SEQ_LEN, dtype=np.float32)[:, None]
    div_term = np.power(1000.0, 2.0 * np.arange(0, D_MODEL, 2, dtype=np.float32) / D_MODEL)
    pe = np.zeros((MAX_SEQ_LEN, D_MODEL), dtype=np.float32)
    pe[:, 0::2] = np.sin(position / div_term)
    pe[:, 1::2] = np.cos(position / div_term)
    # unsqueeze(0).transpose(0,1) -> [max_seq_len, 1, d_model]
    return jnp.asarray(pe[:, None, :])


def setup_inputs(seed: int = 0) -> dict:
    key = jax.random.key(seed)
    k1, k2 = jax.random.split(key)
    x = jax.random.randint(k1, (SEQ, BATCH), 0, VOCAB, dtype=jnp.int64 if jax.config.jax_enable_x64 else jnp.int32)
    table = jax.random.normal(k2, (VOCAB, D_MODEL), dtype=jnp.float32)
    pe = make_positional_encodings()
    return {"x": x, "table": table, "pe": pe}


def reference(x, table, pe):
    # nn.Embedding lookup
    embedded = jnp.take(table, x, axis=0)  # [SEQ, BATCH, D_MODEL]
    # PositionalEncoder: x + pe[:x.size(0)]; dropout p=0.0 is identity
    out = embedded + pe[: x.shape[0]]
    return out

if __name__ == "__main__":
    import jax
    _d = setup_inputs()
    print(jax.jit(kernel)(*tuple(_d.values())))

</pallas_src>

<mosaic_0001>
#map = affine_map<(d0, d1) -> (0, 0, 0)>
#map1 = affine_map<(d0, d1) -> (0, 0)>
module attributes {stable_mosaic.version = 14 : i64} {
  func.func @_embed_body(%arg0: i32, %arg1: i32, %arg2: memref<32x50x128xi32, #tpu.memory_space<hbm>>, %arg3: memref<1000000x128xf32, #tpu.memory_space<hbm>>, %arg4: memref<200x128xf32, #tpu.memory_space<hbm>>, %arg5: memref<200x1024x128xf32, #tpu.memory_space<hbm>>, %arg6: memref<50x128xi32, #tpu.memory_space<vmem>>, %arg7: memref<16x128xf32, #tpu.memory_space<vmem>>, %arg8: memref<128x128xf32, #tpu.memory_space<vmem>>, %arg9: memref<128x128xf32, #tpu.memory_space<vmem>>, %arg10: memref<128x128xf32, #tpu.memory_space<vmem>>, %arg11: memref<128x128xf32, #tpu.memory_space<vmem>>, %arg12: memref<128x128xf32, #tpu.memory_space<vmem>>, %arg13: memref<!tpu.dma_semaphore, #tpu.memory_space<semaphore_mem>>, %arg14: memref<!tpu.dma_semaphore, #tpu.memory_space<semaphore_mem>>, %arg15: memref<!tpu.dma_semaphore, #tpu.memory_space<semaphore_mem>>, %arg16: memref<!tpu.dma_semaphore, #tpu.memory_space<semaphore_mem>>, %arg17: memref<!tpu.dma_semaphore, #tpu.memory_space<semaphore_mem>>) attributes {dimension_semantics = [#tpu.dimension_semantics<core_parallel>, #tpu.dimension_semantics<subcore_parallel>], iteration_bounds = array<i64: 2, 16>, scalar_prefetch = 0 : i64, scratch_operands = 12 : i64, tpu.core_type = #tpu.core_type<sc_vector_subcore>, window_params = [{transform_indices = #map}, {transform_indices = #map1}, {transform_indices = #map1}, {transform_indices = #map}]} {
    %mul3A = arith.constant 2 : i32
    %mul3A_0 = arith.muli %arg1, %mul3A : i32
    %add3A = arith.addi %mul3A_0, %arg0 : i32
    %mul3A_1 = arith.constant 6400 : i32
    %mul3A_2 = arith.muli %add3A, %mul3A_1 : i32
    %jit3A = arith.constant 1024 : i32
    %div3A = arith.divsi %mul3A_2, %jit3A : i32
    %sign3A = arith.constant 0 : i32
    %sign3A_3 = arith.cmpi sgt, %mul3A_2, %sign3A : i32
    %sign3A_4 = arith.extui %sign3A_3 : i1 to i32
    %sign3A_5 = arith.constant 0 : i32
    %sign3A_6 = arith.cmpi slt, %mul3A_2, %sign3A_5 : i32
    %sign3A_7 = arith.extui %sign3A_6 : i1 to i32
    %sign3A_8 = arith.subi %sign3A_4, %sign3A_7 : i32
    %sign3A_9 = arith.constant 0 : i32
    %sign3A_10 = arith.cmpi sgt, %jit3A, %sign3A_9 : i32
    %sign3A_11 = arith.extui %sign3A_10 : i1 to i32
    %sign3A_12 = arith.constant 0 : i32
    %sign3A_13 = arith.cmpi slt, %jit3A, %sign3A_12 : i32
    %sign3A_14 = arith.extui %sign3A_13 : i1 to i32
    %sign3A_15 = arith.subi %sign3A_11, %sign3A_14 : i32
    %ne3A = arith.cmpi ne, %sign3A_8, %sign3A_15 : i32
    %rem3A = arith.remsi %mul3A_2, %jit3A : i32
    %ne3A_16 = arith.constant 0 : i32
    %ne3A_17 = arith.cmpi ne, %rem3A, %ne3A_16 : i32
    %and3A = arith.andi %ne3A, %ne3A_17 : i1
    %sub3A = arith.constant 1 : i32
    %sub3A_18 = arith.subi %div3A, %sub3A : i32
    %select_n3A = arith.select %and3A, %sub3A_18, %div3A : i32
    %jit3A_19 = arith.constant 8 : i32
    %div3A_20 = arith.divsi %select_n3A, %jit3A_19 : i32
    %sign3A_21 = arith.constant 0 : i32
    %sign3A_22 = arith.cmpi sgt, %select_n3A, %sign3A_21 : i32
    %sign3A_23 = arith.extui %sign3A_22 : i1 to i32
    %sign3A_24 = arith.constant 0 : i32
    %sign3A_25 = arith.cmpi slt, %select_n3A, %sign3A_24 : i32
    %sign3A_26 = arith.extui %sign3A_25 : i1 to i32
    %sign3A_27 = arith.subi %sign3A_23, %sign3A_26 : i32
    %sign3A_28 = arith.constant 0 : i32
    %sign3A_29 = arith.cmpi sgt, %jit3A_19, %sign3A_28 : i32
    %sign3A_30 = arith.extui %sign3A_29 : i1 to i32
    %sign3A_31 = arith.constant 0 : i32
    %sign3A_32 = arith.cmpi slt, %jit3A_19, %sign3A_31 : i32
    %sign3A_33 = arith.extui %sign3A_32 : i1 to i32
    %sign3A_34 = arith.subi %sign3A_30, %sign3A_33 : i32
    %ne3A_35 = arith.cmpi ne, %sign3A_27, %sign3A_34 : i32
    %rem3A_36 = arith.remsi %select_n3A, %jit3A_19 : i32
    %ne3A_37 = arith.constant 0 : i32
    %ne3A_38 = arith.cmpi ne, %rem3A_36, %ne3A_37 : i32
    %and3A_39 = arith.andi %ne3A_35, %ne3A_38 : i1
    %sub3A_40 = arith.constant 1 : i32
    %sub3A_41 = arith.subi %div3A_20, %sub3A_40 : i32
    %select_n3A_42 = arith.select %and3A_39, %sub3A_41, %div3A_20 : i32
    %mul3A_43 = arith.constant 8 : i32
    %mul3A_44 = arith.muli %select_n3A_42, %mul3A_43 : i32
    %min3A = arith.constant 184 : i32
    %min3A_45 = arith.minsi %mul3A_44, %min3A : i32
    "tpu.region"() ({
      %run_scoped3A = tpu.sem_alloc : memref<!tpu.dma_semaphore, #tpu.memory_space<semaphore_mem>>
      %dma_start3A_244 = arith.constant 0 : i32
      %dma_start3A_245 = arith.constant 0 : i32
      %dma_start3A_246 = tpu.memref_slice %arg2[%add3A, %dma_start3A_244, %dma_start3A_245] : memref<32x50x128xi32, #tpu.memory_space<hbm>> -> memref<1x50x128xi32, #tpu.memory_space<hbm>>
      %dma_start3A_247 = tpu.memref_squeeze %dma_start3A_246 : memref<1x50x128xi32, #tpu.memory_space<hbm>> -> memref<50x128xi32, #tpu.memory_space<hbm>>
      %dma_start3A_248 = arith.constant 0 : i32
      %dma_start3A_249 = arith.constant 0 : i32
      %dma_start3A_250 = tpu.memref_slice %arg2[%add3A, %dma_start3A_248, %dma_start3A_249] : memref<32x50x128xi32, #tpu.memory_space<hbm>> -> memref<1x50x128xi32, #tpu.memory_space<hbm>>
      %dma_start3A_251 = tpu.memref_squeeze %dma_start3A_250 : memref<1x50x128xi32, #tpu.memory_space<hbm>> -> memref<50x128xi32, #tpu.memory_space<hbm>>
      tpu.enqueue_dma source(%dma_start3A_251 : memref<50x128xi32, #tpu.memory_space<hbm>>) target(%arg6 : memref<50x128xi32, #tpu.memory_space<vmem>>) target_semaphore(%run_scoped3A : memref<!tpu.dma_semaphore, #tpu.memory_space<semaphore_mem>>)
      %dma_wait3A_252 = arith.constant 0 : i32
      %dma_wait3A_253 = arith.constant 0 : i32
      %dma_wait3A_254 = tpu.memref_slice %arg2[%add3A, %dma_wait3A_252, %dma_wait3A_253] : memref<32x50x128xi32, #tpu.memory_space<hbm>> -> memref<1x50x128xi32, #tpu.memory_space<hbm>>
      %dma_wait3A_255 = tpu.memref_squeeze %dma_wait3A_254 : memref<1x50x128xi32, #tpu.memory_space<hbm>> -> memref<50x128xi32, #tpu.memory_space<hbm>>
      %dma_wait3A_256 = arith.constant 0 : i32
      %dma_wait3A_257 = arith.constant 0 : i32
      %dma_wait3A_258 = tpu.memref_slice %arg2[%add3A, %dma_wait3A_256, %dma_wait3A_257] : memref<32x50x128xi32, #tpu.memory_space<hbm>> -> memref<1x50x128xi32, #tpu.memory_space<hbm>>
      %dma_wait3A_259 = tpu.memref_squeeze %dma_wait3A_258 : memref<1x50x128xi32, #tpu.memory_space<hbm>> -> memref<50x128xi32, #tpu.memory_space<hbm>>
      tpu.wait_dma2 semaphore(%run_scoped3A : memref<!tpu.dma_semaphore, #tpu.memory_space<semaphore_mem>>) src(%dma_wait3A_259 : memref<50x128xi32, #tpu.memory_space<hbm>>) dst(%arg6 : memref<50x128xi32, #tpu.memory_space<vmem>>)
      tpu.yield
    }) : () -> ()
    %dma_start3A = arith.constant 0 : i32
    %dma_start3A_46 = arith.constant 0 : i32
    %dma_start3A_47 = tpu.memref_slice %arg6[%dma_start3A, %dma_start3A_46] : memref<50x128xi32, #tpu.memory_space<vmem>> -> memref<1x128xi32, #tpu.memory_space<vmem>>
    %dma_start3A_48 = tpu.memref_squeeze %dma_start3A_47 : memref<1x128xi32, #tpu.memory_space<vmem>> -> memref<128xi32, #tpu.memory_space<vmem>>
    %dma_start3A_49 = arith.constant 0 : i32
    %dma_start3A_50 = arith.constant 0 : i32
    %dma_start3A_51 = tpu.memref_slice %arg3[%dma_start3A_49, %dma_start3A_50] : memref<1000000x128xf32, #tpu.memory_space<hbm>> -> memref<1000000x128xf32, #tpu.memory_space<hbm>>
    tpu.enqueue_indirect_dma source(%dma_start3A_51 : memref<1000000x128xf32, #tpu.memory_space<hbm>>) target(%arg8 : memref<128x128xf32, #tpu.memory_space<vmem>>) offsets(%dma_start3A_48 : memref<128xi32, #tpu.memory_space<vmem>>) semaphore(%arg13 : memref<!tpu.dma_semaphore, #tpu.memory_space<semaphore_mem>>)
    %dma_start3A_52 = arith.constant 1 : i32
    %dma_start3A_53 = arith.constant 0 : i32
    %dma_start3A_54 = tpu.memref_slice %arg6[%dma_start3A_52, %dma_start3A_53] : memref<50x128xi32, #tpu.memory_space<vmem>> -> memref<1x128xi32, #tpu.memory_space<vmem>>
    %dma_start3A_55 = tpu.memref_squeeze %dma_start3A_54 : memref<1x128xi32, #tpu.memory_space<vmem>> -> memref<128xi32, #tpu.memory_space<vmem>>
    %dma_start3A_56 = arith.constant 0 : i32
    %dma_start3A_57 = arith.constant 0 : i32
    %dma_start3A_58 = tpu.memref_slice %arg3[%dma_start3A_56, %dma_start3A_57] : memref<1000000x128xf32, #tpu.memory_space<hbm>> -> memref<1000000x128xf32, #tpu.memory_space<hbm>>
    tpu.enqueue_indirect_dma source(%dma_start3A_58 : memref<1000000x128xf32, #tpu.memory_space<hbm>>) target(%arg9 : memref<128x128xf32, #tpu.memory_space<vmem>>) offsets(%dma_start3A_55 : memref<128xi32, #tpu.memory_space<vmem>>) semaphore(%arg14 : memref<!tpu.dma_semaphore, #tpu.memory_space<semaphore_mem>>)
    %dma_start3A_59 = arith.constant 2 : i32
    %dma_start3A_60 = arith.constant 0 : i32
    %dma_start3A_61 = tpu.memref_slice %arg6[%dma_start3A_59, %dma_start3A_60] : memref<50x128xi32, #tpu.memory_space<vmem>> -> memref<1x128xi32, #tpu.memory_space<vmem>>
    %dma_start3A_62 = tpu.memref_squeeze %dma_start3A_61 : memref<1x128xi32, #tpu.memory_space<vmem>> -> memref<128xi32, #tpu.memory_space<vmem>>
    %dma_start3A_63 = arith.constant 0 : i32
    %dma_start3A_64 = arith.constant 0 : i32
    %dma_start3A_65 = tpu.memref_slice %arg3[%dma_start3A_63, %dma_start3A_64] : memref<1000000x128xf32, #tpu.memory_space<hbm>> -> memref<1000000x128xf32, #tpu.memory_space<hbm>>
    tpu.enqueue_indirect_dma source(%dma_start3A_65 : memref<1000000x128xf32, #tpu.memory_space<hbm>>) target(%arg10 : memref<128x128xf32, #tpu.memory_space<vmem>>) offsets(%dma_start3A_62 : memref<128xi32, #tpu.memory_space<vmem>>) semaphore(%arg15 : memref<!tpu.dma_semaphore, #tpu.memory_space<semaphore_mem>>)
    %dma_start3A_66 = arith.constant 3 : i32
    %dma_start3A_67 = arith.constant 0 : i32
    %dma_start3A_68 = tpu.memref_slice %arg6[%dma_start3A_66, %dma_start3A_67] : memref<50x128xi32, #tpu.memory_space<vmem>> -> memref<1x128xi32, #tpu.memory_space<vmem>>
    %dma_start3A_69 = tpu.memref_squeeze %dma_start3A_68 : memref<1x128xi32, #tpu.memory_space<vmem>> -> memref<128xi32, #tpu.memory_space<vmem>>
    %dma_start3A_70 = arith.constant 0 : i32
    %dma_start3A_71 = arith.constant 0 : i32
    %dma_start3A_72 = tpu.memref_slice %arg3[%dma_start3A_70, %dma_start3A_71] : memref<1000000x128xf32, #tpu.memory_space<hbm>> -> memref<1000000x128xf32, #tpu.memory_space<hbm>>
    tpu.enqueue_indirect_dma source(%dma_start3A_72 : memref<1000000x128xf32, #tpu.memory_space<hbm>>) target(%arg11 : memref<128x128xf32, #tpu.memory_space<vmem>>) offsets(%dma_start3A_69 : memref<128xi32, #tpu.memory_space<vmem>>) semaphore(%arg16 : memref<!tpu.dma_semaphore, #tpu.memory_space<semaphore_mem>>)
    %dma_start3A_73 = arith.constant 4 : i32
    %dma_start3A_74 = arith.constant 0 : i32
    %dma_start3A_75 = tpu.memref_slice %arg6[%dma_start3A_73, %dma_start3A_74] : memref<50x128xi32, #tpu.memory_space<vmem>> -> memref<1x128xi32, #tpu.memory_space<vmem>>
    %dma_start3A_76 = tpu.memref_squeeze %dma_start3A_75 : memref<1x128xi32, #tpu.memory_space<vmem>> -> memref<128xi32, #tpu.memory_space<vmem>>
    %dma_start3A_77 = arith.constant 0 : i32
    %dma_start3A_78 = arith.constant 0 : i32
    %dma_start3A_79 = tpu.memref_slice %arg3[%dma_start3A_77, %dma_start3A_78] : memref<1000000x128xf32, #tpu.memory_space<hbm>> -> memref<1000000x128xf32, #tpu.memory_space<hbm>>
    tpu.enqueue_indirect_dma source(%dma_start3A_79 : memref<1000000x128xf32, #tpu.memory_space<hbm>>) target(%arg12 : memref<128x128xf32, #tpu.memory_space<vmem>>) offsets(%dma_start3A_76 : memref<128xi32, #tpu.memory_space<vmem>>) semaphore(%arg17 : memref<!tpu.dma_semaphore, #tpu.memory_space<semaphore_mem>>)
    "tpu.region"() ({
      %run_scoped3A = tpu.sem_alloc : memref<!tpu.dma_semaphore, #tpu.memory_space<semaphore_mem>>
      %dma_start3A_244 = arith.constant 0 : i32
      %dma_start3A_245 = tpu.memref_slice %arg4[%min3A_45, %dma_start3A_244] : memref<200x128xf32, #tpu.memory_space<hbm>> -> memref<16x128xf32, #tpu.memory_space<hbm>>
      %dma_start3A_246 = arith.constant 0 : i32
      %dma_start3A_247 = tpu.memref_slice %arg4[%min3A_45, %dma_start3A_246] : memref<200x128xf32, #tpu.memory_space<hbm>> -> memref<16x128xf32, #tpu.memory_space<hbm>>
      tpu.enqueue_dma source(%dma_start3A_247 : memref<16x128xf32, #tpu.memory_space<hbm>>) target(%arg7 : memref<16x128xf32, #tpu.memory_space<vmem>>) target_semaphore(%run_scoped3A : memref<!tpu.dma_semaphore, #tpu.memory_space<semaphore_mem>>)
      %dma_wait3A_248 = arith.constant 0 : i32
      %dma_wait3A_249 = tpu.memref_slice %arg4[%min3A_45, %dma_wait3A_248] : memref<200x128xf32, #tpu.memory_space<hbm>> -> memref<16x128xf32, #tpu.memory_space<hbm>>
      %dma_wait3A_250 = arith.constant 0 : i32
      %dma_wait3A_251 = tpu.memref_slice %arg4[%min3A_45, %dma_wait3A_250] : memref<200x128xf32, #tpu.memory_space<hbm>> -> memref<16x128xf32, #tpu.memory_space<hbm>>
      tpu.wait_dma2 semaphore(%run_scoped3A : memref<!tpu.dma_semaphore, #tpu.memory_space<semaphore_mem>>) src(%dma_wait3A_251 : memref<16x128xf32, #tpu.memory_space<hbm>>) dst(%arg7 : memref<16x128xf32, #tpu.memory_space<vmem>>)
      tpu.yield
    }) : () -> ()
    %scan3A = arith.constant 0 : i32
    %scan3A_80 = arith.constant 0 : i32
    %scan3A_81 = arith.constant 10 : i32
    %scan3A_82 = arith.addi %scan3A_80, %scan3A_81 : i32
    %scan3A_83 = arith.constant 1 : i32
    scf.for %scan3A_244 = %scan3A_80 to %scan3A_82 step %scan3A_83  : i32 {
      %mul3A_245 = arith.constant 5 : i32
      %mul3A_246 = arith.muli %scan3A_244, %mul3A_245 : i32
      %add3A_247 = arith.constant 0 : i32
      %add3A_248 = arith.addi %mul3A_246, %add3A_247 : i32
      %mul3A_249 = arith.constant 128 : i32
      %mul3A_250 = arith.muli %add3A_248, %mul3A_249 : i32
      %add3A_251 = arith.addi %mul3A_2, %mul3A_250 : i32
      %dma_wait3A_252 = arith.constant 0 : i32
      %dma_wait3A_253 = tpu.memref_slice %arg6[%add3A_248, %dma_wait3A_252] : memref<50x128xi32, #tpu.memory_space<vmem>> -> memref<1x128xi32, #tpu.memory_space<vmem>>
      %dma_wait3A_254 = tpu.memref_squeeze %dma_wait3A_253 : memref<1x128xi32, #tpu.memory_space<vmem>> -> memref<128xi32, #tpu.memory_space<vmem>>
      %dma_wait3A_255 = arith.constant 0 : i32
      %dma_wait3A_256 = arith.constant 0 : i32
      %dma_wait3A_257 = tpu.memref_slice %arg3[%dma_wait3A_255, %dma_wait3A_256] : memref<1000000x128xf32, #tpu.memory_space<hbm>> -> memref<1000000x128xf32, #tpu.memory_space<hbm>>
      tpu.wait_indirect_dma semaphore(%arg13 : memref<!tpu.dma_semaphore, #tpu.memory_space<semaphore_mem>>) src(%dma_wait3A_257 : memref<1000000x128xf32, #tpu.memory_space<hbm>>) dst(%arg8 : memref<128x128xf32, #tpu.memory_space<vmem>>)
      %jit3A_258 = arith.constant 1024 : i32
      %div3A_259 = arith.divsi %add3A_251, %jit3A_258 : i32
      %sign3A_260 = arith.constant 0 : i32
      %sign3A_261 = arith.cmpi sgt, %add3A_251, %sign3A_260 : i32
      %sign3A_262 = arith.extui %sign3A_261 : i1 to i32
      %sign3A_263 = arith.constant 0 : i32
      %sign3A_264 = arith.cmpi slt, %add3A_251, %sign3A_263 : i32
      %sign3A_265 = arith.extui %sign3A_264 : i1 to i32
      %sign3A_266 = arith.subi %sign3A_262, %sign3A_265 : i32
      %sign3A_267 = arith.constant 0 : i32
      %sign3A_268 = arith.cmpi sgt, %jit3A_258, %sign3A_267 : i32
      %sign3A_269 = arith.extui %sign3A_268 : i1 to i32
      %sign3A_270 = arith.constant 0 : i32
      %sign3A_271 = arith.cmpi slt, %jit3A_258, %sign3A_270 : i32
      %sign3A_272 = arith.extui %sign3A_271 : i1 to i32
      %sign3A_273 = arith.subi %sign3A_269, %sign3A_272 : i32
      %ne3A_274 = arith.cmpi ne, %sign3A_266, %sign3A_273 : i32
      %rem3A_275 = arith.remsi %add3A_251, %jit3A_258 : i32
      %ne3A_276 = arith.constant 0 : i32
      %ne3A_277 = arith.cmpi ne, %rem3A_275, %ne3A_276 : i32
      %and3A_278 = arith.andi %ne3A_274, %ne3A_277 : i1
      %sub3A_279 = arith.constant 1 : i32
      %sub3A_280 = arith.subi %div3A_259, %sub3A_279 : i32
      %select_n3A_281 = arith.select %and3A_278, %sub3A_280, %div3A_259 : i32
      %sub3A_282 = arith.subi %select_n3A_281, %min3A_45 : i32
      %get3A = arith.index_cast %sub3A_282 : i32 to index
      %get3A_283 = arith.constant 0 : index
      %get3A_284 = tpu.vector_load %arg7[%get3A, %get3A_283] {strides = array<i32>} : memref<16x128xf32, #tpu.memory_space<vmem>>, vector<1x16xf32>,
      %get3A_285 = vector.shape_cast %get3A_284 : vector<1x16xf32> to vector<16xf32>
      %get3A_286 = arith.index_cast %sub3A_282 : i32 to index
      %get3A_287 = arith.constant 16 : index
      %get3A_288 = tpu.vector_load %arg7[%get3A_286, %get3A_287] {strides = array<i32>} : memref<16x128xf32, #tpu.memory_space<vmem>>, vector<1x16xf32>,
      %get3A_289 = vector.shape_cast %get3A_288 : vector<1x16xf32> to vector<16xf32>
      %get3A_290 = arith.index_cast %sub3A_282 : i32 to index
      %get3A_291 = arith.constant 32 : index
      %get3A_292 = tpu.vector_load %arg7[%get3A_290, %get3A_291] {strides = array<i32>} : memref<16x128xf32, #tpu.memory_space<vmem>>, vector<1x16xf32>,
      %get3A_293 = vector.shape_cast %get3A_292 : vector<1x16xf32> to vector<16xf32>
      %get3A_294 = arith.index_cast %sub3A_282 : i32 to index
      %get3A_295 = arith.constant 48 : index
      %get3A_296 = tpu.vector_load %arg7[%get3A_294, %get3A_295] {strides = array<i32>} : memref<16x128xf32, #tpu.memory_space<vmem>>, vector<1x16xf32>,
      %get3A_297 = vector.shape_cast %get3A_296 : vector<1x16xf32> to vector<16xf32>
      %get3A_298 = arith.index_cast %sub3A_282 : i32 to index
      %get3A_299 = arith.constant 64 : index
      %get3A_300 = tpu.vector_load %arg7[%get3A_298, %get3A_299] {strides = array<i32>} : memref<16x128xf32, #tpu.memory_space<vmem>>, vector<1x16xf32>,
      %get3A_301 = vector.shape_cast %get3A_300 : vector<1x16xf32> to vector<16xf32>
      %get3A_302 = arith.index_cast %sub3A_282 : i32 to index
      %get3A_303 = arith.constant 80 : index
      %get3A_304 = tpu.vector_load %arg7[%get3A_302, %get3A_303] {strides = array<i32>} : memref<16x128xf32, #tpu.memory_space<vmem>>, vector<1x16xf32>,
      %get3A_305 = vector.shape_cast %get3A_304 : vector<1x16xf32> to vector<16xf32>
      %get3A_306 = arith.index_cast %sub3A_282 : i32 to index
      %get3A_307 = arith.constant 96 : index
      %get3A_308 = tpu.vector_load %arg7[%get3A_306, %get3A_307] {strides = array<i32>} : memref<16x128xf32, #tpu.memory_space<vmem>>, vector<1x16xf32>,
      %get3A_309 = vector.shape_cast %get3A_308 : vector<1x16xf32> to vector<16xf32>
      %get3A_310 = arith.index_cast %sub3A_282 : i32 to index
      %get3A_311 = arith.constant 112 : index
      %get3A_312 = tpu.vector_load %arg7[%get3A_310, %get3A_311] {strides = array<i32>} : memref<16x128xf32, #tpu.memory_space<vmem>>, vector<1x16xf32>,
      %get3A_313 = vector.shape_cast %get3A_312 : vector<1x16xf32> to vector<16xf32>
      %scan3A_314 = arith.constant 0 : i32
      %scan3A_315 = arith.constant 0 : i32
      %scan3A_316 = arith.constant 16 : i32
      %scan3A_317 = arith.addi %scan3A_315, %scan3A_316 : i32
      %scan3A_318 = arith.constant 1 : i32
      scf.for %scan3A_875 = %scan3A_315 to %scan3A_317 step %scan3A_318  : i32 {
        %mul3A_876 = arith.constant 8 : i32
        %mul3A_877 = arith.muli %scan3A_875, %mul3A_876 : i32
        %add3A_878 = arith.constant 0 : i32
        %add3A_879 = arith.addi %mul3A_877, %add3A_878 : i32
        %swap3A = arith.index_cast %add3A_879 : i32 to index
        %swap3A_880 = arith.constant 0 : index
        %swap3A_881 = tpu.vector_load %arg8[%swap3A, %swap3A_880] {strides = array<i32>} : memref<128x128xf32, #tpu.memory_space<vmem>>, vector<1x16xf32>,
        %swap3A_882 = vector.shape_cast %swap3A_881 : vector<1x16xf32> to vector<16xf32>
        %swap3A_883 = vector.shape_cast %get3A_285 : vector<16xf32> to vector<1x16xf32>
        tpu.vector_store %arg8[%swap3A, %swap3A_880], %swap3A_883 {add = true, strides = array<i32>} : memref<128x128xf32, #tpu.memory_space<vmem>>, vector<1x16xf32>,
        %mul3A_884 = arith.constant 8 : i32
        %mul3A_885 = arith.muli %scan3A_875, %mul3A_884 : i32
        %add3A_886 = arith.constant 0 : i32
        %add3A_887 = arith.addi %mul3A_885, %add3A_886 : i32
        %swap3A_888 = arith.index_cast %add3A_887 : i32 to index
        %swap3A_889 = arith.constant 16 : index
        %swap3A_890 = tpu.vector_load %arg8[%swap3A_888, %swap3A_889] {strides = array<i32>} : memref<128x128xf32, #tpu.memory_space<vmem>>, vector<1x16xf32>,
        %swap3A_891 = vector.shape_cast %swap3A_890 : vector<1x16xf32> to vector<16xf32>
        %swap3A_892 = vector.shape_cast %get3A_289 : vector<16xf32> to vector<1x16xf32>
        tpu.vector_store %arg8[%swap3A_888, %swap3A_889], %swap3A_892 {add = true, strides = array<i32>} : memref<128x128xf32, #tpu.memory_space<vmem>>, vector<1x16xf32>,
        %mul3A_893 = arith.constant 8 : i32
        %mul3A_894 = arith.muli %scan3A_875, %mul3A_893 : i32
        %add3A_895 = arith.constant 0 : i32
        %add3A_896 = arith.addi %mul3A_894, %add3A_895 : i32
        %swap3A_897 = arith.index_cast %add3A_896 : i32 to index
        %swap3A_898 = arith.constant 32 : index
        %swap3A_899 = tpu.vector_load %arg8[%swap3A_897, %swap3A_898] {strides = array<i32>} : memref<128x128xf32, #tpu.memory_space<vmem>>, vector<1x16xf32>,
        %swap3A_900 = vector.shape_cast %swap3A_899 : vector<1x16xf32> to vector<16xf32>
        %swap3A_901 = vector.shape_cast %get3A_293 : vector<16xf32> to vector<1x16xf32>
        tpu.vector_store %arg8[%swap3A_897, %swap3A_898], %swap3A_901 {add = true, strides = array<i32>} : memref<128x128xf32, #tpu.memory_space<vmem>>, vector<1x16xf32>,
        %mul3A_902 = arith.constant 8 : i32
        %mul3A_903 = arith.muli %scan3A_875, %mul3A_902 : i32
        %add3A_904 = arith.constant 0 : i32
        %add3A_905 = arith.addi %mul3A_903, %add3A_904 : i32
        %swap3A_906 = arith.index_cast %add3A_905 : i32 to index
        %swap3A_907 = arith.constant 48 : index
        %swap3A_908 = tpu.vector_load %arg8[%swap3A_906, %swap3A_907] {strides = array<i32>} : memref<128x128xf32, #tpu.memory_space<vmem>>, vector<1x16xf32>,
        %swap3A_909 = vector.shape_cast %swap3A_908 : vector<1x16xf32> to vector<16xf32>
        %swap3A_910 = vector.shape_cast %get3A_297 : vector<16xf32> to vector<1x16xf32>
        tpu.vector_store %arg8[%swap3A_906, %swap3A_907], %swap3A_910 {add = true, strides = array<i32>} : memref<128x128xf32, #tpu.memory_space<vmem>>, vector<1x16xf32>,
        %mul3A_911 = arith.constant 8 : i32
        %mul3A_912 = arith.muli %scan3A_875, %mul3A_911 : i32
        %add3A_913 = arith.constant 0 : i32
        %add3A_914 = arith.addi %mul3A_912, %add3A_913 : i32
        %swap3A_915 = arith.index_cast %add3A_914 : i32 to index
        %swap3A_916 = arith.constant 64 : index
        %swap3A_917 = tpu.vector_load %arg8[%swap3A_915, %swap3A_916] {strides = array<i32>} : memref<128x128xf32, #tpu.memory_space<vmem>>, vector<1x16xf32>,
        %swap3A_918 = vector.shape_cast %swap3A_917 : vector<1x16xf32> to vector<16xf32>
        %swap3A_919 = vector.shape_cast %get3A_301 : vector<16xf32> to vector<1x16xf32>
        tpu.vector_store %arg8[%swap3A_915, %swap3A_916], %swap3A_919 {add = true, strides = array<i32>} : memref<128x128xf32, #tpu.memory_space<vmem>>, vector<1x16xf32>,
        %mul3A_920 = arith.constant 8 : i32
        %mul3A_921 = arith.muli %scan3A_875, %mul3A_920 : i32
        %add3A_922 = arith.constant 0 : i32
        %add3A_923 = arith.addi %mul3A_921, %add3A_922 : i32
        %swap3A_924 = arith.index_cast %add3A_923 : i32 to index
        %swap3A_925 = arith.constant 80 : index
        %swap3A_926 = tpu.vector_load %arg8[%swap3A_924, %swap3A_925] {strides = array<i32>} : memref<128x128xf32, #tpu.memory_space<vmem>>, vector<1x16xf32>,
        %swap3A_927 = vector.shape_cast %swap3A_926 : vector<1x16xf32> to vector<16xf32>
        %swap3A_928 = vector.shape_cast %get3A_305 : vector<16xf32> to vector<1x16xf32>
        tpu.vector_store %arg8[%swap3A_924, %swap3A_925], %swap3A_928 {add = true, strides = array<i32>} : memref<128x128xf32, #tpu.memory_space<vmem>>, vector<1x16xf32>,
        %mul3A_929 = arith.constant 8 : i32
        %mul3A_930 = arith.muli %scan3A_875, %mul3A_929 : i32
        %add3A_931 = arith.constant 0 : i32
        %add3A_932 = arith.addi %mul3A_930, %add3A_931 : i32
        %swap3A_933 = arith.index_cast %add3A_932 : i32 to index
        %swap3A_934 = arith.constant 96 : index
        %swap3A_935 = tpu.vector_load %arg8[%swap3A_933, %swap3A_934] {strides = array<i32>} : memref<128x128xf32, #tpu.memory_space<vmem>>, vector<1x16xf32>,
        %swap3A_936 = vector.shape_cast %swap3A_935 : vector<1x16xf32> to vector<16xf32>
        %swap3A_937 = vector.shape_cast %get3A_309 : vector<16xf32> to vector<1x16xf32>
        tpu.vector_store %arg8[%swap3A_933, %swap3A_934], %swap3A_937 {add = true, strides = array<i32>} : memref<128x128xf32, #tpu.memory_space<vmem>>, vector<1x16xf32>,
        %mul3A_938 = arith.constant 8 : i32
        %mul3A_939 = arith.muli %scan3A_875, %mul3A_938 : i32
        %add3A_940 = arith.constant 0 : i32
        %add3A_941 = arith.addi %mul3A_939, %add3A_940 : i32
        %swap3A_942 = arith.index_cast %add3A_941 : i32 to index
        %swap3A_943 = arith.constant 112 : index
        %swap3A_944 = tpu.vector_load %arg8[%swap3A_942, %swap3A_943] {strides = array<i32>} : memref<128x128xf32, #tpu.memory_space<vmem>>, vector<1x16xf32>,
        %swap3A_945 = vector.shape_cast %swap3A_944 : vector<1x16xf32> to vector<16xf32>
        %swap3A_946 = vector.shape_cast %get3A_313 : vector<16xf32> to vector<1x16xf32>
        tpu.vector_store %arg8[%swap3A_942, %swap3A_943], %swap3A_946 {add = true, strides = array<i32>} : memref<128x128xf32, #tpu.memory_space<vmem>>, vector<1x16xf32>,
        %mul3A_947 = arith.constant 8 : i32
        %mul3A_948 = arith.muli %scan3A_875, %mul3A_947 : i32
        %add3A_949 = arith.constant 1 : i32
        %add3A_950 = arith.addi %mul3A_948, %add3A_949 : i32
        %swap3A_951 = arith.index_cast %add3A_950 : i32 to index
        %swap3A_952 = arith.constant 0 : index
        %swap3A_953 = tpu.vector_load %arg8[%swap3A_951, %swap3A_952] {strides = array<i32>} : memref<128x128xf32, #tpu.memory_space<vmem>>, vector<1x16xf32>,
        %swap3A_954 = vector.shape_cast %swap3A_953 : vector<1x16xf32> to vector<16xf32>
        %swap3A_955 = vector.shape_cast %get3A_285 : vector<16xf32> to vector<1x16xf32>
        tpu.vector_store %arg8[%swap3A_951, %swap3A_952], %swap3A_955 {add = true, strides = array<i32>} : memref<128x128xf32, #tpu.memory_space<vmem>>, vector<1x16xf32>,
        %mul3A_956 = arith.constant 8 : i32
        %mul3A_957 = arith.muli %scan3A_875, %mul3A_956 : i32
        %add3A_958 = arith.constant 1 : i32
        %add3A_959 = arith.addi %mul3A_957, %add3A_958 : i32
        %swap3A_960 = arith.index_cast %add3A_959 : i32 to index
        %swap3A_961 = arith.constant 16 : index
        %swap3A_962 = tpu.vector_load %arg8[%swap3A_960, %swap3A_961] {strides = array<i32>} : memref<128x128xf32, #tpu.memory_space<vmem>>, vector<1x16xf32>,
        %swap3A_963 = vector.shape_cast %swap3A_962 : vector<1x16xf32> to vector<16xf32>
        %swap3A_964 = vector.shape_cast %get3A_289 : vector<16xf32> to vector<1x16xf32>
        tpu.vector_store %arg8[%swap3A_960, %swap3A_961], %swap3A_964 {add = true, strides = array<i32>} : memref<128x128xf32, #tpu.memory_space<vmem>>, vector<1x16xf32>,
        %mul3A_965 = arith.constant 8 : i32
        %mul3A_966 = arith.muli %scan3A_875, %mul3A_965 : i32
        %add3A_967 = arith.constant 1 : i32
        %add3A_968 = arith.addi %mul3A_966, %add3A_967 : i32
        %swap3A_969 = arith.index_cast %add3A_968 : i32 to index
        %swap3A_970 = arith.constant 32 : index
        %swap3A_971 = tpu.vector_load %arg8[%swap3A_969, %swap3A_970] {strides = array<i32>} : memref<128x128xf32, #tpu.memory_space<vmem>>, vector<1x16xf32>,
        %swap3A_972 = vector.shape_cast %swap3A_971 : vector<1x16xf32> to vector<16xf32>
        %swap3A_973 = vector.shape_cast %get3A_293 : vector<16xf32> to vector<1x16xf32>
        tpu.vector_store %arg8[%swap3A_969, %swap3A_970], %swap3A_973 {add = true, strides = array<i32>} : memref<128x128xf32, #tpu.memory_space<vmem>>, vector<1x16xf32>,
        %mul3A_974 = arith.constant 8 : i32
        %mul3A_975 = arith.muli %scan3A_875, %mul3A_974 : i32
        %add3A_976 = arith.constant 1 : i32
        %add3A_977 = arith.addi %mul3A_975, %add3A_976 : i32
        %swap3A_978 = arith.index_cast %add3A_977 : i32 to index
        %swap3A_979 = arith.constant 48 : index
        %swap3A_980 = tpu.vector_load %arg8[%swap3A_978, %swap3A_979] {strides = array<i32>} : memref<128x128xf32, #tpu.memory_space<vmem>>, vector<1x16xf32>,
        %swap3A_981 = vector.shape_cast %swap3A_980 : vector<1x16xf32> to vector<16xf32>
        %swap3A_982 = vector.shape_cast %get3A_297 : vector<16xf32> to vector<1x16xf32>
        tpu.vector_store %arg8[%swap3A_978, %swap3A_979], %swap3A_982 {add = true, strides = array<i32>} : memref<128x128xf32, #tpu.memory_space<vmem>>, vector<1x16xf32>,
        %mul3A_983 = arith.constant 8 : i32
        %mul3A_984 = arith.muli %scan3A_875, %mul3A_983 : i32
        %add3A_985 = arith.constant 1 : i32
        %add3A_986 = arith.addi %mul3A_984, %add3A_985 : i32
        %swap3A_987 = arith.index_cast %add3A_986 : i32 to index
        %swap3A_988 = arith.constant 64 : index
        %swap3A_989 = tpu.vector_load %arg8[%swap3A_987, %swap3A_988] {strides = array<i32>} : memref<128x128xf32, #tpu.memory_space<vmem>>, vector<1x16xf32>,
        %swap3A_990 = vector.shape_cast %swap3A_989 : vector<1x16xf32> to vector<16xf32>
        %swap3A_991 = vector.shape_cast %get3A_301 : vector<16xf32> to vector<1x16xf32>
        tpu.vector_store %arg8[%swap3A_987, %swap3A_988], %swap3A_991 {add = true, strides = array<i32>} : memref<128x128xf32, #tpu.memory_space<vmem>>, vector<1x16xf32>,
        %mul3A_992 = arith.constant 8 : i32
        %mul3A_993 = arith.muli %scan3A_875, %mul3A_992 : i32
        %add3A_994 = arith.constant 1 : i32
        %add3A_995 = arith.addi %mul3A_993, %add3A_994 : i32
        %swap3A_996 = arith.index_cast %add3A_995 : i32 to index
        %swap3A_997 = arith.constant 80 : index
        %swap3A_998 = tpu.vector_load %arg8[%swap3A_996, %swap3A_997] {strides = array<i32>} : memref<128x128xf32, #tpu.memory_space<vmem>>, vector<1x16xf32>,
        %swap3A_999 = vector.shape_cast %swap3A_998 : vector<1x16xf32> to vector<16xf32>
        %swap3A_1000 = vector.shape_cast %get3A_305 : vector<16xf32> to vector<1x16xf32>
        tpu.vector_store %arg8[%swap3A_996, %swap3A_997], %swap3A_1000 {add = true, strides = array<i32>} : memref<128x128xf32, #tpu.memory_space<vmem>>, vector<1x16xf32>,
        %mul3A_1001 = arith.constant 8 : i32
        %mul3A_1002 = arith.muli %scan3A_875, %mul3A_1001 : i32
        %add3A_1003 = arith.constant 1 : i32
        %add3A_1004 = arith.addi %mul3A_1002, %add3A_1003 : i32
        %swap3A_1005 = arith.index_cast %add3A_1004 : i32 to index
        %swap3A_1006 = arith.constant 96 : index
        %swap3A_1007 = tpu.vector_load %arg8[%swap3A_1005, %swap3A_1006] {strides = array<i32>} : memref<128x128xf32, #tpu.memory_space<vmem>>, vector<1x16xf32>,
        %swap3A_1008 = vector.shape_cast %swap3A_1007 : vector<1x16xf32> to vector<16xf32>
        %swap3A_1009 = vector.shape_cast %get3A_309 : vector<16xf32> to vector<1x16xf32>
        tpu.vector_store %arg8[%swap3A_1005, %swap3A_1006], %swap3A_1009 {add = true, strides = array<i32>} : memref<128x128xf32, #tpu.memory_space<vmem>>, vector<1x16xf32>,
        %mul3A_1010 = arith.constant 8 : i32
        %mul3A_1011 = arith.muli %scan3A_875, %mul3A_1010 : i32
        %add3A_1012 = arith.constant 1 : i32
        %add3A_1013 = arith.addi %mul3A_1011, %add3A_1012 : i32
        %swap3A_1014 = arith.index_cast %add3A_1013 : i32 to index
        %swap3A_1015 = arith.constant 112 : index
        %swap3A_1016 = tpu.vector_load %arg8[%swap3A_1014, %swap3A_1015] {strides = array<i32>} : memref<128x128xf32, #tpu.memory_space<vmem>>, vector<1x16xf32>,
        %swap3A_1017 = vector.shape_cast %swap3A_1016 : vector<1x16xf32> to vector<16xf32>
        %swap3A_1018 = vector.shape_cast %get3A_313 : vector<16xf32> to vector<1x16xf32>
        tpu.vector_store %arg8[%swap3A_1014, %swap3A_1015], %swap3A_1018 {add = true, strides = array<i32>} : memref<128x128xf32, #tpu.memory_space<vmem>>, vector<1x16xf32>,
        %mul3A_1019 = arith.constant 8 : i32
        %mul3A_1020 = arith.muli %scan3A_875, %mul3A_1019 : i32
        %add3A_1021 = arith.constant 2 : i32
        %add3A_1022 = arith.addi %mul3A_1020, %add3A_1021 : i32
        %swap3A_1023 = arith.index_cast %add3A_1022 : i32 to index
        %swap3A_1024 = arith.constant 0 : index
        %swap3A_1025 = tpu.vector_load %arg8[%swap3A_1023, %swap3A_1024] {strides = array<i32>} : memref<128x128xf32, #tpu.memory_space<vmem>>, vector<1x16xf32>,
        %swap3A_1026 = vector.shape_cast %swap3A_1025 : vector<1x16xf32> to vector<16xf32>
        %swap3A_1027 = vector.shape_cast %get3A_285 : vector<16xf32> to vector<1x16xf32>
        tpu.vector_store %arg8[%swap3A_1023, %swap3A_1024], %swap3A_1027 {add = true, strides = array<i32>} : memref<128x128xf32, #tpu.memory_space<vmem>>, vector<1x16xf32>,
        %mul3A_1028 = arith.constant 8 : i32
        %mul3A_1029 = arith.muli %scan3A_875, %mul3A_1028 : i32
        %add3A_1030 = arith.constant 2 : i32
        %add3A_1031 = arith.addi %mul3A_1029, %add3A_1030 : i32
        %swap3A_1032 = arith.index_cast %add3A_1031 : i32 to index
        %swap3A_1033 = arith.constant 16 : index
        %swap3A_1034 = tpu.vector_load %arg8[%swap3A_1032, %swap3A_1033] {strides = array<i32>} : memref<128x128xf32, #tpu.memory_space<vmem>>, vector<1x16xf32>,
        %swap3A_1035 = vector.shape_cast %swap3A_1034 : vector<1x16xf32> to vector<16xf32>
        %swap3A_1036 = vector.shape_cast %get3A_289 : vector<16xf32> to vector<1x16xf32>
        tpu.vector_store %arg8[%swap3A_1032, %swap3A_1033], %swap3A_1036 {add = true, strides = array<i32>} : memref<128x128xf32, #tpu.memory_space<vmem>>, vector<1x16xf32>,
        %mul3A_1037 = arith.constant 8 : i32
        %mul3A_1038 = arith.muli %scan3A_875, %mul3A_1037 : i32
        %add3A_1039 = arith.constant 2 : i32
        %add3A_1040 = arith.addi %mul3A_1038, %add3A_1039 : i32
        %swap3A_1041 = arith.index_cast %add3A_1040 : i32 to index
        %swap3A_1042 = arith.constant 32 : index
        %swap3A_1043 = tpu.vector_load %arg8[%swap3A_1041, %swap3A_1042] {strides = array<i32>} : memref<128x128xf32, #tpu.memory_space<vmem>>, vector<1x16xf32>,
        %swap3A_1044 = vector.shape_cast %swap3A_1043 : vector<1x16xf32> to vector<16xf32>
        %swap3A_1045 = vector.shape_cast %get3A_293 : vector<16xf32> to vector<1x16xf32>
        tpu.vector_store %arg8[%swap3A_1041, %swap3A_1042], %swap3A_1045 {add = true, strides = array<i32>} : memref<128x128xf32, #tpu.memory_space<vmem>>, vector<1x16xf32>,
        %mul3A_1046 = arith.constant 8 : i32
        %mul3A_1047 = arith.muli %scan3A_875, %mul3A_1046 : i32
        %add3A_1048 = arith.constant 2 : i32
        %add3A_1049 = arith.addi %mul3A_1047, %add3A_1048 : i32
        %swap3A_1050 = arith.index_cast %add3A_1049 : i32 to index
        %swap3A_1051 = arith.constant 48 : index
        %swap3A_1052 = tpu.vector_load %arg8[%swap3A_1050, %swap3A_1051] {strides = array<i32>} : memref<128x128xf32, #tpu.memory_space<vmem>>, vector<1x16xf32>,
        %swap3A_1053 = vector.shape_cast %swap3A_1052 : vector<1x16xf32> to vector<16xf32>
        %swap3A_1054 = vector.shape_cast %get3A_297 : vector<16xf32> to vector<1x16xf32>
        tpu.vector_store %arg8[%swap3A_1050, %swap3A_1051], %swap3A_1054 {add = true, strides = array<i32>} : memref<128x128xf32, #tpu.memory_space<vmem>>, vector<1x16xf32>,
        %mul3A_1055 = arith.constant 8 : i32
        %mul3A_1056 = arith.muli %scan3A_875, %mul3A_1055 : i32
        %add3A_1057 = arith.constant 2 : i32
        %add3A_1058 = arith.addi %mul3A_1056, %add3A_1057 : i32
        %swap3A_1059 = arith.index_cast %add3A_1058 : i32 to index
        %swap3A_1060 = arith.constant 64 : index
        %swap3A_1061 = tpu.vector_load %arg8[%swap3A_1059, %swap3A_1060] {strides = array<i32>} : memref<128x128xf32, #tpu.memory_space<vmem>>, vector<1x16xf32>,
        %swap3A_1062 = vector.shape_cast %swap3A_1061 : vector<1x16xf32> to vector<16xf32>
        %swap3A_1063 = vector.shape_cast %get3A_301 : vector<16xf32> to vector<1x16xf32>
        tpu.vector_store %arg8[%swap3A_1059, %swap3A_1060], %swap3A_1063 {add = true, strides = array<i32>} : memref<128x128xf32, #tpu.memory_space<vmem>>, vector<1x16xf32>,
        %mul3A_1064 = arith.constant 8 : i32
        %mul3A_1065 = arith.muli %scan3A_875, %mul3A_1064 : i32
        %add3A_1066 = arith.constant 2 : i32
        %add3A_1067 = arith.addi %mul3A_1065, %add3A_1066 : i32
        %swap3A_1068 = arith.index_cast %add3A_1067 : i32 to index
        %swap3A_1069 = arith.constant 80 : index
        %swap3A_1070 = tpu.vector_load %arg8[%swap3A_1068, %swap3A_1069] {strides = array<i32>} : memref<128x128xf32, #tpu.memory_space<vmem>>, vector<1x16xf32>,
        %swap3A_1071 = vector.shape_cast %swap3A_1070 : vector<1x16xf32> to vector<16xf32>
        %swap3A_1072 = vector.shape_cast %get3A_305 : vector<16xf32> to vector<1x16xf32>
        tpu.vector_store %arg8[%swap3A_1068, %swap3A_1069], %swap3A_1072 {add = true, strides = array<i32>} : memref<128x128xf32, #tpu.memory_space<vmem>>, vector<1x16xf32>,
        %mul3A_1073 = arith.constant 8 : i32
        %mul3A_1074 = arith.muli %scan3A_875, %mul3A_1073 : i32
        %add3A_1075 = arith.constant 2 : i32
        %add3A_1076 = arith.addi %mul3A_1074, %add3A_1075 : i32
        %swap3A_1077 = arith.index_cast %add3A_1076 : i32 to index
        %swap3A_1078 = arith.constant 96 : index
        %swap3A_1079 = tpu.vector_load %arg8[%swap3A_1077, %swap3A_1078] {strides = array<i32>} : memref<128x128xf32, #tpu.memory_space<vmem>>, vector<1x16xf32>,
        %swap3A_1080 = vector.shape_cast %swap3A_1079 : vector<1x16xf32> to vector<16xf32>
        %swap3A_1081 = vector.shape_cast %get3A_309 : vector<16xf32> to vector<1x16xf32>
        tpu.vector_store %arg8[%swap3A_1077, %swap3A_1078], %swap3A_1081 {add = true, strides = array<i32>} : memref<128x128xf32, #tpu.memory_space<vmem>>, vector<1x16xf32>,
        %mul3A_1082 = arith.constant 8 : i32
        %mul3A_1083 = arith.muli %scan3A_875, %mul3A_1082 : i32
        %add3A_1084 = arith.constant 2 : i32
        %add3A_1085 = arith.addi %mul3A_1083, %add3A_1084 : i32
        %swap3A_1086 = arith.index_cast %add3A_1085 : i32 to index
        %swap3A_1087 = arith.constant 112 : index
        %swap3A_1088 = tpu.vector_load %arg8[%swap3A_1086, %swap3A_1087] {strides = array<i32>} : memref<128x128xf32, #tpu.memory_space<vmem>>, vector<1x16xf32>,
        %swap3A_1089 = vector.shape_cast %swap3A_1088 : vector<1x16xf32> to vector<16xf32>
        %swap3A_1090 = vector.shape_cast %get3A_313 : vector<16xf32> to vector<1x16xf32>
        tpu.vector_store %arg8[%swap3A_1086, %swap3A_1087], %swap3A_1090 {add = true, strides = array<i32>} : memref<128x128xf32, #tpu.memory_space<vmem>>, vector<1x16xf32>,
        %mul3A_1091 = arith.constant 8 : i32
        %mul3A_1092 = arith.muli %scan3A_875, %mul3A_1091 : i32
        %add3A_1093 = arith.constant 3 : i32
        %add3A_1094 = arith.addi %mul3A_1092, %add3A_1093 : i32
        %swap3A_1095 = arith.index_cast %add3A_1094 : i32 to index
        %swap3A_1096 = arith.constant 0 : index
        %swap3A_1097 = tpu.vector_load %arg8[%swap3A_1095, %swap3A_1096] {strides = array<i32>} : memref<128x128xf32, #tpu.memory_space<vmem>>, vector<1x16xf32>,
        %swap3A_1098 = vector.shape_cast %swap3A_1097 : vector<1x16xf32> to vector<16xf32>
        %swap3A_1099 = vector.shape_cast %get3A_285 : vector<16xf32> to vector<1x16xf32>
        tpu.vector_store %arg8[%swap3A_1095, %swap3A_1096], %swap3A_1099 {add = true, strides = array<i32>} : memref<128x128xf32, #tpu.memory_space<vmem>>, vector<1x16xf32>,
        %mul3A_1100 = arith.constant 8 : i32
        %mul3A_1101 = arith.muli %scan3A_875, %mul3A_1100 : i32
        %add3A_1102 = arith.constant 3 : i32
        %add3A_1103 = arith.addi %mul3A_1101, %add3A_1102 : i32
        %swap3A_1104 = arith.index_cast %add3A_1103 : i32 to index
        %swap3A_1105 = arith.constant 16 : index
        %swap3A_1106 = tpu.vector_load %arg8[%swap3A_1104, %swap3A_1105] {strides = array<i32>} : memref<128x128xf32, #tpu.memory_space<vmem>>, vector<1x16xf32>,
        %swap3A_1107 = vector.shape_cast %swap3A_1106 : vector<1x16xf32> to vector<16xf32>
        %swap3A_1108 = vector.shape_cast %get3A_289 : vector<16xf32> to vector<1x16xf32>
        tpu.vector_store %arg8[%swap3A_1104, %swap3A_1105], %swap3A_1108 {add = true, strides = array<i32>} : memref<128x128xf32, #tpu.memory_space<vmem>>, vector<1x16xf32>,
        %mul3A_1109 = arith.constant 8 : i32
        %mul3A_1110 = arith.muli %scan3A_875, %mul3A_1109 : i32
        %add3A_1111 = arith.constant 3 : i32
        %add3A_1112 = arith.addi %mul3A_1110, %add3A_1111 : i32
        %swap3A_1113 = arith.index_cast %add3A_1112 : i32 to index
        %swap3A_1114 = arith.constant 32 : index
        %swap3A_1115 = tpu.vector_load %arg8[%swap3A_1113, %swap3A_1114] {strides = array<i32>} : memref<128x128xf32, #tpu.memory_space<vmem>>, vector<1x16xf32>,
        %swap3A_1116 = vector.shape_cast %swap3A_1115 : vector<1x16xf32> to vector<16xf32>
        %swap3A_1117 = vector.shape_cast %get3A_293 : vector<16xf32> to vector<1x16xf32>
        tpu.vector_store %arg8[%swap3A_1113, %swap3A_1114], %swap3A_1117 {add = true, strides = array<i32>} : memref<128x128xf32, #tpu.memory_space<vmem>>, vector<1x16xf32>,
        %mul3A_1118 = arith.constant 8 : i32
        %mul3A_1119 = arith.muli %scan3A_875, %mul3A_1118 : i32
        %add3A_1120 = arith.constant 3 : i32
        %add3A_1121 = arith.addi %mul3A_1119, %add3A_1120 : i32
        %swap3A_1122 = arith.index_cast %add3A_1121 : i32 to index
        %swap3A_1123 = arith.constant 48 : index
        %swap3A_1124 = tpu.vector_load %arg8[%swap3A_1122, %swap3A_1123] {strides = array<i32>} : memref<128x128xf32, #tpu.memory_space<vmem>>, vector<1x16xf32>,
        %swap3A_1125 = vector.shape_cast %swap3A_1124 : vector<1x16xf32> to vector<16xf32>
        %swap3A_1126 = vector.shape_cast %get3A_297 : vector<16xf32> to vector<1x16xf32>
        tpu.vector_store %arg8[%swap3A_1122, %swap3A_1123], %swap3A_1126 {add = true, strides = array<i32>} : memref<128x128xf32, #tpu.memory_space<vmem>>, vector<1x16xf32>,
        %mul3A_1127 = arith.constant 8 : i32
        %mul3A_1128 = arith.muli %scan3A_875, %mul3A_1127 : i32
        %add3A_1129 = arith.constant 3 : i32
        %add3A_1130 = arith.addi %mul3A_1128, %add3A_1129 : i32
        %swap3A_1131 = arith.index_cast %add3A_1130 : i32 to index
        %swap3A_1132 = arith.constant 64 : index
        %swap3A_1133 = tpu.vector_load %arg8[%swap3A_1131, %swap3A_1132] {strides = array<i32>} : memref<128x128xf32, #tpu.memory_space<vmem>>, vector<1x16xf32>,
        %swap3A_1134 = vector.shape_cast %swap3A_1133 : vector<1x16xf32> to vector<16xf32>
        %swap3A_1135 = vector.shape_cast %get3A_301 : vector<16xf32> to vector<1x16xf32>
        tpu.vector_store %arg8[%swap3A_1131, %swap3A_1132], %swap3A_1135 {add = true, strides = array<i32>} : memref<128x128xf32, #tpu.memory_space<vmem>>, vector<1x16xf32>,
        %mul3A_1136 = arith.constant 8 : i32
        %mul3A_1137 = arith.muli %scan3A_875, %mul3A_1136 : i32
        %add3A_1138 = arith.constant 3 : i32
        %add3A_1139 = arith.addi %mul3A_1137, %add3A_1138 : i32
        %swap3A_1140 = arith.index_cast %add3A_1139 : i32 to index
        %swap3A_1141 = arith.constant 80 : index
        %swap3A_1142 = tpu.vector_load %arg8[%swap3A_1140, %swap3A_1141] {strides = array<i32>} : memref<128x128xf32, #tpu.memory_space<vmem>>, vector<1x16xf32>,
        %swap3A_1143 = vector.shape_cast %swap3A_1142 : vector<1x16xf32> to vector<16xf32>
        %swap3A_1144 = vector.shape_cast %get3A_305 : vector<16xf32> to vector<1x16xf32>
        tpu.vector_store %arg8[%swap3A_1140, %swap3A_1141], %swap3A_1144 {add = true, strides = array<i32>} : memref<128x128xf32, #tpu.memory_space<vmem>>, vector<1x16xf32>,
        %mul3A_1145 = arith.constant 8 : i32
        %mul3A_1146 = arith.muli %scan3A_875, %mul3A_1145 : i32
        %add3A_1147 = arith.constant 3 : i32
        %add3A_1148 = arith.addi %mul3A_1146, %add3A_1147 : i32
        %swap3A_1149 = arith.index_cast %add3A_1148 : i32 to index
        %swap3A_1150 = arith.constant 96 : index
        %swap3A_1151 = tpu.vector_load %arg8[%swap3A_1149, %swap3A_1150] {strides = array<i32>} : memref<128x128xf32, #tpu.memory_space<vmem>>, vector<1x16xf32>,
        %swap3A_1152 = vector.shape_cast %swap3A_1151 : vector<1x16xf32> to vector<16xf32>
        %swap3A_1153 = vector.shape_cast %get3A_309 : vector<16xf32> to vector<1x16xf32>
        tpu.vector_store %arg8[%swap3A_1149, %swap3A_1150], %swap3A_1153 {add = true, strides = array<i32>} : memref<128x128xf32, #tpu.memory_space<vmem>>, vector<1x16xf32>,
        %mul3A_1154 = arith.constant 8 : i32
        %mul3A_1155 = arith.muli %scan3A_875, %mul3A_1154 : i32
        %add3A_1156 = arith.constant 3 : i32
        %add3A_1157 = arith.addi %mul3A_1155, %add3A_1156 : i32
        %swap3A_1158 = arith.index_cast %add3A_1157 : i32 to index
        %swap3A_1159 = arith.constant 112 : index
        %swap3A_1160 = tpu.vector_load %arg8[%swap3A_1158, %swap3A_1159] {strides = array<i32>} : memref<128x128xf32, #tpu.memory_space<vmem>>, vector<1x16xf32>,
        %swap3A_1161 = vector.shape_cast %swap3A_1160 : vector<1x16xf32> to vector<16xf32>
        %swap3A_1162 = vector.shape_cast %get3A_313 : vector<16xf32> to vector<1x16xf32>
        tpu.vector_store %arg8[%swap3A_1158, %swap3A_1159], %swap3A_1162 {add = true, strides = array<i32>} : memref<128x128xf32, #tpu.memory_space<vmem>>, vector<1x16xf32>,
        %mul3A_1163 = arith.constant 8 : i32
        %mul3A_1164 = arith.muli %scan3A_875, %mul3A_1163 : i32
        %add3A_1165 = arith.constant 4 : i32
        %add3A_1166 = arith.addi %mul3A_1164, %add3A_1165 : i32
        %swap3A_1167 = arith.index_cast %add3A_1166 : i32 to index
        %swap3A_1168 = arith.constant 0 : index
        %swap3A_1169 = tpu.vector_load %arg8[%swap3A_1167, %swap3A_1168] {strides = array<i32>} : memref<128x128xf32, #tpu.memory_space<vmem>>, vector<1x16xf32>,
        %swap3A_1170 = vector.shape_cast %swap3A_1169 : vector<1x16xf32> to vector<16xf32>
        %swap3A_1171 = vector.shape_cast %get3A_285 : vector<16xf32> to vector<1x16xf32>
        tpu.vector_store %arg8[%swap3A_1167, %swap3A_1168], %swap3A_1171 {add = true, strides = array<i32>} : memref<128x128xf32, #tpu.memory_space<vmem>>, vector<1x16xf32>,
        %mul3A_1172 = arith.constant 8 : i32
        %mul3A_1173 = arith.muli %scan3A_875, %mul3A_1172 : i32
        %add3A_1174 = arith.constant 4 : i32
        %add3A_1175 = arith.addi %mul3A_1173, %add3A_1174 : i32
        %swap3A_1176 = arith.index_cast %add3A_1175 : i32 to index
        %swap3A_1177 = arith.constant 16 : index
        %swap3A_1178 = tpu.vector_load %arg8[%swap3A_1176, %swap3A_1177] {strides = array<i32>} : memref<128x128xf32, #tpu.memory_space<vmem>>, vector<1x16xf32>,
        %swap3A_1179 = vector.shape_cast %swap3A_1178 : vector<1x16xf32> to vector<16xf32>
        %swap3A_1180 = vector.shape_cast %get3A_289 : vector<16xf32> to vector<1x16xf32>
        tpu.vector_store %arg8[%swap3A_1176, %swap3A_1177], %swap3A_1180 {add = true, strides = array<i32>} : memref<128x128xf32, #tpu.memory_space<vmem>>, vector<1x16xf32>,
        %mul3A_1181 = arith.constant 8 : i32
        %mul3A_1182 = arith.muli %scan3A_875, %mul3A_1181 : i32
        %add3A_1183 = arith.constant 4 : i32
        %add3A_1184 = arith.addi %mul3A_1182, %add3A_1183 : i32
        %swap3A_1185 = arith.index_cast %add3A_1184 : i32 to index
        %swap3A_1186 = arith.constant 32 : index
        %swap3A_1187 = tpu.vector_load %arg8[%swap3A_1185, %swap3A_1186] {strides = array<i32>} : memref<128x128xf32, #tpu.memory_space<vmem>>, vector<1x16xf32>,
        %swap3A_1188 = vector.shape_cast %swap3A_1187 : vector<1x16xf32> to vector<16xf32>
        %swap3A_1189 = vector.shape_cast %get3A_293 : vector<16xf32> to vector<1x16xf32>
        tpu.vector_store %arg8[%swap3A_1185, %swap3A_1186], %swap3A_1189 {add = true, strides = array<i32>} : memref<128x128xf32, #tpu.memory_space<vmem>>, vector<1x16xf32>,
        %mul3A_1190 = arith.constant 8 : i32
        %mul3A_1191 = arith.muli %scan3A_875, %mul3A_1190 : i32
        %add3A_1192 = arith.constant 4 : i32
        %add3A_1193 = arith.addi %mul3A_1191, %add3A_1192 : i32
        %swap3A_1194 = arith.index_cast %add3A_1193 : i32 to index
        %swap3A_1195 = arith.constant 48 : index
        %swap3A_1196 = tpu.vector_load %arg8[%swap3A_1194, %swap3A_1195] {strides = array<i32>} : memref<128x128xf32, #tpu.memory_space<vmem>>, vector<1x16xf32>,
        %swap3A_1197 = vector.shape_cast %swap3A_1196 : vector<1x16xf32> to vector<16xf32>
        %swap3A_1198 = vector.shape_cast %get3A_297 : vector<16xf32> to vector<1x16xf32>
        tpu.vector_store %arg8[%swap3A_1194, %swap3A_1195], %swap3A_1198 {add = true, strides = array<i32>} : memref<128x128xf32, #tpu.memory_space<vmem>>, vector<1x16xf32>,
        %mul3A_1199 = arith.constant 8 : i32
        %mul3A_1200 = arith.muli %scan3A_875, %mul3A_1199 : i32
        %add3A_1201 = arith.constant 4 : i32
        %add3A_1202 = arith.addi %mul3A_1200, %add3A_1201 : i32
        %swap3A_1203 = arith.index_cast %add3A_1202 : i32 to index
        %swap3A_1204 = arith.constant 64 : index
        %swap3A_1205 = tpu.vector_load %arg8[%swap3A_1203, %swap3A_1204] {strides = array<i32>} : memref<128x128xf32, #tpu.memory_space<vmem>>, vector<1x16xf32>,
        %swap3A_1206 = vector.shape_cast %swap3A_1205 : vector<1x16xf32> to vector<16xf32>
        %swap3A_1207 = vector.shape_cast %get3A_301 : vector<16xf32> to vector<1x16xf32>
        tpu.vector_store %arg8[%swap3A_1203, %swap3A_1204], %swap3A_1207 {add = true, strides = array<i32>} : memref<128x128xf32, #tpu.memory_space<vmem>>, vector<1x16xf32>,
        %mul3A_1208 = arith.constant 8 : i32
        %mul3A_1209 = arith.muli %scan3A_875, %mul3A_1208 : i32
        %add3A_1210 = arith.constant 4 : i32
        %add3A_1211 = arith.addi %mul3A_1209, %add3A_1210 : i32
        %swap3A_1212 = arith.index_cast %add3A_1211 : i32 to index
        %swap3A_1213 = arith.constant 80 : index
        %swap3A_1214 = tpu.vector_load %arg8[%swap3A_1212, %swap3A_1213] {strides = array<i32>} : memref<128x128xf32, #tpu.memory_space<vmem>>, vector<1x16xf32>,
        %swap3A_1215 = vector.shape_cast %swap3A_1214 : vector<1x16xf32> to vector<16xf32>
        %swap3A_1216 = vector.shape_cast %get3A_305 : vector<16xf32> to vector<1x16xf32>
        tpu.vector_store %arg8[%swap3A_1212, %swap3A_1213], %swap3A_1216 {add = true, strides = array<i32>} : memref<128x128xf32, #tpu.memory_space<vmem>>, vector<1x16xf32>,
        %mul3A_1217 = arith.constant 8 : i32
        %mul3A_1218 = arith.muli %scan3A_875, %mul3A_1217 : i32
        %add3A_1219 = arith.constant 4 : i32
        %add3A_1220 = arith.addi %mul3A_1218, %add3A_1219 : i32
        %swap3A_1221 = arith.index_cast %add3A_1220 : i32 to index
        %swap3A_1222 = arith.constant 96 : index
        %swap3A_1223 = tpu.vector_load %arg8[%swap3A_1221, %swap3A_1222] {strides = array<i32>} : memref<128x128xf32, #tpu.memory_space<vmem>>, vector<1x16xf32>,
        %swap3A_1224 = vector.shape_cast %swap3A_1223 : vector<1x16xf32> to vector<16xf32>
        %swap3A_1225 = vector.shape_cast %get3A_309 : vector<16xf32> to vector<1x16xf32>
        tpu.vector_store %arg8[%swap3A_1221, %swap3A_1222], %swap3A_1225 {add = true, strides = array<i32>} : memref<128x128xf32, #tpu.memory_space<vmem>>, vector<1x16xf32>,
        %mul3A_1226 = arith.constant 8 : i32
        %mul3A_1227 = arith.muli %scan3A_875, %mul3A_1226 : i32
        %add3A_1228 = arith.constant 4 : i32
        %add3A_1229 = arith.addi %mul3A_1227, %add3A_1228 : i32
        %swap3A_1230 = arith.index_cast %add3A_1229 : i32 to index
        %swap3A_1231 = arith.constant 112 : index
        %swap3A_1232 = tpu.vector_load %arg8[%swap3A_1230, %swap3A_1231] {strides = array<i32>} : memref<128x128xf32, #tpu.memory_space<vmem>>, vector<1x16xf32>,
        %swap3A_1233 = vector.shape_cast %swap3A_1232 : vector<1x16xf32> to vector<16xf32>
        %swap3A_1234 = vector.shape_cast %get3A_313 : vector<16xf32> to vector<1x16xf32>
        tpu.vector_store %arg8[%swap3A_1230, %swap3A_1231], %swap3A_1234 {add = true, strides = array<i32>} : memref<128x128xf32, #tpu.memory_space<vmem>>, vector<1x16xf32>,
        %mul3A_1235 = arith.constant 8 : i32
        %mul3A_1236 = arith.muli %scan3A_875, %mul3A_1235 : i32
        %add3A_1237 = arith.constant 5 : i32
        %add3A_1238 = arith.addi %mul3A_1236, %add3A_1237 : i32
        %swap3A_1239 = arith.index_cast %add3A_1238 : i32 to index
        %swap3A_1240 = arith.constant 0 : index
        %swap3A_1241 = tpu.vector_load %arg8[%swap3A_1239, %swap3A_1240] {strides = array<i32>} : memref<128x128xf32, #tpu.memory_space<vmem>>, vector<1x16xf32>,
        %swap3A_1242 = vector.shape_cast %swap3A_1241 : vector<1x16xf32> to vector<16xf32>
        %swap3A_1243 = vector.shape_cast %get3A_285 : vector<16xf32> to vector<1x16xf32>
        tpu.vector_store %arg8[%swap3A_1239, %swap3A_1240], %swap3A_1243 {add = true, strides = array<i32>} : memref<128x128xf32, #tpu.memory_space<vmem>>, vector<1x16xf32>,
        %mul3A_1244 = arith.constant 8 : i32
        %mul3A_1245 = arith.muli %scan3A_875, %mul3A_1244 : i32
        %add3A_1246 = arith.constant 5 : i32
        %add3A_1247 = arith.addi %mul3A_1245, %add3A_1246 : i32
        %swap3A_1248 = arith.index_cast %add3A_1247 : i32 to index
        %swap3A_1249 = arith.constant 16 : index
        %swap3A_1250 = tpu.vector_load %arg8[%swap3A_1248, %swap3A_1249] {strides = array<i32>} : memref<128x128xf32, #tpu.memory_space<vmem>>, vector<1x16xf32>,
        %swap3A_1251 = vector.shape_cast %swap3A_1250 : vector<1x16xf32> to vector<16xf32>
        %swap3A_1252 = vector.shape_cast %get3A_289 : vector<16xf32> to vector<1x16xf32>
        tpu.vector_store %arg8[%swap3A_1248, %swap3A_1249], %swap3A_1252 {add = true, strides = array<i32>} : memref<128x128xf32, #tpu.memory_space<vmem>>, vector<1x16xf32>,
        %mul3A_1253 = arith.constant 8 : i32
        %mul3A_1254 = arith.muli %scan3A_875, %mul3A_1253 : i32
        %add3A_1255 = arith.constant 5 : i32
        %add3A_1256 = arith.addi %mul3A_1254, %add3A_1255 : i32
        %swap3A_1257 = arith.index_cast %add3A_1256 : i32 to index
        %swap3A_1258 = arith.constant 32 : index
        %swap3A_1259 = tpu.vector_load %arg8[%swap3A_1257, %swap3A_1258] {strides = array<i32>} : memref<128x128xf32, #tpu.memory_space<vmem>>, vector<1x16xf32>,
        %swap3A_1260 = vector.shape_cast %swap3A_1259 : vector<1x16xf32> to vector<16xf32>
        %swap3A_1261 = vector.shape_cast %get3A_293 : vector<16xf32> to vector<1x16xf32>
        tpu.vector_store %arg8[%swap3A_1257, %swap3A_1258], %swap3A_1261 {add = true, strides = array<i32>} : memref<128x128xf32, #tpu.memory_space<vmem>>, vector<1x16xf32>,
        %mul3A_1262 = arith.constant 8 : i32
        %mul3A_1263 = arith.muli %scan3A_875, %mul3A_1262 : i32
        %add3A_1264 = arith.constant 5 : i32
        %add3A_1265 = arith.addi %mul3A_1263, %add3A_1264 : i32
        %swap3A_1266 = arith.index_cast %add3A_1265 : i32 to index
        %swap3A_1267 = arith.constant 48 : index
        %swap3A_1268 = tpu.vector_load %arg8[%swap3A_1266, %swap3A_1267] {strides = array<i32>} : memref<128x128xf32, #tpu.memory_space<vmem>>, vector<1x16xf32>,
        %swap3A_1269 = vector.shape_cast %swap3A_1268 : vector<1x16xf32> to vector<16xf32>
        %swap3A_1270 = vector.shape_cast %get3A_297 : vector<16xf32> to vector<1x16xf32>
        tpu.vector_store %arg8[%swap3A_1266, %swap3A_1267], %swap3A_1270 {add = true, strides = array<i32>} : memref<128x128xf32, #tpu.memory_space<vmem>>, vector<1x16xf32>,
        %mul3A_1271 = arith.constant 8 : i32
        %mul3A_1272 = arith.muli %scan3A_875, %mul3A_1271 : i32
        %add3A_1273 = arith.constant 5 : i32
        %add3A_1274 = arith.addi %mul3A_1272, %add3A_1273 : i32
        %swap3A_1275 = arith.index_cast %add3A_1274 : i32 to index
        %swap3A_1276 = arith.constant 64 : index
        %swap3A_1277 = tpu.vector_load %arg8[%swap3A_1275, %swap3A_1276] {strides = array<i32>} : memref<128x128xf32, #tpu.memory_space<vmem>>, vector<1x16xf32>,
        %swap3A_1278 = vector.shape_cast %swap3A_1277 : vector<1x16xf32> to vector<16xf32>
        %swap3A_1279 = vector.shape_cast %get3A_301 : vector<16xf32> to vector<1x16xf32>
        tpu.vector_store %arg8[%swap3A_1275, %swap3A_1276], %swap3A_1279 {add = true, strides = array<i32>} : memref<128x128xf32, #tpu.memory_space<vmem>>, vector<1x16xf32>,
        %mul3A_1280 = arith.constant 8 : i32
        %mul3A_1281 = arith.muli %scan3A_875, %mul3A_1280 : i32
        %add3A_1282 = arith.constant 5 : i32
        %add3A_1283 = arith.addi %mul3A_1281, %add3A_1282 : i32
        %swap3A_1284 = arith.index_cast %add3A_1283 : i32 to index
        %swap3A_1285 = arith.constant 80 : index
        %swap3A_1286 = tpu.vector_load %arg8[%swap3A_1284, %swap3A_1285] {strides = array<i32>} : memref<128x128xf32, #tpu.memory_space<vmem>>, vector<1x16xf32>,
        %swap3A_1287 = vector.shape_cast %swap3A_1286 : vector<1x16xf32> to vector<16xf32>
        %swap3A_1288 = vector.shape_cast %get3A_305 : vector<16xf32> to vector<1x16xf32>
        tpu.vector_store %arg8[%swap3A_1284, %swap3A_1285], %swap3A_1288 {add = true, strides = array<i32>} : memref<128x128xf32, #tpu.memory_space<vmem>>, vector<1x16xf32>,
        %mul3A_1289 = arith.constant 8 : i32
        %mul3A_1290 = arith.muli %scan3A_875, %mul3A_1289 : i32
        %add3A_1291 = arith.constant 5 : i32
        %add3A_1292 = arith.addi %mul3A_1290, %add3A_1291 : i32
        %swap3A_1293 = arith.index_cast %add3A_1292 : i32 to index
        %swap3A_1294 = arith.constant 96 : index
        %swap3A_1295 = tpu.vector_load %arg8[%swap3A_1293, %swap3A_1294] {strides = array<i32>} : memref<128x128xf32, #tpu.memory_space<vmem>>, vector<1x16xf32>,
        %swap3A_1296 = vector.shape_cast %swap3A_1295 : vector<1x16xf32> to vector<16xf32>
        %swap3A_1297 = vector.shape_cast %get3A_309 : vector<16xf32> to vector<1x16xf32>
        tpu.vector_store %arg8[%swap3A_1293, %swap3A_1294], %swap3A_1297 {add = true, strides = array<i32>} : memref<128x128xf32, #tpu.memory_space<vmem>>, vector<1x16xf32>,
        %mul3A_1298 = arith.constant 8 : i32
        %mul3A_1299 = arith.muli %scan3A_875, %mul3A_1298 : i32
        %add3A_1300 = arith.constant 5 : i32
        %add3A_1301 = arith.addi %mul3A_1299, %add3A_1300 : i32
        %swap3A_1302 = arith.index_cast %add3A_1301 : i32 to index
        %swap3A_1303 = arith.constant 112 : index
        %swap3A_1304 = tpu.vector_load %arg8[%swap3A_1302, %swap3A_1303] {strides = array<i32>} : memref<128x128xf32, #tpu.memory_space<vmem>>, vector<1x16xf32>,
        %swap3A_1305 = vector.shape_cast %swap3A_1304 : vector<1x16xf32> to vector<16xf32>
        %swap3A_1306 = vector.shape_cast %get3A_313 : vector<16xf32> to vector<1x16xf32>
        tpu.vector_store %arg8[%swap3A_1302, %swap3A_1303], %swap3A_1306 {add = true, strides = array<i32>} : memref<128x128xf32, #tpu.memory_space<vmem>>, vector<1x16xf32>,
        %mul3A_1307 = arith.constant 8 : i32
        %mul3A_1308 = arith.muli %scan3A_875, %mul3A_1307 : i32
        %add3A_1309 = arith.constant 6 : i32
        %add3A_1310 = arith.addi %mul3A_1308, %add3A_1309 : i32
        %swap3A_1311 = arith.index_cast %add3A_1310 : i32 to index
        %swap3A_1312 = arith.constant 0 : index
        %swap3A_1313 = tpu.vector_load %arg8[%swap3A_1311, %swap3A_1312] {strides = array<i32>} : memref<128x128xf32, #tpu.memory_space<vmem>>, vector<1x16xf32>,
        %swap3A_1314 = vector.shape_cast %swap3A_1313 : vector<1x16xf32> to vector<16xf32>
        %swap3A_1315 = vector.shape_cast %get3A_285 : vector<16xf32> to vector<1x16xf32>
        tpu.vector_store %arg8[%swap3A_1311, %swap3A_1312], %swap3A_1315 {add = true, strides = array<i32>} : memref<128x128xf32, #tpu.memory_space<vmem>>, vector<1x16xf32>,
        %mul3A_1316 = arith.constant 8 : i32
        %mul3A_1317 = arith.muli %scan3A_875, %mul3A_1316 : i32
        %add3A_1318 = arith.constant 6 : i32
        %add3A_1319 = arith.addi %mul3A_1317, %add3A_1318 : i32
        %swap3A_1320 = arith.index_cast %add3A_1319 : i32 to index
        %swap3A_1321 = arith.constant 16 : index
        %swap3A_1322 = tpu.vector_load %arg8[%swap3A_1320, %swap3A_1321] {strides = array<i32>} : memref<128x128xf32, #tpu.memory_space<vmem>>, vector<1x16xf32>,
        %swap3A_1323 = vector.shape_cast %swap3A_1322 : vector<1x16xf32> to vector<16xf32>
        %swap3A_1324 = vector.shape_cast %get3A_289 : vector<16xf32> to vector<1x16xf32>
        tpu.vector_store %arg8[%swap3A_1320, %swap3A_1321], %swap3A_1324 {add = true, strides = array<i32>} : memref<128x128xf32, #tpu.memory_space<vmem>>, vector<1x16xf32>,
        %mul3A_1325 = arith.constant 8 : i32
        %mul3A_1326 = arith.muli %scan3A_875, %mul3A_1325 : i32
        %add3A_1327 = arith.constant 6 : i32
        %add3A_1328 = arith.addi %mul3A_1326, %add3A_1327 : i32
        %swap3A_1329 = arith.index_cast %add3A_1328 : i32 to index
        %swap3A_1330 = arith.constant 32 : index
        %swap3A_1331 = tpu.vector_load %arg8[%swap3A_1329, %swap3A_1330] {strides = array<i32>} : memref<128x128xf32, #tpu.memory_space<vmem>>, vector<1x16xf32>,
        %swap3A_1332 = vector.shape_cast %swap3A_1331 : vector<1x16xf32> to vector<16xf32>
        %swap3A_1333 = vector.shape_cast %get3A_293 : vector<16xf32> to vector<1x16xf32>
        tpu.vector_store %arg8[%swap3A_1329, %swap3A_1330], %swap3A_1333 {add = true, strides = array<i32>} : memref<128x128xf32, #tpu.memory_space<vmem>>, vector<1x16xf32>,
        %mul3A_1334 = arith.constant 8 : i32
        %mul3A_1335 = arith.muli %scan3A_875, %mul3A_1334 : i32
        %add3A_1336 = arith.constant 6 : i32
        %add3A_1337 = arith.addi %mul3A_1335, %add3A_1336 : i32
        %swap3A_1338 = arith.index_cast %add3A_1337 : i32 to index
        %swap3A_1339 = arith.constant 48 : index
        %swap3A_1340 = tpu.vector_load %arg8[%swap3A_1338, %swap3A_1339] {strides = array<i32>} : memref<128x128xf32, #tpu.memory_space<vmem>>, vector<1x16xf32>,
        %swap3A_1341 = vector.shape_cast %swap3A_1340 : vector<1x16xf32> to vector<16xf32>
        %swap3A_1342 = vector.shape_cast %get3A_297 : vector<16xf32> to vector<1x16xf32>
        tpu.vector_store %arg8[%swap3A_1338, %swap3A_1339], %swap3A_1342 {add = true, strides = array<i32>} : memref<128x128xf32, #tpu.memory_space<vmem>>, vector<1x16xf32>,
        %mul3A_1343 = arith.constant 8 : i32
        %mul3A_1344 = arith.muli %scan3A_875, %mul3A_1343 : i32
        %add3A_1345 = arith.constant 6 : i32
        %add3A_1346 = arith.addi %mul3A_1344, %add3A_1345 : i32
        %swap3A_1347 = arith.index_cast %add3A_1346 : i32 to index
        %swap3A_1348 = arith.constant 64 : index
        %swap3A_1349 = tpu.vector_load %arg8[%swap3A_1347, %swap3A_1348] {strides = array<i32>} : memref<128x128xf32, #tpu.memory_space<vmem>>, vector<1x16xf32>,
        %swap3A_1350 = vector.shape_cast %swap3A_1349 : vector<1x16xf32> to vector<16xf32>
        %swap3A_1351 = vector.shape_cast %get3A_301 : vector<16xf32> to vector<1x16xf32>
        tpu.vector_store %arg8[%swap3A_1347, %swap3A_1348], %swap3A_1351 {add = true, strides = array<i32>} : memref<128x128xf32, #tpu.memory_space<vmem>>, vector<1x16xf32>,
        %mul3A_1352 = arith.constant 8 : i32
        %mul3A_1353 = arith.muli %scan3A_875, %mul3A_1352 : i32
        %add3A_1354 = arith.constant 6 : i32
        %add3A_1355 = arith.addi %mul3A_1353, %add3A_1354 : i32
        %swap3A_1356 = arith.index_cast %add3A_1355 : i32 to index
        %swap3A_1357 = arith.constant 80 : index
        %swap3A_1358 = tpu.vector_load %arg8[%swap3A_1356, %swap3A_1357] {strides = array<i32>} : memref<128x128xf32, #tpu.memory_space<vmem>>, vector<1x16xf32>,
        %swap3A_1359 = vector.shape_cast %swap3A_1358 : vector<1x16xf32> to vector<16xf32>
        %swap3A_1360 = vector.shape_cast %get3A_305 : vector<16xf32> to vector<1x16xf32>
        tpu.vector_store %arg8[%swap3A_1356, %swap3A_1357], %swap3A_1360 {add = true, strides = array<i32>} : memref<128x128xf32, #tpu.memory_space<vmem>>, vector<1x16xf32>,
        %mul3A_1361 = arith.constant 8 : i32
        %mul3A_1362 = arith.muli %scan3A_875, %mul3A_1361 : i32
        %add3A_1363 = arith.constant 6 : i32
        %add3A_1364 = arith.addi %mul3A_1362, %add3A_1363 : i32
        %swap3A_1365 = arith.index_cast %add3A_1364 : i32 to index
        %swap3A_1366 = arith.constant 96 : index
        %swap3A_1367 = tpu.vector_load %arg8[%swap3A_1365, %swap3A_1366] {strides = array<i32>} : memref<128x128xf32, #tpu.memory_space<vmem>>, vector<1x16xf32>,
        %swap3A_1368 = vector.shape_cast %swap3A_1367 : vector<1x16xf32> to vector<16xf32>
        %swap3A_1369 = vector.shape_cast %get3A_309 : vector<16xf32> to vector<1x16xf32>
        tpu.vector_store %arg8[%swap3A_1365, %swap3A_1366], %swap3A_1369 {add = true, strides = array<i32>} : memref<128x128xf32, #tpu.memory_space<vmem>>, vector<1x16xf32>,
        %mul3A_1370 = arith.constant 8 : i32
        %mul3A_1371 = arith.muli %scan3A_875, %mul3A_1370 : i32
        %add3A_1372 = arith.constant 6 : i32
        %add3A_1373 = arith.addi %mul3A_1371, %add3A_1372 : i32
        %swap3A_1374 = arith.index_cast %add3A_1373 : i32 to index
        %swap3A_1375 = arith.constant 112 : index
        %swap3A_1376 = tpu.vector_load %arg8[%swap3A_1374, %swap3A_1375] {strides = array<i32>} : memref<128x128xf32, #tpu.memory_space<vmem>>, vector<1x16xf32>,
        %swap3A_1377 = vector.shape_cast %swap3A_1376 : vector<1x16xf32> to vector<16xf32>
        %swap3A_1378 = vector.shape_cast %get3A_313 : vector<16xf32> to vector<1x16xf32>
        tpu.vector_store %arg8[%swap3A_1374, %swap3A_1375], %swap3A_1378 {add = true, strides = array<i32>} : memref<128x128xf32, #tpu.memory_space<vmem>>, vector<1x16xf32>,
        %mul3A_1379 = arith.constant 8 : i32
        %mul3A_1380 = arith.muli %scan3A_875, %mul3A_1379 : i32
        %add3A_1381 = arith.constant 7 : i32
        %add3A_1382 = arith.addi %mul3A_1380, %add3A_1381 : i32
        %swap3A_1383 = arith.index_cast %add3A_1382 : i32 to index
        %swap3A_1384 = arith.constant 0 : index
        %swap3A_1385 = tpu.vector_load %arg8[%swap3A_1383, %swap3A_1384] {strides = array<i32>} : memref<128x128xf32, #tpu.memory_space<vmem>>, vector<1x16xf32>,
        %swap3A_1386 = vector.shape_cast %swap3A_1385 : vector<1x16xf32> to vector<16xf32>
        %swap3A_1387 = vector.shape_cast %get3A_285 : vector<16xf32> to vector<1x16xf32>
        tpu.vector_store %arg8[%swap3A_1383, %swap3A_1384], %swap3A_1387 {add = true, strides = array<i32>} : memref<128x128xf32, #tpu.memory_space<vmem>>, vector<1x16xf32>,
        %mul3A_1388 = arith.constant 8 : i32
        %mul3A_1389 = arith.muli %scan3A_875, %mul3A_1388 : i32
        %add3A_1390 = arith.constant 7 : i32
        %add3A_1391 = arith.addi %mul3A_1389, %add3A_1390 : i32
        %swap3A_1392 = arith.index_cast %add3A_1391 : i32 to index
        %swap3A_1393 = arith.constant 16 : index
        %swap3A_1394 = tpu.vector_load %arg8[%swap3A_1392, %swap3A_1393] {strides = array<i32>} : memref<128x128xf32, #tpu.memory_space<vmem>>, vector<1x16xf32>,
        %swap3A_1395 = vector.shape_cast %swap3A_1394 : vector<1x16xf32> to vector<16xf32>
        %swap3A_1396 = vector.shape_cast %get3A_289 : vector<16xf32> to vector<1x16xf32>
        tpu.vector_store %arg8[%swap3A_1392, %swap3A_1393], %swap3A_1396 {add = true, strides = array<i32>} : memref<128x128xf32, #tpu.memory_space<vmem>>, vector<1x16xf32>,
        %mul3A_1397 = arith.constant 8 : i32
        %mul3A_1398 = arith.muli %scan3A_875, %mul3A_1397 : i32
        %add3A_1399 = arith.constant 7 : i32
        %add3A_1400 = arith.addi %mul3A_1398, %add3A_1399 : i32
        %swap3A_1401 = arith.index_cast %add3A_1400 : i32 to index
        %swap3A_1402 = arith.constant 32 : index
        %swap3A_1403 = tpu.vector_load %arg8[%swap3A_1401, %swap3A_1402] {strides = array<i32>} : memref<128x128xf32, #tpu.memory_space<vmem>>, vector<1x16xf32>,
        %swap3A_1404 = vector.shape_cast %swap3A_1403 : vector<1x16xf32> to vector<16xf32>
        %swap3A_1405 = vector.shape_cast %get3A_293 : vector<16xf32> to vector<1x16xf32>
        tpu.vector_store %arg8[%swap3A_1401, %swap3A_1402], %swap3A_1405 {add = true, strides = array<i32>} : memref<128x128xf32, #tpu.memory_space<vmem>>, vector<1x16xf32>,
        %mul3A_1406 = arith.constant 8 : i32
        %mul3A_1407 = arith.muli %scan3A_875, %mul3A_1406 : i32
        %add3A_1408 = arith.constant 7 : i32
        %add3A_1409 = arith.addi %mul3A_1407, %add3A_1408 : i32
        %swap3A_1410 = arith.index_cast %add3A_1409 : i32 to index
        %swap3A_1411 = arith.constant 48 : index
        %swap3A_1412 = tpu.vector_load %arg8[%swap3A_1410, %swap3A_1411] {strides = array<i32>} : memref<128x128xf32, #tpu.memory_space<vmem>>, vector<1x16xf32>,
        %swap3A_1413 = vector.shape_cast %swap3A_1412 : vector<1x16xf32> to vector<16xf32>
        %swap3A_1414 = vector.shape_cast %get3A_297 : vector<16xf32> to vector<1x16xf32>
        tpu.vector_store %arg8[%swap3A_1410, %swap3A_1411], %swap3A_1414 {add = true, strides = array<i32>} : memref<128x128xf32, #tpu.memory_space<vmem>>, vector<1x16xf32>,
        %mul3A_1415 = arith.constant 8 : i32
        %mul3A_1416 = arith.muli %scan3A_875, %mul3A_1415 : i32
        %add3A_1417 = arith.constant 7 : i32
        %add3A_1418 = arith.addi %mul3A_1416, %add3A_1417 : i32
        %swap3A_1419 = arith.index_cast %add3A_1418 : i32 to index
        %swap3A_1420 = arith.constant 64 : index
        %swap3A_1421 = tpu.vector_load %arg8[%swap3A_1419, %swap3A_1420] {strides = array<i32>} : memref<128x128xf32, #tpu.memory_space<vmem>>, vector<1x16xf32>,
        %swap3A_1422 = vector.shape_cast %swap3A_1421 : vector<1x16xf32> to vector<16xf32>
        %swap3A_1423 = vector.shape_cast %get3A_301 : vector<16xf32> to vector<1x16xf32>
        tpu.vector_store %arg8[%swap3A_1419, %swap3A_1420], %swap3A_1423 {add = true, strides = array<i32>} : memref<128x128xf32, #tpu.memory_space<vmem>>, vector<1x16xf32>,
        %mul3A_1424 = arith.constant 8 : i32
        %mul3A_1425 = arith.muli %scan3A_875, %mul3A_1424 : i32
        %add3A_1426 = arith.constant 7 : i32
        %add3A_1427 = arith.addi %mul3A_1425, %add3A_1426 : i32
        %swap3A_1428 = arith.index_cast %add3A_1427 : i32 to index
        %swap3A_1429 = arith.constant 80 : index
        %swap3A_1430 = tpu.vector_load %arg8[%swap3A_1428, %swap3A_1429] {strides = array<i32>} : memref<128x128xf32, #tpu.memory_space<vmem>>, vector<1x16xf32>,
        %swap3A_1431 = vector.shape_cast %swap3A_1430 : vector<1x16xf32> to vector<16xf32>
        %swap3A_1432 = vector.shape_cast %get3A_305 : vector<16xf32> to vector<1x16xf32>
        tpu.vector_store %arg8[%swap3A_1428, %swap3A_1429], %swap3A_1432 {add = true, strides = array<i32>} : memref<128x128xf32, #tpu.memory_space<vmem>>, vector<1x16xf32>,
        %mul3A_1433 = arith.constant 8 : i32
        %mul3A_1434 = arith.muli %scan3A_875, %mul3A_1433 : i32
        %add3A_1435 = arith.constant 7 : i32
        %add3A_1436 = arith.addi %mul3A_1434, %add3A_1435 : i32
        %swap3A_1437 = arith.index_cast %add3A_1436 : i32 to index
        %swap3A_1438 = arith.constant 96 : index
        %swap3A_1439 = tpu.vector_load %arg8[%swap3A_1437, %swap3A_1438] {strides = array<i32>} : memref<128x128xf32, #tpu.memory_space<vmem>>, vector<1x16xf32>,
        %swap3A_1440 = vector.shape_cast %swap3A_1439 : vector<1x16xf32> to vector<16xf32>
        %swap3A_1441 = vector.shape_cast %get3A_309 : vector<16xf32> to vector<1x16xf32>
        tpu.vector_store %arg8[%swap3A_1437, %swap3A_1438], %swap3A_1441 {add = true, strides = array<i32>} : memref<128x128xf32, #tpu.memory_space<vmem>>, vector<1x16xf32>,
        %mul3A_1442 = arith.constant 8 : i32
        %mul3A_1443 = arith.muli %scan3A_875, %mul3A_1442 : i32
        %add3A_1444 = arith.constant 7 : i32
        %add3A_1445 = arith.addi %mul3A_1443, %add3A_1444 : i32
        %swap3A_1446 = arith.index_cast %add3A_1445 : i32 to index
        %swap3A_1447 = arith.constant 112 : index
        %swap3A_1448 = tpu.vector_load %arg8[%swap3A_1446, %swap3A_1447] {strides = array<i32>} : memref<128x128xf32, #tpu.memory_space<vmem>>, vector<1x16xf32>,
        %swap3A_1449 = vector.shape_cast %swap3A_1448 : vector<1x16xf32> to vector<16xf32>
        %swap3A_1450 = vector.shape_cast %get3A_313 : vector<16xf32> to vector<1x16xf32>
        tpu.vector_store %arg8[%swap3A_1446, %swap3A_1447], %swap3A_1450 {add = true, strides = array<i32>} : memref<128x128xf32, #tpu.memory_space<vmem>>, vector<1x16xf32>,
      }
      %scan3A_319 = arith.constant 16 : i32
      %jit3A_320 = arith.constant 1024 : i32
      %div3A_321 = arith.divsi %add3A_251, %jit3A_320 : i32
      %sign3A_322 = arith.constant 0 : i32
      %sign3A_323 = arith.cmpi sgt, %add3A_251, %sign3A_322 : i32
      %sign3A_324 = arith.extui %sign3A_323 : i1 to i32
      %sign3A_325 = arith.constant 0 : i32
      %sign3A_326 = arith.cmpi slt, %add3A_251, %sign3A_325 : i32
      %sign3A_327 = arith.extui %sign3A_326 : i1 to i32
      %sign3A_328 = arith.subi %sign3A_324, %sign3A_327 : i32
      %sign3A_329 = arith.constant 0 : i32
      %sign3A_330 = arith.cmpi sgt, %jit3A_320, %sign3A_329 : i32
      %sign3A_331 = arith.extui %sign3A_330 : i1 to i32
      %sign3A_332 = arith.constant 0 : i32
      %sign3A_333 = arith.cmpi slt, %jit3A_320, %sign3A_332 : i32
      %sign3A_334 = arith.extui %sign3A_333 : i1 to i32
      %sign3A_335 = arith.subi %sign3A_331, %sign3A_334 : i32
      %ne3A_336 = arith.cmpi ne, %sign3A_328, %sign3A_335 : i32
      %rem3A_337 = arith.remsi %add3A_251, %jit3A_320 : i32
      %ne3A_338 = arith.constant 0 : i32
      %ne3A_339 = arith.cmpi ne, %rem3A_337, %ne3A_338 : i32
      %and3A_340 = arith.andi %ne3A_336, %ne3A_339 : i1
      %sub3A_341 = arith.constant 1 : i32
      %sub3A_342 = arith.subi %div3A_321, %sub3A_341 : i32
      %select_n3A_343 = arith.select %and3A_340, %sub3A_342, %div3A_321 : i32
      %jit3A_344 = arith.constant 1024 : i32
      %eq3A = arith.constant 0 : i32
      %eq3A_345 = arith.cmpi eq, %jit3A_344, %eq3A : i32
      %jit3A_346 = arith.constant 1 : i32
      %select_n3A_347 = arith.select %eq3A_345, %jit3A_346, %jit3A_344 : i32
      %rem3A_348 = arith.remsi %add3A_251, %select_n3A_347 : i32
      %ne3A_349 = arith.constant 0 : i32
      %ne3A_350 = arith.cmpi ne, %rem3A_348, %ne3A_349 : i32
      %lt3A = arith.constant 0 : i32
      %lt3A_351 = arith.cmpi slt, %rem3A_348, %lt3A : i32
      %lt3A_352 = arith.constant 0 : i32
      %lt3A_353 = arith.cmpi slt, %select_n3A_347, %lt3A_352 : i32
      %ne3A_354 = arith.xori %lt3A_351, %lt3A_353 : i1
      %and3A_355 = arith.andi %ne3A_354, %ne3A_350 : i1
      %add3A_356 = arith.addi %rem3A_348, %select_n3A_347 : i32
      %select_n3A_357 = arith.select %and3A_355, %add3A_356, %rem3A_348 : i32
      %dma_start3A_358 = arith.constant 0 : i32
      %dma_start3A_359 = tpu.memref_slice %arg5[%select_n3A_343, %select_n3A_357, %dma_start3A_358] : memref<200x1024x128xf32, #tpu.memory_space<hbm>> -> memref<1x128x128xf32, #tpu.memory_space<hbm>>
      %dma_start3A_360 = tpu.memref_squeeze %dma_start3A_359 : memref<1x128x128xf32, #tpu.memory_space<hbm>> -> memref<128x128xf32, #tpu.memory_space<hbm>>
      %dma_start3A_361 = arith.constant 0 : i32
      %dma_start3A_362 = tpu.memref_slice %arg5[%select_n3A_343, %select_n3A_357, %dma_start3A_361] : memref<200x1024x128xf32, #tpu.memory_space<hbm>> -> memref<1x128x128xf32, #tpu.memory_space<hbm>>
      %dma_start3A_363 = tpu.memref_squeeze %dma_start3A_362 : memref<1x128x128xf32, #tpu.memory_space<hbm>> -> memref<128x128xf32, #tpu.memory_space<hbm>>
      tpu.enqueue_dma source(%arg8 : memref<128x128xf32, #tpu.memory_space<vmem>>) target(%dma_start3A_363 : memref<128x128xf32, #tpu.memory_space<hbm>>) target_semaphore(%arg13 : memref<!tpu.dma_semaphore, #tpu.memory_space<semaphore_mem>>)
      %mul3A_364 = arith.constant 5 : i32
      %mul3A_365 = arith.muli %scan3A_244, %mul3A_364 : i32
      %add3A_366 = arith.constant 1 : i32
      %add3A_367 = arith.addi %mul3A_365, %add3A_366 : i32
      %mul3A_368 = arith.constant 128 : i32
      %mul3A_369 = arith.muli %add3A_367, %mul3A_368 : i32
      %add3A_370 = arith.addi %mul3A_2, %mul3A_369 : i32
      %dma_wait3A_371 = arith.constant 0 : i32
      %dma_wait3A_372 = tpu.memref_slice %arg6[%add3A_367, %dma_wait3A_371] : memref<50x128xi32, #tpu.memory_space<vmem>> -> memref<1x128xi32, #tpu.memory_space<vmem>>
      %dma_wait3A_373 = tpu.memref_squeeze %dma_wait3A_372 : memref<1x128xi32, #tpu.memory_space<vmem>> -> memref<128xi32, #tpu.memory_space<vmem>>
      %dma_wait3A_374 = arith.constant 0 : i32
      %dma_wait3A_375 = arith.constant 0 : i32
      %dma_wait3A_376 = tpu.memref_slice %arg3[%dma_wait3A_374, %dma_wait3A_375] : memref<1000000x128xf32, #tpu.memory_space<hbm>> -> memref<1000000x128xf32, #tpu.memory_space<hbm>>
      tpu.wait_indirect_dma semaphore(%arg14 : memref<!tpu.dma_semaphore, #tpu.memory_space<semaphore_mem>>) src(%dma_wait3A_376 : memref<1000000x128xf32, #tpu.memory_space<hbm>>) dst(%arg9 : memref<128x128xf32, #tpu.memory_space<vmem>>)
      %jit3A_377 = arith.constant 1024 : i32
      %div3A_378 = arith.divsi %add3A_370, %jit3A_377 : i32
      %sign3A_379 = arith.constant 0 : i32
      %sign3A_380 = arith.cmpi sgt, %add3A_370, %sign3A_379 : i32
      %sign3A_381 = arith.extui %sign3A_380 : i1 to i32
      %sign3A_382 = arith.constant 0 : i32
      %sign3A_383 = arith.cmpi slt, %add3A_370, %sign3A_382 : i32
      %sign3A_384 = arith.extui %sign3A_383 : i1 to i32
      %sign3A_385 = arith.subi %sign3A_381, %sign3A_384 : i32
      %sign3A_386 = arith.constant 0 : i32
      %sign3A_387 = arith.cmpi sgt, %jit3A_377, %sign3A_386 : i32
      %sign3A_388 = arith.extui %sign3A_387 : i1 to i32
      %sign3A_389 = arith.constant 0 : i32
      %sign3A_390 = arith.cmpi slt, %jit3A_377, %sign3A_389 : i32
      %sign3A_391 = arith.extui %sign3A_390 : i1 to i32
      %sign3A_392 = arith.subi %sign3A_388, %sign3A_391 : i32
      %ne3A_393 = arith.cmpi ne, %sign3A_385, %sign3A_392 : i32
      %rem3A_394 = arith.remsi %add3A_370, %jit3A_377 : i32
      %ne3A_395 = arith.constant 0 : i32
      %ne3A_396 = arith.cmpi ne, %rem3A_394, %ne3A_395 : i32
      %and3A_397 = arith.andi %ne3A_393, %ne3A_396 : i1
      %sub3A_398 = arith.constant 1 : i32
      %sub3A_399 = arith.subi %div3A_378, %sub3A_398 : i32
      %select_n3A_400 = arith.select %and3A_397, %sub3A_399, %div3A_378 : i32
      %sub3A_401 = arith.subi %select_n3A_400, %min3A_45 : i32
      %get3A_402 = arith.index_cast %sub3A_401 : i32 to index
      %get3A_403 = arith.constant 0 : index
      %get3A_404 = tpu.vector_load %arg7[%get3A_402, %get3A_403] {strides = array<i32>} : memref<16x128xf32, #tpu.memory_space<vmem>>, vector<1x16xf32>,
      %get3A_405 = vector.shape_cast %get3A_404 : vector<1x16xf32> to vector<16xf32>
      %get3A_406 = arith.index_cast %sub3A_401 : i32 to index
      %get3A_407 = arith.constant 16 : index
      %get3A_408 = tpu.vector_load %arg7[%get3A_406, %get3A_407] {strides = array<i32>} : memref<16x128xf32, #tpu.memory_space<vmem>>, vector<1x16xf32>,
      %get3A_409 = vector.shape_cast %get3A_408 : vector<1x16xf32> to vector<16xf32>
      %get3A_410 = arith.index_cast %sub3A_401 : i32 to index
      %get3A_411 = arith.constant 32 : index
      %get3A_412 = tpu.vector_load %arg7[%get3A_410, %get3A_411] {strides = array<i32>} : memref<16x128xf32, #tpu.memory_space<vmem>>, vector<1x16xf32>,
      %get3A_413 = vector.shape_cast %get3A_412 : vector<1x16xf32> to vector<16xf32>
      %get3A_414 = arith.index_cast %sub3A_401 : i32 to index
      %get3A_415 = arith.constant 48 : index
      %get3A_416 = tpu.vector_load %arg7[%get3A_414, %get3A_415] {strides = array<i32>} : memref<16x128xf32, #tpu.memory_space<vmem>>, vector<1x16xf32>,
      %get3A_417 = vector.shape_cast %get3A_416 : vector<1x16xf32> to vector<16xf32>
      %get3A_418 = arith.index_cast %sub3A_401 : i32 to index
      %get3A_419 = arith.constant 64 : index
      %get3A_420 = tpu.vector_load %arg7[%get3A_418, %get3A_419] {strides = array<i32>} : memref<16x128xf32, #tpu.memory_space<vmem>>, vector<1x16xf32>,
      %get3A_421 = vector.shape_cast %get3A_420 : vector<1x16xf32> to vector<16xf32>
      %get3A_422 = arith.index_cast %sub3A_401 : i32 to index
      %get3A_423 = arith.constant 80 : index
      %get3A_424 = tpu.vector_load %arg7[%get3A_422, %get3A_423] {strides = array<i32>} : memref<16x128xf32, #tpu.memory_space<vmem>>, vector<1x16xf32>,
      %get3A_425 = vector.shape_cast %get3A_424 : vector<1x16xf32> to vector<16xf32>
      %get3A_426 = arith.index_cast %sub3A_401 : i32 to index
      %get3A_427 = arith.constant 96 : index
      %get3A_428 = tpu.vector_load %arg7[%get3A_426, %get3A_427] {strides = array<i32>} : memref<16x128xf32, #tpu.memory_space<vmem>>, vector<1x16xf32>,
      %get3A_429 = vector.shape_cast %get3A_428 : vector<1x16xf32> to vector<16xf32>
      %get3A_430 = arith.index_cast %sub3A_401 : i32 to index
      %get3A_431 = arith.constant 112 : index
      %get3A_432 = tpu.vector_load %arg7[%get3A_430, %get3A_431] {strides = array<i32>} : memref<16x128xf32, #tpu.memory_space<vmem>>, vector<1x16xf32>,
      %get3A_433 = vector.shape_cast %get3A_432 : vector<1x16xf32> to vector<16xf32>
      %scan3A_434 = arith.constant 0 : i32
      %scan3A_435 = arith.constant 0 : i32
      %scan3A_436 = arith.constant 16 : i32
      %scan3A_437 = arith.addi %scan3A_435, %scan3A_436 : i32
      %scan3A_438 = arith.constant 1 : i32
      scf.for %scan3A_875 = %scan3A_435 to %scan3A_437 step %scan3A_438  : i32 {
        %mul3A_876 = arith.constant 8 : i32
        %mul3A_877 = arith.muli %scan3A_875, %mul3A_876 : i32
        %add3A_878 = arith.constant 0 : i32
        %add3A_879 = arith.addi %mul3A_877, %add3A_878 : i32
        %swap3A = arith.index_cast %add3A_879 : i32 to index
        %swap3A_880 = arith.constant 0 : index
        %swap3A_881 = tpu.vector_load %arg9[%swap3A, %swap3A_880] {strides = array<i32>} : memref<128x128xf32, #tpu.memory_space<vmem>>, vector<1x16xf32>,
        %swap3A_882 = vector.shape_cast %swap3A_881 : vector<1x16xf32> to vector<16xf32>
        %swap3A_883 = vector.shape_cast %get3A_405 : vector<16xf32> to vector<1x16xf32>
        tpu.vector_store %arg9[%swap3A, %swap3A_880], %swap3A_883 {add = true, strides = array<i32>} : memref<128x128xf32, #tpu.memory_space<vmem>>, vector<1x16xf32>,
        %mul3A_884 = arith.constant 8 : i32
        %mul3A_885 = arith.muli %scan3A_875, %mul3A_884 : i32
        %add3A_886 = arith.constant 0 : i32
        %add3A_887 = arith.addi %mul3A_885, %add3A_886 : i32
        %swap3A_888 = arith.index_cast %add3A_887 : i32 to index
        %swap3A_889 = arith.constant 16 : index
        %swap3A_890 = tpu.vector_load %arg9[%swap3A_888, %swap3A_889] {strides = array<i32>} : memref<128x128xf32, #tpu.memory_space<vmem>>, vector<1x16xf32>,
        %swap3A_891 = vector.shape_cast %swap3A_890 : vector<1x16xf32> to vector<16xf32>
        %swap3A_892 = vector.shape_cast %get3A_409 : vector<16xf32> to vector<1x16xf32>
        tpu.vector_store %arg9[%swap3A_888, %swap3A_889], %swap3A_892 {add = true, strides = array<i32>} : memref<128x128xf32, #tpu.memory_space<vmem>>, vector<1x16xf32>,
        %mul3A_893 = arith.constant 8 : i32
        %mul3A_894 = arith.muli %scan3A_875, %mul3A_893 : i32
        %add3A_895 = arith.constant 0 : i32
        %add3A_896 = arith.addi %mul3A_894, %add3A_895 : i32
        %swap3A_897 = arith.index_cast %add3A_896 : i32 to index
        %swap3A_898 = arith.constant 32 : index
        %swap3A_899 = tpu.vector_load %arg9[%swap3A_897, %swap3A_898] {strides = array<i32>} : memref<128x128xf32, #tpu.memory_space<vmem>>, vector<1x16xf32>,
        %swap3A_900 = vector.shape_cast %swap3A_899 : vector<1x16xf32> to vector<16xf32>
        %swap3A_901 = vector.shape_cast %get3A_413 : vector<16xf32> to vector<1x16xf32>
        tpu.vector_store %arg9[%swap3A_897, %swap3A_898], %swap3A_901 {add = true, strides = array<i32>} : memref<128x128xf32, #tpu.memory_space<vmem>>, vector<1x16xf32>,
        %mul3A_902 = arith.constant 8 : i32
        %mul3A_903 = arith.muli %scan3A_875, %mul3A_902 : i32
        %add3A_904 = arith.constant 0 : i32
        %add3A_905 = arith.addi %mul3A_903, %add3A_904 : i32
        %swap3A_906 = arith.index_cast %add3A_905 : i32 to index
        %swap3A_907 = arith.constant 48 : index
        %swap3A_908 = tpu.vector_load %arg9[%swap3A_906, %swap3A_907] {strides = array<i32>} : memref<128x128xf32, #tpu.memory_space<vmem>>, vector<1x16xf32>,
        %swap3A_909 = vector.shape_cast %swap3A_908 : vector<1x16xf32> to vector<16xf32>
        %swap3A_910 = vector.shape_cast %get3A_417 : vector<16xf32> to vector<1x16xf32>
        tpu.vector_store %arg9[%swap3A_906, %swap3A_907], %swap3A_910 {add = true, strides = array<i32>} : memref<128x128xf32, #tpu.memory_space<vmem>>, vector<1x16xf32>,
        %mul3A_911 = arith.constant 8 : i32
        %mul3A_912 = arith.muli %scan3A_875, %mul3A_911 : i32
        %add3A_913 = arith.constant 0 : i32
        %add3A_914 = arith.addi %mul3A_912, %add3A_913 : i32
        %swap3A_915 = arith.index_cast %add3A_914 : i32 to index
        %swap3A_916 = arith.constant 64 : index
        %swap3A_917 = tpu.vector_load %arg9[%swap3A_915, %swap3A_916] {strides = array<i32>} : memref<128x128xf32, #tpu.memory_space<vmem>>, vector<1x16xf32>,
        %swap3A_918 = vector.shape_cast %swap3A_917 : vector<1x16xf32> to vector<16xf32>
        %swap3A_919 = vector.shape_cast %get3A_421 : vector<16xf32> to vector<1x16xf32>
        tpu.vector_store %arg9[%swap3A_915, %swap3A_916], %swap3A_919 {add = true, strides = array<i32>} : memref<128x128xf32, #tpu.memory_space<vmem>>, vector<1x16xf32>,
        %mul3A_920 = arith.constant 8 : i32
        %mul3A_921 = arith.muli %scan3A_875, %mul3A_920 : i32
        %add3A_922 = arith.constant 0 : i32
        %add3A_923 = arith.addi %mul3A_921, %add3A_922 : i32
        %swap3A_924 = arith.index_cast %add3A_923 : i32 to index
        %swap3A_925 = arith.constant 80 : index
        %swap3A_926 = tpu.vector_load %arg9[%swap3A_924, %swap3A_925] {strides = array<i32>} : memref<128x128xf32, #tpu.memory_space<vmem>>, vector<1x16xf32>,
        %swap3A_927 = vector.shape_cast %swap3A_926 : vector<1x16xf32> to vector<16xf32>
        %swap3A_928 = vector.shape_cast %get3A_425 : vector<16xf32> to vector<1x16xf32>
        tpu.vector_store %arg9[%swap3A_924, %swap3A_925], %swap3A_928 {add = true, strides = array<i32>} : memref<128x128xf32, #tpu.memory_space<vmem>>, vector<1x16xf32>,
        %mul3A_929 = arith.constant 8 : i32
        %mul3A_930 = arith.muli %scan3A_875, %mul3A_929 : i32
        %add3A_931 = arith.constant 0 : i32
        %add3A_932 = arith.addi %mul3A_930, %add3A_931 : i32
        %swap3A_933 = arith.index_cast %add3A_932 : i32 to index
        %swap3A_934 = arith.constant 96 : index
        %swap3A_935 = tpu.vector_load %arg9[%swap3A_933, %swap3A_934] {strides = array<i32>} : memref<128x128xf32, #tpu.memory_space<vmem>>, vector<1x16xf32>,
        %swap3A_936 = vector.shape_cast %swap3A_935 : vector<1x16xf32> to vector<16xf32>
        %swap3A_937 = vector.shape_cast %get3A_429 : vector<16xf32> to vector<1x16xf32>
        tpu.vector_store %arg9[%swap3A_933, %swap3A_934], %swap3A_937 {add = true, strides = array<i32>} : memref<128x128xf32, #tpu.memory_space<vmem>>, vector<1x16xf32>,
        %mul3A_938 = arith.constant 8 : i32
        %mul3A_939 = arith.muli %scan3A_875, %mul3A_938 : i32
        %add3A_940 = arith.constant 0 : i32
        %add3A_941 = arith.addi %mul3A_939, %add3A_940 : i32
        %swap3A_942 = arith.index_cast %add3A_941 : i32 to index
        %swap3A_943 = arith.constant 112 : index
        %swap3A_944 = tpu.vector_load %arg9[%swap3A_942, %swap3A_943] {strides = array<i32>} : memref<128x128xf32, #tpu.memory_space<vmem>>, vector<1x16xf32>,
        %swap3A_945 = vector.shape_cast %swap3A_944 : vector<1x16xf32> to vector<16xf32>
        %swap3A_946 = vector.shape_cast %get3A_433 : vector<16xf32> to vector<1x16xf32>
        tpu.vector_store %arg9[%swap3A_942, %swap3A_943], %swap3A_946 {add = true, strides = array<i32>} : memref<128x128xf32, #tpu.memory_space<vmem>>, vector<1x16xf32>,
        %mul3A_947 = arith.constant 8 : i32
        %mul3A_948 = arith.muli %scan3A_875, %mul3A_947 : i32
        %add3A_949 = arith.constant 1 : i32
        %add3A_950 = arith.addi %mul3A_948, %add3A_949 : i32
        %swap3A_951 = arith.index_cast %add3A_950 : i32 to index
        %swap3A_952 = arith.constant 0 : index
        %swap3A_953 = tpu.vector_load %arg9[%swap3A_951, %swap3A_952] {strides = array<i32>} : memref<128x128xf32, #tpu.memory_space<vmem>>, vector<1x16xf32>,
        %swap3A_954 = vector.shape_cast %swap3A_953 : vector<1x16xf32> to vector<16xf32>
        %swap3A_955 = vector.shape_cast %get3A_405 : vector<16xf32> to vector<1x16xf32>
        tpu.vector_store %arg9[%swap3A_951, %swap3A_952], %swap3A_955 {add = true, strides = array<i32>} : memref<128x128xf32, #tpu.memory_space<vmem>>, vector<1x16xf32>,
        %mul3A_956 = arith.constant 8 : i32
        %mul3A_957 = arith.muli %scan3A_875, %mul3A_956 : i32
        %add3A_958 = arith.constant 1 : i32
        %add3A_959 = arith.addi %mul3A_957, %add3A_958 : i32
        %swap3A_960 = arith.index_cast %add3A_959 : i32 to index
        %swap3A_961 = arith.constant 16 : index
        %swap3A_962 = tpu.vector_load %arg9[%swap3A_960, %swap3A_961] {strides = array<i32>} : memref<128x128xf32, #tpu.memory_space<vmem>>, vector<1x16xf32>,
        %swap3A_963 = vector.shape_cast %swap3A_962 : vector<1x16xf32> to vector<16xf32>
        %swap3A_964 = vector.shape_cast %get3A_409 : vector<16xf32> to vector<1x16xf32>
        tpu.vector_store %arg9[%swap3A_960, %swap3A_961], %swap3A_964 {add = true, strides = array<i32>} : memref<128x128xf32, #tpu.memory_space<vmem>>, vector<1x16xf32>,
        %mul3A_965 = arith.constant 8 : i32
        %mul3A_966 = arith.muli %scan3A_875, %mul3A_965 : i32
        %add3A_967 = arith.constant 1 : i32
        %add3A_968 = arith.addi %mul3A_966, %add3A_967 : i32
        %swap3A_969 = arith.index_cast %add3A_968 : i32 to index
        %swap3A_970 = arith.constant 32 : index
        %swap3A_971 = tpu.vector_load %arg9[%swap3A_969, %swap3A_970] {strides = array<i32>} : memref<128x128xf32, #tpu.memory_space<vmem>>, vector<1x16xf32>,
        %swap3A_972 = vector.shape_cast %swap3A_971 : vector<1x16xf32> to vector<16xf32>
        %swap3A_973 = vector.shape_cast %get3A_413 : vector<16xf32> to vector<1x16xf32>
        tpu.vector_store %arg9[%swap3A_969, %swap3A_970], %swap3A_973 {add = true, strides = array<i32>} : memref<128x128xf32, #tpu.memory_space<vmem>>, vector<1x16xf32>,
        %mul3A_974 = arith.constant 8 : i32
        %mul3A_975 = arith.muli %scan3A_875, %mul3A_974 : i32
        %add3A_976 = arith.constant 1 : i32
        %add3A_977 = arith.addi %mul3A_975, %add3A_976 : i32
        %swap3A_978 = arith.index_cast %add3A_977 : i32 to index
        %swap3A_979 = arith.constant 48 : index
        %swap3A_980 = tpu.vector_load %arg9[%swap3A_978, %swap3A_979] {strides = array<i32>} : memref<128x128xf32, #tpu.memory_space<vmem>>, vector<1x16xf32>,
        %swap3A_981 = vector.shape_cast %swap3A_980 : vector<1x16xf32> to vector<16xf32>
        %swap3A_982 = vector.shape_cast %get3A_417 : vector<16xf32> to vector<1x16xf32>
        tpu.vector_store %arg9[%swap3A_978, %swap3A_979], %swap3A_982 {add = true, strides = array<i32>} : memref<128x128xf32, #tpu.memory_space<vmem>>, vector<1x16xf32>,
        %mul3A_983 = arith.constant 8 : i32
        %mul3A_984 = arith.muli %scan3A_875, %mul3A_983 : i32
        %add3A_985 = arith.constant 1 : i32
        %add3A_986 = arith.addi %mul3A_984, %add3A_985 : i32
        %swap3A_987 = arith.index_cast %add3A_986 : i32 to index
        %swap3A_988 = arith.constant 64 : index
        %swap3A_989 = tpu.vector_load %arg9[%swap3A_987, %swap3A_988] {strides = array<i32>} : memref<128x128xf32, #tpu.memory_space<vmem>>, vector<1x16xf32>,
        %swap3A_990 = vector.shape_cast %swap3A_989 : vector<1x16xf32> to vector<16xf32>
        %swap3A_991 = vector.shape_cast %get3A_421 : vector<16xf32> to vector<1x16xf32>
        tpu.vector_store %arg9[%swap3A_987, %swap3A_988], %swap3A_991 {add = true, strides = array<i32>} : memref<128x128xf32, #tpu.memory_space<vmem>>, vector<1x16xf32>,
        %mul3A_992 = arith.constant 8 : i32
        %mul3A_993 = arith.muli %scan3A_875, %mul3A_992 : i32
        %add3A_994 = arith.constant 1 : i32
        %add3A_995 = arith.addi %mul3A_993, %add3A_994 : i32
        %swap3A_996 = arith.index_cast %add3A_995 : i32 to index
        %swap3A_997 = arith.constant 80 : index
        %swap3A_998 = tpu.vector_load %arg9[%swap3A_996, %swap3A_997] {strides = array<i32>} : memref<128x128xf32, #tpu.memory_space<vmem>>, vector<1x16xf32>,
        %swap3A_999 = vector.shape_cast %swap3A_998 : vector<1x16xf32> to vector<16xf32>
        %swap3A_1000 = vector.shape_cast %get3A_425 : vector<16xf32> to vector<1x16xf32>
        tpu.vector_store %arg9[%swap3A_996, %swap3A_997], %swap3A_1000 {add = true, strides = array<i32>} : memref<128x128xf32, #tpu.memory_space<vmem>>, vector<1x16xf32>,
        %mul3A_1001 = arith.constant 8 : i32
        %mul3A_1002 = arith.muli %scan3A_875, %mul3A_1001 : i32
        %add3A_1003 = arith.constant 1 : i32
        %add3A_1004 = arith.addi %mul3A_1002, %add3A_1003 : i32
        %swap3A_1005 = arith.index_cast %add3A_1004 : i32 to index
        %swap3A_1006 = arith.constant 96 : index
        %swap3A_1007 = tpu.vector_load %arg9[%swap3A_1005, %swap3A_1006] {strides = array<i32>} : memref<128x128xf32, #tpu.memory_space<vmem>>, vector<1x16xf32>,
        %swap3A_1008 = vector.shape_cast %swap3A_1007 : vector<1x16xf32> to vector<16xf32>
        %swap3A_1009 = vector.shape_cast %get3A_429 : vector<16xf32> to vector<1x16xf32>
        tpu.vector_store %arg9[%swap3A_1005, %swap3A_1006], %swap3A_1009 {add = true, strides = array<i32>} : memref<128x128xf32, #tpu.memory_space<vmem>>, vector<1x16xf32>,
        %mul3A_1010 = arith.constant 8 : i32
        %mul3A_1011 = arith.muli %scan3A_875, %mul3A_1010 : i32
        %add3A_1012 = arith.constant 1 : i32
        %add3A_1013 = arith.addi %mul3A_1011, %add3A_1012 : i32
        %swap3A_1014 = arith.index_cast %add3A_1013 : i32 to index
        %swap3A_1015 = arith.constant 112 : index
        %swap3A_1016 = tpu.vector_load %arg9[%swap3A_1014, %swap3A_1015] {strides = array<i32>} : memref<128x128xf32, #tpu.memory_space<vmem>>, vector<1x16xf32>,
        %swap3A_1017 = vector.shape_cast %swap3A_1016 : vector<1x16xf32> to vector<16xf32>
        %swap3A_1018 = vector.shape_cast %get3A_433 : vector<16xf32> to vector<1x16xf32>
        tpu.vector_store %arg9[%swap3A_1014, %swap3A_1015], %swap3A_1018 {add = true, strides = array<i32>} : memref<128x128xf32, #tpu.memory_space<vmem>>, vector<1x16xf32>,
        %mul3A_1019 = arith.constant 8 : i32
        %mul3A_1020 = arith.muli %scan3A_875, %mul3A_1019 : i32
        %add3A_1021 = arith.constant 2 : i32
        %add3A_1022 = arith.addi %mul3A_1020, %add3A_1021 : i32
        %swap3A_1023 = arith.index_cast %add3A_1022 : i32 to index
        %swap3A_1024 = arith.constant 0 : index
        %swap3A_1025 = tpu.vector_load %arg9[%swap3A_1023, %swap3A_1024] {strides = array<i32>} : memref<128x128xf32, #tpu.memory_space<vmem>>, vector<1x16xf32>,
        %swap3A_1026 = vector.shape_cast %swap3A_1025 : vector<1x16xf32> to vector<16xf32>
        %swap3A_1027 = vector.shape_cast %get3A_405 : vector<16xf32> to vector<1x16xf32>
        tpu.vector_store %arg9[%swap3A_1023, %swap3A_1024], %swap3A_1027 {add = true, strides = array<i32>} : memref<128x128xf32, #tpu.memory_space<vmem>>, vector<1x16xf32>,
        %mul3A_1028 = arith.constant 8 : i32
        %mul3A_1029 = arith.muli %scan3A_875, %mul3A_1028 : i32
        %add3A_1030 = arith.constant 2 : i32
        %add3A_1031 = arith.addi %mul3A_1029, %add3A_1030 : i32
        %swap3A_1032 = arith.index_cast %add3A_1031 : i32 to index
        %swap3A_1033 = arith.constant 16 : index
        %swap3A_1034 = tpu.vector_load %arg9[%swap3A_1032, %swap3A_1033] {strides = array<i32>} : memref<128x128xf32, #tpu.memory_space<vmem>>, vector<1x16xf32>,
        %swap3A_1035 = vector.shape_cast %swap3A_1034 : vector<1x16xf32> to vector<16xf32>
        %swap3A_1036 = vector.shape_cast %get3A_409 : vector<16xf32> to vector<1x16xf32>
        tpu.vector_store %arg9[%swap3A_1032, %swap3A_1033], %swap3A_1036 {add = true, strides = array<i32>} : memref<128x128xf32, #tpu.memory_space<vmem>>, vector<1x16xf32>,
        %mul3A_1037 = arith.constant 8 : i32
        %mul3A_1038 = arith.muli %scan3A_875, %mul3A_1037 : i32
        %add3A_1039 = arith.constant 2 : i32
        %add3A_1040 = arith.addi %mul3A_1038, %add3A_1039 : i32
        %swap3A_1041 = arith.index_cast %add3A_1040 : i32 to index
        %swap3A_1042 = arith.constant 32 : index
        %swap3A_1043 = tpu.vector_load %arg9[%swap3A_1041, %swap3A_1042] {strides = array<i32>} : memref<128x128xf32, #tpu.memory_space<vmem>>, vector<1x16xf32>,
        %swap3A_1044 = vector.shape_cast %swap3A_1043 : vector<1x16xf32> to vector<16xf32>
        %swap3A_1045 = vector.shape_cast %get3A_413 : vector<16xf32> to vector<1x16xf32>
        tpu.vector_store %arg9[%swap3A_1041, %swap3A_1042], %swap3A_1045 {add = true, strides = array<i32>} : memref<128x128xf32, #tpu.memory_space<vmem>>, vector<1x16xf32>,
        %mul3A_1046 = arith.constant 8 : i32
        %mul3A_1047 = arith.muli %scan3A_875, %mul3A_1046 : i32
        %add3A_1048 = arith.constant 2 : i32
        %add3A_1049 = arith.addi %mul3A_1047, %add3A_1048 : i32
        %swap3A_1050 = arith.index_cast %add3A_1049 : i32 to index
        %swap3A_1051 = arith.constant 48 : index
        %swap3A_1052 = tpu.vector_load %arg9[%swap3A_1050, %swap3A_1051] {strides = array<i32>} : memref<128x128xf32, #tpu.memory_space<vmem>>, vector<1x16xf32>,
        %swap3A_1053 = vector.shape_cast %swap3A_1052 : vector<1x16xf32> to vector<16xf32>
        %swap3A_1054 = vector.shape_cast %get3A_417 : vector<16xf32> to vector<1x16xf32>
        tpu.vector_store %arg9[%swap3A_1050, %swap3A_1051], %swap3A_1054 {add = true, strides = array<i32>} : memref<128x128xf32, #tpu.memory_space<vmem>>, vector<1x16xf32>,
        %mul3A_1055 = arith.constant 8 : i32
        %mul3A_1056 = arith.muli %scan3A_875, %mul3A_1055 : i32
        %add3A_1057 = arith.constant 2 : i32
        %add3A_1058 = arith.addi %mul3A_1056, %add3A_1057 : i32
        %swap3A_1059 = arith.index_cast %add3A_1058 : i32 to index
        %swap3A_1060 = arith.constant 64 : index
        %swap3A_1061 = tpu.vector_load %arg9[%swap3A_1059, %swap3A_1060] {strides = array<i32>} : memref<128x128xf32, #tpu.memory_space<vmem>>, vector<1x16xf32>,
        %swap3A_1062 = vector.shape_cast %swap3A_1061 : vector<1x16xf32> to vector<16xf32>
        %swap3A_1063 = vector.shape_cast %get3A_421 : vector<16xf32> to vector<1x16xf32>
        tpu.vector_store %arg9[%swap3A_1059, %swap3A_1060], %swap3A_1063 {add = true, strides = array<i32>} : memref<128x128xf32, #tpu.memory_space<vmem>>, vector<1x16xf32>,
        %mul3A_1064 = arith.constant 8 : i32
        %mul3A_1065 = arith.muli %scan3A_875, %mul3A_1064 : i32
        %add3A_1066 = arith.constant 2 : i32
        %add3A_1067 = arith.addi %mul3A_1065, %add3A_1066 : i32
        %swap3A_1068 = arith.index_cast %add3A_1067 : i32 to index
        %swap3A_1069 = arith.constant 80 : index
        %swap3A_1070 = tpu.vector_load %arg9[%swap3A_1068, %swap3A_1069] {strides = array<i32>} : memref<128x128xf32, #tpu.memory_space<vmem>>, vector<1x16xf32>,
        %swap3A_1071 = vector.shape_cast %swap3A_1070 : vector<1x16xf32> to vector<16xf32>
        %swap3A_1072 = vector.shape_cast %get3A_425 : vector<16xf32> to vector<1x16xf32>
        tpu.vector_store %arg9[%swap3A_1068, %swap3A_1069], %swap3A_1072 {add = true, strides = array<i32>} : memref<128x128xf32, #tpu.memory_space<vmem>>, vector<1x16xf32>,
        %mul3A_1073 = arith.constant 8 : i32
        %mul3A_1074 = arith.muli %scan3A_875, %mul3A_1073 : i32
        %add3A_1075 = arith.constant 2 : i32
        %add3A_1076 = arith.addi %mul3A_1074, %add3A_1075 : i32
        %swap3A_1077 = arith.index_cast %add3A_1076 : i32 to index
        %swap3A_1078 = arith.constant 96 : index
        %swap3A_1079 = tpu.vector_load %arg9[%swap3A_1077, %swap3A_1078] {strides = array<i32>} : memref<128x128xf32, #tpu.memory_space<vmem>>, vector<1x16xf32>,
        %swap3A_1080 = vector.shape_cast %swap3A_1079 : vector<1x16xf32> to vector<16xf32>
        %swap3A_1081 = vector.shape_cast %get3A_429 : vector<16xf32> to vector<1x16xf32>
        tpu.vector_store %arg9[%swap3A_1077, %swap3A_1078], %swap3A_1081 {add = true, strides = array<i32>} : memref<128x128xf32, #tpu.memory_space<vmem>>, vector<1x16xf32>,
        %mul3A_1082 = arith.constant 8 : i32
        %mul3A_1083 = arith.muli %scan3A_875, %mul3A_1082 : i32
        %add3A_1084 = arith.constant 2 : i32
        %add3A_1085 = arith.addi %mul3A_1083, %add3A_1084 : i32
        %swap3A_1086 = arith.index_cast %add3A_1085 : i32 to index
        %swap3A_1087 = arith.constant 112 : index
        %swap3A_1088 = tpu.vector_load %arg9[%swap3A_1086, %swap3A_1087] {strides = array<i32>} : memref<128x128xf32, #tpu.memory_space<vmem>>, vector<1x16xf32>,
        %swap3A_1089 = vector.shape_cast %swap3A_1088 : vector<1x16xf32> to vector<16xf32>
        %swap3A_1090 = vector.shape_cast %get3A_433 : vector<16xf32> to vector<1x16xf32>
        tpu.vector_store %arg9[%swap3A_1086, %swap3A_1087], %swap3A_1090 {add = true, strides = array<i32>} : memref<128x128xf32, #tpu.memory_space<vmem>>, vector<1x16xf32>,
        %mul3A_1091 = arith.constant 8 : i32
        %mul3A_1092 = arith.muli %scan3A_875, %mul3A_1091 : i32
        %add3A_1093 = arith.constant 3 : i32
        %add3A_1094 = arith.addi %mul3A_1092, %add3A_1093 : i32
        %swap3A_1095 = arith.index_cast %add3A_1094 : i32 to index
        %swap3A_1096 = arith.constant 0 : index
        %swap3A_1097 = tpu.vector_load %arg9[%swap3A_1095, %swap3A_1096] {strides = array<i32>} : memref<128x128xf32, #tpu.memory_space<vmem>>, vector<1x16xf32>,
        %swap3A_1098 = vector.shape_cast %swap3A_1097 : vector<1x16xf32> to vector<16xf32>
        %swap3A_1099 = vector.shape_cast %get3A_405 : vector<16xf32> to vector<1x16xf32>
        tpu.vector_store %arg9[%swap3A_1095, %swap3A_1096], %swap3A_1099 {add = true, strides = array<i32>} : memref<128x128xf32, #tpu.memory_space<vmem>>, vector<1x16xf32>,
        %mul3A_1100 = arith.constant 8 : i32
        %mul3A_1101 = arith.muli %scan3A_875, %mul3A_1100 : i32
        %add3A_1102 = arith.constant 3 : i32
        %add3A_1103 = arith.addi %mul3A_1101, %add3A_1102 : i32
        %swap3A_1104 = arith.index_cast %add3A_1103 : i32 to index
        %swap3A_1105 = arith.constant 16 : index
        %swap3A_1106 = tpu.vector_load %arg9[%swap3A_1104, %swap3A_1105] {strides = array<i32>} : memref<128x128xf32, #tpu.memory_space<vmem>>, vector<1x16xf32>,
        %swap3A_1107 = vector.shape_cast %swap3A_1106 : vector<1x16xf32> to vector<16xf32>
        %swap3A_1108 = vector.shape_cast %get3A_409 : vector<16xf32> to vector<1x16xf32>
        tpu.vector_store %arg9[%swap3A_1104, %swap3A_1105], %swap3A_1108 {add = true, strides = array<i32>} : memref<128x128xf32, #tpu.memory_space<vmem>>, vector<1x16xf32>,
        %mul3A_1109 = arith.constant 8 : i32
        %mul3A_1110 = arith.muli %scan3A_875, %mul3A_1109 : i32
        %add3A_1111 = arith.constant 3 : i32
        %add3A_1112 = arith.addi %mul3A_1110, %add3A_1111 : i32
        %swap3A_1113 = arith.index_cast %add3A_1112 : i32 to index
        %swap3A_1114 = arith.constant 32 : index
        %swap3A_1115 = tpu.vector_load %arg9[%swap3A_1113, %swap3A_1114] {strides = array<i32>} : memref<128x128xf32, #tpu.memory_space<vmem>>, vector<1x16xf32>,
        %swap3A_1116 = vector.shape_cast %swap3A_1115 : vector<1x16xf32> to vector<16xf32>
        %swap3A_1117 = vector.shape_cast %get3A_413 : vector<16xf32> to vector<1x16xf32>
        tpu.vector_store %arg9[%swap3A_1113, %swap3A_1114], %swap3A_1117 {add = true, strides = array<i32>} : memref<128x128xf32, #tpu.memory_space<vmem>>, vector<1x16xf32>,
        %mul3A_1118 = arith.constant 8 : i32
        %mul3A_1119 = arith.muli %scan3A_875, %mul3A_1118 : i32
        %add3A_1120 = arith.constant 3 : i32
        %add3A_1121 = arith.addi %mul3A_1119, %add3A_1120 : i32
        %swap3A_1122 = arith.index_cast %add3A_1121 : i32 to index
        %swap3A_1123 = arith.constant 48 : index
        %swap3A_1124 = tpu.vector_load %arg9[%swap3A_1122, %swap3A_1123] {strides = array<i32>} : memref<128x128xf32, #tpu.memory_space<vmem>>, vector<1x16xf32>,
        %swap3A_1125 = vector.shape_cast %swap3A_1124 : vector<1x16xf32> to vector<16xf32>
        %swap3A_1126 = vector.shape_cast %get3A_417 : vector<16xf32> to vector<1x16xf32>
        tpu.vector_store %arg9[%swap3A_1122, %swap3A_1123], %swap3A_1126 {add = true, strides = array<i32>} : memref<128x128xf32, #tpu.memory_space<vmem>>, vector<1x16xf32>,
        %mul3A_1127 = arith.constant 8 : i32
        %mul3A_1128 = arith.muli %scan3A_875, %mul3A_1127 : i32
        %add3A_1129 = arith.constant 3 : i32
        %add3A_1130 = arith.addi %mul3A_1128, %add3A_1129 : i32
        %swap3A_1131 = arith.index_cast %add3A_1130 : i32 to index
        %swap3A_1132 = arith.constant 64 : index
        %swap3A_1133 = tpu.vector_load %arg9[%swap3A_1131, %swap3A_1132] {strides = array<i32>} : memref<128x128xf32, #tpu.memory_space<vmem>>, vector<1x16xf32>,
        %swap3A_1134 = vector.shape_cast %swap3A_1133 : vector<1x16xf32> to vector<16xf32>
        %swap3A_1135 = vector.shape_cast %get3A_421 : vector<16xf32> to vector<1x16xf32>
        tpu.vector_store %arg9[%swap3A_1131, %swap3A_1132], %swap3A_1135 {add = true, strides = array<i32>} : memref<128x128xf32, #tpu.memory_space<vmem>>, vector<1x16xf32>,
        %mul3A_1136 = arith.constant 8 : i32
        %mul3A_1137 = arith.muli %scan3A_875, %mul3A_1136 : i32
        %add3A_1138 = arith.constant 3 : i32
        %add3A_1139 = arith.addi %mul3A_1137, %add3A_1138 : i32
        %swap3A_1140 = arith.index_cast %add3A_1139 : i32 to index
        %swap3A_1141 = arith.constant 80 : index
        %swap3A_1142 = tpu.vector_load %arg9[%swap3A_1140, %swap3A_1141] {strides = array<i32>} : memref<128x128xf32, #tpu.memory_space<vmem>>, vector<1x16xf32>,
        %swap3A_1143 = vector.shape_cast %swap3A_1142 : vector<1x16xf32> to vector<16xf32>
        %swap3A_1144 = vector.shape_cast %get3A_425 : vector<16xf32> to vector<1x16xf32>
        tpu.vector_store %arg9[%swap3A_1140, %swap3A_1141], %swap3A_1144 {add = true, strides = array<i32>} : memref<128x128xf32, #tpu.memory_space<vmem>>, vector<1x16xf32>,
        %mul3A_1145 = arith.constant 8 : i32
        %mul3A_1146 = arith.muli %scan3A_875, %mul3A_1145 : i32
        %add3A_1147 = arith.constant 3 : i32
        %add3A_1148 = arith.addi %mul3A_1146, %add3A_1147 : i32
        %swap3A_1149 = arith.index_cast %add3A_1148 : i32 to index
        %swap3A_1150 = arith.constant 96 : index
        %swap3A_1151 = tpu.vector_load %arg9[%swap3A_1149, %swap3A_1150] {strides = array<i32>} : memref<128x128xf32, #tpu.memory_space<vmem>>, vector<1x16xf32>,
        %swap3A_1152 = vector.shape_cast %swap3A_1151 : vector<1x16xf32> to vector<16xf32>
        %swap3A_1153 = vector.shape_cast %get3A_429 : vector<16xf32> to vector<1x16xf32>
        tpu.vector_store %arg9[%swap3A_1149, %swap3A_1150], %swap3A_1153 {add = true, strides = array<i32>} : memref<128x128xf32, #tpu.memory_space<vmem>>, vector<1x16xf32>,
        %mul3A_1154 = arith.constant 8 : i32
        %mul3A_1155 = arith.muli %scan3A_875, %mul3A_1154 : i32
        %add3A_1156 = arith.constant 3 : i32
        %add3A_1157 = arith.addi %mul3A_1155, %add3A_1156 : i32
        %swap3A_1158 = arith.index_cast %add3A_1157 : i32 to index
        %swap3A_1159 = arith.constant 112 : index
        %swap3A_1160 = tpu.vector_load %arg9[%swap3A_1158, %swap3A_1159] {strides = array<i32>} : memref<128x128xf32, #tpu.memory_space<vmem>>, vector<1x16xf32>,
        %swap3A_1161 = vector.shape_cast %swap3A_1160 : vector<1x16xf32> to vector<16xf32>
        %swap3A_1162 = vector.shape_cast %get3A_433 : vector<16xf32> to vector<1x16xf32>
        tpu.vector_store %arg9[%swap3A_1158, %swap3A_1159], %swap3A_1162 {add = true, strides = array<i32>} : memref<128x128xf32, #tpu.memory_space<vmem>>, vector<1x16xf32>,
        %mul3A_1163 = arith.constant 8 : i32
        %mul3A_1164 = arith.muli %scan3A_875, %mul3A_1163 : i32
        %add3A_1165 = arith.constant 4 : i32
        %add3A_1166 = arith.addi %mul3A_1164, %add3A_1165 : i32
        %swap3A_1167 = arith.index_cast %add3A_1166 : i32 to index
        %swap3A_1168 = arith.constant 0 : index
        %swap3A_1169 = tpu.vector_load %arg9[%swap3A_1167, %swap3A_1168] {strides = array<i32>} : memref<128x128xf32, #tpu.memory_space<vmem>>, vector<1x16xf32>,
        %swap3A_1170 = vector.shape_cast %swap3A_1169 : vector<1x16xf32> to vector<16xf32>
        %swap3A_1171 = vector.shape_cast %get3A_405 : vector<16xf32> to vector<1x16xf32>
        tpu.vector_store %arg9[%swap3A_1167, %swap3A_1168], %swap3A_1171 {add = true, strides = array<i32>} : memref<128x128xf32, #tpu.memory_space<vmem>>, vector<1x16xf32>,
        %mul3A_1172 = arith.constant 8 : i32
        %mul3A_1173 = arith.muli %scan3A_875, %mul3A_1172 : i32
        %add3A_1174 = arith.constant 4 : i32
        %add3A_1175 = arith.addi %mul3A_1173, %add3A_1174 : i32
        %swap3A_1176 = arith.index_cast %add3A_1175 : i32 to index
        %swap3A_1177 = arith.constant 16 : index
        %swap3A_1178 = tpu.vector_load %arg9[%swap3A_1176, %swap3A_1177] {strides = array<i32>} : memref<128x128xf32, #tpu.memory_space<vmem>>, vector<1x16xf32>,
        %swap3A_1179 = vector.shape_cast %swap3A_1178 : vector<1x16xf32> to vector<16xf32>
        %swap3A_1180 = vector.shape_cast %get3A_409 : vector<16xf32> to vector<1x16xf32>
        tpu.vector_store %arg9[%swap3A_1176, %swap3A_1177], %swap3A_1180 {add = true, strides = array<i32>} : memref<128x128xf32, #tpu.memory_space<vmem>>, vector<1x16xf32>,
        %mul3A_1181 = arith.constant 8 : i32
        %mul3A_1182 = arith.muli %scan3A_875, %mul3A_1181 : i32
        %add3A_1183 = arith.constant 4 : i32
        %add3A_1184 = arith.addi %mul3A_1182, %add3A_1183 : i32
        %swap3A_1185 = arith.index_cast %add3A_1184 : i32 to index
        %swap3A_1186 = arith.constant 32 : index
        %swap3A_1187 = tpu.vector_load %arg9[%swap3A_1185, %swap3A_1186] {strides = array<i32>} : memref<128x128xf32, #tpu.memory_space<vmem>>, vector<1x16xf32>,
        %swap3A_1188 = vector.shape_cast %swap3A_1187 : vector<1x16xf32> to vector<16xf32>
        %swap3A_1189 = vector.shape_cast %get3A_413 : vector<16xf32> to vector<1x16xf32>
        tpu.vector_store %arg9[%swap3A_1185, %swap3A_1186], %swap3A_1189 {add = true, strides = array<i32>} : memref<128x128xf32, #tpu.memory_space<vmem>>, vector<1x16xf32>,
        %mul3A_1190 = arith.constant 8 : i32
        %mul3A_1191 = arith.muli %scan3A_875, %mul3A_1190 : i32
        %add3A_1192 = arith.constant 4 : i32
        %add3A_1193 = arith.addi %mul3A_1191, %add3A_1192 : i32
        %swap3A_1194 = arith.index_cast %add3A_1193 : i32 to index
        %swap3A_1195 = arith.constant 48 : index
        %swap3A_1196 = tpu.vector_load %arg9[%swap3A_1194, %swap3A_1195] {strides = array<i32>} : memref<128x128xf32, #tpu.memory_space<vmem>>, vector<1x16xf32>,
        %swap3A_1197 = vector.shape_cast %swap3A_1196 : vector<1x16xf32> to vector<16xf32>
        %swap3A_1198 = vector.shape_cast %get3A_417 : vector<16xf32> to vector<1x16xf32>
        tpu.vector_store %arg9[%swap3A_1194, %swap3A_1195], %swap3A_1198 {add = true, strides = array<i32>} : memref<128x128xf32, #tpu.memory_space<vmem>>, vector<1x16xf32>,
        %mul3A_1199 = arith.constant 8 : i32
        %mul3A_1200 = arith.muli %scan3A_875, %mul3A_1199 : i32
        %add3A_1201 = arith.constant 4 : i32
        %add3A_1202 = arith.addi %mul3A_1200, %add3A_1201 : i32
        %swap3A_1203 = arith.index_cast %add3A_1202 : i32 to index
        %swap3A_1204 = arith.constant 64 : index
        %swap3A_1205 = tpu.vector_load %arg9[%swap3A_1203, %swap3A_1204] {strides = array<i32>} : memref<128x128xf32, #tpu.memory_space<vmem>>, vector<1x16xf32>,
        %swap3A_1206 = vector.shape_cast %swap3A_1205 : vector<1x16xf32> to vector<16xf32>
        %swap3A_1207 = vector.shape_cast %get3A_421 : vector<16xf32> to vector<1x16xf32>
        tpu.vector_store %arg9[%swap3A_1203, %swap3A_1204], %swap3A_1207 {add = true, strides = array<i32>} : memref<128x128xf32, #tpu.memory_space<vmem>>, vector<1x16xf32>,
        %mul3A_1208 = arith.constant 8 : i32
        %mul3A_1209 = arith.muli %scan3A_875, %mul3A_1208 : i32
        %add3A_1210 = arith.constant 4 : i32
        %add3A_1211 = arith.addi %mul3A_1209, %add3A_1210 : i32
        %swap3A_1212 = arith.index_cast %add3A_1211 : i32 to index
        %swap3A_1213 = arith.constant 80 : index
        %swap3A_1214 = tpu.vector_load %arg9[%swap3A_1212, %swap3A_1213] {strides = array<i32>} : memref<128x128xf32, #tpu.memory_space<vmem>>, vector<1x16xf32>,
        %swap3A_1215 = vector.shape_cast %swap3A_1214 : vector<1x16xf32> to vector<16xf32>
        %swap3A_1216 = vector.shape_cast %get3A_425 : vector<16xf32> to vector<1x16xf32>
        tpu.vector_store %arg9[%swap3A_1212, %swap3A_1213], %swap3A_1216 {add = true, strides = array<i32>} : memref<128x128xf32, #tpu.memory_space<vmem>>, vector<1x16xf32>,
        %mul3A_1217 = arith.constant 8 : i32
        %mul3A_1218 = arith.muli %scan3A_875, %mul3A_1217 : i32
        %add3A_1219 = arith.constant 4 : i32
        %add3A_1220 = arith.addi %mul3A_1218, %add3A_1219 : i32
        %swap3A_1221 = arith.index_cast %add3A_1220 : i32 to index
        %swap3A_1222 = arith.constant 96 : index
        %swap3A_1223 = tpu.vector_load %arg9[%swap3A_1221, %swap3A_1222] {strides = array<i32>} : memref<128x128xf32, #tpu.memory_space<vmem>>, vector<1x16xf32>,
        %swap3A_1224 = vector.shape_cast %swap3A_1223 : vector<1x16xf32> to vector<16xf32>
        %swap3A_1225 = vector.shape_cast %get3A_429 : vector<16xf32> to vector<1x16xf32>
        tpu.vector_store %arg9[%swap3A_1221, %swap3A_1222], %swap3A_1225 {add = true, strides = array<i32>} : memref<128x128xf32, #tpu.memory_space<vmem>>, vector<1x16xf32>,
        %mul3A_1226 = arith.constant 8 : i32
        %mul3A_1227 = arith.muli %scan3A_875, %mul3A_1226 : i32
        %add3A_1228 = arith.constant 4 : i32
        %add3A_1229 = arith.addi %mul3A_1227, %add3A_1228 : i32
        %swap3A_1230 = arith.index_cast %add3A_1229 : i32 to index
        %swap3A_1231 = arith.constant 112 : index
        %swap3A_1232 = tpu.vector_load %arg9[%swap3A_1230, %swap3A_1231] {strides = array<i32>} : memref<128x128xf32, #tpu.memory_space<vmem>>, vector<1x16xf32>,
        %swap3A_1233 = vector.shape_cast %swap3A_1232 : vector<1x16xf32> to vector<16xf32>
        %swap3A_1234 = vector.shape_cast %get3A_433 : vector<16xf32> to vector<1x16xf32>
        tpu.vector_store %arg9[%swap3A_1230, %swap3A_1231], %swap3A_1234 {add = true, strides = array<i32>} : memref<128x128xf32, #tpu.memory_space<vmem>>, vector<1x16xf32>,
        %mul3A_1235 = arith.constant 8 : i32
        %mul3A_1236 = arith.muli %scan3A_875, %mul3A_1235 : i32
        %add3A_1237 = arith.constant 5 : i32
        %add3A_1238 = arith.addi %mul3A_1236, %add3A_1237 : i32
        %swap3A_1239 = arith.index_cast %add3A_1238 : i32 to index
        %swap3A_1240 = arith.constant 0 : index
        %swap3A_1241 = tpu.vector_load %arg9[%swap3A_1239, %swap3A_1240] {strides = array<i32>} : memref<128x128xf32, #tpu.memory_space<vmem>>, vector<1x16xf32>,
        %swap3A_1242 = vector.shape_cast %swap3A_1241 : vector<1x16xf32> to vector<16xf32>
        %swap3A_1243 = vector.shape_cast %get3A_405 : vector<16xf32> to vector<1x16xf32>
        tpu.vector_store %arg9[%swap3A_1239, %swap3A_1240], %swap3A_1243 {add = true, strides = array<i32>} : memref<128x128xf32, #tpu.memory_space<vmem>>, vector<1x16xf32>,
        %mul3A_1244 = arith.constant 8 : i32
        %mul3A_1245 = arith.muli %scan3A_875, %mul3A_1244 : i32
        %add3A_1246 = arith.constant 5 : i32
        %add3A_1247 = arith.addi %mul3A_1245, %add3A_1246 : i32
        %swap3A_1248 = arith.index_cast %add3A_1247 : i32 to index
        %swap3A_1249 = arith.constant 16 : index
        %swap3A_1250 = tpu.vector_load %arg9[%swap3A_1248, %swap3A_1249] {strides = array<i32>} : memref<128x128xf32, #tpu.memory_space<vmem>>, vector<1x16xf32>,
        %swap3A_1251 = vector.shape_cast %swap3A_1250 : vector<1x16xf32> to vector<16xf32>
        %swap3A_1252 = vector.shape_cast %get3A_409 : vector<16xf32> to vector<1x16xf32>
        tpu.vector_store %arg9[%swap3A_1248, %swap3A_1249], %swap3A_1252 {add = true, strides = array<i32>} : memref<128x128xf32, #tpu.memory_space<vmem>>, vector<1x16xf32>,
        %mul3A_1253 = arith.constant 8 : i32
        %mul3A_1254 = arith.muli %scan3A_875, %mul3A_1253 : i32
        %add3A_1255 = arith.constant 5 : i32
        %add3A_1256 = arith.addi %mul3A_1254, %add3A_1255 : i32
        %swap3A_1257 = arith.index_cast %add3A_1256 : i32 to index
        %swap3A_1258 = arith.constant 32 : index
        %swap3A_1259 = tpu.vector_load %arg9[%swap3A_1257, %swap3A_1258] {strides = array<i32>} : memref<128x128xf32, #tpu.memory_space<vmem>>, vector<1x16xf32>,
        %swap3A_1260 = vector.shape_cast %swap3A_1259 : vector<1x16xf32> to vector<16xf32>
        %swap3A_1261 = vector.shape_cast %get3A_413 : vector<16xf32> to vector<1x16xf32>
        tpu.vector_store %arg9[%swap3A_1257, %swap3A_1258], %swap3A_1261 {add = true, strides = array<i32>} : memref<128x128xf32, #tpu.memory_space<vmem>>, vector<1x16xf32>,
        %mul3A_1262 = arith.constant 8 : i32
        %mul3A_1263 = arith.muli %scan3A_875, %mul3A_1262 : i32
        %add3A_1264 = arith.constant 5 : i32
        %add3A_1265 = arith.addi %mul3A_1263, %add3A_1264 : i32
        %swap3A_1266 = arith.index_cast %add3A_1265 : i32 to index
        %swap3A_1267 = arith.constant 48 : index
        %swap3A_1268 = tpu.vector_load %arg9[%swap3A_1266, %swap3A_1267] {strides = array<i32>} : memref<128x128xf32, #tpu.memory_space<vmem>>, vector<1x16xf32>,
        %swap3A_1269 = vector.shape_cast %swap3A_1268 : vector<1x16xf32> to vector<16xf32>
        %swap3A_1270 = vector.shape_cast %get3A_417 : vector<16xf32> to vector<1x16xf32>
        tpu.vector_store %arg9[%swap3A_1266, %swap3A_1267], %swap3A_1270 {add = true, strides = array<i32>} : memref<128x128xf32, #tpu.memory_space<vmem>>, vector<1x16xf32>,
        %mul3A_1271 = arith.constant 8 : i32
        %mul3A_1272 = arith.muli %scan3A_875, %mul3A_1271 : i32
        %add3A_1273 = arith.constant 5 : i32
        %add3A_1274 = arith.addi %mul3A_1272, %add3A_1273 : i32
        %swap3A_1275 = arith.index_cast %add3A_1274 : i32 to index
        %swap3A_1276 = arith.constant 64 : index
        %swap3A_1277 = tpu.vector_load %arg9[%swap3A_1275, %swap3A_1276] {strides = array<i32>} : memref<128x128xf32, #tpu.memory_space<vmem>>, vector<1x16xf32>,
        %swap3A_1278 = vector.shape_cast %swap3A_1277 : vector<1x16xf32> to vector<16xf32>
        %swap3A_1279 = vector.shape_cast %get3A_421 : vector<16xf32> to vector<1x16xf32>
        tpu.vector_store %arg9[%swap3A_1275, %swap3A_1276], %swap3A_1279 {add = true, strides = array<i32>} : memref<128x128xf32, #tpu.memory_space<vmem>>, vector<1x16xf32>,
        %mul3A_1280 = arith.constant 8 : i32
        %mul3A_1281 = arith.muli %scan3A_875, %mul3A_1280 : i32
        %add3A_1282 = arith.constant 5 : i32
        %add3A_1283 = arith.addi %mul3A_1281, %add3A_1282 : i32
        %swap3A_1284 = arith.index_cast %add3A_1283 : i32 to index
        %swap3A_1285 = arith.constant 80 : index
        %swap3A_1286 = tpu.vector_load %arg9[%swap3A_1284, %swap3A_1285] {strides = array<i32>} : memref<128x128xf32, #tpu.memory_space<vmem>>, vector<1x16xf32>,
        %swap3A_1287 = vector.shape_cast %swap3A_1286 : vector<1x16xf32> to vector<16xf32>
        %swap3A_1288 = vector.shape_cast %get3A_425 : vector<16xf32> to vector<1x16xf32>
        tpu.vector_store %arg9[%swap3A_1284, %swap3A_1285], %swap3A_1288 {add = true, strides = array<i32>} : memref<128x128xf32, #tpu.memory_space<vmem>>, vector<1x16xf32>,
        %mul3A_1289 = arith.constant 8 : i32
        %mul3A_1290 = arith.muli %scan3A_875, %mul3A_1289 : i32
        %add3A_1291 = arith.constant 5 : i32
        %add3A_1292 = arith.addi %mul3A_1290, %add3A_1291 : i32
        %swap3A_1293 = arith.index_cast %add3A_1292 : i32 to index
        %swap3A_1294 = arith.constant 96 : index
        %swap3A_1295 = tpu.vector_load %arg9[%swap3A_1293, %swap3A_1294] {strides = array<i32>} : memref<128x128xf32, #tpu.memory_space<vmem>>, vector<1x16xf32>,
        %swap3A_1296 = vector.shape_cast %swap3A_1295 : vector<1x16xf32> to vector<16xf32>
        %swap3A_1297 = vector.shape_cast %get3A_429 : vector<16xf32> to vector<1x16xf32>
        tpu.vector_store %arg9[%swap3A_1293, %swap3A_1294], %swap3A_1297 {add = true, strides = array<i32>} : memref<128x128xf32, #tpu.memory_space<vmem>>, vector<1x16xf32>,
        %mul3A_1298 = arith.constant 8 : i32
        %mul3A_1299 = arith.muli %scan3A_875, %mul3A_1298 : i32
        %add3A_1300 = arith.constant 5 : i32
        %add3A_1301 = arith.addi %mul3A_1299, %add3A_1300 : i32
        %swap3A_1302 = arith.index_cast %add3A_1301 : i32 to index
        %swap3A_1303 = arith.constant 112 : index
        %swap3A_1304 = tpu.vector_load %arg9[%swap3A_1302, %swap3A_1303] {strides = array<i32>} : memref<128x128xf32, #tpu.memory_space<vmem>>, vector<1x16xf32>,
        %swap3A_1305 = vector.shape_cast %swap3A_1304 : vector<1x16xf32> to vector<16xf32>
        %swap3A_1306 = vector.shape_cast %get3A_433 : vector<16xf32> to vector<1x16xf32>
        tpu.vector_store %arg9[%swap3A_1302, %swap3A_1303], %swap3A_1306 {add = true, strides = array<i32>} : memref<128x128xf32, #tpu.memory_space<vmem>>, vector<1x16xf32>,
        %mul3A_1307 = arith.constant 8 : i32
        %mul3A_1308 = arith.muli %scan3A_875, %mul3A_1307 : i32
        %add3A_1309 = arith.constant 6 : i32
        %add3A_1310 = arith.addi %mul3A_1308, %add3A_1309 : i32
        %swap3A_1311 = arith.index_cast %add3A_1310 : i32 to index
        %swap3A_1312 = arith.constant 0 : index
        %swap3A_1313 = tpu.vector_load %arg9[%swap3A_1311, %swap3A_1312] {strides = array<i32>} : memref<128x128xf32, #tpu.memory_space<vmem>>, vector<1x16xf32>,
        %swap3A_1314 = vector.shape_cast %swap3A_1313 : vector<1x16xf32> to vector<16xf32>
        %swap3A_1315 = vector.shape_cast %get3A_405 : vector<16xf32> to vector<1x16xf32>
        tpu.vector_store %arg9[%swap3A_1311, %swap3A_1312], %swap3A_1315 {add = true, strides = array<i32>} : memref<128x128xf32, #tpu.memory_space<vmem>>, vector<1x16xf32>,
        %mul3A_1316 = arith.constant 8 : i32
        %mul3A_1317 = arith.muli %scan3A_875, %mul3A_1316 : i32
        %add3A_1318 = arith.constant 6 : i32
        %add3A_1319 = arith.addi %mul3A_1317, %add3A_1318 : i32
        %swap3A_1320 = arith.index_cast %add3A_1319 : i32 to index
        %swap3A_1321 = arith.constant 16 : index
        %swap3A_1322 = tpu.vector_load %arg9[%swap3A_1320, %swap3A_1321] {strides = array<i32>} : memref<128x128xf32, #tpu.memory_space<vmem>>, vector<1x16xf32>,
        %swap3A_1323 = vector.shape_cast %swap3A_1322 : vector<1x16xf32> to vector<16xf32>
        %swap3A_1324 = vector.shape_cast %get3A_409 : vector<16xf32> to vector<1x16xf32>
        tpu.vector_store %arg9[%swap3A_1320, %swap3A_1321], %swap3A_1324 {add = true, strides = array<i32>} : memref<128x128xf32, #tpu.memory_space<vmem>>, vector<1x16xf32>,
        %mul3A_1325 = arith.constant 8 : i32
        %mul3A_1326 = arith.muli %scan3A_875, %mul3A_1325 : i32
        %add3A_1327 = arith.constant 6 : i32
        %add3A_1328 = arith.addi %mul3A_1326, %add3A_1327 : i32
        %swap3A_1329 = arith.index_cast %add3A_1328 : i32 to index
        %swap3A_1330 = arith.constant 32 : index
        %swap3A_1331 = tpu.vector_load %arg9[%swap3A_1329, %swap3A_1330] {strides = array<i32>} : memref<128x128xf32, #tpu.memory_space<vmem>>, vector<1x16xf32>,
        %swap3A_1332 = vector.shape_cast %swap3A_1331 : vector<1x16xf32> to vector<16xf32>
        %swap3A_1333 = vector.shape_cast %get3A_413 : vector<16xf32> to vector<1x16xf32>
        tpu.vector_store %arg9[%swap3A_1329, %swap3A_1330], %swap3A_1333 {add = true, strides = array<i32>} : memref<128x128xf32, #tpu.memory_space<vmem>>, vector<1x16xf32>,
        %mul3A_1334 = arith.constant 8 : i32
        %mul3A_1335 = arith.muli %scan3A_875, %mul3A_1334 : i32
        %add3A_1336 = arith.constant 6 : i32
        %add3A_1337 = arith.addi %mul3A_1335, %add3A_1336 : i32
        %swap3A_1338 = arith.index_cast %add3A_1337 : i32 to index
        %swap3A_1339 = arith.constant 48 : index
        %swap3A_1340 = tpu.vector_load %arg9[%swap3A_1338, %swap3A_1339] {strides = array<i32>} : memref<128x128xf32, #tpu.memory_space<vmem>>, vector<1x16xf32>,
        %swap3A_1341 = vector.shape_cast %swap3A_1340 : vector<1x16xf32> to vector<16xf32>
        %swap3A_1342 = vector.shape_cast %get3A_417 : vector<16xf32> to vector<1x16xf32>
        tpu.vector_store %arg9[%swap3A_1338, %swap3A_1339], %swap3A_1342 {add = true, strides = array<i32>} : memref<128x128xf32, #tpu.memory_space<vmem>>, vector<1x16xf32>,
        %mul3A_1343 = arith.constant 8 : i32
        %mul3A_1344 = arith.muli %scan3A_875, %mul3A_1343 : i32
        %add3A_1345 = arith.constant 6 : i32
        %add3A_1346 = arith.addi %mul3A_1344, %add3A_1345 : i32
        %swap3A_1347 = arith.index_cast %add3A_1346 : i32 to index
        %swap3A_1348 = arith.constant 64 : index
        %swap3A_1349 = tpu.vector_load %arg9[%swap3A_1347, %swap3A_1348] {strides = array<i32>} : memref<128x128xf32, #tpu.memory_space<vmem>>, vector<1x16xf32>,
        %swap3A_1350 = vector.shape_cast %swap3A_1349 : vector<1x16xf32> to vector<16xf32>
        %swap3A_1351 = vector.shape_cast %get3A_421 : vector<16xf32> to vector<1x16xf32>
        tpu.vector_store %arg9[%swap3A_1347, %swap3A_1348], %swap3A_1351 {add = true, strides = array<i32>} : memref<128x128xf32, #tpu.memory_space<vmem>>, vector<1x16xf32>,
        %mul3A_1352 = arith.constant 8 : i32
        %mul3A_1353 = arith.muli %scan3A_875, %mul3A_1352 : i32
        %add3A_1354 = arith.constant 6 : i32
        %add3A_1355 = arith.addi %mul3A_1353, %add3A_1354 : i32
        %swap3A_1356 = arith.index_cast %add3A_1355 : i32 to index
        %swap3A_1357 = arith.constant 80 : index
        %swap3A_1358 = tpu.vector_load %arg9[%swap3A_1356, %swap3A_1357] {strides = array<i32>} : memref<128x128xf32, #tpu.memory_space<vmem>>, vector<1x16xf32>,
        %swap3A_1359 = vector.shape_cast %swap3A_1358 : vector<1x16xf32> to vector<16xf32>
        %swap3A_1360 = vector.shape_cast %get3A_425 : vector<16xf32> to vector<1x16xf32>
        tpu.vector_store %arg9[%swap3A_1356, %swap3A_1357], %swap3A_1360 {add = true, strides = array<i32>} : memref<128x128xf32, #tpu.memory_space<vmem>>, vector<1x16xf32>,
        %mul3A_1361 = arith.constant 8 : i32
        %mul3A_1362 = arith.muli %scan3A_875, %mul3A_1361 : i32
        %add3A_1363 = arith.constant 6 : i32
        %add3A_1364 = arith.addi %mul3A_1362, %add3A_1363 : i32
        %swap3A_1365 = arith.index_cast %add3A_1364 : i32 to index
        %swap3A_1366 = arith.constant 96 : index
        %swap3A_1367 = tpu.vector_load %arg9[%swap3A_1365, %swap3A_1366] {strides = array<i32>} : memref<128x128xf32, #tpu.memory_space<vmem>>, vector<1x16xf32>,
        %swap3A_1368 = vector.shape_cast %swap3A_1367 : vector<1x16xf32> to vector<16xf32>
        %swap3A_1369 = vector.shape_cast %get3A_429 : vector<16xf32> to vector<1x16xf32>
        tpu.vector_store %arg9[%swap3A_1365, %swap3A_1366], %swap3A_1369 {add = true, strides = array<i32>} : memref<128x128xf32, #tpu.memory_space<vmem>>, vector<1x16xf32>,
        %mul3A_1370 = arith.constant 8 : i32
        %mul3A_1371 = arith.muli %scan3A_875, %mul3A_1370 : i32
        %add3A_1372 = arith.constant 6 : i32
        %add3A_1373 = arith.addi %mul3A_1371, %add3A_1372 : i32
        %swap3A_1374 = arith.index_cast %add3A_1373 : i32 to index
        %swap3A_1375 = arith.constant 112 : index
        %swap3A_1376 = tpu.vector_load %arg9[%swap3A_1374, %swap3A_1375] {strides = array<i32>} : memref<128x128xf32, #tpu.memory_space<vmem>>, vector<1x16xf32>,
        %swap3A_1377 = vector.shape_cast %swap3A_1376 : vector<1x16xf32> to vector<16xf32>
        %swap3A_1378 = vector.shape_cast %get3A_433 : vector<16xf32> to vector<1x16xf32>
        tpu.vector_store %arg9[%swap3A_1374, %swap3A_1375], %swap3A_1378 {add = true, strides = array<i32>} : memref<128x128xf32, #tpu.memory_space<vmem>>, vector<1x16xf32>,
        %mul3A_1379 = arith.constant 8 : i32
        %mul3A_1380 = arith.muli %scan3A_875, %mul3A_1379 : i32
        %add3A_1381 = arith.constant 7 : i32
        %add3A_1382 = arith.addi %mul3A_1380, %add3A_1381 : i32
        %swap3A_1383 = arith.index_cast %add3A_1382 : i32 to index
        %swap3A_1384 = arith.constant 0 : index
        %swap3A_1385 = tpu.vector_load %arg9[%swap3A_1383, %swap3A_1384] {strides = array<i32>} : memref<128x128xf32, #tpu.memory_space<vmem>>, vector<1x16xf32>,
        %swap3A_1386 = vector.shape_cast %swap3A_1385 : vector<1x16xf32> to vector<16xf32>
        %swap3A_1387 = vector.shape_cast %get3A_405 : vector<16xf32> to vector<1x16xf32>
        tpu.vector_store %arg9[%swap3A_1383, %swap3A_1384], %swap3A_1387 {add = true, strides = array<i32>} : memref<128x128xf32, #tpu.memory_space<vmem>>, vector<1x16xf32>,
        %mul3A_1388 = arith.constant 8 : i32
        %mul3A_1389 = arith.muli %scan3A_875, %mul3A_1388 : i32
        %add3A_1390 = arith.constant 7 : i32
        %add3A_1391 = arith.addi %mul3A_1389, %add3A_1390 : i32
        %swap3A_1392 = arith.index_cast %add3A_1391 : i32 to index
        %swap3A_1393 = arith.constant 16 : index
        %swap3A_1394 = tpu.vector_load %arg9[%swap3A_1392, %swap3A_1393] {strides = array<i32>} : memref<128x128xf32, #tpu.memory_space<vmem>>, vector<1x16xf32>,
        %swap3A_1395 = vector.shape_cast %swap3A_1394 : vector<1x16xf32> to vector<16xf32>
        %swap3A_1396 = vector.shape_cast %get3A_409 : vector<16xf32> to vector<1x16xf32>
        tpu.vector_store %arg9[%swap3A_1392, %swap3A_1393], %swap3A_1396 {add = true, strides = array<i32>} : memref<128x128xf32, #tpu.memory_space<vmem>>, vector<1x16xf32>,
        %mul3A_1397 = arith.constant 8 : i32
        %mul3A_1398 = arith.muli %scan3A_875, %mul3A_1397 : i32
        %add3A_1399 = arith.constant 7 : i32
        %add3A_1400 = arith.addi %mul3A_1398, %add3A_1399 : i32
        %swap3A_1401 = arith.index_cast %add3A_1400 : i32 to index
        %swap3A_1402 = arith.constant 32 : index
        %swap3A_1403 = tpu.vector_load %arg9[%swap3A_1401, %swap3A_1402] {strides = array<i32>} : memref<128x128xf32, #tpu.memory_space<vmem>>, vector<1x16xf32>,
        %swap3A_1404 = vector.shape_cast %swap3A_1403 : vector<1x16xf32> to vector<16xf32>
        %swap3A_1405 = vector.shape_cast %get3A_413 : vector<16xf32> to vector<1x16xf32>
        tpu.vector_store %arg9[%swap3A_1401, %swap3A_1402], %swap3A_1405 {add = true, strides = array<i32>} : memref<128x128xf32, #tpu.memory_space<vmem>>, vector<1x16xf32>,
        %mul3A_1406 = arith.constant 8 : i32
        %mul3A_1407 = arith.muli %scan3A_875, %mul3A_1406 : i32
        %add3A_1408 = arith.constant 7 : i32
        %add3A_1409 = arith.addi %mul3A_1407, %add3A_1408 : i32
        %swap3A_1410 = arith.index_cast %add3A_1409 : i32 to index
        %swap3A_1411 = arith.constant 48 : index
        %swap3A_1412 = tpu.vector_load %arg9[%swap3A_1410, %swap3A_1411] {strides = array<i32>} : memref<128x128xf32, #tpu.memory_space<vmem>>, vector<1x16xf32>,
        %swap3A_1413 = vector.shape_cast %swap3A_1412 : vector<1x16xf32> to vector<16xf32>
        %swap3A_1414 = vector.shape_cast %get3A_417 : vector<16xf32> to vector<1x16xf32>
        tpu.vector_store %arg9[%swap3A_1410, %swap3A_1411], %swap3A_1414 {add = true, strides = array<i32>} : memref<128x128xf32, #tpu.memory_space<vmem>>, vector<1x16xf32>,
        %mul3A_1415 = arith.constant 8 : i32
        %mul3A_1416 = arith.muli %scan3A_875, %mul3A_1415 : i32
        %add3A_1417 = arith.constant 7 : i32
        %add3A_1418 = arith.addi %mul3A_1416, %add3A_1417 : i32
        %swap3A_1419 = arith.index_cast %add3A_1418 : i32 to index
        %swap3A_1420 = arith.constant 64 : index
        %swap3A_1421 = tpu.vector_load %arg9[%swap3A_1419, %swap3A_1420] {strides = array<i32>} : memref<128x128xf32, #tpu.memory_space<vmem>>, vector<1x16xf32>,
        %swap3A_1422 = vector.shape_cast %swap3A_1421 : vector<1x16xf32> to vector<16xf32>
        %swap3A_1423 = vector.shape_cast %get3A_421 : vector<16xf32> to vector<1x16xf32>
        tpu.vector_store %arg9[%swap3A_1419, %swap3A_1420], %swap3A_1423 {add = true, strides = array<i32>} : memref<128x128xf32, #tpu.memory_space<vmem>>, vector<1x16xf32>,
        %mul3A_1424 = arith.constant 8 : i32
        %mul3A_1425 = arith.muli %scan3A_875, %mul3A_1424 : i32
        %add3A_1426 = arith.constant 7 : i32
        %add3A_1427 = arith.addi %mul3A_1425, %add3A_1426 : i32
        %swap3A_1428 = arith.index_cast %add3A_1427 : i32 to index
        %swap3A_1429 = arith.constant 80 : index
        %swap3A_1430 = tpu.vector_load %arg9[%swap3A_1428, %swap3A_1429] {strides = array<i32>} : memref<128x128xf32, #tpu.memory_space<vmem>>, vector<1x16xf32>,
        %swap3A_1431 = vector.shape_cast %swap3A_1430 : vector<1x16xf32> to vector<16xf32>
        %swap3A_1432 = vector.shape_cast %get3A_425 : vector<16xf32> to vector<1x16xf32>
        tpu.vector_store %arg9[%swap3A_1428, %swap3A_1429], %swap3A_1432 {add = true, strides = array<i32>} : memref<128x128xf32, #tpu.memory_space<vmem>>, vector<1x16xf32>,
        %mul3A_1433 = arith.constant 8 : i32
        %mul3A_1434 = arith.muli %scan3A_875, %mul3A_1433 : i32
        %add3A_1435 = arith.constant 7 : i32
        %add3A_1436 = arith.addi %mul3A_1434, %add3A_1435 : i32
        %swap3A_1437 = arith.index_cast %add3A_1436 : i32 to index
        %swap3A_1438 = arith.constant 96 : index
        %swap3A_1439 = tpu.vector_load %arg9[%swap3A_1437, %swap3A_1438] {strides = array<i32>} : memref<128x128xf32, #tpu.memory_space<vmem>>, vector<1x16xf32>,
        %swap3A_1440 = vector.shape_cast %swap3A_1439 : vector<1x16xf32> to vector<16xf32>
        %swap3A_1441 = vector.shape_cast %get3A_429 : vector<16xf32> to vector<1x16xf32>
        tpu.vector_store %arg9[%swap3A_1437, %swap3A_1438], %swap3A_1441 {add = true, strides = array<i32>} : memref<128x128xf32, #tpu.memory_space<vmem>>, vector<1x16xf32>,
        %mul3A_1442 = arith.constant 8 : i32
        %mul3A_1443 = arith.muli %scan3A_875, %mul3A_1442 : i32
        %add3A_1444 = arith.constant 7 : i32
        %add3A_1445 = arith.addi %mul3A_1443, %add3A_1444 : i32
        %swap3A_1446 = arith.index_cast %add3A_1445 : i32 to index
        %swap3A_1447 = arith.constant 112 : index
        %swap3A_1448 = tpu.vector_load %arg9[%swap3A_1446, %swap3A_1447] {strides = array<i32>} : memref<128x128xf32, #tpu.memory_space<vmem>>, vector<1x16xf32>,
        %swap3A_1449 = vector.shape_cast %swap3A_1448 : vector<1x16xf32> to vector<16xf32>
        %swap3A_1450 = vector.shape_cast %get3A_433 : vector<16xf32> to vector<1x16xf32>
        tpu.vector_store %arg9[%swap3A_1446, %swap3A_1447], %swap3A_1450 {add = true, strides = array<i32>} : memref<128x128xf32, #tpu.memory_space<vmem>>, vector<1x16xf32>,
      }
      %scan3A_439 = arith.constant 16 : i32
      %jit3A_440 = arith.constant 1024 : i32
      %div3A_441 = arith.divsi %add3A_370, %jit3A_440 : i32
      %sign3A_442 = arith.constant 0 : i32
      %sign3A_443 = arith.cmpi sgt, %add3A_370, %sign3A_442 : i32
      %sign3A_444 = arith.extui %sign3A_443 : i1 to i32
      %sign3A_445 = arith.constant 0 : i32
      %sign3A_446 = arith.cmpi slt, %add3A_370, %sign3A_445 : i32
      %sign3A_447 = arith.extui %sign3A_446 : i1 to i32
      %sign3A_448 = arith.subi %sign3A_444, %sign3A_447 : i32
      %sign3A_449 = arith.constant 0 : i32
      %sign3A_450 = arith.cmpi sgt, %jit3A_440, %sign3A_449 : i32
      %sign3A_451 = arith.extui %sign3A_450 : i1 to i32
      %sign3A_452 = arith.constant 0 : i32
      %sign3A_453 = arith.cmpi slt, %jit3A_440, %sign3A_452 : i32
      %sign3A_454 = arith.extui %sign3A_453 : i1 to i32
      %sign3A_455 = arith.subi %sign3A_451, %sign3A_454 : i32
      %ne3A_456 = arith.cmpi ne, %sign3A_448, %sign3A_455 : i32
      %rem3A_457 = arith.remsi %add3A_370, %jit3A_440 : i32
      %ne3A_458 = arith.constant 0 : i32
      %ne3A_459 = arith.cmpi ne, %rem3A_457, %ne3A_458 : i32
      %and3A_460 = arith.andi %ne3A_456, %ne3A_459 : i1
      %sub3A_461 = arith.constant 1 : i32
      %sub3A_462 = arith.subi %div3A_441, %sub3A_461 : i32
      %select_n3A_463 = arith.select %and3A_460, %sub3A_462, %div3A_441 : i32
      %jit3A_464 = arith.constant 1024 : i32
      %eq3A_465 = arith.constant 0 : i32
      %eq3A_466 = arith.cmpi eq, %jit3A_464, %eq3A_465 : i32
      %jit3A_467 = arith.constant 1 : i32
      %select_n3A_468 = arith.select %eq3A_466, %jit3A_467, %jit3A_464 : i32
      %rem3A_469 = arith.remsi %add3A_370, %select_n3A_468 : i32
      %ne3A_470 = arith.constant 0 : i32
      %ne3A_471 = arith.cmpi ne, %rem3A_469, %ne3A_470 : i32
      %lt3A_472 = arith.constant 0 : i32
      %lt3A_473 = arith.cmpi slt, %rem3A_469, %lt3A_472 : i32
      %lt3A_474 = arith.constant 0 : i32
      %lt3A_475 = arith.cmpi slt, %select_n3A_468, %lt3A_474 : i32
      %ne3A_476 = arith.xori %lt3A_473, %lt3A_475 : i1
      %and3A_477 = arith.andi %ne3A_476, %ne3A_471 : i1
      %add3A_478 = arith.addi %rem3A_469, %select_n3A_468 : i32
      %select_n3A_479 = arith.select %and3A_477, %add3A_478, %rem3A_469 : i32
      %dma_start3A_480 = arith.constant 0 : i32
      %dma_start3A_481 = tpu.memref_slice %arg5[%select_n3A_463, %select_n3A_479, %dma_start3A_480] : memref<200x1024x128xf32, #tpu.memory_space<hbm>> -> memref<1x128x128xf32, #tpu.memory_space<hbm>>
      %dma_start3A_482 = tpu.memref_squeeze %dma_start3A_481 : memref<1x128x128xf32, #tpu.memory_space<hbm>> -> memref<128x128xf32, #tpu.memory_space<hbm>>
      %dma_start3A_483 = arith.constant 0 : i32
      %dma_start3A_484 = tpu.memref_slice %arg5[%select_n3A_463, %select_n3A_479, %dma_start3A_483] : memref<200x1024x128xf32, #tpu.memory_space<hbm>> -> memref<1x128x128xf32, #tpu.memory_space<hbm>>
      %dma_start3A_485 = tpu.memref_squeeze %dma_start3A_484 : memref<1x128x128xf32, #tpu.memory_space<hbm>> -> memref<128x128xf32, #tpu.memory_space<hbm>>
      tpu.enqueue_dma source(%arg9 : memref<128x128xf32, #tpu.memory_space<vmem>>) target(%dma_start3A_485 : memref<128x128xf32, #tpu.memory_space<hbm>>) target_semaphore(%arg14 : memref<!tpu.dma_semaphore, #tpu.memory_space<semaphore_mem>>)
      %lt3A_486 = arith.constant 9 : i32
      %lt3A_487 = arith.cmpi slt, %scan3A_244, %lt3A_486 : i32
      %convert_element_type3A = arith.extui %lt3A_487 : i1 to i32
      %cond3A = arith.constant 0 : i32
      %cond3A_488 = arith.cmpi ne, %convert_element_type3A, %cond3A : i32
      scf.if %cond3A_488 {
        %jit3A_875 = arith.constant 1024 : i32
        %div3A_876 = arith.divsi %mul3A_2, %jit3A_875 : i32
        %sign3A_877 = arith.constant 0 : i32
        %sign3A_878 = arith.cmpi sgt, %mul3A_2, %sign3A_877 : i32
        %sign3A_879 = arith.extui %sign3A_878 : i1 to i32
        %sign3A_880 = arith.constant 0 : i32
        %sign3A_881 = arith.cmpi slt, %mul3A_2, %sign3A_880 : i32
        %sign3A_882 = arith.extui %sign3A_881 : i1 to i32
        %sign3A_883 = arith.subi %sign3A_879, %sign3A_882 : i32
        %sign3A_884 = arith.constant 0 : i32
        %sign3A_885 = arith.cmpi sgt, %jit3A_875, %sign3A_884 : i32
        %sign3A_886 = arith.extui %sign3A_885 : i1 to i32
        %sign3A_887 = arith.constant 0 : i32
        %sign3A_888 = arith.cmpi slt, %jit3A_875, %sign3A_887 : i32
        %sign3A_889 = arith.extui %sign3A_888 : i1 to i32
        %sign3A_890 = arith.subi %sign3A_886, %sign3A_889 : i32
        %ne3A_891 = arith.cmpi ne, %sign3A_883, %sign3A_890 : i32
        %rem3A_892 = arith.remsi %mul3A_2, %jit3A_875 : i32
        %ne3A_893 = arith.constant 0 : i32
        %ne3A_894 = arith.cmpi ne, %rem3A_892, %ne3A_893 : i32
        %and3A_895 = arith.andi %ne3A_891, %ne3A_894 : i1
        %sub3A_896 = arith.constant 1 : i32
        %sub3A_897 = arith.subi %div3A_876, %sub3A_896 : i32
        %select_n3A_898 = arith.select %and3A_895, %sub3A_897, %div3A_876 : i32
        %dma_wait3A_899 = arith.constant 0 : i32
        %dma_wait3A_900 = arith.constant 0 : i32
        %dma_wait3A_901 = tpu.memref_slice %arg5[%select_n3A_898, %dma_wait3A_899, %dma_wait3A_900] : memref<200x1024x128xf32, #tpu.memory_space<hbm>> -> memref<1x128x128xf32, #tpu.memory_space<hbm>>
        %dma_wait3A_902 = tpu.memref_squeeze %dma_wait3A_901 : memref<1x128x128xf32, #tpu.memory_space<hbm>> -> memref<128x128xf32, #tpu.memory_space<hbm>>
        %dma_wait3A_903 = arith.constant 0 : i32
        %dma_wait3A_904 = arith.constant 0 : i32
        %dma_wait3A_905 = tpu.memref_slice %arg5[%select_n3A_898, %dma_wait3A_903, %dma_wait3A_904] : memref<200x1024x128xf32, #tpu.memory_space<hbm>> -> memref<1x128x128xf32, #tpu.memory_space<hbm>>
        %dma_wait3A_906 = tpu.memref_squeeze %dma_wait3A_905 : memref<1x128x128xf32, #tpu.memory_space<hbm>> -> memref<128x128xf32, #tpu.memory_space<hbm>>
        tpu.wait_dma2 semaphore(%arg13 : memref<!tpu.dma_semaphore, #tpu.memory_space<semaphore_mem>>) src(%arg8 : memref<128x128xf32, #tpu.memory_space<vmem>>) dst(%dma_wait3A_906 : memref<128x128xf32, #tpu.memory_space<hbm>>)
        %add3A_907 = arith.constant 1 : i32
        %add3A_908 = arith.addi %scan3A_244, %add3A_907 : i32
        %mul3A_909 = arith.constant 5 : i32
        %mul3A_910 = arith.muli %add3A_908, %mul3A_909 : i32
        %add3A_911 = arith.constant 1 : i32
        %add3A_912 = arith.addi %mul3A_910, %add3A_911 : i32
        %sub3A_913 = arith.constant 1 : i32
        %sub3A_914 = arith.subi %add3A_912, %sub3A_913 : i32
        %dma_start3A_915 = arith.constant 0 : i32
        %dma_start3A_916 = tpu.memref_slice %arg6[%sub3A_914, %dma_start3A_915] : memref<50x128xi32, #tpu.memory_space<vmem>> -> memref<1x128xi32, #tpu.memory_space<vmem>>
        %dma_start3A_917 = tpu.memref_squeeze %dma_start3A_916 : memref<1x128xi32, #tpu.memory_space<vmem>> -> memref<128xi32, #tpu.memory_space<vmem>>
        %dma_start3A_918 = arith.constant 0 : i32
        %dma_start3A_919 = arith.constant 0 : i32
        %dma_start3A_920 = tpu.memref_slice %arg3[%dma_start3A_918, %dma_start3A_919] : memref<1000000x128xf32, #tpu.memory_space<hbm>> -> memref<1000000x128xf32, #tpu.memory_space<hbm>>
        tpu.enqueue_indirect_dma source(%dma_start3A_920 : memref<1000000x128xf32, #tpu.memory_space<hbm>>) target(%arg8 : memref<128x128xf32, #tpu.memory_space<vmem>>) offsets(%dma_start3A_917 : memref<128xi32, #tpu.memory_space<vmem>>) semaphore(%arg13 : memref<!tpu.dma_semaphore, #tpu.memory_space<semaphore_mem>>)
      } else {
      }
      %mul3A_489 = arith.constant 5 : i32
      %mul3A_490 = arith.muli %scan3A_244, %mul3A_489 : i32
      %add3A_491 = arith.constant 2 : i32
      %add3A_492 = arith.addi %mul3A_490, %add3A_491 : i32
      %mul3A_493 = arith.constant 128 : i32
      %mul3A_494 = arith.muli %add3A_492, %mul3A_493 : i32
      %add3A_495 = arith.addi %mul3A_2, %mul3A_494 : i32
      %dma_wait3A_496 = arith.constant 0 : i32
      %dma_wait3A_497 = tpu.memref_slice %arg6[%add3A_492, %dma_wait3A_496] : memref<50x128xi32, #tpu.memory_space<vmem>> -> memref<1x128xi32, #tpu.memory_space<vmem>>
      %dma_wait3A_498 = tpu.memref_squeeze %dma_wait3A_497 : memref<1x128xi32, #tpu.memory_space<vmem>> -> memref<128xi32, #tpu.memory_space<vmem>>
      %dma_wait3A_499 = arith.constant 0 : i32
      %dma_wait3A_500 = arith.constant 0 : i32
      %dma_wait3A_501 = tpu.memref_slice %arg3[%dma_wait3A_499, %dma_wait3A_500] : memref<1000000x128xf32, #tpu.memory_space<hbm>> -> memref<1000000x128xf32, #tpu.memory_space<hbm>>
      tpu.wait_indirect_dma semaphore(%arg15 : memref<!tpu.dma_semaphore, #tpu.memory_space<semaphore_mem>>) src(%dma_wait3A_501 : memref<1000000x128xf32, #tpu.memory_space<hbm>>) dst(%arg10 : memref<128x128xf32, #tpu.memory_space<vmem>>)
      %jit3A_502 = arith.constant 1024 : i32
      %div3A_503 = arith.divsi %add3A_495, %jit3A_502 : i32
      %sign3A_504 = arith.constant 0 : i32
      %sign3A_505 = arith.cmpi sgt, %add3A_495, %sign3A_504 : i32
      %sign3A_506 = arith.extui %sign3A_505 : i1 to i32
      %sign3A_507 = arith.constant 0 : i32
      %sign3A_508 = arith.cmpi slt, %add3A_495, %sign3A_507 : i32
      %sign3A_509 = arith.extui %sign3A_508 : i1 to i32
      %sign3A_510 = arith.subi %sign3A_506, %sign3A_509 : i32
      %sign3A_511 = arith.constant 0 : i32
      %sign3A_512 = arith.cmpi sgt, %jit3A_502, %sign3A_511 : i32
      %sign3A_513 = arith.extui %sign3A_512 : i1 to i32
      %sign3A_514 = arith.constant 0 : i32
      %sign3A_515 = arith.cmpi slt, %jit3A_502, %sign3A_514 : i32
      %sign3A_516 = arith.extui %sign3A_515 : i1 to i32
      %sign3A_517 = arith.subi %sign3A_513, %sign3A_516 : i32
      %ne3A_518 = arith.cmpi ne, %sign3A_510, %sign3A_517 : i32
      %rem3A_519 = arith.remsi %add3A_495, %jit3A_502 : i32
      %ne3A_520 = arith.constant 0 : i32
      %ne3A_521 = arith.cmpi ne, %rem3A_519, %ne3A_520 : i32
      %and3A_522 = arith.andi %ne3A_518, %ne3A_521 : i1
      %sub3A_523 = arith.constant 1 : i32
      %sub3A_524 = arith.subi %div3A_503, %sub3A_523 : i32
      %select_n3A_525 = arith.select %and3A_522, %sub3A_524, %div3A_503 : i32
      %sub3A_526 = arith.subi %select_n3A_525, %min3A_45 : i32
      %get3A_527 = arith.index_cast %sub3A_526 : i32 to index
      %get3A_528 = arith.constant 0 : index
      %get3A_529 = tpu.vector_load %arg7[%get3A_527, %get3A_528] {strides = array<i32>} : memref<16x128xf32, #tpu.memory_space<vmem>>, vector<1x16xf32>,
      %get3A_530 = vector.shape_cast %get3A_529 : vector<1x16xf32> to vector<16xf32>
      %get3A_531 = arith.index_cast %sub3A_526 : i32 to index
      %get3A_532 = arith.constant 16 : index
      %get3A_533 = tpu.vector_load %arg7[%get3A_531, %get3A_532] {strides = array<i32>} : memref<16x128xf32, #tpu.memory_space<vmem>>, vector<1x16xf32>,
      %get3A_534 = vector.shape_cast %get3A_533 : vector<1x16xf32> to vector<16xf32>
      %get3A_535 = arith.index_cast %sub3A_526 : i32 to index
      %get3A_536 = arith.constant 32 : index
      %get3A_537 = tpu.vector_load %arg7[%get3A_535, %get3A_536] {strides = array<i32>} : memref<16x128xf32, #tpu.memory_space<vmem>>, vector<1x16xf32>,
      %get3A_538 = vector.shape_cast %get3A_537 : vector<1x16xf32> to vector<16xf32>
      %get3A_539 = arith.index_cast %sub3A_526 : i32 to index
      %get3A_540 = arith.constant 48 : index
      %get3A_541 = tpu.vector_load %arg7[%get3A_539, %get3A_540] {strides = array<i32>} : memref<16x128xf32, #tpu.memory_space<vmem>>, vector<1x16xf32>,
      %get3A_542 = vector.shape_cast %get3A_541 : vector<1x16xf32> to vector<16xf32>
      %get3A_543 = arith.index_cast %sub3A_526 : i32 to index
      %get3A_544 = arith.constant 64 : index
      %get3A_545 = tpu.vector_load %arg7[%get3A_543, %get3A_544] {strides = array<i32>} : memref<16x128xf32, #tpu.memory_space<vmem>>, vector<1x16xf32>,
      %get3A_546 = vector.shape_cast %get3A_545 : vector<1x16xf32> to vector<16xf32>
      %get3A_547 = arith.index_cast %sub3A_526 : i32 to index
      %get3A_548 = arith.constant 80 : index
      %get3A_549 = tpu.vector_load %arg7[%get3A_547, %get3A_548] {strides = array<i32>} : memref<16x128xf32, #tpu.memory_space<vmem>>, vector<1x16xf32>,
      %get3A_550 = vector.shape_cast %get3A_549 : vector<1x16xf32> to vector<16xf32>
      %get3A_551 = arith.index_cast %sub3A_526 : i32 to index
      %get3A_552 = arith.constant 96 : index
      %get3A_553 = tpu.vector_load %arg7[%get3A_551, %get3A_552] {strides = array<i32>} : memref<16x128xf32, #tpu.memory_space<vmem>>, vector<1x16xf32>,
      %get3A_554 = vector.shape_cast %get3A_553 : vector<1x16xf32> to vector<16xf32>
      %get3A_555 = arith.index_cast %sub3A_526 : i32 to index
      %get3A_556 = arith.constant 112 : index
      %get3A_557 = tpu.vector_load %arg7[%get3A_555, %get3A_556] {strides = array<i32>} : memref<16x128xf32, #tpu.memory_space<vmem>>, vector<1x16xf32>,
      %get3A_558 = vector.shape_cast %get3A_557 : vector<1x16xf32> to vector<16xf32>
      %scan3A_559 = arith.constant 0 : i32
      %scan3A_560 = arith.constant 0 : i32
      %scan3A_561 = arith.constant 16 : i32
      %scan3A_562 = arith.addi %scan3A_560, %scan3A_561 : i32
      %scan3A_563 = arith.constant 1 : i32
      scf.for %scan3A_875 = %scan3A_560 to %scan3A_562 step %scan3A_563  : i32 {
        %mul3A_876 = arith.constant 8 : i32
        %mul3A_877 = arith.muli %scan3A_875, %mul3A_876 : i32
        %add3A_878 = arith.constant 0 : i32
        %add3A_879 = arith.addi %mul3A_877, %add3A_878 : i32
        %swap3A = arith.index_cast %add3A_879 : i32 to index
        %swap3A_880 = arith.constant 0 : index
        %swap3A_881 = tpu.vector_load %arg10[%swap3A, %swap3A_880] {strides = array<i32>} : memref<128x128xf32, #tpu.memory_space<vmem>>, vector<1x16xf32>,
        %swap3A_882 = vector.shape_cast %swap3A_881 : vector<1x16xf32> to vector<16xf32>
        %swap3A_883 = vector.shape_cast %get3A_530 : vector<16xf32> to vector<1x16xf32>
        tpu.vector_store %arg10[%swap3A, %swap3A_880], %swap3A_883 {add = true, strides = array<i32>} : memref<128x128xf32, #tpu.memory_space<vmem>>, vector<1x16xf32>,
        %mul3A_884 = arith.constant 8 : i32
        %mul3A_885 = arith.muli %scan3A_875, %mul3A_884 : i32
        %add3A_886 = arith.constant 0 : i32
        %add3A_887 = arith.addi %mul3A_885, %add3A_886 : i32
        %swap3A_888 = arith.index_cast %add3A_887 : i32 to index
        %swap3A_889 = arith.constant 16 : index
        %swap3A_890 = tpu.vector_load %arg10[%swap3A_888, %swap3A_889] {strides = array<i32>} : memref<128x128xf32, #tpu.memory_space<vmem>>, vector<1x16xf32>,
        %swap3A_891 = vector.shape_cast %swap3A_890 : vector<1x16xf32> to vector<16xf32>
        %swap3A_892 = vector.shape_cast %get3A_534 : vector<16xf32> to vector<1x16xf32>
        tpu.vector_store %arg10[%swap3A_888, %swap3A_889], %swap3A_892 {add = true, strides = array<i32>} : memref<128x128xf32, #tpu.memory_space<vmem>>, vector<1x16xf32>,
        %mul3A_893 = arith.constant 8 : i32
        %mul3A_894 = arith.muli %scan3A_875, %mul3A_893 : i32
        %add3A_895 = arith.constant 0 : i32
        %add3A_896 = arith.addi %mul3A_894, %add3A_895 : i32
        %swap3A_897 = arith.index_cast %add3A_896 : i32 to index
        %swap3A_898 = arith.constant 32 : index
        %swap3A_899 = tpu.vector_load %arg10[%swap3A_897, %swap3A_898] {strides = array<i32>} : memref<128x128xf32, #tpu.memory_space<vmem>>, vector<1x16xf32>,
        %swap3A_900 = vector.shape_cast %swap3A_899 : vector<1x16xf32> to vector<16xf32>
        %swap3A_901 = vector.shape_cast %get3A_538 : vector<16xf32> to vector<1x16xf32>
        tpu.vector_store %arg10[%swap3A_897, %swap3A_898], %swap3A_901 {add = true, strides = array<i32>} : memref<128x128xf32, #tpu.memory_space<vmem>>, vector<1x16xf32>,
        %mul3A_902 = arith.constant 8 : i32
        %mul3A_903 = arith.muli %scan3A_875, %mul3A_902 : i32
        %add3A_904 = arith.constant 0 : i32
        %add3A_905 = arith.addi %mul3A_903, %add3A_904 : i32
        %swap3A_906 = arith.index_cast %add3A_905 : i32 to index
        %swap3A_907 = arith.constant 48 : index
        %swap3A_908 = tpu.vector_load %arg10[%swap3A_906, %swap3A_907] {strides = array<i32>} : memref<128x128xf32, #tpu.memory_space<vmem>>, vector<1x16xf32>,
        %swap3A_909 = vector.shape_cast %swap3A_908 : vector<1x16xf32> to vector<16xf32>
        %swap3A_910 = vector.shape_cast %get3A_542 : vector<16xf32> to vector<1x16xf32>
        tpu.vector_store %arg10[%swap3A_906, %swap3A_907], %swap3A_910 {add = true, strides = array<i32>} : memref<128x128xf32, #tpu.memory_space<vmem>>, vector<1x16xf32>,
        %mul3A_911 = arith.constant 8 : i32
        %mul3A_912 = arith.muli %scan3A_875, %mul3A_911 : i32
        %add3A_913 = arith.constant 0 : i32
        %add3A_914 = arith.addi %mul3A_912, %add3A_913 : i32
        %swap3A_915 = arith.index_cast %add3A_914 : i32 to index
        %swap3A_916 = arith.constant 64 : index
        %swap3A_917 = tpu.vector_load %arg10[%swap3A_915, %swap3A_916] {strides = array<i32>} : memref<128x128xf32, #tpu.memory_space<vmem>>, vector<1x16xf32>,
        %swap3A_918 = vector.shape_cast %swap3A_917 : vector<1x16xf32> to vector<16xf32>
        %swap3A_919 = vector.shape_cast %get3A_546 : vector<16xf32> to vector<1x16xf32>
        tpu.vector_store %arg10[%swap3A_915, %swap3A_916], %swap3A_919 {add = true, strides = array<i32>} : memref<128x128xf32, #tpu.memory_space<vmem>>, vector<1x16xf32>,
        %mul3A_920 = arith.constant 8 : i32
        %mul3A_921 = arith.muli %scan3A_875, %mul3A_920 : i32
        %add3A_922 = arith.constant 0 : i32
        %add3A_923 = arith.addi %mul3A_921, %add3A_922 : i32
        %swap3A_924 = arith.index_cast %add3A_923 : i32 to index
        %swap3A_925 = arith.constant 80 : index
        %swap3A_926 = tpu.vector_load %arg10[%swap3A_924, %swap3A_925] {strides = array<i32>} : memref<128x128xf32, #tpu.memory_space<vmem>>, vector<1x16xf32>,
        %swap3A_927 = vector.shape_cast %swap3A_926 : vector<1x16xf32> to vector<16xf32>
        %swap3A_928 = vector.shape_cast %get3A_550 : vector<16xf32> to vector<1x16xf32>
        tpu.vector_store %arg10[%swap3A_924, %swap3A_925], %swap3A_928 {add = true, strides = array<i32>} : memref<128x128xf32, #tpu.memory_space<vmem>>, vector<1x16xf32>,
        %mul3A_929 = arith.constant 8 : i32
        %mul3A_930 = arith.muli %scan3A_875, %mul3A_929 : i32
        %add3A_931 = arith.constant 0 : i32
        %add3A_932 = arith.addi %mul3A_930, %add3A_931 : i32
        %swap3A_933 = arith.index_cast %add3A_932 : i32 to index
        %swap3A_934 = arith.constant 96 : index
        %swap3A_935 = tpu.vector_load %arg10[%swap3A_933, %swap3A_934] {strides = array<i32>} : memref<128x128xf32, #tpu.memory_space<vmem>>, vector<1x16xf32>,
        %swap3A_936 = vector.shape_cast %swap3A_935 : vector<1x16xf32> to vector<16xf32>
        %swap3A_937 = vector.shape_cast %get3A_554 : vector<16xf32> to vector<1x16xf32>
        tpu.vector_store %arg10[%swap3A_933, %swap3A_934], %swap3A_937 {add = true, strides = array<i32>} : memref<128x128xf32, #tpu.memory_space<vmem>>, vector<1x16xf32>,
        %mul3A_938 = arith.constant 8 : i32
        %mul3A_939 = arith.muli %scan3A_875, %mul3A_938 : i32
        %add3A_940 = arith.constant 0 : i32
        %add3A_941 = arith.addi %mul3A_939, %add3A_940 : i32
        %swap3A_942 = arith.index_cast %add3A_941 : i32 to index
        %swap3A_943 = arith.constant 112 : index
        %swap3A_944 = tpu.vector_load %arg10[%swap3A_942, %swap3A_943] {strides = array<i32>} : memref<128x128xf32, #tpu.memory_space<vmem>>, vector<1x16xf32>,
        %swap3A_945 = vector.shape_cast %swap3A_944 : vector<1x16xf32> to vector<16xf32>
        %swap3A_946 = vector.shape_cast %get3A_558 : vector<16xf32> to vector<1x16xf32>
        tpu.vector_store %arg10[%swap3A_942, %swap3A_943], %swap3A_946 {add = true, strides = array<i32>} : memref<128x128xf32, #tpu.memory_space<vmem>>, vector<1x16xf32>,
        %mul3A_947 = arith.constant 8 : i32
        %mul3A_948 = arith.muli %scan3A_875, %mul3A_947 : i32
        %add3A_949 = arith.constant 1 : i32
        %add3A_950 = arith.addi %mul3A_948, %add3A_949 : i32
        %swap3A_951 = arith.index_cast %add3A_950 : i32 to index
        %swap3A_952 = arith.constant 0 : index
        %swap3A_953 = tpu.vector_load %arg10[%swap3A_951, %swap3A_952] {strides = array<i32>} : memref<128x128xf32, #tpu.memory_space<vmem>>, vector<1x16xf32>,
        %swap3A_954 = vector.shape_cast %swap3A_953 : vector<1x16xf32> to vector<16xf32>
        %swap3A_955 = vector.shape_cast %get3A_530 : vector<16xf32> to vector<1x16xf32>
        tpu.vector_store %arg10[%swap3A_951, %swap3A_952], %swap3A_955 {add = true, strides = array<i32>} : memref<128x128xf32, #tpu.memory_space<vmem>>, vector<1x16xf32>,
        %mul3A_956 = arith.constant 8 : i32
        %mul3A_957 = arith.muli %scan3A_875, %mul3A_956 : i32
        %add3A_958 = arith.constant 1 : i32
        %add3A_959 = arith.addi %mul3A_957, %add3A_958 : i32
        %swap3A_960 = arith.index_cast %add3A_959 : i32 to index
        %swap3A_961 = arith.constant 16 : index
        %swap3A_962 = tpu.vector_load %arg10[%swap3A_960, %swap3A_961] {strides = array<i32>} : memref<128x128xf32, #tpu.memory_space<vmem>>, vector<1x16xf32>,
        %swap3A_963 = vector.shape_cast %swap3A_962 : vector<1x16xf32> to vector<16xf32>
        %swap3A_964 = vector.shape_cast %get3A_534 : vector<16xf32> to vector<1x16xf32>
        tpu.vector_store %arg10[%swap3A_960, %swap3A_961], %swap3A_964 {add = true, strides = array<i32>} : memref<128x128xf32, #tpu.memory_space<vmem>>, vector<1x16xf32>,
        %mul3A_965 = arith.constant 8 : i32
        %mul3A_966 = arith.muli %scan3A_875, %mul3A_965 : i32
        %add3A_967 = arith.constant 1 : i32
        %add3A_968 = arith.addi %mul3A_966, %add3A_967 : i32
        %swap3A_969 = arith.index_cast %add3A_968 : i32 to index
        %swap3A_970 = arith.constant 32 : index
        %swap3A_971 = tpu.vector_load %arg10[%swap3A_969, %swap3A_970] {strides = array<i32>} : memref<128x128xf32, #tpu.memory_space<vmem>>, vector<1x16xf32>,
        %swap3A_972 = vector.shape_cast %swap3A_971 : vector<1x16xf32> to vector<16xf32>
        %swap3A_973 = vector.shape_cast %get3A_538 : vector<16xf32> to vector<1x16xf32>
        tpu.vector_store %arg10[%swap3A_969, %swap3A_970], %swap3A_973 {add = true, strides = array<i32>} : memref<128x128xf32, #tpu.memory_space<vmem>>, vector<1x16xf32>,
        %mul3A_974 = arith.constant 8 : i32
        %mul3A_975 = arith.muli %scan3A_875, %mul3A_974 : i32
        %add3A_976 = arith.constant 1 : i32
        %add3A_977 = arith.addi %mul3A_975, %add3A_976 : i32
        %swap3A_978 = arith.index_cast %add3A_977 : i32 to index
        %swap3A_979 = arith.constant 48 : index
        %swap3A_980 = tpu.vector_load %arg10[%swap3A_978, %swap3A_979] {strides = array<i32>} : memref<128x128xf32, #tpu.memory_space<vmem>>, vector<1x16xf32>,
        %swap3A_981 = vector.shape_cast %swap3A_980 : vector<1x16xf32> to vector<16xf32>
        %swap3A_982 = vector.shape_cast %get3A_542 : vector<16xf32> to vector<1x16xf32>
        tpu.vector_store %arg10[%swap3A_978, %swap3A_979], %swap3A_982 {add = true, strides = array<i32>} : memref<128x128xf32, #tpu.memory_space<vmem>>, vector<1x16xf32>,
        %mul3A_983 = arith.constant 8 : i32
        %mul3A_984 = arith.muli %scan3A_875, %mul3A_983 : i32
        %add3A_985 = arith.constant 1 : i32
        %add3A_986 = arith.addi %mul3A_984, %add3A_985 : i32
        %swap3A_987 = arith.index_cast %add3A_986 : i32 to index
        %swap3A_988 = arith.constant 64 : index
        %swap3A_989 = tpu.vector_load %arg10[%swap3A_987, %swap3A_988] {strides = array<i32>} : memref<128x128xf32, #tpu.memory_space<vmem>>, vector<1x16xf32>,
        %swap3A_990 = vector.shape_cast %swap3A_989 : vector<1x16xf32> to vector<16xf32>
        %swap3A_991 = vector.shape_cast %get3A_546 : vector<16xf32> to vector<1x16xf32>
        tpu.vector_store %arg10[%swap3A_987, %swap3A_988], %swap3A_991 {add = true, strides = array<i32>} : memref<128x128xf32, #tpu.memory_space<vmem>>, vector<1x16xf32>,
        %mul3A_992 = arith.constant 8 : i32
        %mul3A_993 = arith.muli %scan3A_875, %mul3A_992 : i32
        %add3A_994 = arith.constant 1 : i32
        %add3A_995 = arith.addi %mul3A_993, %add3A_994 : i32
        %swap3A_996 = arith.index_cast %add3A_995 : i32 to index
        %swap3A_997 = arith.constant 80 : index
        %swap3A_998 = tpu.vector_load %arg10[%swap3A_996, %swap3A_997] {strides = array<i32>} : memref<128x128xf32, #tpu.memory_space<vmem>>, vector<1x16xf32>,
        %swap3A_999 = vector.shape_cast %swap3A_998 : vector<1x16xf32> to vector<16xf32>
        %swap3A_1000 = vector.shape_cast %get3A_550 : vector<16xf32> to vector<1x16xf32>
        tpu.vector_store %arg10[%swap3A_996, %swap3A_997], %swap3A_1000 {add = true, strides = array<i32>} : memref<128x128xf32, #tpu.memory_space<vmem>>, vector<1x16xf32>,
        %mul3A_1001 = arith.constant 8 : i32
        %mul3A_1002 = arith.muli %scan3A_875, %mul3A_1001 : i32
        %add3A_1003 = arith.constant 1 : i32
        %add3A_1004 = arith.addi %mul3A_1002, %add3A_1003 : i32
        %swap3A_1005 = arith.index_cast %add3A_1004 : i32 to index
        %swap3A_1006 = arith.constant 96 : index
        %swap3A_1007 = tpu.vector_load %arg10[%swap3A_1005, %swap3A_1006] {strides = array<i32>} : memref<128x128xf32, #tpu.memory_space<vmem>>, vector<1x16xf32>,
        %swap3A_1008 = vector.shape_cast %swap3A_1007 : vector<1x16xf32> to vector<16xf32>
        %swap3A_1009 = vector.shape_cast %get3A_554 : vector<16xf32> to vector<1x16xf32>
        tpu.vector_store %arg10[%swap3A_1005, %swap3A_1006], %swap3A_1009 {add = true, strides = array<i32>} : memref<128x128xf32, #tpu.memory_space<vmem>>, vector<1x16xf32>,
        %mul3A_1010 = arith.constant 8 : i32
        %mul3A_1011 = arith.muli %scan3A_875, %mul3A_1010 : i32
        %add3A_1012 = arith.constant 1 : i32
        %add3A_1013 = arith.addi %mul3A_1011, %add3A_1012 : i32
        %swap3A_1014 = arith.index_cast %add3A_1013 : i32 to index
        %swap3A_1015 = arith.constant 112 : index
        %swap3A_1016 = tpu.vector_load %arg10[%swap3A_1014, %swap3A_1015] {strides = array<i32>} : memref<128x128xf32, #tpu.memory_space<vmem>>, vector<1x16xf32>,
        %swap3A_1017 = vector.shape_cast %swap3A_1016 : vector<1x16xf32> to vector<16xf32>
        %swap3A_1018 = vector.shape_cast %get3A_558 : vector<16xf32> to vector<1x16xf32>
        tpu.vector_store %arg10[%swap3A_1014, %swap3A_1015], %swap3A_1018 {add = true, strides = array<i32>} : memref<128x128xf32, #tpu.memory_space<vmem>>, vector<1x16xf32>,
        %mul3A_1019 = arith.constant 8 : i32
        %mul3A_1020 = arith.muli %scan3A_875, %mul3A_1019 : i32
        %add3A_1021 = arith.constant 2 : i32
        %add3A_1022 = arith.addi %mul3A_1020, %add3A_1021 : i32
        %swap3A_1023 = arith.index_cast %add3A_1022 : i32 to index
        %swap3A_1024 = arith.constant 0 : index
        %swap3A_1025 = tpu.vector_load %arg10[%swap3A_1023, %swap3A_1024] {strides = array<i32>} : memref<128x128xf32, #tpu.memory_space<vmem>>, vector<1x16xf32>,
        %swap3A_1026 = vector.shape_cast %swap3A_1025 : vector<1x16xf32> to vector<16xf32>
        %swap3A_1027 = vector.shape_cast %get3A_530 : vector<16xf32> to vector<1x16xf32>
        tpu.vector_store %arg10[%swap3A_1023, %swap3A_1024], %swap3A_1027 {add = true, strides = array<i32>} : memref<128x128xf32, #tpu.memory_space<vmem>>, vector<1x16xf32>,
        %mul3A_1028 = arith.constant 8 : i32
        %mul3A_1029 = arith.muli %scan3A_875, %mul3A_1028 : i32
        %add3A_1030 = arith.constant 2 : i32
        %add3A_1031 = arith.addi %mul3A_1029, %add3A_1030 : i32
        %swap3A_1032 = arith.index_cast %add3A_1031 : i32 to index
        %swap3A_1033 = arith.constant 16 : index
        %swap3A_1034 = tpu.vector_load %arg10[%swap3A_1032, %swap3A_1033] {strides = array<i32>} : memref<128x128xf32, #tpu.memory_space<vmem>>, vector<1x16xf32>,
        %swap3A_1035 = vector.shape_cast %swap3A_1034 : vector<1x16xf32> to vector<16xf32>
        %swap3A_1036 = vector.shape_cast %get3A_534 : vector<16xf32> to vector<1x16xf32>
        tpu.vector_store %arg10[%swap3A_1032, %swap3A_1033], %swap3A_1036 {add = true, strides = array<i32>} : memref<128x128xf32, #tpu.memory_space<vmem>>, vector<1x16xf32>,
        %mul3A_1037 = arith.constant 8 : i32
        %mul3A_1038 = arith.muli %scan3A_875, %mul3A_1037 : i32
        %add3A_1039 = arith.constant 2 : i32
        %add3A_1040 = arith.addi %mul3A_1038, %add3A_1039 : i32
        %swap3A_1041 = arith.index_cast %add3A_1040 : i32 to index
        %swap3A_1042 = arith.constant 32 : index
        %swap3A_1043 = tpu.vector_load %arg10[%swap3A_1041, %swap3A_1042] {strides = array<i32>} : memref<128x128xf32, #tpu.memory_space<vmem>>, vector<1x16xf32>,
        %swap3A_1044 = vector.shape_cast %swap3A_1043 : vector<1x16xf32> to vector<16xf32>
        %swap3A_1045 = vector.shape_cast %get3A_538 : vector<16xf32> to vector<1x16xf32>
        tpu.vector_store %arg10[%swap3A_1041, %swap3A_1042], %swap3A_1045 {add = true, strides = array<i32>} : memref<128x128xf32, #tpu.memory_space<vmem>>, vector<1x16xf32>,
        %mul3A_1046 = arith.constant 8 : i32
        %mul3A_1047 = arith.muli %scan3A_875, %mul3A_1046 : i32
        %add3A_1048 = arith.constant 2 : i32
        %add3A_1049 = arith.addi %mul3A_1047, %add3A_1048 : i32
        %swap3A_1050 = arith.index_cast %add3A_1049 : i32 to index
        %swap3A_1051 = arith.constant 48 : index
        %swap3A_1052 = tpu.vector_load %arg10[%swap3A_1050, %swap3A_1051] {strides = array<i32>} : memref<128x128xf32, #tpu.memory_space<vmem>>, vector<1x16xf32>,
        %swap3A_1053 = vector.shape_cast %swap3A_1052 : vector<1x16xf32> to vector<16xf32>
        %swap3A_1054 = vector.shape_cast %get3A_542 : vector<16xf32> to vector<1x16xf32>
        tpu.vector_store %arg10[%swap3A_1050, %swap3A_1051], %swap3A_1054 {add = true, strides = array<i32>} : memref<128x128xf32, #tpu.memory_space<vmem>>, vector<1x16xf32>,
        %mul3A_1055 = arith.constant 8 : i32
        %mul3A_1056 = arith.muli %scan3A_875, %mul3A_1055 : i32
        %add3A_1057 = arith.constant 2 : i32
        %add3A_1058 = arith.addi %mul3A_1056, %add3A_1057 : i32
        %swap3A_1059 = arith.index_cast %add3A_1058 : i32 to index
        %swap3A_1060 = arith.constant 64 : index
        %swap3A_1061 = tpu.vector_load %arg10[%swap3A_1059, %swap3A_1060] {strides = array<i32>} : memref<128x128xf32, #tpu.memory_space<vmem>>, vector<1x16xf32>,
        %swap3A_1062 = vector.shape_cast %swap3A_1061 : vector<1x16xf32> to vector<16xf32>
        %swap3A_1063 = vector.shape_cast %get3A_546 : vector<16xf32> to vector<1x16xf32>
        tpu.vector_store %arg10[%swap3A_1059, %swap3A_1060], %swap3A_1063 {add = true, strides = array<i32>} : memref<128x128xf32, #tpu.memory_space<vmem>>, vector<1x16xf32>,
        %mul3A_1064 = arith.constant 8 : i32
        %mul3A_1065 = arith.muli %scan3A_875, %mul3A_1064 : i32
        %add3A_1066 = arith.constant 2 : i32
        %add3A_1067 = arith.addi %mul3A_1065, %add3A_1066 : i32
        %swap3A_1068 = arith.index_cast %add3A_1067 : i32 to index
        %swap3A_1069 = arith.constant 80 : index
        %swap3A_1070 = tpu.vector_load %arg10[%swap3A_1068, %swap3A_1069] {strides = array<i32>} : memref<128x128xf32, #tpu.memory_space<vmem>>, vector<1x16xf32>,
        %swap3A_1071 = vector.shape_cast %swap3A_1070 : vector<1x16xf32> to vector<16xf32>
        %swap3A_1072 = vector.shape_cast %get3A_550 : vector<16xf32> to vector<1x16xf32>
        tpu.vector_store %arg10[%swap3A_1068, %swap3A_1069], %swap3A_1072 {add = true, strides = array<i32>} : memref<128x128xf32, #tpu.memory_space<vmem>>, vector<1x16xf32>,
        %mul3A_1073 = arith.constant 8 : i32
        %mul3A_1074 = arith.muli %scan3A_875, %mul3A_1073 : i32
        %add3A_1075 = arith.constant 2 : i32
        %add3A_1076 = arith.addi %mul3A_1074, %add3A_1075 : i32
        %swap3A_1077 = arith.index_cast %add3A_1076 : i32 to index
        %swap3A_1078 = arith.constant 96 : index
        %swap3A_1079 = tpu.vector_load %arg10[%swap3A_1077, %swap3A_1078] {strides = array<i32>} : memref<128x128xf32, #tpu.memory_space<vmem>>, vector<1x16xf32>,
        %swap3A_1080 = vector.shape_cast %swap3A_1079 : vector<1x16xf32> to vector<16xf32>
        %swap3A_1081 = vector.shape_cast %get3A_554 : vector<16xf32> to vector<1x16xf32>
        tpu.vector_store %arg10[%swap3A_1077, %swap3A_1078], %swap3A_1081 {add = true, strides = array<i32>} : memref<128x128xf32, #tpu.memory_space<vmem>>, vector<1x16xf32>,
        %mul3A_1082 = arith.constant 8 : i32
        %mul3A_1083 = arith.muli %scan3A_875, %mul3A_1082 : i32
        %add3A_1084 = arith.constant 2 : i32
        %add3A_1085 = arith.addi %mul3A_1083, %add3A_1084 : i32
        %swap3A_1086 = arith.index_cast %add3A_1085 : i32 to index
        %swap3A_1087 = arith.constant 112 : index
        %swap3A_1088 = tpu.vector_load %arg10[%swap3A_1086, %swap3A_1087] {strides = array<i32>} : memref<128x128xf32, #tpu.memory_space<vmem>>, vector<1x16xf32>,
        %swap3A_1089 = vector.shape_cast %swap3A_1088 : vector<1x16xf32> to vector<16xf32>
        %swap3A_1090 = vector.shape_cast %get3A_558 : vector<16xf32> to vector<1x16xf32>
        tpu.vector_store %arg10[%swap3A_1086, %swap3A_1087], %swap3A_1090 {add = true, strides = array<i32>} : memref<128x128xf32, #tpu.memory_space<vmem>>, vector<1x16xf32>,
        %mul3A_1091 = arith.constant 8 : i32
        %mul3A_1092 = arith.muli %scan3A_875, %mul3A_1091 : i32
        %add3A_1093 = arith.constant 3 : i32
        %add3A_1094 = arith.addi %mul3A_1092, %add3A_1093 : i32
        %swap3A_1095 = arith.index_cast %add3A_1094 : i32 to index
        %swap3A_1096 = arith.constant 0 : index
        %swap3A_1097 = tpu.vector_load %arg10[%swap3A_1095, %swap3A_1096] {strides = array<i32>} : memref<128x128xf32, #tpu.memory_space<vmem>>, vector<1x16xf32>,
        %swap3A_1098 = vector.shape_cast %swap3A_1097 : vector<1x16xf32> to vector<16xf32>
        %swap3A_1099 = vector.shape_cast %get3A_530 : vector<16xf32> to vector<1x16xf32>
        tpu.vector_store %arg10[%swap3A_1095, %swap3A_1096], %swap3A_1099 {add = true, strides = array<i32>} : memref<128x128xf32, #tpu.memory_space<vmem>>, vector<1x16xf32>,
        %mul3A_1100 = arith.constant 8 : i32
        %mul3A_1101 = arith.muli %scan3A_875, %mul3A_1100 : i32
        %add3A_1102 = arith.constant 3 : i32
        %add3A_1103 = arith.addi %mul3A_1101, %add3A_1102 : i32
        %swap3A_1104 = arith.index_cast %add3A_1103 : i32 to index
        %swap3A_1105 = arith.constant 16 : index
        %swap3A_1106 = tpu.vector_load %arg10[%swap3A_1104, %swap3A_1105] {strides = array<i32>} : memref<128x128xf32, #tpu.memory_space<vmem>>, vector<1x16xf32>,
        %swap3A_1107 = vector.shape_cast %swap3A_1106 : vector<1x16xf32> to vector<16xf32>
        %swap3A_1108 = vector.shape_cast %get3A_534 : vector<16xf32> to vector<1x16xf32>
        tpu.vector_store %arg10[%swap3A_1104, %swap3A_1105], %swap3A_1108 {add = true, strides = array<i32>} : memref<128x128xf32, #tpu.memory_space<vmem>>, vector<1x16xf32>,
        %mul3A_1109 = arith.constant 8 : i32
        %mul3A_1110 = arith.muli %scan3A_875, %mul3A_1109 : i32
        %add3A_1111 = arith.constant 3 : i32
        %add3A_1112 = arith.addi %mul3A_1110, %add3A_1111 : i32
        %swap3A_1113 = arith.index_cast %add3A_1112 : i32 to index
        %swap3A_1114 = arith.constant 32 : index
        %swap3A_1115 = tpu.vector_load %arg10[%swap3A_1113, %swap3A_1114] {strides = array<i32>} : memref<128x128xf32, #tpu.memory_space<vmem>>, vector<1x16xf32>,
        %swap3A_1116 = vector.shape_cast %swap3A_1115 : vector<1x16xf32> to vector<16xf32>
        %swap3A_1117 = vector.shape_cast %get3A_538 : vector<16xf32> to vector<1x16xf32>
        tpu.vector_store %arg10[%swap3A_1113, %swap3A_1114], %swap3A_1117 {add = true, strides = array<i32>} : memref<128x128xf32, #tpu.memory_space<vmem>>, vector<1x16xf32>,
        %mul3A_1118 = arith.constant 8 : i32
        %mul3A_1119 = arith.muli %scan3A_875, %mul3A_1118 : i32
        %add3A_1120 = arith.constant 3 : i32
        %add3A_1121 = arith.addi %mul3A_1119, %add3A_1120 : i32
        %swap3A_1122 = arith.index_cast %add3A_1121 : i32 to index
        %swap3A_1123 = arith.constant 48 : index
        %swap3A_1124 = tpu.vector_load %arg10[%swap3A_1122, %swap3A_1123] {strides = array<i32>} : memref<128x128xf32, #tpu.memory_space<vmem>>, vector<1x16xf32>,
        %swap3A_1125 = vector.shape_cast %swap3A_1124 : vector<1x16xf32> to vector<16xf32>
        %swap3A_1126 = vector.shape_cast %get3A_542 : vector<16xf32> to vector<1x16xf32>
        tpu.vector_store %arg10[%swap3A_1122, %swap3A_1123], %swap3A_1126 {add = true, strides = array<i32>} : memref<128x128xf32, #tpu.memory_space<vmem>>, vector<1x16xf32>,
        %mul3A_1127 = arith.constant 8 : i32
        %mul3A_1128 = arith.muli %scan3A_875, %mul3A_1127 : i32
        %add3A_1129 = arith.constant 3 : i32
        %add3A_1130 = arith.addi %mul3A_1128, %add3A_1129 : i32
        %swap3A_1131 = arith.index_cast %add3A_1130 : i32 to index
        %swap3A_1132 = arith.constant 64 : index
        %swap3A_1133 = tpu.vector_load %arg10[%swap3A_1131, %swap3A_1132] {strides = array<i32>} : memref<128x128xf32, #tpu.memory_space<vmem>>, vector<1x16xf32>,
        %swap3A_1134 = vector.shape_cast %swap3A_1133 : vector<1x16xf32> to vector<16xf32>
        %swap3A_1135 = vector.shape_cast %get3A_546 : vector<16xf32> to vector<1x16xf32>
        tpu.vector_store %arg10[%swap3A_1131, %swap3A_1132], %swap3A_1135 {add = true, strides = array<i32>} : memref<128x128xf32, #tpu.memory_space<vmem>>, vector<1x16xf32>,
        %mul3A_1136 = arith.constant 8 : i32
        %mul3A_1137 = arith.muli %scan3A_875, %mul3A_1136 : i32
        %add3A_1138 = arith.constant 3 : i32
        %add3A_1139 = arith.addi %mul3A_1137, %add3A_1138 : i32
        %swap3A_1140 = arith.index_cast %add3A_1139 : i32 to index
        %swap3A_1141 = arith.constant 80 : index
        %swap3A_1142 = tpu.vector_load %arg10[%swap3A_1140, %swap3A_1141] {strides = array<i32>} : memref<128x128xf32, #tpu.memory_space<vmem>>, vector<1x16xf32>,
        %swap3A_1143 = vector.shape_cast %swap3A_1142 : vector<1x16xf32> to vector<16xf32>
        %swap3A_1144 = vector.shape_cast %get3A_550 : vector<16xf32> to vector<1x16xf32>
        tpu.vector_store %arg10[%swap3A_1140, %swap3A_1141], %swap3A_1144 {add = true, strides = array<i32>} : memref<128x128xf32, #tpu.memory_space<vmem>>, vector<1x16xf32>,
        %mul3A_1145 = arith.constant 8 : i32
        %mul3A_1146 = arith.muli %scan3A_875, %mul3A_1145 : i32
        %add3A_1147 = arith.constant 3 : i32
        %add3A_1148 = arith.addi %mul3A_1146, %add3A_1147 : i32
        %swap3A_1149 = arith.index_cast %add3A_1148 : i32 to index
        %swap3A_1150 = arith.constant 96 : index
        %swap3A_1151 = tpu.vector_load %arg10[%swap3A_1149, %swap3A_1150] {strides = array<i32>} : memref<128x128xf32, #tpu.memory_space<vmem>>, vector<1x16xf32>,
        %swap3A_1152 = vector.shape_cast %swap3A_1151 : vector<1x16xf32> to vector<16xf32>
        %swap3A_1153 = vector.shape_cast %get3A_554 : vector<16xf32> to vector<1x16xf32>
        tpu.vector_store %arg10[%swap3A_1149, %swap3A_1150], %swap3A_1153 {add = true, strides = array<i32>} : memref<128x128xf32, #tpu.memory_space<vmem>>, vector<1x16xf32>,
        %mul3A_1154 = arith.constant 8 : i32
        %mul3A_1155 = arith.muli %scan3A_875, %mul3A_1154 : i32
        %add3A_1156 = arith.constant 3 : i32
        %add3A_1157 = arith.addi %mul3A_1155, %add3A_1156 : i32
        %swap3A_1158 = arith.index_cast %add3A_1157 : i32 to index
        %swap3A_1159 = arith.constant 112 : index
        %swap3A_1160 = tpu.vector_load %arg10[%swap3A_1158, %swap3A_1159] {strides = array<i32>} : memref<128x128xf32, #tpu.memory_space<vmem>>, vector<1x16xf32>,
        %swap3A_1161 = vector.shape_cast %swap3A_1160 : vector<1x16xf32> to vector<16xf32>
        %swap3A_1162 = vector.shape_cast %get3A_558 : vector<16xf32> to vector<1x16xf32>
        tpu.vector_store %arg10[%swap3A_1158, %swap3A_1159], %swap3A_1162 {add = true, strides = array<i32>} : memref<128x128xf32, #tpu.memory_space<vmem>>, vector<1x16xf32>,
        %mul3A_1163 = arith.constant 8 : i32
        %mul3A_1164 = arith.muli %scan3A_875, %mul3A_1163 : i32
        %add3A_1165 = arith.constant 4 : i32
        %add3A_1166 = arith.addi %mul3A_1164, %add3A_1165 : i32
        %swap3A_1167 = arith.index_cast %add3A_1166 : i32 to index
        %swap3A_1168 = arith.constant 0 : index
        %swap3A_1169 = tpu.vector_load %arg10[%swap3A_1167, %swap3A_1168] {strides = array<i32>} : memref<128x128xf32, #tpu.memory_space<vmem>>, vector<1x16xf32>,
        %swap3A_1170 = vector.shape_cast %swap3A_1169 : vector<1x16xf32> to vector<16xf32>
        %swap3A_1171 = vector.shape_cast %get3A_530 : vector<16xf32> to vector<1x16xf32>
        tpu.vector_store %arg10[%swap3A_1167, %swap3A_1168], %swap3A_1171 {add = true, strides = array<i32>} : memref<128x128xf32, #tpu.memory_space<vmem>>, vector<1x16xf32>,
        %mul3A_1172 = arith.constant 8 : i32
        %mul3A_1173 = arith.muli %scan3A_875, %mul3A_1172 : i32
        %add3A_1174 = arith.constant 4 : i32
        %add3A_1175 = arith.addi %mul3A_1173, %add3A_1174 : i32
        %swap3A_1176 = arith.index_cast %add3A_1175 : i32 to index
        %swap3A_1177 = arith.constant 16 : index
        %swap3A_1178 = tpu.vector_load %arg10[%swap3A_1176, %swap3A_1177] {strides = array<i32>} : memref<128x128xf32, #tpu.memory_space<vmem>>, vector<1x16xf32>,
        %swap3A_1179 = vector.shape_cast %swap3A_1178 : vector<1x16xf32> to vector<16xf32>
        %swap3A_1180 = vector.shape_cast %get3A_534 : vector<16xf32> to vector<1x16xf32>
        tpu.vector_store %arg10[%swap3A_1176, %swap3A_1177], %swap3A_1180 {add = true, strides = array<i32>} : memref<128x128xf32, #tpu.memory_space<vmem>>, vector<1x16xf32>,
        %mul3A_1181 = arith.constant 8 : i32
        %mul3A_1182 = arith.muli %scan3A_875, %mul3A_1181 : i32
        %add3A_1183 = arith.constant 4 : i32
        %add3A_1184 = arith.addi %mul3A_1182, %add3A_1183 : i32
        %swap3A_1185 = arith.index_cast %add3A_1184 : i32 to index
        %swap3A_1186 = arith.constant 32 : index
        %swap3A_1187 = tpu.vector_load %arg10[%swap3A_1185, %swap3A_1186] {strides = array<i32>} : memref<128x128xf32, #tpu.memory_space<vmem>>, vector<1x16xf32>,
        %swap3A_1188 = vector.shape_cast %swap3A_1187 : vector<1x16xf32> to vector<16xf32>
        %swap3A_1189 = vector.shape_cast %get3A_538 : vector<16xf32> to vector<1x16xf32>
        tpu.vector_store %arg10[%swap3A_1185, %swap3A_1186], %swap3A_1189 {add = true, strides = array<i32>} : memref<128x128xf32, #tpu.memory_space<vmem>>, vector<1x16xf32>,
        %mul3A_1190 = arith.constant 8 : i32
        %mul3A_1191 = arith.muli %scan3A_875, %mul3A_1190 : i32
        %add3A_1192 = arith.constant 4 : i32
        %add3A_1193 = arith.addi %mul3A_1191, %add3A_1192 : i32
        %swap3A_1194 = arith.index_cast %add3A_1193 : i32 to index
        %swap3A_1195 = arith.constant 48 : index
        %swap3A_1196 = tpu.vector_load %arg10[%swap3A_1194, %swap3A_1195] {strides = array<i32>} : memref<128x128xf32, #tpu.memory_space<vmem>>, vector<1x16xf32>,
        %swap3A_1197 = vector.shape_cast %swap3A_1196 : vector<1x16xf32> to vector<16xf32>
        %swap3A_1198 = vector.shape_cast %get3A_542 : vector<16xf32> to vector<1x16xf32>
        tpu.vector_store %arg10[%swap3A_1194, %swap3A_1195], %swap3A_1198 {add = true, strides = array<i32>} : memref<128x128xf32, #tpu.memory_space<vmem>>, vector<1x16xf32>,
        %mul3A_1199 = arith.constant 8 : i32
        %mul3A_1200 = arith.muli %scan3A_875, %mul3A_1199 : i32
        %add3A_1201 = arith.constant 4 : i32
        %add3A_1202 = arith.addi %mul3A_1200, %add3A_1201 : i32
        %swap3A_1203 = arith.index_cast %add3A_1202 : i32 to index
        %swap3A_1204 = arith.constant 64 : index
        %swap3A_1205 = tpu.vector_load %arg10[%swap3A_1203, %swap3A_1204] {strides = array<i32>} : memref<128x128xf32, #tpu.memory_space<vmem>>, vector<1x16xf32>,
        %swap3A_1206 = vector.shape_cast %swap3A_1205 : vector<1x16xf32> to vector<16xf32>
        %swap3A_1207 = vector.shape_cast %get3A_546 : vector<16xf32> to vector<1x16xf32>
        tpu.vector_store %arg10[%swap3A_1203, %swap3A_1204], %swap3A_1207 {add = true, strides = array<i32>} : memref<128x128xf32, #tpu.memory_space<vmem>>, vector<1x16xf32>,
        %mul3A_1208 = arith.constant 8 : i32
        %mul3A_1209 = arith.muli %scan3A_875, %mul3A_1208 : i32
        %add3A_1210 = arith.constant 4 : i32
        %add3A_1211 = arith.addi %mul3A_1209, %add3A_1210 : i32
        %swap3A_1212 = arith.index_cast %add3A_1211 : i32 to index
        %swap3A_1213 = arith.constant 80 : index
        %swap3A_1214 = tpu.vector_load %arg10[%swap3A_1212, %swap3A_1213] {strides = array<i32>} : memref<128x128xf32, #tpu.memory_space<vmem>>, vector<1x16xf32>,
        %swap3A_1215 = vector.shape_cast %swap3A_1214 : vector<1x16xf32> to vector<16xf32>
        %swap3A_1216 = vector.shape_cast %get3A_550 : vector<16xf32> to vector<1x16xf32>
        tpu.vector_store %arg10[%swap3A_1212, %swap3A_1213], %swap3A_1216 {add = true, strides = array<i32>} : memref<128x128xf32, #tpu.memory_space<vmem>>, vector<1x16xf32>,
        %mul3A_1217 = arith.constant 8 : i32
        %mul3A_1218 = arith.muli %scan3A_875, %mul3A_1217 : i32
        %add3A_1219 = arith.constant 4 : i32
        %add3A_1220 = arith.addi %mul3A_1218, %add3A_1219 : i32
        %swap3A_1221 = arith.index_cast %add3A_1220 : i32 to index
        %swap3A_1222 = arith.constant 96 : index
        %swap3A_1223 = tpu.vector_load %arg10[%swap3A_1221, %swap3A_1222] {strides = array<i32>} : memref<128x128xf32, #tpu.memory_space<vmem>>, vector<1x16xf32>,
        %swap3A_1224 = vector.shape_cast %swap3A_1223 : vector<1x16xf32> to vector<16xf32>
        %swap3A_1225 = vector.shape_cast %get3A_554 : vector<16xf32> to vector<1x16xf32>
        tpu.vector_store %arg10[%swap3A_1221, %swap3A_1222], %swap3A_1225 {add = true, strides = array<i32>} : memref<128x128xf32, #tpu.memory_space<vmem>>, vector<1x16xf32>,
        %mul3A_1226 = arith.constant 8 : i32
        %mul3A_1227 = arith.muli %scan3A_875, %mul3A_1226 : i32
        %add3A_1228 = arith.constant 4 : i32
        %add3A_1229 = arith.addi %mul3A_1227, %add3A_1228 : i32
        %swap3A_1230 = arith.index_cast %add3A_1229 : i32 to index
        %swap3A_1231 = arith.constant 112 : index
        %swap3A_1232 = tpu.vector_load %arg10[%swap3A_1230, %swap3A_1231] {strides = array<i32>} : memref<128x128xf32, #tpu.memory_space<vmem>>, vector<1x16xf32>,
        %swap3A_1233 = vector.shape_cast %swap3A_1232 : vector<1x16xf32> to vector<16xf32>
        %swap3A_1234 = vector.shape_cast %get3A_558 : vector<16xf32> to vector<1x16xf32>
        tpu.vector_store %arg10[%swap3A_1230, %swap3A_1231], %swap3A_1234 {add = true, strides = array<i32>} : memref<128x128xf32, #tpu.memory_space<vmem>>, vector<1x16xf32>,
        %mul3A_1235 = arith.constant 8 : i32
        %mul3A_1236 = arith.muli %scan3A_875, %mul3A_1235 : i32
        %add3A_1237 = arith.constant 5 : i32
        %add3A_1238 = arith.addi %mul3A_1236, %add3A_1237 : i32
        %swap3A_1239 = arith.index_cast %add3A_1238 : i32 to index
        %swap3A_1240 = arith.constant 0 : index
        %swap3A_1241 = tpu.vector_load %arg10[%swap3A_1239, %swap3A_1240] {strides = array<i32>} : memref<128x128xf32, #tpu.memory_space<vmem>>, vector<1x16xf32>,
        %swap3A_1242 = vector.shape_cast %swap3A_1241 : vector<1x16xf32> to vector<16xf32>
        %swap3A_1243 = vector.shape_cast %get3A_530 : vector<16xf32> to vector<1x16xf32>
        tpu.vector_store %arg10[%swap3A_1239, %swap3A_1240], %swap3A_1243 {add = true, strides = array<i32>} : memref<128x128xf32, #tpu.memory_space<vmem>>, vector<1x16xf32>,
        %mul3A_1244 = arith.constant 8 : i32
        %mul3A_1245 = arith.muli %scan3A_875, %mul3A_1244 : i32
        %add3A_1246 = arith.constant 5 : i32
        %add3A_1247 = arith.addi %mul3A_1245, %add3A_1246 : i32
        %swap3A_1248 = arith.index_cast %add3A_1247 : i32 to index
        %swap3A_1249 = arith.constant 16 : index
        %swap3A_1250 = tpu.vector_load %arg10[%swap3A_1248, %swap3A_1249] {strides = array<i32>} : memref<128x128xf32, #tpu.memory_space<vmem>>, vector<1x16xf32>,
        %swap3A_1251 = vector.shape_cast %swap3A_1250 : vector<1x16xf32> to vector<16xf32>
        %swap3A_1252 = vector.shape_cast %get3A_534 : vector<16xf32> to vector<1x16xf32>
        tpu.vector_store %arg10[%swap3A_1248, %swap3A_1249], %swap3A_1252 {add = true, strides = array<i32>} : memref<128x128xf32, #tpu.memory_space<vmem>>, vector<1x16xf32>,
        %mul3A_1253 = arith.constant 8 : i32
        %mul3A_1254 = arith.muli %scan3A_875, %mul3A_1253 : i32
        %add3A_1255 = arith.constant 5 : i32
        %add3A_1256 = arith.addi %mul3A_1254, %add3A_1255 : i32
        %swap3A_1257 = arith.index_cast %add3A_1256 : i32 to index
        %swap3A_1258 = arith.constant 32 : index
        %swap3A_1259 = tpu.vector_load %arg10[%swap3A_1257, %swap3A_1258] {strides = array<i32>} : memref<128x128xf32, #tpu.memory_space<vmem>>, vector<1x16xf32>,
        %swap3A_1260 = vector.shape_cast %swap3A_1259 : vector<1x16xf32> to vector<16xf32>
        %swap3A_1261 = vector.shape_cast %get3A_538 : vector<16xf32> to vector<1x16xf32>
        tpu.vector_store %arg10[%swap3A_1257, %swap3A_1258], %swap3A_1261 {add = true, strides = array<i32>} : memref<128x128xf32, #tpu.memory_space<vmem>>, vector<1x16xf32>,
        %mul3A_1262 = arith.constant 8 : i32
        %mul3A_1263 = arith.muli %scan3A_875, %mul3A_1262 : i32
        %add3A_1264 = arith.constant 5 : i32
        %add3A_1265 = arith.addi %mul3A_1263, %add3A_1264 : i32
        %swap3A_1266 = arith.index_cast %add3A_1265 : i32 to index
        %swap3A_1267 = arith.constant 48 : index
        %swap3A_1268 = tpu.vector_load %arg10[%swap3A_1266, %swap3A_1267] {strides = array<i32>} : memref<128x128xf32, #tpu.memory_space<vmem>>, vector<1x16xf32>,
        %swap3A_1269 = vector.shape_cast %swap3A_1268 : vector<1x16xf32> to vector<16xf32>
        %swap3A_1270 = vector.shape_cast %get3A_542 : vector<16xf32> to vector<1x16xf32>
        tpu.vector_store %arg10[%swap3A_1266, %swap3A_1267], %swap3A_1270 {add = true, strides = array<i32>} : memref<128x128xf32, #tpu.memory_space<vmem>>, vector<1x16xf32>,
        %mul3A_1271 = arith.constant 8 : i32
        %mul3A_1272 = arith.muli %scan3A_875, %mul3A_1271 : i32
        %add3A_1273 = arith.constant 5 : i32
        %add3A_1274 = arith.addi %mul3A_1272, %add3A_1273 : i32
        %swap3A_1275 = arith.index_cast %add3A_1274 : i32 to index
        %swap3A_1276 = arith.constant 64 : index
        %swap3A_1277 = tpu.vector_load %arg10[%swap3A_1275, %swap3A_1276] {strides = array<i32>} : memref<128x128xf32, #tpu.memory_space<vmem>>, vector<1x16xf32>,
        %swap3A_1278 = vector.shape_cast %swap3A_1277 : vector<1x16xf32> to vector<16xf32>
        %swap3A_1279 = vector.shape_cast %get3A_546 : vector<16xf32> to vector<1x16xf32>
        tpu.vector_store %arg10[%swap3A_1275, %swap3A_1276], %swap3A_1279 {add = true, strides = array<i32>} : memref<128x128xf32, #tpu.memory_space<vmem>>, vector<1x16xf32>,
        %mul3A_1280 = arith.constant 8 : i32
        %mul3A_1281 = arith.muli %scan3A_875, %mul3A_1280 : i32
        %add3A_1282 = arith.constant 5 : i32
        %add3A_1283 = arith.addi %mul3A_1281, %add3A_1282 : i32
        %swap3A_1284 = arith.index_cast %add3A_1283 : i32 to index
        %swap3A_1285 = arith.constant 80 : index
        %swap3A_1286 = tpu.vector_load %arg10[%swap3A_1284, %swap3A_1285] {strides = array<i32>} : memref<128x128xf32, #tpu.memory_space<vmem>>, vector<1x16xf32>,
        %swap3A_1287 = vector.shape_cast %swap3A_1286 : vector<1x16xf32> to vector<16xf32>
        %swap3A_1288 = vector.shape_cast %get3A_550 : vector<16xf32> to vector<1x16xf32>
        tpu.vector_store %arg10[%swap3A_1284, %swap3A_1285], %swap3A_1288 {add = true, strides = array<i32>} : memref<128x128xf32, #tpu.memory_space<vmem>>, vector<1x16xf32>,
        %mul3A_1289 = arith.constant 8 : i32
        %mul3A_1290 = arith.muli %scan3A_875, %mul3A_1289 : i32
        %add3A_1291 = arith.constant 5 : i32
        %add3A_1292 = arith.addi %mul3A_1290, %add3A_1291 : i32
        %swap3A_1293 = arith.index_cast %add3A_1292 : i32 to index
        %swap3A_1294 = arith.constant 96 : index
        %swap3A_1295 = tpu.vector_load %arg10[%swap3A_1293, %swap3A_1294] {strides = array<i32>} : memref<128x128xf32, #tpu.memory_space<vmem>>, vector<1x16xf32>,
        %swap3A_1296 = vector.shape_cast %swap3A_1295 : vector<1x16xf32> to vector<16xf32>
        %swap3A_1297 = vector.shape_cast %get3A_554 : vector<16xf32> to vector<1x16xf32>
        tpu.vector_store %arg10[%swap3A_1293, %swap3A_1294], %swap3A_1297 {add = true, strides = array<i32>} : memref<128x128xf32, #tpu.memory_space<vmem>>, vector<1x16xf32>,
        %mul3A_1298 = arith.constant 8 : i32
        %mul3A_1299 = arith.muli %scan3A_875, %mul3A_1298 : i32
        %add3A_1300 = arith.constant 5 : i32
        %add3A_1301 = arith.addi %mul3A_1299, %add3A_1300 : i32
        %swap3A_1302 = arith.index_cast %add3A_1301 : i32 to index
        %swap3A_1303 = arith.constant 112 : index
        %swap3A_1304 = tpu.vector_load %arg10[%swap3A_1302, %swap3A_1303] {strides = array<i32>} : memref<128x128xf32, #tpu.memory_space<vmem>>, vector<1x16xf32>,
        %swap3A_1305 = vector.shape_cast %swap3A_1304 : vector<1x16xf32> to vector<16xf32>
        %swap3A_1306 = vector.shape_cast %get3A_558 : vector<16xf32> to vector<1x16xf32>
        tpu.vector_store %arg10[%swap3A_1302, %swap3A_1303], %swap3A_1306 {add = true, strides = array<i32>} : memref<128x128xf32, #tpu.memory_space<vmem>>, vector<1x16xf32>,
        %mul3A_1307 = arith.constant 8 : i32
        %mul3A_1308 = arith.muli %scan3A_875, %mul3A_1307 : i32
        %add3A_1309 = arith.constant 6 : i32
        %add3A_1310 = arith.addi %mul3A_1308, %add3A_1309 : i32
        %swap3A_1311 = arith.index_cast %add3A_1310 : i32 to index
        %swap3A_1312 = arith.constant 0 : index
        %swap3A_1313 = tpu.vector_load %arg10[%swap3A_1311, %swap3A_1312] {strides = array<i32>} : memref<128x128xf32, #tpu.memory_space<vmem>>, vector<1x16xf32>,
        %swap3A_1314 = vector.shape_cast %swap3A_1313 : vector<1x16xf32> to vector<16xf32>
        %swap3A_1315 = vector.shape_cast %get3A_530 : vector<16xf32> to vector<1x16xf32>
        tpu.vector_store %arg10[%swap3A_1311, %swap3A_1312], %swap3A_1315 {add = true, strides = array<i32>} : memref<128x128xf32, #tpu.memory_space<vmem>>, vector<1x16xf32>,
        %mul3A_1316 = arith.constant 8 : i32
        %mul3A_1317 = arith.muli %scan3A_875, %mul3A_1316 : i32
        %add3A_1318 = arith.constant 6 : i32
        %add3A_1319 = arith.addi %mul3A_1317, %add3A_1318 : i32
        %swap3A_1320 = arith.index_cast %add3A_1319 : i32 to index
        %swap3A_1321 = arith.constant 16 : index
        %swap3A_1322 = tpu.vector_load %arg10[%swap3A_1320, %swap3A_1321] {strides = array<i32>} : memref<128x128xf32, #tpu.memory_space<vmem>>, vector<1x16xf32>,
        %swap3A_1323 = vector.shape_cast %swap3A_1322 : vector<1x16xf32> to vector<16xf32>
        %swap3A_1324 = vector.shape_cast %get3A_534 : vector<16xf32> to vector<1x16xf32>
        tpu.vector_store %arg10[%swap3A_1320, %swap3A_1321], %swap3A_1324 {add = true, strides = array<i32>} : memref<128x128xf32, #tpu.memory_space<vmem>>, vector<1x16xf32>,
        %mul3A_1325 = arith.constant 8 : i32
        %mul3A_1326 = arith.muli %scan3A_875, %mul3A_1325 : i32
        %add3A_1327 = arith.constant 6 : i32
        %add3A_1328 = arith.addi %mul3A_1326, %add3A_1327 : i32
        %swap3A_1329 = arith.index_cast %add3A_1328 : i32 to index
        %swap3A_1330 = arith.constant 32 : index
        %swap3A_1331 = tpu.vector_load %arg10[%swap3A_1329, %swap3A_1330] {strides = array<i32>} : memref<128x128xf32, #tpu.memory_space<vmem>>, vector<1x16xf32>,
        %swap3A_1332 = vector.shape_cast %swap3A_1331 : vector<1x16xf32> to vector<16xf32>
        %swap3A_1333 = vector.shape_cast %get3A_538 : vector<16xf32> to vector<1x16xf32>
        tpu.vector_store %arg10[%swap3A_1329, %swap3A_1330], %swap3A_1333 {add = true, strides = array<i32>} : memref<128x128xf32, #tpu.memory_space<vmem>>, vector<1x16xf32>,
        %mul3A_1334 = arith.constant 8 : i32
        %mul3A_1335 = arith.muli %scan3A_875, %mul3A_1334 : i32
        %add3A_1336 = arith.constant 6 : i32
        %add3A_1337 = arith.addi %mul3A_1335, %add3A_1336 : i32
        %swap3A_1338 = arith.index_cast %add3A_1337 : i32 to index
        %swap3A_1339 = arith.constant 48 : index
        %swap3A_1340 = tpu.vector_load %arg10[%swap3A_1338, %swap3A_1339] {strides = array<i32>} : memref<128x128xf32, #tpu.memory_space<vmem>>, vector<1x16xf32>,
        %swap3A_1341 = vector.shape_cast %swap3A_1340 : vector<1x16xf32> to vector<16xf32>
        %swap3A_1342 = vector.shape_cast %get3A_542 : vector<16xf32> to vector<1x16xf32>
        tpu.vector_store %arg10[%swap3A_1338, %swap3A_1339], %swap3A_1342 {add = true, strides = array<i32>} : memref<128x128xf32, #tpu.memory_space<vmem>>, vector<1x16xf32>,
        %mul3A_1343 = arith.constant 8 : i32
        %mul3A_1344 = arith.muli %scan3A_875, %mul3A_1343 : i32
        %add3A_1345 = arith.constant 6 : i32
        %add3A_1346 = arith.addi %mul3A_1344, %add3A_1345 : i32
        %swap3A_1347 = arith.index_cast %add3A_1346 : i32 to index
        %swap3A_1348 = arith.constant 64 : index
        %swap3A_1349 = tpu.vector_load %arg10[%swap3A_1347, %swap3A_1348] {strides = array<i32>} : memref<128x128xf32, #tpu.memory_space<vmem>>, vector<1x16xf32>,
        %swap3A_1350 = vector.shape_cast %swap3A_1349 : vector<1x16xf32> to vector<16xf32>
        %swap3A_1351 = vector.shape_cast %get3A_546 : vector<16xf32> to vector<1x16xf32>
        tpu.vector_store %arg10[%swap3A_1347, %swap3A_1348], %swap3A_1351 {add = true, strides = array<i32>} : memref<128x128xf32, #tpu.memory_space<vmem>>, vector<1x16xf32>,
        %mul3A_1352 = arith.constant 8 : i32
        %mul3A_1353 = arith.muli %scan3A_875, %mul3A_1352 : i32
        %add3A_1354 = arith.constant 6 : i32
        %add3A_1355 = arith.addi %mul3A_1353, %add3A_1354 : i32
        %swap3A_1356 = arith.index_cast %add3A_1355 : i32 to index
        %swap3A_1357 = arith.constant 80 : index
        %swap3A_1358 = tpu.vector_load %arg10[%swap3A_1356, %swap3A_1357] {strides = array<i32>} : memref<128x128xf32, #tpu.memory_space<vmem>>, vector<1x16xf32>,
        %swap3A_1359 = vector.shape_cast %swap3A_1358 : vector<1x16xf32> to vector<16xf32>
        %swap3A_1360 = vector.shape_cast %get3A_550 : vector<16xf32> to vector<1x16xf32>
        tpu.vector_store %arg10[%swap3A_1356, %swap3A_1357], %swap3A_1360 {add = true, strides = array<i32>} : memref<128x128xf32, #tpu.memory_space<vmem>>, vector<1x16xf32>,
        %mul3A_1361 = arith.constant 8 : i32
        %mul3A_1362 = arith.muli %scan3A_875, %mul3A_1361 : i32
        %add3A_1363 = arith.constant 6 : i32
        %add3A_1364 = arith.addi %mul3A_1362, %add3A_1363 : i32
        %swap3A_1365 = arith.index_cast %add3A_1364 : i32 to index
        %swap3A_1366 = arith.constant 96 : index
        %swap3A_1367 = tpu.vector_load %arg10[%swap3A_1365, %swap3A_1366] {strides = array<i32>} : memref<128x128xf32, #tpu.memory_space<vmem>>, vector<1x16xf32>,
        %swap3A_1368 = vector.shape_cast %swap3A_1367 : vector<1x16xf32> to vector<16xf32>
        %swap3A_1369 = vector.shape_cast %get3A_554 : vector<16xf32> to vector<1x16xf32>
        tpu.vector_store %arg10[%swap3A_1365, %swap3A_1366], %swap3A_1369 {add = true, strides = array<i32>} : memref<128x128xf32, #tpu.memory_space<vmem>>, vector<1x16xf32>,
        %mul3A_1370 = arith.constant 8 : i32
        %mul3A_1371 = arith.muli %scan3A_875, %mul3A_1370 : i32
        %add3A_1372 = arith.constant 6 : i32
        %add3A_1373 = arith.addi %mul3A_1371, %add3A_1372 : i32
        %swap3A_1374 = arith.index_cast %add3A_1373 : i32 to index
        %swap3A_1375 = arith.constant 112 : index
        %swap3A_1376 = tpu.vector_load %arg10[%swap3A_1374, %swap3A_1375] {strides = array<i32>} : memref<128x128xf32, #tpu.memory_space<vmem>>, vector<1x16xf32>,
        %swap3A_1377 = vector.shape_cast %swap3A_1376 : vector<1x16xf32> to vector<16xf32>
        %swap3A_1378 = vector.shape_cast %get3A_558 : vector<16xf32> to vector<1x16xf32>
        tpu.vector_store %arg10[%swap3A_1374, %swap3A_1375], %swap3A_1378 {add = true, strides = array<i32>} : memref<128x128xf32, #tpu.memory_space<vmem>>, vector<1x16xf32>,
        %mul3A_1379 = arith.constant 8 : i32
        %mul3A_1380 = arith.muli %scan3A_875, %mul3A_1379 : i32
        %add3A_1381 = arith.constant 7 : i32
        %add3A_1382 = arith.addi %mul3A_1380, %add3A_1381 : i32
        %swap3A_1383 = arith.index_cast %add3A_1382 : i32 to index
        %swap3A_1384 = arith.constant 0 : index
        %swap3A_1385 = tpu.vector_load %arg10[%swap3A_1383, %swap3A_1384] {strides = array<i32>} : memref<128x128xf32, #tpu.memory_space<vmem>>, vector<1x16xf32>,
        %swap3A_1386 = vector.shape_cast %swap3A_1385 : vector<1x16xf32> to vector<16xf32>
        %swap3A_1387 = vector.shape_cast %get3A_530 : vector<16xf32> to vector<1x16xf32>
        tpu.vector_store %arg10[%swap3A_1383, %swap3A_1384], %swap3A_1387 {add = true, strides = array<i32>} : memref<128x128xf32, #tpu.memory_space<vmem>>, vector<1x16xf32>,
        %mul3A_1388 = arith.constant 8 : i32
        %mul3A_1389 = arith.muli %scan3A_875, %mul3A_1388 : i32
        %add3A_1390 = arith.constant 7 : i32
        %add3A_1391 = arith.addi %mul3A_1389, %add3A_1390 : i32
        %swap3A_1392 = arith.index_cast %add3A_1391 : i32 to index
        %swap3A_1393 = arith.constant 16 : index
        %swap3A_1394 = tpu.vector_load %arg10[%swap3A_1392, %swap3A_1393] {strides = array<i32>} : memref<128x128xf32, #tpu.memory_space<vmem>>, vector<1x16xf32>,
        %swap3A_1395 = vector.shape_cast %swap3A_1394 : vector<1x16xf32> to vector<16xf32>
        %swap3A_1396 = vector.shape_cast %get3A_534 : vector<16xf32> to vector<1x16xf32>
        tpu.vector_store %arg10[%swap3A_1392, %swap3A_1393], %swap3A_1396 {add = true, strides = array<i32>} : memref<128x128xf32, #tpu.memory_space<vmem>>, vector<1x16xf32>,
        %mul3A_1397 = arith.constant 8 : i32
        %mul3A_1398 = arith.muli %scan3A_875, %mul3A_1397 : i32
        %add3A_1399 = arith.constant 7 : i32
        %add3A_1400 = arith.addi %mul3A_1398, %add3A_1399 : i32
        %swap3A_1401 = arith.index_cast %add3A_1400 : i32 to index
        %swap3A_1402 = arith.constant 32 : index
        %swap3A_1403 = tpu.vector_load %arg10[%swap3A_1401, %swap3A_1402] {strides = array<i32>} : memref<128x128xf32, #tpu.memory_space<vmem>>, vector<1x16xf32>,
        %swap3A_1404 = vector.shape_cast %swap3A_1403 : vector<1x16xf32> to vector<16xf32>
        %swap3A_1405 = vector.shape_cast %get3A_538 : vector<16xf32> to vector<1x16xf32>
        tpu.vector_store %arg10[%swap3A_1401, %swap3A_1402], %swap3A_1405 {add = true, strides = array<i32>} : memref<128x128xf32, #tpu.memory_space<vmem>>, vector<1x16xf32>,
        %mul3A_1406 = arith.constant 8 : i32
        %mul3A_1407 = arith.muli %scan3A_875, %mul3A_1406 : i32
        %add3A_1408 = arith.constant 7 : i32
        %add3A_1409 = arith.addi %mul3A_1407, %add3A_1408 : i32
        %swap3A_1410 = arith.index_cast %add3A_1409 : i32 to index
        %swap3A_1411 = arith.constant 48 : index
        %swap3A_1412 = tpu.vector_load %arg10[%swap3A_1410, %swap3A_1411] {strides = array<i32>} : memref<128x128xf32, #tpu.memory_space<vmem>>, vector<1x16xf32>,
        %swap3A_1413 = vector.shape_cast %swap3A_1412 : vector<1x16xf32> to vector<16xf32>
        %swap3A_1414 = vector.shape_cast %get3A_542 : vector<16xf32> to vector<1x16xf32>
        tpu.vector_store %arg10[%swap3A_1410, %swap3A_1411], %swap3A_1414 {add = true, strides = array<i32>} : memref<128x128xf32, #tpu.memory_space<vmem>>, vector<1x16xf32>,
        %mul3A_1415 = arith.constant 8 : i32
        %mul3A_1416 = arith.muli %scan3A_875, %mul3A_1415 : i32
        %add3A_1417 = arith.constant 7 : i32
        %add3A_1418 = arith.addi %mul3A_1416, %add3A_1417 : i32
        %swap3A_1419 = arith.index_cast %add3A_1418 : i32 to index
        %swap3A_1420 = arith.constant 64 : index
        %swap3A_1421 = tpu.vector_load %arg10[%swap3A_1419, %swap3A_1420] {strides = array<i32>} : memref<128x128xf32, #tpu.memory_space<vmem>>, vector<1x16xf32>,
        %swap3A_1422 = vector.shape_cast %swap3A_1421 : vector<1x16xf32> to vector<16xf32>
        %swap3A_1423 = vector.shape_cast %get3A_546 : vector<16xf32> to vector<1x16xf32>
        tpu.vector_store %arg10[%swap3A_1419, %swap3A_1420], %swap3A_1423 {add = true, strides = array<i32>} : memref<128x128xf32, #tpu.memory_space<vmem>>, vector<1x16xf32>,
        %mul3A_1424 = arith.constant 8 : i32
        %mul3A_1425 = arith.muli %scan3A_875, %mul3A_1424 : i32
        %add3A_1426 = arith.constant 7 : i32
        %add3A_1427 = arith.addi %mul3A_1425, %add3A_1426 : i32
        %swap3A_1428 = arith.index_cast %add3A_1427 : i32 to index
        %swap3A_1429 = arith.constant 80 : index
        %swap3A_1430 = tpu.vector_load %arg10[%swap3A_1428, %swap3A_1429] {strides = array<i32>} : memref<128x128xf32, #tpu.memory_space<vmem>>, vector<1x16xf32>,
        %swap3A_1431 = vector.shape_cast %swap3A_1430 : vector<1x16xf32> to vector<16xf32>
        %swap3A_1432 = vector.shape_cast %get3A_550 : vector<16xf32> to vector<1x16xf32>
        tpu.vector_store %arg10[%swap3A_1428, %swap3A_1429], %swap3A_1432 {add = true, strides = array<i32>} : memref<128x128xf32, #tpu.memory_space<vmem>>, vector<1x16xf32>,
        %mul3A_1433 = arith.constant 8 : i32
        %mul3A_1434 = arith.muli %scan3A_875, %mul3A_1433 : i32
        %add3A_1435 = arith.constant 7 : i32
        %add3A_1436 = arith.addi %mul3A_1434, %add3A_1435 : i32
        %swap3A_1437 = arith.index_cast %add3A_1436 : i32 to index
        %swap3A_1438 = arith.constant 96 : index
        %swap3A_1439 = tpu.vector_load %arg10[%swap3A_1437, %swap3A_1438] {strides = array<i32>} : memref<128x128xf32, #tpu.memory_space<vmem>>, vector<1x16xf32>,
        %swap3A_1440 = vector.shape_cast %swap3A_1439 : vector<1x16xf32> to vector<16xf32>
        %swap3A_1441 = vector.shape_cast %get3A_554 : vector<16xf32> to vector<1x16xf32>
        tpu.vector_store %arg10[%swap3A_1437, %swap3A_1438], %swap3A_1441 {add = true, strides = array<i32>} : memref<128x128xf32, #tpu.memory_space<vmem>>, vector<1x16xf32>,
        %mul3A_1442 = arith.constant 8 : i32
        %mul3A_1443 = arith.muli %scan3A_875, %mul3A_1442 : i32
        %add3A_1444 = arith.constant 7 : i32
        %add3A_1445 = arith.addi %mul3A_1443, %add3A_1444 : i32
        %swap3A_1446 = arith.index_cast %add3A_1445 : i32 to index
        %swap3A_1447 = arith.constant 112 : index
        %swap3A_1448 = tpu.vector_load %arg10[%swap3A_1446, %swap3A_1447] {strides = array<i32>} : memref<128x128xf32, #tpu.memory_space<vmem>>, vector<1x16xf32>,
        %swap3A_1449 = vector.shape_cast %swap3A_1448 : vector<1x16xf32> to vector<16xf32>
        %swap3A_1450 = vector.shape_cast %get3A_558 : vector<16xf32> to vector<1x16xf32>
        tpu.vector_store %arg10[%swap3A_1446, %swap3A_1447], %swap3A_1450 {add = true, strides = array<i32>} : memref<128x128xf32, #tpu.memory_space<vmem>>, vector<1x16xf32>,
      }
      %scan3A_564 = arith.constant 16 : i32
      %jit3A_565 = arith.constant 1024 : i32
      %div3A_566 = arith.divsi %add3A_495, %jit3A_565 : i32
      %sign3A_567 = arith.constant 0 : i32
      %sign3A_568 = arith.cmpi sgt, %add3A_495, %sign3A_567 : i32
      %sign3A_569 = arith.extui %sign3A_568 : i1 to i32
      %sign3A_570 = arith.constant 0 : i32
      %sign3A_571 = arith.cmpi slt, %add3A_495, %sign3A_570 : i32
      %sign3A_572 = arith.extui %sign3A_571 : i1 to i32
      %sign3A_573 = arith.subi %sign3A_569, %sign3A_572 : i32
      %sign3A_574 = arith.constant 0 : i32
      %sign3A_575 = arith.cmpi sgt, %jit3A_565, %sign3A_574 : i32
      %sign3A_576 = arith.extui %sign3A_575 : i1 to i32
      %sign3A_577 = arith.constant 0 : i32
      %sign3A_578 = arith.cmpi slt, %jit3A_565, %sign3A_577 : i32
      %sign3A_579 = arith.extui %sign3A_578 : i1 to i32
      %sign3A_580 = arith.subi %sign3A_576, %sign3A_579 : i32
      %ne3A_581 = arith.cmpi ne, %sign3A_573, %sign3A_580 : i32
      %rem3A_582 = arith.remsi %add3A_495, %jit3A_565 : i32
      %ne3A_583 = arith.constant 0 : i32
      %ne3A_584 = arith.cmpi ne, %rem3A_582, %ne3A_583 : i32
      %and3A_585 = arith.andi %ne3A_581, %ne3A_584 : i1
      %sub3A_586 = arith.constant 1 : i32
      %sub3A_587 = arith.subi %div3A_566, %sub3A_586 : i32
      %select_n3A_588 = arith.select %and3A_585, %sub3A_587, %div3A_566 : i32
      %jit3A_589 = arith.constant 1024 : i32
      %eq3A_590 = arith.constant 0 : i32
      %eq3A_591 = arith.cmpi eq, %jit3A_589, %eq3A_590 : i32
      %jit3A_592 = arith.constant 1 : i32
      %select_n3A_593 = arith.select %eq3A_591, %jit3A_592, %jit3A_589 : i32
      %rem3A_594 = arith.remsi %add3A_495, %select_n3A_593 : i32
      %ne3A_595 = arith.constant 0 : i32
      %ne3A_596 = arith.cmpi ne, %rem3A_594, %ne3A_595 : i32
      %lt3A_597 = arith.constant 0 : i32
      %lt3A_598 = arith.cmpi slt, %rem3A_594, %lt3A_597 : i32
      %lt3A_599 = arith.constant 0 : i32
      %lt3A_600 = arith.cmpi slt, %select_n3A_593, %lt3A_599 : i32
      %ne3A_601 = arith.xori %lt3A_598, %lt3A_600 : i1
      %and3A_602 = arith.andi %ne3A_601, %ne3A_596 : i1
      %add3A_603 = arith.addi %rem3A_594, %select_n3A_593 : i32
      %select_n3A_604 = arith.select %and3A_602, %add3A_603, %rem3A_594 : i32
      %dma_start3A_605 = arith.constant 0 : i32
      %dma_start3A_606 = tpu.memref_slice %arg5[%select_n3A_588, %select_n3A_604, %dma_start3A_605] : memref<200x1024x128xf32, #tpu.memory_space<hbm>> -> memref<1x128x128xf32, #tpu.memory_space<hbm>>
      %dma_start3A_607 = tpu.memref_squeeze %dma_start3A_606 : memref<1x128x128xf32, #tpu.memory_space<hbm>> -> memref<128x128xf32, #tpu.memory_space<hbm>>
      %dma_start3A_608 = arith.constant 0 : i32
      %dma_start3A_609 = tpu.memref_slice %arg5[%select_n3A_588, %select_n3A_604, %dma_start3A_608] : memref<200x1024x128xf32, #tpu.memory_space<hbm>> -> memref<1x128x128xf32, #tpu.memory_space<hbm>>
      %dma_start3A_610 = tpu.memref_squeeze %dma_start3A_609 : memref<1x128x128xf32, #tpu.memory_space<hbm>> -> memref<128x128xf32, #tpu.memory_space<hbm>>
      tpu.enqueue_dma source(%arg10 : memref<128x128xf32, #tpu.memory_space<vmem>>) target(%dma_start3A_610 : memref<128x128xf32, #tpu.memory_space<hbm>>) target_semaphore(%arg15 : memref<!tpu.dma_semaphore, #tpu.memory_space<semaphore_mem>>)
      %lt3A_611 = arith.constant 9 : i32
      %lt3A_612 = arith.cmpi slt, %scan3A_244, %lt3A_611 : i32
      %convert_element_type3A_613 = arith.extui %lt3A_612 : i1 to i32
      %cond3A_614 = arith.constant 0 : i32
      %cond3A_615 = arith.cmpi ne, %convert_element_type3A_613, %cond3A_614 : i32
      scf.if %cond3A_615 {
        %jit3A_875 = arith.constant 1024 : i32
        %div3A_876 = arith.divsi %mul3A_2, %jit3A_875 : i32
        %sign3A_877 = arith.constant 0 : i32
        %sign3A_878 = arith.cmpi sgt, %mul3A_2, %sign3A_877 : i32
        %sign3A_879 = arith.extui %sign3A_878 : i1 to i32
        %sign3A_880 = arith.constant 0 : i32
        %sign3A_881 = arith.cmpi slt, %mul3A_2, %sign3A_880 : i32
        %sign3A_882 = arith.extui %sign3A_881 : i1 to i32
        %sign3A_883 = arith.subi %sign3A_879, %sign3A_882 : i32
        %sign3A_884 = arith.constant 0 : i32
        %sign3A_885 = arith.cmpi sgt, %jit3A_875, %sign3A_884 : i32
        %sign3A_886 = arith.extui %sign3A_885 : i1 to i32
        %sign3A_887 = arith.constant 0 : i32
        %sign3A_888 = arith.cmpi slt, %jit3A_875, %sign3A_887 : i32
        %sign3A_889 = arith.extui %sign3A_888 : i1 to i32
        %sign3A_890 = arith.subi %sign3A_886, %sign3A_889 : i32
        %ne3A_891 = arith.cmpi ne, %sign3A_883, %sign3A_890 : i32
        %rem3A_892 = arith.remsi %mul3A_2, %jit3A_875 : i32
        %ne3A_893 = arith.constant 0 : i32
        %ne3A_894 = arith.cmpi ne, %rem3A_892, %ne3A_893 : i32
        %and3A_895 = arith.andi %ne3A_891, %ne3A_894 : i1
        %sub3A_896 = arith.constant 1 : i32
        %sub3A_897 = arith.subi %div3A_876, %sub3A_896 : i32
        %select_n3A_898 = arith.select %and3A_895, %sub3A_897, %div3A_876 : i32
        %dma_wait3A_899 = arith.constant 0 : i32
        %dma_wait3A_900 = arith.constant 0 : i32
        %dma_wait3A_901 = tpu.memref_slice %arg5[%select_n3A_898, %dma_wait3A_899, %dma_wait3A_900] : memref<200x1024x128xf32, #tpu.memory_space<hbm>> -> memref<1x128x128xf32, #tpu.memory_space<hbm>>
        %dma_wait3A_902 = tpu.memref_squeeze %dma_wait3A_901 : memref<1x128x128xf32, #tpu.memory_space<hbm>> -> memref<128x128xf32, #tpu.memory_space<hbm>>
        %dma_wait3A_903 = arith.constant 0 : i32
        %dma_wait3A_904 = arith.constant 0 : i32
        %dma_wait3A_905 = tpu.memref_slice %arg5[%select_n3A_898, %dma_wait3A_903, %dma_wait3A_904] : memref<200x1024x128xf32, #tpu.memory_space<hbm>> -> memref<1x128x128xf32, #tpu.memory_space<hbm>>
        %dma_wait3A_906 = tpu.memref_squeeze %dma_wait3A_905 : memref<1x128x128xf32, #tpu.memory_space<hbm>> -> memref<128x128xf32, #tpu.memory_space<hbm>>
        tpu.wait_dma2 semaphore(%arg14 : memref<!tpu.dma_semaphore, #tpu.memory_space<semaphore_mem>>) src(%arg9 : memref<128x128xf32, #tpu.memory_space<vmem>>) dst(%dma_wait3A_906 : memref<128x128xf32, #tpu.memory_space<hbm>>)
        %add3A_907 = arith.constant 1 : i32
        %add3A_908 = arith.addi %scan3A_244, %add3A_907 : i32
        %mul3A_909 = arith.constant 5 : i32
        %mul3A_910 = arith.muli %add3A_908, %mul3A_909 : i32
        %add3A_911 = arith.constant 2 : i32
        %add3A_912 = arith.addi %mul3A_910, %add3A_911 : i32
        %sub3A_913 = arith.constant 1 : i32
        %sub3A_914 = arith.subi %add3A_912, %sub3A_913 : i32
        %dma_start3A_915 = arith.constant 0 : i32
        %dma_start3A_916 = tpu.memref_slice %arg6[%sub3A_914, %dma_start3A_915] : memref<50x128xi32, #tpu.memory_space<vmem>> -> memref<1x128xi32, #tpu.memory_space<vmem>>
        %dma_start3A_917 = tpu.memref_squeeze %dma_start3A_916 : memref<1x128xi32, #tpu.memory_space<vmem>> -> memref<128xi32, #tpu.memory_space<vmem>>
        %dma_start3A_918 = arith.constant 0 : i32
        %dma_start3A_919 = arith.constant 0 : i32
        %dma_start3A_920 = tpu.memref_slice %arg3[%dma_start3A_918, %dma_start3A_919] : memref<1000000x128xf32, #tpu.memory_space<hbm>> -> memref<1000000x128xf32, #tpu.memory_space<hbm>>
        tpu.enqueue_indirect_dma source(%dma_start3A_920 : memref<1000000x128xf32, #tpu.memory_space<hbm>>) target(%arg9 : memref<128x128xf32, #tpu.memory_space<vmem>>) offsets(%dma_start3A_917 : memref<128xi32, #tpu.memory_space<vmem>>) semaphore(%arg14 : memref<!tpu.dma_semaphore, #tpu.memory_space<semaphore_mem>>)
      } else {
      }
      %mul3A_616 = arith.constant 5 : i32
      %mul3A_617 = arith.muli %scan3A_244, %mul3A_616 : i32
      %add3A_618 = arith.constant 3 : i32
      %add3A_619 = arith.addi %mul3A_617, %add3A_618 : i32
      %mul3A_620 = arith.constant 128 : i32
      %mul3A_621 = arith.muli %add3A_619, %mul3A_620 : i32
      %add3A_622 = arith.addi %mul3A_2, %mul3A_621 : i32
      %dma_wait3A_623 = arith.constant 0 : i32
      %dma_wait3A_624 = tpu.memref_slice %arg6[%add3A_619, %dma_wait3A_623] : memref<50x128xi32, #tpu.memory_space<vmem>> -> memref<1x128xi32, #tpu.memory_space<vmem>>
      %dma_wait3A_625 = tpu.memref_squeeze %dma_wait3A_624 : memref<1x128xi32, #tpu.memory_space<vmem>> -> memref<128xi32, #tpu.memory_space<vmem>>
      %dma_wait3A_626 = arith.constant 0 : i32
      %dma_wait3A_627 = arith.constant 0 : i32
      %dma_wait3A_628 = tpu.memref_slice %arg3[%dma_wait3A_626, %dma_wait3A_627] : memref<1000000x128xf32, #tpu.memory_space<hbm>> -> memref<1000000x128xf32, #tpu.memory_space<hbm>>
      tpu.wait_indirect_dma semaphore(%arg16 : memref<!tpu.dma_semaphore, #tpu.memory_space<semaphore_mem>>) src(%dma_wait3A_628 : memref<1000000x128xf32, #tpu.memory_space<hbm>>) dst(%arg11 : memref<128x128xf32, #tpu.memory_space<vmem>>)
      %jit3A_629 = arith.constant 1024 : i32
      %div3A_630 = arith.divsi %add3A_622, %jit3A_629 : i32
      %sign3A_631 = arith.constant 0 : i32
      %sign3A_632 = arith.cmpi sgt, %add3A_622, %sign3A_631 : i32
      %sign3A_633 = arith.extui %sign3A_632 : i1 to i32
      %sign3A_634 = arith.constant 0 : i32
      %sign3A_635 = arith.cmpi slt, %add3A_622, %sign3A_634 : i32
      %sign3A_636 = arith.extui %sign3A_635 : i1 to i32
      %sign3A_637 = arith.subi %sign3A_633, %sign3A_636 : i32
      %sign3A_638 = arith.constant 0 : i32
      %sign3A_639 = arith.cmpi sgt, %jit3A_629, %sign3A_638 : i32
      %sign3A_640 = arith.extui %sign3A_639 : i1 to i32
      %sign3A_641 = arith.constant 0 : i32
      %sign3A_642 = arith.cmpi slt, %jit3A_629, %sign3A_641 : i32
      %sign3A_643 = arith.extui %sign3A_642 : i1 to i32
      %sign3A_644 = arith.subi %sign3A_640, %sign3A_643 : i32
      %ne3A_645 = arith.cmpi ne, %sign3A_637, %sign3A_644 : i32
      %rem3A_646 = arith.remsi %add3A_622, %jit3A_629 : i32
      %ne3A_647 = arith.constant 0 : i32
      %ne3A_648 = arith.cmpi ne, %rem3A_646, %ne3A_647 : i32
      %and3A_649 = arith.andi %ne3A_645, %ne3A_648 : i1
      %sub3A_650 = arith.constant 1 : i32
      %sub3A_651 = arith.subi %div3A_630, %sub3A_650 : i32
      %select_n3A_652 = arith.select %and3A_649, %sub3A_651, %div3A_630 : i32
      %sub3A_653 = arith.subi %select_n3A_652, %min3A_45 : i32
      %get3A_654 = arith.index_cast %sub3A_653 : i32 to index
      %get3A_655 = arith.constant 0 : index
      %get3A_656 = tpu.vector_load %arg7[%get3A_654, %get3A_655] {strides = array<i32>} : memref<16x128xf32, #tpu.memory_space<vmem>>, vector<1x16xf32>,
      %get3A_657 = vector.shape_cast %get3A_656 : vector<1x16xf32> to vector<16xf32>
      %get3A_658 = arith.index_cast %sub3A_653 : i32 to index
      %get3A_659 = arith.constant 16 : index
      %get3A_660 = tpu.vector_load %arg7[%get3A_658, %get3A_659] {strides = array<i32>} : memref<16x128xf32, #tpu.memory_space<vmem>>, vector<1x16xf32>,
      %get3A_661 = vector.shape_cast %get3A_660 : vector<1x16xf32> to vector<16xf32>
      %get3A_662 = arith.index_cast %sub3A_653 : i32 to index
      %get3A_663 = arith.constant 32 : index
      %get3A_664 = tpu.vector_load %arg7[%get3A_662, %get3A_663] {strides = array<i32>} : memref<16x128xf32, #tpu.memory_space<vmem>>, vector<1x16xf32>,
      %get3A_665 = vector.shape_cast %get3A_664 : vector<1x16xf32> to vector<16xf32>
      %get3A_666 = arith.index_cast %sub3A_653 : i32 to index
      %get3A_667 = arith.constant 48 : index
      %get3A_668 = tpu.vector_load %arg7[%get3A_666, %get3A_667] {strides = array<i32>} : memref<16x128xf32, #tpu.memory_space<vmem>>, vector<1x16xf32>,
      %get3A_669 = vector.shape_cast %get3A_668 : vector<1x16xf32> to vector<16xf32>
      %get3A_670 = arith.index_cast %sub3A_653 : i32 to index
      %get3A_671 = arith.constant 64 : index
      %get3A_672 = tpu.vector_load %arg7[%get3A_670, %get3A_671] {strides = array<i32>} : memref<16x128xf32, #tpu.memory_space<vmem>>, vector<1x16xf32>,
      %get3A_673 = vector.shape_cast %get3A_672 : vector<1x16xf32> to vector<16xf32>
      %get3A_674 = arith.index_cast %sub3A_653 : i32 to index
      %get3A_675 = arith.constant 80 : index
      %get3A_676 = tpu.vector_load %arg7[%get3A_674, %get3A_675] {strides = array<i32>} : memref<16x128xf32, #tpu.memory_space<vmem>>, vector<1x16xf32>,
      %get3A_677 = vector.shape_cast %get3A_676 : vector<1x16xf32> to vector<16xf32>
      %get3A_678 = arith.index_cast %sub3A_653 : i32 to index
      %get3A_679 = arith.constant 96 : index
      %get3A_680 = tpu.vector_load %arg7[%get3A_678, %get3A_679] {strides = array<i32>} : memref<16x128xf32, #tpu.memory_space<vmem>>, vector<1x16xf32>,
      %get3A_681 = vector.shape_cast %get3A_680 : vector<1x16xf32> to vector<16xf32>
      %get3A_682 = arith.index_cast %sub3A_653 : i32 to index
      %get3A_683 = arith.constant 112 : index
      %get3A_684 = tpu.vector_load %arg7[%get3A_682, %get3A_683] {strides = array<i32>} : memref<16x128xf32, #tpu.memory_space<vmem>>, vector<1x16xf32>,
      %get3A_685 = vector.shape_cast %get3A_684 : vector<1x16xf32> to vector<16xf32>
      %scan3A_686 = arith.constant 0 : i32
      %scan3A_687 = arith.constant 0 : i32
      %scan3A_688 = arith.constant 16 : i32
      %scan3A_689 = arith.addi %scan3A_687, %scan3A_688 : i32
      %scan3A_690 = arith.constant 1 : i32
      scf.for %scan3A_875 = %scan3A_687 to %scan3A_689 step %scan3A_690  : i32 {
        %mul3A_876 = arith.constant 8 : i32
        %mul3A_877 = arith.muli %scan3A_875, %mul3A_876 : i32
        %add3A_878 = arith.constant 0 : i32
        %add3A_879 = arith.addi %mul3A_877, %add3A_878 : i32
        %swap3A = arith.index_cast %add3A_879 : i32 to index
        %swap3A_880 = arith.constant 0 : index
        %swap3A_881 = tpu.vector_load %arg11[%swap3A, %swap3A_880] {strides = array<i32>} : memref<128x128xf32, #tpu.memory_space<vmem>>, vector<1x16xf32>,
        %swap3A_882 = vector.shape_cast %swap3A_881 : vector<1x16xf32> to vector<16xf32>
        %swap3A_883 = vector.shape_cast %get3A_657 : vector<16xf32> to vector<1x16xf32>
        tpu.vector_store %arg11[%swap3A, %swap3A_880], %swap3A_883 {add = true, strides = array<i32>} : memref<128x128xf32, #tpu.memory_space<vmem>>, vector<1x16xf32>,
        %mul3A_884 = arith.constant 8 : i32
        %mul3A_885 = arith.muli %scan3A_875, %mul3A_884 : i32
        %add3A_886 = arith.constant 0 : i32
        %add3A_887 = arith.addi %mul3A_885, %add3A_886 : i32
        %swap3A_888 = arith.index_cast %add3A_887 : i32 to index
        %swap3A_889 = arith.constant 16 : index
        %swap3A_890 = tpu.vector_load %arg11[%swap3A_888, %swap3A_889] {strides = array<i32>} : memref<128x128xf32, #tpu.memory_space<vmem>>, vector<1x16xf32>,
        %swap3A_891 = vector.shape_cast %swap3A_890 : vector<1x16xf32> to vector<16xf32>
        %swap3A_892 = vector.shape_cast %get3A_661 : vector<16xf32> to vector<1x16xf32>
        tpu.vector_store %arg11[%swap3A_888, %swap3A_889], %swap3A_892 {add = true, strides = array<i32>} : memref<128x128xf32, #tpu.memory_space<vmem>>, vector<1x16xf32>,
        %mul3A_893 = arith.constant 8 : i32
        %mul3A_894 = arith.muli %scan3A_875, %mul3A_893 : i32
        %add3A_895 = arith.constant 0 : i32
        %add3A_896 = arith.addi %mul3A_894, %add3A_895 : i32
        %swap3A_897 = arith.index_cast %add3A_896 : i32 to index
        %swap3A_898 = arith.constant 32 : index
        %swap3A_899 = tpu.vector_load %arg11[%swap3A_897, %swap3A_898] {strides = array<i32>} : memref<128x128xf32, #tpu.memory_space<vmem>>, vector<1x16xf32>,
        %swap3A_900 = vector.shape_cast %swap3A_899 : vector<1x16xf32> to vector<16xf32>
        %swap3A_901 = vector.shape_cast %get3A_665 : vector<16xf32> to vector<1x16xf32>
        tpu.vector_store %arg11[%swap3A_897, %swap3A_898], %swap3A_901 {add = true, strides = array<i32>} : memref<128x128xf32, #tpu.memory_space<vmem>>, vector<1x16xf32>,
        %mul3A_902 = arith.constant 8 : i32
        %mul3A_903 = arith.muli %scan3A_875, %mul3A_902 : i32
        %add3A_904 = arith.constant 0 : i32
        %add3A_905 = arith.addi %mul3A_903, %add3A_904 : i32
        %swap3A_906 = arith.index_cast %add3A_905 : i32 to index
        %swap3A_907 = arith.constant 48 : index
        %swap3A_908 = tpu.vector_load %arg11[%swap3A_906, %swap3A_907] {strides = array<i32>} : memref<128x128xf32, #tpu.memory_space<vmem>>, vector<1x16xf32>,
        %swap3A_909 = vector.shape_cast %swap3A_908 : vector<1x16xf32> to vector<16xf32>
        %swap3A_910 = vector.shape_cast %get3A_669 : vector<16xf32> to vector<1x16xf32>
        tpu.vector_store %arg11[%swap3A_906, %swap3A_907], %swap3A_910 {add = true, strides = array<i32>} : memref<128x128xf32, #tpu.memory_space<vmem>>, vector<1x16xf32>,
        %mul3A_911 = arith.constant 8 : i32
        %mul3A_912 = arith.muli %scan3A_875, %mul3A_911 : i32
        %add3A_913 = arith.constant 0 : i32
        %add3A_914 = arith.addi %mul3A_912, %add3A_913 : i32
        %swap3A_915 = arith.index_cast %add3A_914 : i32 to index
        %swap3A_916 = arith.constant 64 : index
        %swap3A_917 = tpu.vector_load %arg11[%swap3A_915, %swap3A_916] {strides = array<i32>} : memref<128x128xf32, #tpu.memory_space<vmem>>, vector<1x16xf32>,
        %swap3A_918 = vector.shape_cast %swap3A_917 : vector<1x16xf32> to vector<16xf32>
        %swap3A_919 = vector.shape_cast %get3A_673 : vector<16xf32> to vector<1x16xf32>
        tpu.vector_store %arg11[%swap3A_915, %swap3A_916], %swap3A_919 {add = true, strides = array<i32>} : memref<128x128xf32, #tpu.memory_space<vmem>>, vector<1x16xf32>,
        %mul3A_920 = arith.constant 8 : i32
        %mul3A_921 = arith.muli %scan3A_875, %mul3A_920 : i32
        %add3A_922 = arith.constant 0 : i32
        %add3A_923 = arith.addi %mul3A_921, %add3A_922 : i32
        %swap3A_924 = arith.index_cast %add3A_923 : i32 to index
        %swap3A_925 = arith.constant 80 : index
        %swap3A_926 = tpu.vector_load %arg11[%swap3A_924, %swap3A_925] {strides = array<i32>} : memref<128x128xf32, #tpu.memory_space<vmem>>, vector<1x16xf32>,
        %swap3A_927 = vector.shape_cast %swap3A_926 : vector<1x16xf32> to vector<16xf32>
        %swap3A_928 = vector.shape_cast %get3A_677 : vector<16xf32> to vector<1x16xf32>
        tpu.vector_store %arg11[%swap3A_924, %swap3A_925], %swap3A_928 {add = true, strides = array<i32>} : memref<128x128xf32, #tpu.memory_space<vmem>>, vector<1x16xf32>,
        %mul3A_929 = arith.constant 8 : i32
        %mul3A_930 = arith.muli %scan3A_875, %mul3A_929 : i32
        %add3A_931 = arith.constant 0 : i32
        %add3A_932 = arith.addi %mul3A_930, %add3A_931 : i32
        %swap3A_933 = arith.index_cast %add3A_932 : i32 to index
        %swap3A_934 = arith.constant 96 : index
        %swap3A_935 = tpu.vector_load %arg11[%swap3A_933, %swap3A_934] {strides = array<i32>} : memref<128x128xf32, #tpu.memory_space<vmem>>, vector<1x16xf32>,
        %swap3A_936 = vector.shape_cast %swap3A_935 : vector<1x16xf32> to vector<16xf32>
        %swap3A_937 = vector.shape_cast %get3A_681 : vector<16xf32> to vector<1x16xf32>
        tpu.vector_store %arg11[%swap3A_933, %swap3A_934], %swap3A_937 {add = true, strides = array<i32>} : memref<128x128xf32, #tpu.memory_space<vmem>>, vector<1x16xf32>,
        %mul3A_938 = arith.constant 8 : i32
        %mul3A_939 = arith.muli %scan3A_875, %mul3A_938 : i32
        %add3A_940 = arith.constant 0 : i32
        %add3A_941 = arith.addi %mul3A_939, %add3A_940 : i32
        %swap3A_942 = arith.index_cast %add3A_941 : i32 to index
        %swap3A_943 = arith.constant 112 : index
        %swap3A_944 = tpu.vector_load %arg11[%swap3A_942, %swap3A_943] {strides = array<i32>} : memref<128x128xf32, #tpu.memory_space<vmem>>, vector<1x16xf32>,
        %swap3A_945 = vector.shape_cast %swap3A_944 : vector<1x16xf32> to vector<16xf32>
        %swap3A_946 = vector.shape_cast %get3A_685 : vector<16xf32> to vector<1x16xf32>
        tpu.vector_store %arg11[%swap3A_942, %swap3A_943], %swap3A_946 {add = true, strides = array<i32>} : memref<128x128xf32, #tpu.memory_space<vmem>>, vector<1x16xf32>,
        %mul3A_947 = arith.constant 8 : i32
        %mul3A_948 = arith.muli %scan3A_875, %mul3A_947 : i32
        %add3A_949 = arith.constant 1 : i32
        %add3A_950 = arith.addi %mul3A_948, %add3A_949 : i32
        %swap3A_951 = arith.index_cast %add3A_950 : i32 to index
        %swap3A_952 = arith.constant 0 : index
        %swap3A_953 = tpu.vector_load %arg11[%swap3A_951, %swap3A_952] {strides = array<i32>} : memref<128x128xf32, #tpu.memory_space<vmem>>, vector<1x16xf32>,
        %swap3A_954 = vector.shape_cast %swap3A_953 : vector<1x16xf32> to vector<16xf32>
        %swap3A_955 = vector.shape_cast %get3A_657 : vector<16xf32> to vector<1x16xf32>
        tpu.vector_store %arg11[%swap3A_951, %swap3A_952], %swap3A_955 {add = true, strides = array<i32>} : memref<128x128xf32, #tpu.memory_space<vmem>>, vector<1x16xf32>,
        %mul3A_956 = arith.constant 8 : i32
        %mul3A_957 = arith.muli %scan3A_875, %mul3A_956 : i32
        %add3A_958 = arith.constant 1 : i32
        %add3A_959 = arith.addi %mul3A_957, %add3A_958 : i32
        %swap3A_960 = arith.index_cast %add3A_959 : i32 to index
        %swap3A_961 = arith.constant 16 : index
        %swap3A_962 = tpu.vector_load %arg11[%swap3A_960, %swap3A_961] {strides = array<i32>} : memref<128x128xf32, #tpu.memory_space<vmem>>, vector<1x16xf32>,
        %swap3A_963 = vector.shape_cast %swap3A_962 : vector<1x16xf32> to vector<16xf32>
        %swap3A_964 = vector.shape_cast %get3A_661 : vector<16xf32> to vector<1x16xf32>
        tpu.vector_store %arg11[%swap3A_960, %swap3A_961], %swap3A_964 {add = true, strides = array<i32>} : memref<128x128xf32, #tpu.memory_space<vmem>>, vector<1x16xf32>,
        %mul3A_965 = arith.constant 8 : i32
        %mul3A_966 = arith.muli %scan3A_875, %mul3A_965 : i32
        %add3A_967 = arith.constant 1 : i32
        %add3A_968 = arith.addi %mul3A_966, %add3A_967 : i32
        %swap3A_969 = arith.index_cast %add3A_968 : i32 to index
        %swap3A_970 = arith.constant 32 : index
        %swap3A_971 = tpu.vector_load %arg11[%swap3A_969, %swap3A_970] {strides = array<i32>} : memref<128x128xf32, #tpu.memory_space<vmem>>, vector<1x16xf32>,
        %swap3A_972 = vector.shape_cast %swap3A_971 : vector<1x16xf32> to vector<16xf32>
        %swap3A_973 = vector.shape_cast %get3A_665 : vector<16xf32> to vector<1x16xf32>
        tpu.vector_store %arg11[%swap3A_969, %swap3A_970], %swap3A_973 {add = true, strides = array<i32>} : memref<128x128xf32, #tpu.memory_space<vmem>>, vector<1x16xf32>,
        %mul3A_974 = arith.constant 8 : i32
        %mul3A_975 = arith.muli %scan3A_875, %mul3A_974 : i32
        %add3A_976 = arith.constant 1 : i32
        %add3A_977 = arith.addi %mul3A_975, %add3A_976 : i32
        %swap3A_978 = arith.index_cast %add3A_977 : i32 to index
        %swap3A_979 = arith.constant 48 : index
        %swap3A_980 = tpu.vector_load %arg11[%swap3A_978, %swap3A_979] {strides = array<i32>} : memref<128x128xf32, #tpu.memory_space<vmem>>, vector<1x16xf32>,
        %swap3A_981 = vector.shape_cast %swap3A_980 : vector<1x16xf32> to vector<16xf32>
        %swap3A_982 = vector.shape_cast %get3A_669 : vector<16xf32> to vector<1x16xf32>
        tpu.vector_store %arg11[%swap3A_978, %swap3A_979], %swap3A_982 {add = true, strides = array<i32>} : memref<128x128xf32, #tpu.memory_space<vmem>>, vector<1x16xf32>,
        %mul3A_983 = arith.constant 8 : i32
        %mul3A_984 = arith.muli %scan3A_875, %mul3A_983 : i32
        %add3A_985 = arith.constant 1 : i32
        %add3A_986 = arith.addi %mul3A_984, %add3A_985 : i32
        %swap3A_987 = arith.index_cast %add3A_986 : i32 to index
        %swap3A_988 = arith.constant 64 : index
        %swap3A_989 = tpu.vector_load %arg11[%swap3A_987, %swap3A_988] {strides = array<i32>} : memref<128x128xf32, #tpu.memory_space<vmem>>, vector<1x16xf32>,
        %swap3A_990 = vector.shape_cast %swap3A_989 : vector<1x16xf32> to vector<16xf32>
        %swap3A_991 = vector.shape_cast %get3A_673 : vector<16xf32> to vector<1x16xf32>
        tpu.vector_store %arg11[%swap3A_987, %swap3A_988], %swap3A_991 {add = true, strides = array<i32>} : memref<128x128xf32, #tpu.memory_space<vmem>>, vector<1x16xf32>,
        %mul3A_992 = arith.constant 8 : i32
        %mul3A_993 = arith.muli %scan3A_875, %mul3A_992 : i32
        %add3A_994 = arith.constant 1 : i32
        %add3A_995 = arith.addi %mul3A_993, %add3A_994 : i32
        %swap3A_996 = arith.index_cast %add3A_995 : i32 to index
        %swap3A_997 = arith.constant 80 : index
        %swap3A_998 = tpu.vector_load %arg11[%swap3A_996, %swap3A_997] {strides = array<i32>} : memref<128x128xf32, #tpu.memory_space<vmem>>, vector<1x16xf32>,
        %swap3A_999 = vector.shape_cast %swap3A_998 : vector<1x16xf32> to vector<16xf32>
        %swap3A_1000 = vector.shape_cast %get3A_677 : vector<16xf32> to vector<1x16xf32>
        tpu.vector_store %arg11[%swap3A_996, %swap3A_997], %swap3A_1000 {add = true, strides = array<i32>} : memref<128x128xf32, #tpu.memory_space<vmem>>, vector<1x16xf32>,
        %mul3A_1001 = arith.constant 8 : i32
        %mul3A_1002 = arith.muli %scan3A_875, %mul3A_1001 : i32
        %add3A_1003 = arith.constant 1 : i32
        %add3A_1004 = arith.addi %mul3A_1002, %add3A_1003 : i32
        %swap3A_1005 = arith.index_cast %add3A_1004 : i32 to index
        %swap3A_1006 = arith.constant 96 : index
        %swap3A_1007 = tpu.vector_load %arg11[%swap3A_1005, %swap3A_1006] {strides = array<i32>} : memref<128x128xf32, #tpu.memory_space<vmem>>, vector<1x16xf32>,
        %swap3A_1008 = vector.shape_cast %swap3A_1007 : vector<1x16xf32> to vector<16xf32>
        %swap3A_1009 = vector.shape_cast %get3A_681 : vector<16xf32> to vector<1x16xf32>
        tpu.vector_store %arg11[%swap3A_1005, %swap3A_1006], %swap3A_1009 {add = true, strides = array<i32>} : memref<128x128xf32, #tpu.memory_space<vmem>>, vector<1x16xf32>,
        %mul3A_1010 = arith.constant 8 : i32
        %mul3A_1011 = arith.muli %scan3A_875, %mul3A_1010 : i32
        %add3A_1012 = arith.constant 1 : i32
        %add3A_1013 = arith.addi %mul3A_1011, %add3A_1012 : i32
        %swap3A_1014 = arith.index_cast %add3A_1013 : i32 to index
        %swap3A_1015 = arith.constant 112 : index
        %swap3A_1016 = tpu.vector_load %arg11[%swap3A_1014, %swap3A_1015] {strides = array<i32>} : memref<128x128xf32, #tpu.memory_space<vmem>>, vector<1x16xf32>,
        %swap3A_1017 = vector.shape_cast %swap3A_1016 : vector<1x16xf32> to vector<16xf32>
        %swap3A_1018 = vector.shape_cast %get3A_685 : vector<16xf32> to vector<1x16xf32>
        tpu.vector_store %arg11[%swap3A_1014, %swap3A_1015], %swap3A_1018 {add = true, strides = array<i32>} : memref<128x128xf32, #tpu.memory_space<vmem>>, vector<1x16xf32>,
        %mul3A_1019 = arith.constant 8 : i32
        %mul3A_1020 = arith.muli %scan3A_875, %mul3A_1019 : i32
        %add3A_1021 = arith.constant 2 : i32
        %add3A_1022 = arith.addi %mul3A_1020, %add3A_1021 : i32
        %swap3A_1023 = arith.index_cast %add3A_1022 : i32 to index
        %swap3A_1024 = arith.constant 0 : index
        %swap3A_1025 = tpu.vector_load %arg11[%swap3A_1023, %swap3A_1024] {strides = array<i32>} : memref<128x128xf32, #tpu.memory_space<vmem>>, vector<1x16xf32>,
        %swap3A_1026 = vector.shape_cast %swap3A_1025 : vector<1x16xf32> to vector<16xf32>
        %swap3A_1027 = vector.shape_cast %get3A_657 : vector<16xf32> to vector<1x16xf32>
        tpu.vector_store %arg11[%swap3A_1023, %swap3A_1024], %swap3A_1027 {add = true, strides = array<i32>} : memref<128x128xf32, #tpu.memory_space<vmem>>, vector<1x16xf32>,
        %mul3A_1028 = arith.constant 8 : i32
        %mul3A_1029 = arith.muli %scan3A_875, %mul3A_1028 : i32
        %add3A_1030 = arith.constant 2 : i32
        %add3A_1031 = arith.addi %mul3A_1029, %add3A_1030 : i32
        %swap3A_1032 = arith.index_cast %add3A_1031 : i32 to index
        %swap3A_1033 = arith.constant 16 : index
        %swap3A_1034 = tpu.vector_load %arg11[%swap3A_1032, %swap3A_1033] {strides = array<i32>} : memref<128x128xf32, #tpu.memory_space<vmem>>, vector<1x16xf32>,
        %swap3A_1035 = vector.shape_cast %swap3A_1034 : vector<1x16xf32> to vector<16xf32>
        %swap3A_1036 = vector.shape_cast %get3A_661 : vector<16xf32> to vector<1x16xf32>
        tpu.vector_store %arg11[%swap3A_1032, %swap3A_1033], %swap3A_1036 {add = true, strides = array<i32>} : memref<128x128xf32, #tpu.memory_space<vmem>>, vector<1x16xf32>,
        %mul3A_1037 = arith.constant 8 : i32
        %mul3A_1038 = arith.muli %scan3A_875, %mul3A_1037 : i32
        %add3A_1039 = arith.constant 2 : i32
        %add3A_1040 = arith.addi %mul3A_1038, %add3A_1039 : i32
        %swap3A_1041 = arith.index_cast %add3A_1040 : i32 to index
        %swap3A_1042 = arith.constant 32 : index
        %swap3A_1043 = tpu.vector_load %arg11[%swap3A_1041, %swap3A_1042] {strides = array<i32>} : memref<128x128xf32, #tpu.memory_space<vmem>>, vector<1x16xf32>,
        %swap3A_1044 = vector.shape_cast %swap3A_1043 : vector<1x16xf32> to vector<16xf32>
        %swap3A_1045 = vector.shape_cast %get3A_665 : vector<16xf32> to vector<1x16xf32>
        tpu.vector_store %arg11[%swap3A_1041, %swap3A_1042], %swap3A_1045 {add = true, strides = array<i32>} : memref<128x128xf32, #tpu.memory_space<vmem>>, vector<1x16xf32>,
        %mul3A_1046 = arith.constant 8 : i32
        %mul3A_1047 = arith.muli %scan3A_875, %mul3A_1046 : i32
        %add3A_1048 = arith.constant 2 : i32
        %add3A_1049 = arith.addi %mul3A_1047, %add3A_1048 : i32
        %swap3A_1050 = arith.index_cast %add3A_1049 : i32 to index
        %swap3A_1051 = arith.constant 48 : index
        %swap3A_1052 = tpu.vector_load %arg11[%swap3A_1050, %swap3A_1051] {strides = array<i32>} : memref<128x128xf32, #tpu.memory_space<vmem>>, vector<1x16xf32>,
        %swap3A_1053 = vector.shape_cast %swap3A_1052 : vector<1x16xf32> to vector<16xf32>
        %swap3A_1054 = vector.shape_cast %get3A_669 : vector<16xf32> to vector<1x16xf32>
        tpu.vector_store %arg11[%swap3A_1050, %swap3A_1051], %swap3A_1054 {add = true, strides = array<i32>} : memref<128x128xf32, #tpu.memory_space<vmem>>, vector<1x16xf32>,
        %mul3A_1055 = arith.constant 8 : i32
        %mul3A_1056 = arith.muli %scan3A_875, %mul3A_1055 : i32
        %add3A_1057 = arith.constant 2 : i32
        %add3A_1058 = arith.addi %mul3A_1056, %add3A_1057 : i32
        %swap3A_1059 = arith.index_cast %add3A_1058 : i32 to index
        %swap3A_1060 = arith.constant 64 : index
        %swap3A_1061 = tpu.vector_load %arg11[%swap3A_1059, %swap3A_1060] {strides = array<i32>} : memref<128x128xf32, #tpu.memory_space<vmem>>, vector<1x16xf32>,
        %swap3A_1062 = vector.shape_cast %swap3A_1061 : vector<1x16xf32> to vector<16xf32>
        %swap3A_1063 = vector.shape_cast %get3A_673 : vector<16xf32> to vector<1x16xf32>
        tpu.vector_store %arg11[%swap3A_1059, %swap3A_1060], %swap3A_1063 {add = true, strides = array<i32>} : memref<128x128xf32, #tpu.memory_space<vmem>>, vector<1x16xf32>,
        %mul3A_1064 = arith.constant 8 : i32
        %mul3A_1065 = arith.muli %scan3A_875, %mul3A_1064 : i32
        %add3A_1066 = arith.constant 2 : i32
        %add3A_1067 = arith.addi %mul3A_1065, %add3A_1066 : i32
        %swap3A_1068 = arith.index_cast %add3A_1067 : i32 to index
        %swap3A_1069 = arith.constant 80 : index
        %swap3A_1070 = tpu.vector_load %arg11[%swap3A_1068, %swap3A_1069] {strides = array<i32>} : memref<128x128xf32, #tpu.memory_space<vmem>>, vector<1x16xf32>,
        %swap3A_1071 = vector.shape_cast %swap3A_1070 : vector<1x16xf32> to vector<16xf32>
        %swap3A_1072 = vector.shape_cast %get3A_677 : vector<16xf32> to vector<1x16xf32>
        tpu.vector_store %arg11[%swap3A_1068, %swap3A_1069], %swap3A_1072 {add = true, strides = array<i32>} : memref<128x128xf32, #tpu.memory_space<vmem>>, vector<1x16xf32>,
        %mul3A_1073 = arith.constant 8 : i32
        %mul3A_1074 = arith.muli %scan3A_875, %mul3A_1073 : i32
        %add3A_1075 = arith.constant 2 : i32
        %add3A_1076 = arith.addi %mul3A_1074, %add3A_1075 : i32
        %swap3A_1077 = arith.index_cast %add3A_1076 : i32 to index
        %swap3A_1078 = arith.constant 96 : index
        %swap3A_1079 = tpu.vector_load %arg11[%swap3A_1077, %swap3A_1078] {strides = array<i32>} : memref<128x128xf32, #tpu.memory_space<vmem>>, vector<1x16xf32>,
        %swap3A_1080 = vector.shape_cast %swap3A_1079 : vector<1x16xf32> to vector<16xf32>
        %swap3A_1081 = vector.shape_cast %get3A_681 : vector<16xf32> to vector<1x16xf32>
        tpu.vector_store %arg11[%swap3A_1077, %swap3A_1078], %swap3A_1081 {add = true, strides = array<i32>} : memref<128x128xf32, #tpu.memory_space<vmem>>, vector<1x16xf32>,
        %mul3A_1082 = arith.constant 8 : i32
        %mul3A_1083 = arith.muli %scan3A_875, %mul3A_1082 : i32
        %add3A_1084 = arith.constant 2 : i32
        %add3A_1085 = arith.addi %mul3A_1083, %add3A_1084 : i32
        %swap3A_1086 = arith.index_cast %add3A_1085 : i32 to index
        %swap3A_1087 = arith.constant 112 : index
        %swap3A_1088 = tpu.vector_load %arg11[%swap3A_1086, %swap3A_1087] {strides = array<i32>} : memref<128x128xf32, #tpu.memory_space<vmem>>, vector<1x16xf32>,
        %swap3A_1089 = vector.shape_cast %swap3A_1088 : vector<1x16xf32> to vector<16xf32>
        %swap3A_1090 = vector.shape_cast %get3A_685 : vector<16xf32> to vector<1x16xf32>
        tpu.vector_store %arg11[%swap3A_1086, %swap3A_1087], %swap3A_1090 {add = true, strides = array<i32>} : memref<128x128xf32, #tpu.memory_space<vmem>>, vector<1x16xf32>,
        %mul3A_1091 = arith.constant 8 : i32
        %mul3A_1092 = arith.muli %scan3A_875, %mul3A_1091 : i32
        %add3A_1093 = arith.constant 3 : i32
        %add3A_1094 = arith.addi %mul3A_1092, %add3A_1093 : i32
        %swap3A_1095 = arith.index_cast %add3A_1094 : i32 to index
        %swap3A_1096 = arith.constant 0 : index
        %swap3A_1097 = tpu.vector_load %arg11[%swap3A_1095, %swap3A_1096] {strides = array<i32>} : memref<128x128xf32, #tpu.memory_space<vmem>>, vector<1x16xf32>,
        %swap3A_1098 = vector.shape_cast %swap3A_1097 : vector<1x16xf32> to vector<16xf32>
        %swap3A_1099 = vector.shape_cast %get3A_657 : vector<16xf32> to vector<1x16xf32>
        tpu.vector_store %arg11[%swap3A_1095, %swap3A_1096], %swap3A_1099 {add = true, strides = array<i32>} : memref<128x128xf32, #tpu.memory_space<vmem>>, vector<1x16xf32>,
        %mul3A_1100 = arith.constant 8 : i32
        %mul3A_1101 = arith.muli %scan3A_875, %mul3A_1100 : i32
        %add3A_1102 = arith.constant 3 : i32
        %add3A_1103 = arith.addi %mul3A_1101, %add3A_1102 : i32
        %swap3A_1104 = arith.index_cast %add3A_1103 : i32 to index
        %swap3A_1105 = arith.constant 16 : index
        %swap3A_1106 = tpu.vector_load %arg11[%swap3A_1104, %swap3A_1105] {strides = array<i32>} : memref<128x128xf32, #tpu.memory_space<vmem>>, vector<1x16xf32>,
        %swap3A_1107 = vector.shape_cast %swap3A_1106 : vector<1x16xf32> to vector<16xf32>
        %swap3A_1108 = vector.shape_cast %get3A_661 : vector<16xf32> to vector<1x16xf32>
        tpu.vector_store %arg11[%swap3A_1104, %swap3A_1105], %swap3A_1108 {add = true, strides = array<i32>} : memref<128x128xf32, #tpu.memory_space<vmem>>, vector<1x16xf32>,
        %mul3A_1109 = arith.constant 8 : i32
        %mul3A_1110 = arith.muli %scan3A_875, %mul3A_1109 : i32
        %add3A_1111 = arith.constant 3 : i32
        %add3A_1112 = arith.addi %mul3A_1110, %add3A_1111 : i32
        %swap3A_1113 = arith.index_cast %add3A_1112 : i32 to index
        %swap3A_1114 = arith.constant 32 : index
        %swap3A_1115 = tpu.vector_load %arg11[%swap3A_1113, %swap3A_1114] {strides = array<i32>} : memref<128x128xf32, #tpu.memory_space<vmem>>, vector<1x16xf32>,
        %swap3A_1116 = vector.shape_cast %swap3A_1115 : vector<1x16xf32> to vector<16xf32>
        %swap3A_1117 = vector.shape_cast %get3A_665 : vector<16xf32> to vector<1x16xf32>
        tpu.vector_store %arg11[%swap3A_1113, %swap3A_1114], %swap3A_1117 {add = true, strides = array<i32>} : memref<128x128xf32, #tpu.memory_space<vmem>>, vector<1x16xf32>,
        %mul3A_1118 = arith.constant 8 : i32
        %mul3A_1119 = arith.muli %scan3A_875, %mul3A_1118 : i32
        %add3A_1120 = arith.constant 3 : i32
        %add3A_1121 = arith.addi %mul3A_1119, %add3A_1120 : i32
        %swap3A_1122 = arith.index_cast %add3A_1121 : i32 to index
        %swap3A_1123 = arith.constant 48 : index
        %swap3A_1124 = tpu.vector_load %arg11[%swap3A_1122, %swap3A_1123] {strides = array<i32>} : memref<128x128xf32, #tpu.memory_space<vmem>>, vector<1x16xf32>,
        %swap3A_1125 = vector.shape_cast %swap3A_1124 : vector<1x16xf32> to vector<16xf32>
        %swap3A_1126 = vector.shape_cast %get3A_669 : vector<16xf32> to vector<1x16xf32>
        tpu.vector_store %arg11[%swap3A_1122, %swap3A_1123], %swap3A_1126 {add = true, strides = array<i32>} : memref<128x128xf32, #tpu.memory_space<vmem>>, vector<1x16xf32>,
        %mul3A_1127 = arith.constant 8 : i32
        %mul3A_1128 = arith.muli %scan3A_875, %mul3A_1127 : i32
        %add3A_1129 = arith.constant 3 : i32
        %add3A_1130 = arith.addi %mul3A_1128, %add3A_1129 : i32
        %swap3A_1131 = arith.index_cast %add3A_1130 : i32 to index
        %swap3A_1132 = arith.constant 64 : index
        %swap3A_1133 = tpu.vector_load %arg11[%swap3A_1131, %swap3A_1132] {strides = array<i32>} : memref<128x128xf32, #tpu.memory_space<vmem>>, vector<1x16xf32>,
        %swap3A_1134 = vector.shape_cast %swap3A_1133 : vector<1x16xf32> to vector<16xf32>
        %swap3A_1135 = vector.shape_cast %get3A_673 : vector<16xf32> to vector<1x16xf32>
        tpu.vector_store %arg11[%swap3A_1131, %swap3A_1132], %swap3A_1135 {add = true, strides = array<i32>} : memref<128x128xf32, #tpu.memory_space<vmem>>, vector<1x16xf32>,
        %mul3A_1136 = arith.constant 8 : i32
        %mul3A_1137 = arith.muli %scan3A_875, %mul3A_1136 : i32
        %add3A_1138 = arith.constant 3 : i32
        %add3A_1139 = arith.addi %mul3A_1137, %add3A_1138 : i32
        %swap3A_1140 = arith.index_cast %add3A_1139 : i32 to index
        %swap3A_1141 = arith.constant 80 : index
        %swap3A_1142 = tpu.vector_load %arg11[%swap3A_1140, %swap3A_1141] {strides = array<i32>} : memref<128x128xf32, #tpu.memory_space<vmem>>, vector<1x16xf32>,
        %swap3A_1143 = vector.shape_cast %swap3A_1142 : vector<1x16xf32> to vector<16xf32>
        %swap3A_1144 = vector.shape_cast %get3A_677 : vector<16xf32> to vector<1x16xf32>
        tpu.vector_store %arg11[%swap3A_1140, %swap3A_1141], %swap3A_1144 {add = true, strides = array<i32>} : memref<128x128xf32, #tpu.memory_space<vmem>>, vector<1x16xf32>,
        %mul3A_1145 = arith.constant 8 : i32
        %mul3A_1146 = arith.muli %scan3A_875, %mul3A_1145 : i32
        %add3A_1147 = arith.constant 3 : i32
        %add3A_1148 = arith.addi %mul3A_1146, %add3A_1147 : i32
        %swap3A_1149 = arith.index_cast %add3A_1148 : i32 to index
        %swap3A_1150 = arith.constant 96 : index
        %swap3A_1151 = tpu.vector_load %arg11[%swap3A_1149, %swap3A_1150] {strides = array<i32>} : memref<128x128xf32, #tpu.memory_space<vmem>>, vector<1x16xf32>,
        %swap3A_1152 = vector.shape_cast %swap3A_1151 : vector<1x16xf32> to vector<16xf32>
        %swap3A_1153 = vector.shape_cast %get3A_681 : vector<16xf32> to vector<1x16xf32>
        tpu.vector_store %arg11[%swap3A_1149, %swap3A_1150], %swap3A_1153 {add = true, strides = array<i32>} : memref<128x128xf32, #tpu.memory_space<vmem>>, vector<1x16xf32>,
        %mul3A_1154 = arith.constant 8 : i32
        %mul3A_1155 = arith.muli %scan3A_875, %mul3A_1154 : i32
        %add3A_1156 = arith.constant 3 : i32
        %add3A_1157 = arith.addi %mul3A_1155, %add3A_1156 : i32
        %swap3A_1158 = arith.index_cast %add3A_1157 : i32 to index
        %swap3A_1159 = arith.constant 112 : index
        %swap3A_1160 = tpu.vector_load %arg11[%swap3A_1158, %swap3A_1159] {strides = array<i32>} : memref<128x128xf32, #tpu.memory_space<vmem>>, vector<1x16xf32>,
        %swap3A_1161 = vector.shape_cast %swap3A_1160 : vector<1x16xf32> to vector<16xf32>
        %swap3A_1162 = vector.shape_cast %get3A_685 : vector<16xf32> to vector<1x16xf32>
        tpu.vector_store %arg11[%swap3A_1158, %swap3A_1159], %swap3A_1162 {add = true, strides = array<i32>} : memref<128x128xf32, #tpu.memory_space<vmem>>, vector<1x16xf32>,
        %mul3A_1163 = arith.constant 8 : i32
        %mul3A_1164 = arith.muli %scan3A_875, %mul3A_1163 : i32
        %add3A_1165 = arith.constant 4 : i32
        %add3A_1166 = arith.addi %mul3A_1164, %add3A_1165 : i32
        %swap3A_1167 = arith.index_cast %add3A_1166 : i32 to index
        %swap3A_1168 = arith.constant 0 : index
        %swap3A_1169 = tpu.vector_load %arg11[%swap3A_1167, %swap3A_1168] {strides = array<i32>} : memref<128x128xf32, #tpu.memory_space<vmem>>, vector<1x16xf32>,
        %swap3A_1170 = vector.shape_cast %swap3A_1169 : vector<1x16xf32> to vector<16xf32>
        %swap3A_1171 = vector.shape_cast %get3A_657 : vector<16xf32> to vector<1x16xf32>
        tpu.vector_store %arg11[%swap3A_1167, %swap3A_1168], %swap3A_1171 {add = true, strides = array<i32>} : memref<128x128xf32, #tpu.memory_space<vmem>>, vector<1x16xf32>,
        %mul3A_1172 = arith.constant 8 : i32
        %mul3A_1173 = arith.muli %scan3A_875, %mul3A_1172 : i32
        %add3A_1174 = arith.constant 4 : i32
        %add3A_1175 = arith.addi %mul3A_1173, %add3A_1174 : i32
        %swap3A_1176 = arith.index_cast %add3A_1175 : i32 to index
        %swap3A_1177 = arith.constant 16 : index
        %swap3A_1178 = tpu.vector_load %arg11[%swap3A_1176, %swap3A_1177] {strides = array<i32>} : memref<128x128xf32, #tpu.memory_space<vmem>>, vector<1x16xf32>,
        %swap3A_1179 = vector.shape_cast %swap3A_1178 : vector<1x16xf32> to vector<16xf32>
        %swap3A_1180 = vector.shape_cast %get3A_661 : vector<16xf32> to vector<1x16xf32>
        tpu.vector_store %arg11[%swap3A_1176, %swap3A_1177], %swap3A_1180 {add = true, strides = array<i32>} : memref<128x128xf32, #tpu.memory_space<vmem>>, vector<1x16xf32>,
        %mul3A_1181 = arith.constant 8 : i32
        %mul3A_1182 = arith.muli %scan3A_875, %mul3A_1181 : i32
        %add3A_1183 = arith.constant 4 : i32
        %add3A_1184 = arith.addi %mul3A_1182, %add3A_1183 : i32
        %swap3A_1185 = arith.index_cast %add3A_1184 : i32 to index
        %swap3A_1186 = arith.constant 32 : index
        %swap3A_1187 = tpu.vector_load %arg11[%swap3A_1185, %swap3A_1186] {strides = array<i32>} : memref<128x128xf32, #tpu.memory_space<vmem>>, vector<1x16xf32>,
        %swap3A_1188 = vector.shape_cast %swap3A_1187 : vector<1x16xf32> to vector<16xf32>
        %swap3A_1189 = vector.shape_cast %get3A_665 : vector<16xf32> to vector<1x16xf32>
        tpu.vector_store %arg11[%swap3A_1185, %swap3A_1186], %swap3A_1189 {add = true, strides = array<i32>} : memref<128x128xf32, #tpu.memory_space<vmem>>, vector<1x16xf32>,
        %mul3A_1190 = arith.constant 8 : i32
        %mul3A_1191 = arith.muli %scan3A_875, %mul3A_1190 : i32
        %add3A_1192 = arith.constant 4 : i32
        %add3A_1193 = arith.addi %mul3A_1191, %add3A_1192 : i32
        %swap3A_1194 = arith.index_cast %add3A_1193 : i32 to index
        %swap3A_1195 = arith.constant 48 : index
        %swap3A_1196 = tpu.vector_load %arg11[%swap3A_1194, %swap3A_1195] {strides = array<i32>} : memref<128x128xf32, #tpu.memory_space<vmem>>, vector<1x16xf32>,
        %swap3A_1197 = vector.shape_cast %swap3A_1196 : vector<1x16xf32> to vector<16xf32>
        %swap3A_1198 = vector.shape_cast %get3A_669 : vector<16xf32> to vector<1x16xf32>
        tpu.vector_store %arg11[%swap3A_1194, %swap3A_1195], %swap3A_1198 {add = true, strides = array<i32>} : memref<128x128xf32, #tpu.memory_space<vmem>>, vector<1x16xf32>,
        %mul3A_1199 = arith.constant 8 : i32
        %mul3A_1200 = arith.muli %scan3A_875, %mul3A_1199 : i32
        %add3A_1201 = arith.constant 4 : i32
        %add3A_1202 = arith.addi %mul3A_1200, %add3A_1201 : i32
        %swap3A_1203 = arith.index_cast %add3A_1202 : i32 to index
        %swap3A_1204 = arith.constant 64 : index
        %swap3A_1205 = tpu.vector_load %arg11[%swap3A_1203, %swap3A_1204] {strides = array<i32>} : memref<128x128xf32, #tpu.memory_space<vmem>>, vector<1x16xf32>,
        %swap3A_1206 = vector.shape_cast %swap3A_1205 : vector<1x16xf32> to vector<16xf32>
        %swap3A_1207 = vector.shape_cast %get3A_673 : vector<16xf32> to vector<1x16xf32>
        tpu.vector_store %arg11[%swap3A_1203, %swap3A_1204], %swap3A_1207 {add = true, strides = array<i32>} : memref<128x128xf32, #tpu.memory_space<vmem>>, vector<1x16xf32>,
        %mul3A_1208 = arith.constant 8 : i32
        %mul3A_1209 = arith.muli %scan3A_875, %mul3A_1208 : i32
        %add3A_1210 = arith.constant 4 : i32
        %add3A_1211 = arith.addi %mul3A_1209, %add3A_1210 : i32
        %swap3A_1212 = arith.index_cast %add3A_1211 : i32 to index
        %swap3A_1213 = arith.constant 80 : index
        %swap3A_1214 = tpu.vector_load %arg11[%swap3A_1212, %swap3A_1213] {strides = array<i32>} : memref<128x128xf32, #tpu.memory_space<vmem>>, vector<1x16xf32>,
        %swap3A_1215 = vector.shape_cast %swap3A_1214 : vector<1x16xf32> to vector<16xf32>
        %swap3A_1216 = vector.shape_cast %get3A_677 : vector<16xf32> to vector<1x16xf32>
        tpu.vector_store %arg11[%swap3A_1212, %swap3A_1213], %swap3A_1216 {add = true, strides = array<i32>} : memref<128x128xf32, #tpu.memory_space<vmem>>, vector<1x16xf32>,
        %mul3A_1217 = arith.constant 8 : i32
        %mul3A_1218 = arith.muli %scan3A_875, %mul3A_1217 : i32
        %add3A_1219 = arith.constant 4 : i32
        %add3A_1220 = arith.addi %mul3A_1218, %add3A_1219 : i32
        %swap3A_1221 = arith.index_cast %add3A_1220 : i32 to index
        %swap3A_1222 = arith.constant 96 : index
        %swap3A_1223 = tpu.vector_load %arg11[%swap3A_1221, %swap3A_1222] {strides = array<i32>} : memref<128x128xf32, #tpu.memory_space<vmem>>, vector<1x16xf32>,
        %swap3A_1224 = vector.shape_cast %swap3A_1223 : vector<1x16xf32> to vector<16xf32>
        %swap3A_1225 = vector.shape_cast %get3A_681 : vector<16xf32> to vector<1x16xf32>
        tpu.vector_store %arg11[%swap3A_1221, %swap3A_1222], %swap3A_1225 {add = true, strides = array<i32>} : memref<128x128xf32, #tpu.memory_space<vmem>>, vector<1x16xf32>,
        %mul3A_1226 = arith.constant 8 : i32
        %mul3A_1227 = arith.muli %scan3A_875, %mul3A_1226 : i32
        %add3A_1228 = arith.constant 4 : i32
        %add3A_1229 = arith.addi %mul3A_1227, %add3A_1228 : i32
        %swap3A_1230 = arith.index_cast %add3A_1229 : i32 to index
        %swap3A_1231 = arith.constant 112 : index
        %swap3A_1232 = tpu.vector_load %arg11[%swap3A_1230, %swap3A_1231] {strides = array<i32>} : memref<128x128xf32, #tpu.memory_space<vmem>>, vector<1x16xf32>,
        %swap3A_1233 = vector.shape_cast %swap3A_1232 : vector<1x16xf32> to vector<16xf32>
        %swap3A_1234 = vector.shape_cast %get3A_685 : vector<16xf32> to vector<1x16xf32>
        tpu.vector_store %arg11[%swap3A_1230, %swap3A_1231], %swap3A_1234 {add = true, strides = array<i32>} : memref<128x128xf32, #tpu.memory_space<vmem>>, vector<1x16xf32>,
        %mul3A_1235 = arith.constant 8 : i32
        %mul3A_1236 = arith.muli %scan3A_875, %mul3A_1235 : i32
        %add3A_1237 = arith.constant 5 : i32
        %add3A_1238 = arith.addi %mul3A_1236, %add3A_1237 : i32
        %swap3A_1239 = arith.index_cast %add3A_1238 : i32 to index
        %swap3A_1240 = arith.constant 0 : index
        %swap3A_1241 = tpu.vector_load %arg11[%swap3A_1239, %swap3A_1240] {strides = array<i32>} : memref<128x128xf32, #tpu.memory_space<vmem>>, vector<1x16xf32>,
        %swap3A_1242 = vector.shape_cast %swap3A_1241 : vector<1x16xf32> to vector<16xf32>
        %swap3A_1243 = vector.shape_cast %get3A_657 : vector<16xf32> to vector<1x16xf32>
        tpu.vector_store %arg11[%swap3A_1239, %swap3A_1240], %swap3A_1243 {add = true, strides = array<i32>} : memref<128x128xf32, #tpu.memory_space<vmem>>, vector<1x16xf32>,
        %mul3A_1244 = arith.constant 8 : i32
        %mul3A_1245 = arith.muli %scan3A_875, %mul3A_1244 : i32
        %add3A_1246 = arith.constant 5 : i32
        %add3A_1247 = arith.addi %mul3A_1245, %add3A_1246 : i32
        %swap3A_1248 = arith.index_cast %add3A_1247 : i32 to index
        %swap3A_1249 = arith.constant 16 : index
        %swap3A_1250 = tpu.vector_load %arg11[%swap3A_1248, %swap3A_1249] {strides = array<i32>} : memref<128x128xf32, #tpu.memory_space<vmem>>, vector<1x16xf32>,
        %swap3A_1251 = vector.shape_cast %swap3A_1250 : vector<1x16xf32> to vector<16xf32>
        %swap3A_1252 = vector.shape_cast %get3A_661 : vector<16xf32> to vector<1x16xf32>
        tpu.vector_store %arg11[%swap3A_1248, %swap3A_1249], %swap3A_1252 {add = true, strides = array<i32>} : memref<128x128xf32, #tpu.memory_space<vmem>>, vector<1x16xf32>,
        %mul3A_1253 = arith.constant 8 : i32
        %mul3A_1254 = arith.muli %scan3A_875, %mul3A_1253 : i32
        %add3A_1255 = arith.constant 5 : i32
        %add3A_1256 = arith.addi %mul3A_1254, %add3A_1255 : i32
        %swap3A_1257 = arith.index_cast %add3A_1256 : i32 to index
        %swap3A_1258 = arith.constant 32 : index
        %swap3A_1259 = tpu.vector_load %arg11[%swap3A_1257, %swap3A_1258] {strides = array<i32>} : memref<128x128xf32, #tpu.memory_space<vmem>>, vector<1x16xf32>,
        %swap3A_1260 = vector.shape_cast %swap3A_1259 : vector<1x16xf32> to vector<16xf32>
        %swap3A_1261 = vector.shape_cast %get3A_665 : vector<16xf32> to vector<1x16xf32>
        tpu.vector_store %arg11[%swap3A_1257, %swap3A_1258], %swap3A_1261 {add = true, strides = array<i32>} : memref<128x128xf32, #tpu.memory_space<vmem>>, vector<1x16xf32>,
        %mul3A_1262 = arith.constant 8 : i32
        %mul3A_1263 = arith.muli %scan3A_875, %mul3A_1262 : i32
        %add3A_1264 = arith.constant 5 : i32
        %add3A_1265 = arith.addi %mul3A_1263, %add3A_1264 : i32
        %swap3A_1266 = arith.index_cast %add3A_1265 : i32 to index
        %swap3A_1267 = arith.constant 48 : index
        %swap3A_1268 = tpu.vector_load %arg11[%swap3A_1266, %swap3A_1267] {strides = array<i32>} : memref<128x128xf32, #tpu.memory_space<vmem>>, vector<1x16xf32>,
        %swap3A_1269 = vector.shape_cast %swap3A_1268 : vector<1x16xf32> to vector<16xf32>
        %swap3A_1270 = vector.shape_cast %get3A_669 : vector<16xf32> to vector<1x16xf32>
        tpu.vector_store %arg11[%swap3A_1266, %swap3A_1267], %swap3A_1270 {add = true, strides = array<i32>} : memref<128x128xf32, #tpu.memory_space<vmem>>, vector<1x16xf32>,
        %mul3A_1271 = arith.constant 8 : i32
        %mul3A_1272 = arith.muli %scan3A_875, %mul3A_1271 : i32
        %add3A_1273 = arith.constant 5 : i32
        %add3A_1274 = arith.addi %mul3A_1272, %add3A_1273 : i32
        %swap3A_1275 = arith.index_cast %add3A_1274 : i32 to index
        %swap3A_1276 = arith.constant 64 : index
        %swap3A_1277 = tpu.vector_load %arg11[%swap3A_1275, %swap3A_1276] {strides = array<i32>} : memref<128x128xf32, #tpu.memory_space<vmem>>, vector<1x16xf32>,
        %swap3A_1278 = vector.shape_cast %swap3A_1277 : vector<1x16xf32> to vector<16xf32>
        %swap3A_1279 = vector.shape_cast %get3A_673 : vector<16xf32> to vector<1x16xf32>
        tpu.vector_store %arg11[%swap3A_1275, %swap3A_1276], %swap3A_1279 {add = true, strides = array<i32>} : memref<128x128xf32, #tpu.memory_space<vmem>>, vector<1x16xf32>,
        %mul3A_1280 = arith.constant 8 : i32
        %mul3A_1281 = arith.muli %scan3A_875, %mul3A_1280 : i32
        %add3A_1282 = arith.constant 5 : i32
        %add3A_1283 = arith.addi %mul3A_1281, %add3A_1282 : i32
        %swap3A_1284 = arith.index_cast %add3A_1283 : i32 to index
        %swap3A_1285 = arith.constant 80 : index
        %swap3A_1286 = tpu.vector_load %arg11[%swap3A_1284, %swap3A_1285] {strides = array<i32>} : memref<128x128xf32, #tpu.memory_space<vmem>>, vector<1x16xf32>,
        %swap3A_1287 = vector.shape_cast %swap3A_1286 : vector<1x16xf32> to vector<16xf32>
        %swap3A_1288 = vector.shape_cast %get3A_677 : vector<16xf32> to vector<1x16xf32>
        tpu.vector_store %arg11[%swap3A_1284, %swap3A_1285], %swap3A_1288 {add = true, strides = array<i32>} : memref<128x128xf32, #tpu.memory_space<vmem>>, vector<1x16xf32>,
        %mul3A_1289 = arith.constant 8 : i32
        %mul3A_1290 = arith.muli %scan3A_875, %mul3A_1289 : i32
        %add3A_1291 = arith.constant 5 : i32
        %add3A_1292 = arith.addi %mul3A_1290, %add3A_1291 : i32
        %swap3A_1293 = arith.index_cast %add3A_1292 : i32 to index
        %swap3A_1294 = arith.constant 96 : index
        %swap3A_1295 = tpu.vector_load %arg11[%swap3A_1293, %swap3A_1294] {strides = array<i32>} : memref<128x128xf32, #tpu.memory_space<vmem>>, vector<1x16xf32>,
        %swap3A_1296 = vector.shape_cast %swap3A_1295 : vector<1x16xf32> to vector<16xf32>
        %swap3A_1297 = vector.shape_cast %get3A_681 : vector<16xf32> to vector<1x16xf32>
        tpu.vector_store %arg11[%swap3A_1293, %swap3A_1294], %swap3A_1297 {add = true, strides = array<i32>} : memref<128x128xf32, #tpu.memory_space<vmem>>, vector<1x16xf32>,
        %mul3A_1298 = arith.constant 8 : i32
        %mul3A_1299 = arith.muli %scan3A_875, %mul3A_1298 : i32
        %add3A_1300 = arith.constant 5 : i32
        %add3A_1301 = arith.addi %mul3A_1299, %add3A_1300 : i32
        %swap3A_1302 = arith.index_cast %add3A_1301 : i32 to index
        %swap3A_1303 = arith.constant 112 : index
        %swap3A_1304 = tpu.vector_load %arg11[%swap3A_1302, %swap3A_1303] {strides = array<i32>} : memref<128x128xf32, #tpu.memory_space<vmem>>, vector<1x16xf32>,
        %swap3A_1305 = vector.shape_cast %swap3A_1304 : vector<1x16xf32> to vector<16xf32>
        %swap3A_1306 = vector.shape_cast %get3A_685 : vector<16xf32> to vector<1x16xf32>
        tpu.vector_store %arg11[%swap3A_1302, %swap3A_1303], %swap3A_1306 {add = true, strides = array<i32>} : memref<128x128xf32, #tpu.memory_space<vmem>>, vector<1x16xf32>,
        %mul3A_1307 = arith.constant 8 : i32
        %mul3A_1308 = arith.muli %scan3A_875, %mul3A_1307 : i32
        %add3A_1309 = arith.constant 6 : i32
        %add3A_1310 = arith.addi %mul3A_1308, %add3A_1309 : i32
        %swap3A_1311 = arith.index_cast %add3A_1310 : i32 to index
        %swap3A_1312 = arith.constant 0 : index
        %swap3A_1313 = tpu.vector_load %arg11[%swap3A_1311, %swap3A_1312] {strides = array<i32>} : memref<128x128xf32, #tpu.memory_space<vmem>>, vector<1x16xf32>,
        %swap3A_1314 = vector.shape_cast %swap3A_1313 : vector<1x16xf32> to vector<16xf32>
        %swap3A_1315 = vector.shape_cast %get3A_657 : vector<16xf32> to vector<1x16xf32>
        tpu.vector_store %arg11[%swap3A_1311, %swap3A_1312], %swap3A_1315 {add = true, strides = array<i32>} : memref<128x128xf32, #tpu.memory_space<vmem>>, vector<1x16xf32>,
        %mul3A_1316 = arith.constant 8 : i32
        %mul3A_1317 = arith.muli %scan3A_875, %mul3A_1316 : i32
        %add3A_1318 = arith.constant 6 : i32
        %add3A_1319 = arith.addi %mul3A_1317, %add3A_1318 : i32
        %swap3A_1320 = arith.index_cast %add3A_1319 : i32 to index
        %swap3A_1321 = arith.constant 16 : index
        %swap3A_1322 = tpu.vector_load %arg11[%swap3A_1320, %swap3A_1321] {strides = array<i32>} : memref<128x128xf32, #tpu.memory_space<vmem>>, vector<1x16xf32>,
        %swap3A_1323 = vector.shape_cast %swap3A_1322 : vector<1x16xf32> to vector<16xf32>
        %swap3A_1324 = vector.shape_cast %get3A_661 : vector<16xf32> to vector<1x16xf32>
        tpu.vector_store %arg11[%swap3A_1320, %swap3A_1321], %swap3A_1324 {add = true, strides = array<i32>} : memref<128x128xf32, #tpu.memory_space<vmem>>, vector<1x16xf32>,
        %mul3A_1325 = arith.constant 8 : i32
        %mul3A_1326 = arith.muli %scan3A_875, %mul3A_1325 : i32
        %add3A_1327 = arith.constant 6 : i32
        %add3A_1328 = arith.addi %mul3A_1326, %add3A_1327 : i32
        %swap3A_1329 = arith.index_cast %add3A_1328 : i32 to index
        %swap3A_1330 = arith.constant 32 : index
        %swap3A_1331 = tpu.vector_load %arg11[%swap3A_1329, %swap3A_1330] {strides = array<i32>} : memref<128x128xf32, #tpu.memory_space<vmem>>, vector<1x16xf32>,
        %swap3A_1332 = vector.shape_cast %swap3A_1331 : vector<1x16xf32> to vector<16xf32>
        %swap3A_1333 = vector.shape_cast %get3A_665 : vector<16xf32> to vector<1x16xf32>
        tpu.vector_store %arg11[%swap3A_1329, %swap3A_1330], %swap3A_1333 {add = true, strides = array<i32>} : memref<128x128xf32, #tpu.memory_space<vmem>>, vector<1x16xf32>,
        %mul3A_1334 = arith.constant 8 : i32
        %mul3A_1335 = arith.muli %scan3A_875, %mul3A_1334 : i32
        %add3A_1336 = arith.constant 6 : i32
        %add3A_1337 = arith.addi %mul3A_1335, %add3A_1336 : i32
        %swap3A_1338 = arith.index_cast %add3A_1337 : i32 to index
        %swap3A_1339 = arith.constant 48 : index
        %swap3A_1340 = tpu.vector_load %arg11[%swap3A_1338, %swap3A_1339] {strides = array<i32>} : memref<128x128xf32, #tpu.memory_space<vmem>>, vector<1x16xf32>,
        %swap3A_1341 = vector.shape_cast %swap3A_1340 : vector<1x16xf32> to vector<16xf32>
        %swap3A_1342 = vector.shape_cast %get3A_669 : vector<16xf32> to vector<1x16xf32>
        tpu.vector_store %arg11[%swap3A_1338, %swap3A_1339], %swap3A_1342 {add = true, strides = array<i32>} : memref<128x128xf32, #tpu.memory_space<vmem>>, vector<1x16xf32>,
        %mul3A_1343 = arith.constant 8 : i32
        %mul3A_1344 = arith.muli %scan3A_875, %mul3A_1343 : i32
        %add3A_1345 = arith.constant 6 : i32
        %add3A_1346 = arith.addi %mul3A_1344, %add3A_1345 : i32
        %swap3A_1347 = arith.index_cast %add3A_1346 : i32 to index
        %swap3A_1348 = arith.constant 64 : index
        %swap3A_1349 = tpu.vector_load %arg11[%swap3A_1347, %swap3A_1348] {strides = array<i32>} : memref<128x128xf32, #tpu.memory_space<vmem>>, vector<1x16xf32>,
        %swap3A_1350 = vector.shape_cast %swap3A_1349 : vector<1x16xf32> to vector<16xf32>
        %swap3A_1351 = vector.shape_cast %get3A_673 : vector<16xf32> to vector<1x16xf32>
        tpu.vector_store %arg11[%swap3A_1347, %swap3A_1348], %swap3A_1351 {add = true, strides = array<i32>} : memref<128x128xf32, #tpu.memory_space<vmem>>, vector<1x16xf32>,
        %mul3A_1352 = arith.constant 8 : i32
        %mul3A_1353 = arith.muli %scan3A_875, %mul3A_1352 : i32
        %add3A_1354 = arith.constant 6 : i32
        %add3A_1355 = arith.addi %mul3A_1353, %add3A_1354 : i32
        %swap3A_1356 = arith.index_cast %add3A_1355 : i32 to index
        %swap3A_1357 = arith.constant 80 : index
        %swap3A_1358 = tpu.vector_load %arg11[%swap3A_1356, %swap3A_1357] {strides = array<i32>} : memref<128x128xf32, #tpu.memory_space<vmem>>, vector<1x16xf32>,
        %swap3A_1359 = vector.shape_cast %swap3A_1358 : vector<1x16xf32> to vector<16xf32>
        %swap3A_1360 = vector.shape_cast %get3A_677 : vector<16xf32> to vector<1x16xf32>
        tpu.vector_store %arg11[%swap3A_1356, %swap3A_1357], %swap3A_1360 {add = true, strides = array<i32>} : memref<128x128xf32, #tpu.memory_space<vmem>>, vector<1x16xf32>,
        %mul3A_1361 = arith.constant 8 : i32
        %mul3A_1362 = arith.muli %scan3A_875, %mul3A_1361 : i32
        %add3A_1363 = arith.constant 6 : i32
        %add3A_1364 = arith.addi %mul3A_1362, %add3A_1363 : i32
        %swap3A_1365 = arith.index_cast %add3A_1364 : i32 to index
        %swap3A_1366 = arith.constant 96 : index
        %swap3A_1367 = tpu.vector_load %arg11[%swap3A_1365, %swap3A_1366] {strides = array<i32>} : memref<128x128xf32, #tpu.memory_space<vmem>>, vector<1x16xf32>,
        %swap3A_1368 = vector.shape_cast %swap3A_1367 : vector<1x16xf32> to vector<16xf32>
        %swap3A_1369 = vector.shape_cast %get3A_681 : vector<16xf32> to vector<1x16xf32>
        tpu.vector_store %arg11[%swap3A_1365, %swap3A_1366], %swap3A_1369 {add = true, strides = array<i32>} : memref<128x128xf32, #tpu.memory_space<vmem>>, vector<1x16xf32>,
        %mul3A_1370 = arith.constant 8 : i32
        %mul3A_1371 = arith.muli %scan3A_875, %mul3A_1370 : i32
        %add3A_1372 = arith.constant 6 : i32
        %add3A_1373 = arith.addi %mul3A_1371, %add3A_1372 : i32
        %swap3A_1374 = arith.index_cast %add3A_1373 : i32 to index
        %swap3A_1375 = arith.constant 112 : index
        %swap3A_1376 = tpu.vector_load %arg11[%swap3A_1374, %swap3A_1375] {strides = array<i32>} : memref<128x128xf32, #tpu.memory_space<vmem>>, vector<1x16xf32>,
        %swap3A_1377 = vector.shape_cast %swap3A_1376 : vector<1x16xf32> to vector<16xf32>
        %swap3A_1378 = vector.shape_cast %get3A_685 : vector<16xf32> to vector<1x16xf32>
        tpu.vector_store %arg11[%swap3A_1374, %swap3A_1375], %swap3A_1378 {add = true, strides = array<i32>} : memref<128x128xf32, #tpu.memory_space<vmem>>, vector<1x16xf32>,
        %mul3A_1379 = arith.constant 8 : i32
        %mul3A_1380 = arith.muli %scan3A_875, %mul3A_1379 : i32
        %add3A_1381 = arith.constant 7 : i32
        %add3A_1382 = arith.addi %mul3A_1380, %add3A_1381 : i32
        %swap3A_1383 = arith.index_cast %add3A_1382 : i32 to index
        %swap3A_1384 = arith.constant 0 : index
        %swap3A_1385 = tpu.vector_load %arg11[%swap3A_1383, %swap3A_1384] {strides = array<i32>} : memref<128x128xf32, #tpu.memory_space<vmem>>, vector<1x16xf32>,
        %swap3A_1386 = vector.shape_cast %swap3A_1385 : vector<1x16xf32> to vector<16xf32>
        %swap3A_1387 = vector.shape_cast %get3A_657 : vector<16xf32> to vector<1x16xf32>
        tpu.vector_store %arg11[%swap3A_1383, %swap3A_1384], %swap3A_1387 {add = true, strides = array<i32>} : memref<128x128xf32, #tpu.memory_space<vmem>>, vector<1x16xf32>,
        %mul3A_1388 = arith.constant 8 : i32
        %mul3A_1389 = arith.muli %scan3A_875, %mul3A_1388 : i32
        %add3A_1390 = arith.constant 7 : i32
        %add3A_1391 = arith.addi %mul3A_1389, %add3A_1390 : i32
        %swap3A_1392 = arith.index_cast %add3A_1391 : i32 to index
        %swap3A_1393 = arith.constant 16 : index
        %swap3A_1394 = tpu.vector_load %arg11[%swap3A_1392, %swap3A_1393] {strides = array<i32>} : memref<128x128xf32, #tpu.memory_space<vmem>>, vector<1x16xf32>,
        %swap3A_1395 = vector.shape_cast %swap3A_1394 : vector<1x16xf32> to vector<16xf32>
        %swap3A_1396 = vector.shape_cast %get3A_661 : vector<16xf32> to vector<1x16xf32>
        tpu.vector_store %arg11[%swap3A_1392, %swap3A_1393], %swap3A_1396 {add = true, strides = array<i32>} : memref<128x128xf32, #tpu.memory_space<vmem>>, vector<1x16xf32>,
        %mul3A_1397 = arith.constant 8 : i32
        %mul3A_1398 = arith.muli %scan3A_875, %mul3A_1397 : i32
        %add3A_1399 = arith.constant 7 : i32
        %add3A_1400 = arith.addi %mul3A_1398, %add3A_1399 : i32
        %swap3A_1401 = arith.index_cast %add3A_1400 : i32 to index
        %swap3A_1402 = arith.constant 32 : index
        %swap3A_1403 = tpu.vector_load %arg11[%swap3A_1401, %swap3A_1402] {strides = array<i32>} : memref<128x128xf32, #tpu.memory_space<vmem>>, vector<1x16xf32>,
        %swap3A_1404 = vector.shape_cast %swap3A_1403 : vector<1x16xf32> to vector<16xf32>
        %swap3A_1405 = vector.shape_cast %get3A_665 : vector<16xf32> to vector<1x16xf32>
        tpu.vector_store %arg11[%swap3A_1401, %swap3A_1402], %swap3A_1405 {add = true, strides = array<i32>} : memref<128x128xf32, #tpu.memory_space<vmem>>, vector<1x16xf32>,
        %mul3A_1406 = arith.constant 8 : i32
        %mul3A_1407 = arith.muli %scan3A_875, %mul3A_1406 : i32
        %add3A_1408 = arith.constant 7 : i32
        %add3A_1409 = arith.addi %mul3A_1407, %add3A_1408 : i32
        %swap3A_1410 = arith.index_cast %add3A_1409 : i32 to index
        %swap3A_1411 = arith.constant 48 : index
        %swap3A_1412 = tpu.vector_load %arg11[%swap3A_1410, %swap3A_1411] {strides = array<i32>} : memref<128x128xf32, #tpu.memory_space<vmem>>, vector<1x16xf32>,
        %swap3A_1413 = vector.shape_cast %swap3A_1412 : vector<1x16xf32> to vector<16xf32>
        %swap3A_1414 = vector.shape_cast %get3A_669 : vector<16xf32> to vector<1x16xf32>
        tpu.vector_store %arg11[%swap3A_1410, %swap3A_1411], %swap3A_1414 {add = true, strides = array<i32>} : memref<128x128xf32, #tpu.memory_space<vmem>>, vector<1x16xf32>,
        %mul3A_1415 = arith.constant 8 : i32
        %mul3A_1416 = arith.muli %scan3A_875, %mul3A_1415 : i32
        %add3A_1417 = arith.constant 7 : i32
        %add3A_1418 = arith.addi %mul3A_1416, %add3A_1417 : i32
        %swap3A_1419 = arith.index_cast %add3A_1418 : i32 to index
        %swap3A_1420 = arith.constant 64 : index
        %swap3A_1421 = tpu.vector_load %arg11[%swap3A_1419, %swap3A_1420] {strides = array<i32>} : memref<128x128xf32, #tpu.memory_space<vmem>>, vector<1x16xf32>,
        %swap3A_1422 = vector.shape_cast %swap3A_1421 : vector<1x16xf32> to vector<16xf32>
        %swap3A_1423 = vector.shape_cast %get3A_673 : vector<16xf32> to vector<1x16xf32>
        tpu.vector_store %arg11[%swap3A_1419, %swap3A_1420], %swap3A_1423 {add = true, strides = array<i32>} : memref<128x128xf32, #tpu.memory_space<vmem>>, vector<1x16xf32>,
        %mul3A_1424 = arith.constant 8 : i32
        %mul3A_1425 = arith.muli %scan3A_875, %mul3A_1424 : i32
        %add3A_1426 = arith.constant 7 : i32
        %add3A_1427 = arith.addi %mul3A_1425, %add3A_1426 : i32
        %swap3A_1428 = arith.index_cast %add3A_1427 : i32 to index
        %swap3A_1429 = arith.constant 80 : index
        %swap3A_1430 = tpu.vector_load %arg11[%swap3A_1428, %swap3A_1429] {strides = array<i32>} : memref<128x128xf32, #tpu.memory_space<vmem>>, vector<1x16xf32>,
        %swap3A_1431 = vector.shape_cast %swap3A_1430 : vector<1x16xf32> to vector<16xf32>
        %swap3A_1432 = vector.shape_cast %get3A_677 : vector<16xf32> to vector<1x16xf32>
        tpu.vector_store %arg11[%swap3A_1428, %swap3A_1429], %swap3A_1432 {add = true, strides = array<i32>} : memref<128x128xf32, #tpu.memory_space<vmem>>, vector<1x16xf32>,
        %mul3A_1433 = arith.constant 8 : i32
        %mul3A_1434 = arith.muli %scan3A_875, %mul3A_1433 : i32
        %add3A_1435 = arith.constant 7 : i32
        %add3A_1436 = arith.addi %mul3A_1434, %add3A_1435 : i32
        %swap3A_1437 = arith.index_cast %add3A_1436 : i32 to index
        %swap3A_1438 = arith.constant 96 : index
        %swap3A_1439 = tpu.vector_load %arg11[%swap3A_1437, %swap3A_1438] {strides = array<i32>} : memref<128x128xf32, #tpu.memory_space<vmem>>, vector<1x16xf32>,
        %swap3A_1440 = vector.shape_cast %swap3A_1439 : vector<1x16xf32> to vector<16xf32>
        %swap3A_1441 = vector.shape_cast %get3A_681 : vector<16xf32> to vector<1x16xf32>
        tpu.vector_store %arg11[%swap3A_1437, %swap3A_1438], %swap3A_1441 {add = true, strides = array<i32>} : memref<128x128xf32, #tpu.memory_space<vmem>>, vector<1x16xf32>,
        %mul3A_1442 = arith.constant 8 : i32
        %mul3A_1443 = arith.muli %scan3A_875, %mul3A_1442 : i32
        %add3A_1444 = arith.constant 7 : i32
        %add3A_1445 = arith.addi %mul3A_1443, %add3A_1444 : i32
        %swap3A_1446 = arith.index_cast %add3A_1445 : i32 to index
        %swap3A_1447 = arith.constant 112 : index
        %swap3A_1448 = tpu.vector_load %arg11[%swap3A_1446, %swap3A_1447] {strides = array<i32>} : memref<128x128xf32, #tpu.memory_space<vmem>>, vector<1x16xf32>,
        %swap3A_1449 = vector.shape_cast %swap3A_1448 : vector<1x16xf32> to vector<16xf32>
        %swap3A_1450 = vector.shape_cast %get3A_685 : vector<16xf32> to vector<1x16xf32>
        tpu.vector_store %arg11[%swap3A_1446, %swap3A_1447], %swap3A_1450 {add = true, strides = array<i32>} : memref<128x128xf32, #tpu.memory_space<vmem>>, vector<1x16xf32>,
      }
      %scan3A_691 = arith.constant 16 : i32
      %jit3A_692 = arith.constant 1024 : i32
      %div3A_693 = arith.divsi %add3A_622, %jit3A_692 : i32
      %sign3A_694 = arith.constant 0 : i32
      %sign3A_695 = arith.cmpi sgt, %add3A_622, %sign3A_694 : i32
      %sign3A_696 = arith.extui %sign3A_695 : i1 to i32
      %sign3A_697 = arith.constant 0 : i32
      %sign3A_698 = arith.cmpi slt, %add3A_622, %sign3A_697 : i32
      %sign3A_699 = arith.extui %sign3A_698 : i1 to i32
      %sign3A_700 = arith.subi %sign3A_696, %sign3A_699 : i32
      %sign3A_701 = arith.constant 0 : i32
      %sign3A_702 = arith.cmpi sgt, %jit3A_692, %sign3A_701 : i32
      %sign3A_703 = arith.extui %sign3A_702 : i1 to i32
      %sign3A_704 = arith.constant 0 : i32
      %sign3A_705 = arith.cmpi slt, %jit3A_692, %sign3A_704 : i32
      %sign3A_706 = arith.extui %sign3A_705 : i1 to i32
      %sign3A_707 = arith.subi %sign3A_703, %sign3A_706 : i32
      %ne3A_708 = arith.cmpi ne, %sign3A_700, %sign3A_707 : i32
      %rem3A_709 = arith.remsi %add3A_622, %jit3A_692 : i32
      %ne3A_710 = arith.constant 0 : i32
      %ne3A_711 = arith.cmpi ne, %rem3A_709, %ne3A_710 : i32
      %and3A_712 = arith.andi %ne3A_708, %ne3A_711 : i1
      %sub3A_713 = arith.constant 1 : i32
      %sub3A_714 = arith.subi %div3A_693, %sub3A_713 : i32
      %select_n3A_715 = arith.select %and3A_712, %sub3A_714, %div3A_693 : i32
      %jit3A_716 = arith.constant 1024 : i32
      %eq3A_717 = arith.constant 0 : i32
      %eq3A_718 = arith.cmpi eq, %jit3A_716, %eq3A_717 : i32
      %jit3A_719 = arith.constant 1 : i32
      %select_n3A_720 = arith.select %eq3A_718, %jit3A_719, %jit3A_716 : i32
      %rem3A_721 = arith.remsi %add3A_622, %select_n3A_720 : i32
      %ne3A_722 = arith.constant 0 : i32
      %ne3A_723 = arith.cmpi ne, %rem3A_721, %ne3A_722 : i32
      %lt3A_724 = arith.constant 0 : i32
      %lt3A_725 = arith.cmpi slt, %rem3A_721, %lt3A_724 : i32
      %lt3A_726 = arith.constant 0 : i32
      %lt3A_727 = arith.cmpi slt, %select_n3A_720, %lt3A_726 : i32
      %ne3A_728 = arith.xori %lt3A_725, %lt3A_727 : i1
      %and3A_729 = arith.andi %ne3A_728, %ne3A_723 : i1
      %add3A_730 = arith.addi %rem3A_721, %select_n3A_720 : i32
      %select_n3A_731 = arith.select %and3A_729, %add3A_730, %rem3A_721 : i32
      %dma_start3A_732 = arith.constant 0 : i32
      %dma_start3A_733 = tpu.memref_slice %arg5[%select_n3A_715, %select_n3A_731, %dma_start3A_732] : memref<200x1024x128xf32, #tpu.memory_space<hbm>> -> memref<1x128x128xf32, #tpu.memory_space<hbm>>
      %dma_start3A_734 = tpu.memref_squeeze %dma_start3A_733 : memref<1x128x128xf32, #tpu.memory_space<hbm>> -> memref<128x128xf32, #tpu.memory_space<hbm>>
      %dma_start3A_735 = arith.constant 0 : i32
      %dma_start3A_736 = tpu.memref_slice %arg5[%select_n3A_715, %select_n3A_731, %dma_start3A_735] : memref<200x1024x128xf32, #tpu.memory_space<hbm>> -> memref<1x128x128xf32, #tpu.memory_space<hbm>>
      %dma_start3A_737 = tpu.memref_squeeze %dma_start3A_736 : memref<1x128x128xf32, #tpu.memory_space<hbm>> -> memref<128x128xf32, #tpu.memory_space<hbm>>
      tpu.enqueue_dma source(%arg11 : memref<128x128xf32, #tpu.memory_space<vmem>>) target(%dma_start3A_737 : memref<128x128xf32, #tpu.memory_space<hbm>>) target_semaphore(%arg16 : memref<!tpu.dma_semaphore, #tpu.memory_space<semaphore_mem>>)
      %lt3A_738 = arith.constant 9 : i32
      %lt3A_739 = arith.cmpi slt, %scan3A_244, %lt3A_738 : i32
      %convert_element_type3A_740 = arith.extui %lt3A_739 : i1 to i32
      %cond3A_741 = arith.constant 0 : i32
      %cond3A_742 = arith.cmpi ne, %convert_element_type3A_740, %cond3A_741 : i32
      scf.if %cond3A_742 {
        %jit3A_875 = arith.constant 1024 : i32
        %div3A_876 = arith.divsi %mul3A_2, %jit3A_875 : i32
        %sign3A_877 = arith.constant 0 : i32
        %sign3A_878 = arith.cmpi sgt, %mul3A_2, %sign3A_877 : i32
        %sign3A_879 = arith.extui %sign3A_878 : i1 to i32
        %sign3A_880 = arith.constant 0 : i32
        %sign3A_881 = arith.cmpi slt, %mul3A_2, %sign3A_880 : i32
        %sign3A_882 = arith.extui %sign3A_881 : i1 to i32
        %sign3A_883 = arith.subi %sign3A_879, %sign3A_882 : i32
        %sign3A_884 = arith.constant 0 : i32
        %sign3A_885 = arith.cmpi sgt, %jit3A_875, %sign3A_884 : i32
        %sign3A_886 = arith.extui %sign3A_885 : i1 to i32
        %sign3A_887 = arith.constant 0 : i32
        %sign3A_888 = arith.cmpi slt, %jit3A_875, %sign3A_887 : i32
        %sign3A_889 = arith.extui %sign3A_888 : i1 to i32
        %sign3A_890 = arith.subi %sign3A_886, %sign3A_889 : i32
        %ne3A_891 = arith.cmpi ne, %sign3A_883, %sign3A_890 : i32
        %rem3A_892 = arith.remsi %mul3A_2, %jit3A_875 : i32
        %ne3A_893 = arith.constant 0 : i32
        %ne3A_894 = arith.cmpi ne, %rem3A_892, %ne3A_893 : i32
        %and3A_895 = arith.andi %ne3A_891, %ne3A_894 : i1
        %sub3A_896 = arith.constant 1 : i32
        %sub3A_897 = arith.subi %div3A_876, %sub3A_896 : i32
        %select_n3A_898 = arith.select %and3A_895, %sub3A_897, %div3A_876 : i32
        %dma_wait3A_899 = arith.constant 0 : i32
        %dma_wait3A_900 = arith.constant 0 : i32
        %dma_wait3A_901 = tpu.memref_slice %arg5[%select_n3A_898, %dma_wait3A_899, %dma_wait3A_900] : memref<200x1024x128xf32, #tpu.memory_space<hbm>> -> memref<1x128x128xf32, #tpu.memory_space<hbm>>
        %dma_wait3A_902 = tpu.memref_squeeze %dma_wait3A_901 : memref<1x128x128xf32, #tpu.memory_space<hbm>> -> memref<128x128xf32, #tpu.memory_space<hbm>>
        %dma_wait3A_903 = arith.constant 0 : i32
        %dma_wait3A_904 = arith.constant 0 : i32
        %dma_wait3A_905 = tpu.memref_slice %arg5[%select_n3A_898, %dma_wait3A_903, %dma_wait3A_904] : memref<200x1024x128xf32, #tpu.memory_space<hbm>> -> memref<1x128x128xf32, #tpu.memory_space<hbm>>
        %dma_wait3A_906 = tpu.memref_squeeze %dma_wait3A_905 : memref<1x128x128xf32, #tpu.memory_space<hbm>> -> memref<128x128xf32, #tpu.memory_space<hbm>>
        tpu.wait_dma2 semaphore(%arg15 : memref<!tpu.dma_semaphore, #tpu.memory_space<semaphore_mem>>) src(%arg10 : memref<128x128xf32, #tpu.memory_space<vmem>>) dst(%dma_wait3A_906 : memref<128x128xf32, #tpu.memory_space<hbm>>)
        %add3A_907 = arith.constant 1 : i32
        %add3A_908 = arith.addi %scan3A_244, %add3A_907 : i32
        %mul3A_909 = arith.constant 5 : i32
        %mul3A_910 = arith.muli %add3A_908, %mul3A_909 : i32
        %add3A_911 = arith.constant 3 : i32
        %add3A_912 = arith.addi %mul3A_910, %add3A_911 : i32
        %sub3A_913 = arith.constant 1 : i32
        %sub3A_914 = arith.subi %add3A_912, %sub3A_913 : i32
        %dma_start3A_915 = arith.constant 0 : i32
        %dma_start3A_916 = tpu.memref_slice %arg6[%sub3A_914, %dma_start3A_915] : memref<50x128xi32, #tpu.memory_space<vmem>> -> memref<1x128xi32, #tpu.memory_space<vmem>>
        %dma_start3A_917 = tpu.memref_squeeze %dma_start3A_916 : memref<1x128xi32, #tpu.memory_space<vmem>> -> memref<128xi32, #tpu.memory_space<vmem>>
        %dma_start3A_918 = arith.constant 0 : i32
        %dma_start3A_919 = arith.constant 0 : i32
        %dma_start3A_920 = tpu.memref_slice %arg3[%dma_start3A_918, %dma_start3A_919] : memref<1000000x128xf32, #tpu.memory_space<hbm>> -> memref<1000000x128xf32, #tpu.memory_space<hbm>>
        tpu.enqueue_indirect_dma source(%dma_start3A_920 : memref<1000000x128xf32, #tpu.memory_space<hbm>>) target(%arg10 : memref<128x128xf32, #tpu.memory_space<vmem>>) offsets(%dma_start3A_917 : memref<128xi32, #tpu.memory_space<vmem>>) semaphore(%arg15 : memref<!tpu.dma_semaphore, #tpu.memory_space<semaphore_mem>>)
      } else {
      }
      %mul3A_743 = arith.constant 5 : i32
      %mul3A_744 = arith.muli %scan3A_244, %mul3A_743 : i32
      %add3A_745 = arith.constant 4 : i32
      %add3A_746 = arith.addi %mul3A_744, %add3A_745 : i32
      %mul3A_747 = arith.constant 128 : i32
      %mul3A_748 = arith.muli %add3A_746, %mul3A_747 : i32
      %add3A_749 = arith.addi %mul3A_2, %mul3A_748 : i32
      %dma_wait3A_750 = arith.constant 0 : i32
      %dma_wait3A_751 = tpu.memref_slice %arg6[%add3A_746, %dma_wait3A_750] : memref<50x128xi32, #tpu.memory_space<vmem>> -> memref<1x128xi32, #tpu.memory_space<vmem>>
      %dma_wait3A_752 = tpu.memref_squeeze %dma_wait3A_751 : memref<1x128xi32, #tpu.memory_space<vmem>> -> memref<128xi32, #tpu.memory_space<vmem>>
      %dma_wait3A_753 = arith.constant 0 : i32
      %dma_wait3A_754 = arith.constant 0 : i32
      %dma_wait3A_755 = tpu.memref_slice %arg3[%dma_wait3A_753, %dma_wait3A_754] : memref<1000000x128xf32, #tpu.memory_space<hbm>> -> memref<1000000x128xf32, #tpu.memory_space<hbm>>
      tpu.wait_indirect_dma semaphore(%arg17 : memref<!tpu.dma_semaphore, #tpu.memory_space<semaphore_mem>>) src(%dma_wait3A_755 : memref<1000000x128xf32, #tpu.memory_space<hbm>>) dst(%arg12 : memref<128x128xf32, #tpu.memory_space<vmem>>)
      %jit3A_756 = arith.constant 1024 : i32
      %div3A_757 = arith.divsi %add3A_749, %jit3A_756 : i32
      %sign3A_758 = arith.constant 0 : i32
      %sign3A_759 = arith.cmpi sgt, %add3A_749, %sign3A_758 : i32
      %sign3A_760 = arith.extui %sign3A_759 : i1 to i32
      %sign3A_761 = arith.constant 0 : i32
      %sign3A_762 = arith.cmpi slt, %add3A_749, %sign3A_761 : i32
      %sign3A_763 = arith.extui %sign3A_762 : i1 to i32
      %sign3A_764 = arith.subi %sign3A_760, %sign3A_763 : i32
      %sign3A_765 = arith.constant 0 : i32
      %sign3A_766 = arith.cmpi sgt, %jit3A_756, %sign3A_765 : i32
      %sign3A_767 = arith.extui %sign3A_766 : i1 to i32
      %sign3A_768 = arith.constant 0 : i32
      %sign3A_769 = arith.cmpi slt, %jit3A_756, %sign3A_768 : i32
      %sign3A_770 = arith.extui %sign3A_769 : i1 to i32
      %sign3A_771 = arith.subi %sign3A_767, %sign3A_770 : i32
      %ne3A_772 = arith.cmpi ne, %sign3A_764, %sign3A_771 : i32
      %rem3A_773 = arith.remsi %add3A_749, %jit3A_756 : i32
      %ne3A_774 = arith.constant 0 : i32
      %ne3A_775 = arith.cmpi ne, %rem3A_773, %ne3A_774 : i32
      %and3A_776 = arith.andi %ne3A_772, %ne3A_775 : i1
      %sub3A_777 = arith.constant 1 : i32
      %sub3A_778 = arith.subi %div3A_757, %sub3A_777 : i32
      %select_n3A_779 = arith.select %and3A_776, %sub3A_778, %div3A_757 : i32
      %sub3A_780 = arith.subi %select_n3A_779, %min3A_45 : i32
      %get3A_781 = arith.index_cast %sub3A_780 : i32 to index
      %get3A_782 = arith.constant 0 : index
      %get3A_783 = tpu.vector_load %arg7[%get3A_781, %get3A_782] {strides = array<i32>} : memref<16x128xf32, #tpu.memory_space<vmem>>, vector<1x16xf32>,
      %get3A_784 = vector.shape_cast %get3A_783 : vector<1x16xf32> to vector<16xf32>
      %get3A_785 = arith.index_cast %sub3A_780 : i32 to index
      %get3A_786 = arith.constant 16 : index
      %get3A_787 = tpu.vector_load %arg7[%get3A_785, %get3A_786] {strides = array<i32>} : memref<16x128xf32, #tpu.memory_space<vmem>>, vector<1x16xf32>,
      %get3A_788 = vector.shape_cast %get3A_787 : vector<1x16xf32> to vector<16xf32>
      %get3A_789 = arith.index_cast %sub3A_780 : i32 to index
      %get3A_790 = arith.constant 32 : index
      %get3A_791 = tpu.vector_load %arg7[%get3A_789, %get3A_790] {strides = array<i32>} : memref<16x128xf32, #tpu.memory_space<vmem>>, vector<1x16xf32>,
      %get3A_792 = vector.shape_cast %get3A_791 : vector<1x16xf32> to vector<16xf32>
      %get3A_793 = arith.index_cast %sub3A_780 : i32 to index
      %get3A_794 = arith.constant 48 : index
      %get3A_795 = tpu.vector_load %arg7[%get3A_793, %get3A_794] {strides = array<i32>} : memref<16x128xf32, #tpu.memory_space<vmem>>, vector<1x16xf32>,
      %get3A_796 = vector.shape_cast %get3A_795 : vector<1x16xf32> to vector<16xf32>
      %get3A_797 = arith.index_cast %sub3A_780 : i32 to index
      %get3A_798 = arith.constant 64 : index
      %get3A_799 = tpu.vector_load %arg7[%get3A_797, %get3A_798] {strides = array<i32>} : memref<16x128xf32, #tpu.memory_space<vmem>>, vector<1x16xf32>,
      %get3A_800 = vector.shape_cast %get3A_799 : vector<1x16xf32> to vector<16xf32>
      %get3A_801 = arith.index_cast %sub3A_780 : i32 to index
      %get3A_802 = arith.constant 80 : index
      %get3A_803 = tpu.vector_load %arg7[%get3A_801, %get3A_802] {strides = array<i32>} : memref<16x128xf32, #tpu.memory_space<vmem>>, vector<1x16xf32>,
      %get3A_804 = vector.shape_cast %get3A_803 : vector<1x16xf32> to vector<16xf32>
      %get3A_805 = arith.index_cast %sub3A_780 : i32 to index
      %get3A_806 = arith.constant 96 : index
      %get3A_807 = tpu.vector_load %arg7[%get3A_805, %get3A_806] {strides = array<i32>} : memref<16x128xf32, #tpu.memory_space<vmem>>, vector<1x16xf32>,
      %get3A_808 = vector.shape_cast %get3A_807 : vector<1x16xf32> to vector<16xf32>
      %get3A_809 = arith.index_cast %sub3A_780 : i32 to index
      %get3A_810 = arith.constant 112 : index
      %get3A_811 = tpu.vector_load %arg7[%get3A_809, %get3A_810] {strides = array<i32>} : memref<16x128xf32, #tpu.memory_space<vmem>>, vector<1x16xf32>,
      %get3A_812 = vector.shape_cast %get3A_811 : vector<1x16xf32> to vector<16xf32>
      %scan3A_813 = arith.constant 0 : i32
      %scan3A_814 = arith.constant 0 : i32
      %scan3A_815 = arith.constant 16 : i32
      %scan3A_816 = arith.addi %scan3A_814, %scan3A_815 : i32
      %scan3A_817 = arith.constant 1 : i32
      scf.for %scan3A_875 = %scan3A_814 to %scan3A_816 step %scan3A_817  : i32 {
        %mul3A_876 = arith.constant 8 : i32
        %mul3A_877 = arith.muli %scan3A_875, %mul3A_876 : i32
        %add3A_878 = arith.constant 0 : i32
        %add3A_879 = arith.addi %mul3A_877, %add3A_878 : i32
        %swap3A = arith.index_cast %add3A_879 : i32 to index
        %swap3A_880 = arith.constant 0 : index
        %swap3A_881 = tpu.vector_load %arg12[%swap3A, %swap3A_880] {strides = array<i32>} : memref<128x128xf32, #tpu.memory_space<vmem>>, vector<1x16xf32>,
        %swap3A_882 = vector.shape_cast %swap3A_881 : vector<1x16xf32> to vector<16xf32>
        %swap3A_883 = vector.shape_cast %get3A_784 : vector<16xf32> to vector<1x16xf32>
        tpu.vector_store %arg12[%swap3A, %swap3A_880], %swap3A_883 {add = true, strides = array<i32>} : memref<128x128xf32, #tpu.memory_space<vmem>>, vector<1x16xf32>,
        %mul3A_884 = arith.constant 8 : i32
        %mul3A_885 = arith.muli %scan3A_875, %mul3A_884 : i32
        %add3A_886 = arith.constant 0 : i32
        %add3A_887 = arith.addi %mul3A_885, %add3A_886 : i32
        %swap3A_888 = arith.index_cast %add3A_887 : i32 to index
        %swap3A_889 = arith.constant 16 : index
        %swap3A_890 = tpu.vector_load %arg12[%swap3A_888, %swap3A_889] {strides = array<i32>} : memref<128x128xf32, #tpu.memory_space<vmem>>, vector<1x16xf32>,
        %swap3A_891 = vector.shape_cast %swap3A_890 : vector<1x16xf32> to vector<16xf32>
        %swap3A_892 = vector.shape_cast %get3A_788 : vector<16xf32> to vector<1x16xf32>
        tpu.vector_store %arg12[%swap3A_888, %swap3A_889], %swap3A_892 {add = true, strides = array<i32>} : memref<128x128xf32, #tpu.memory_space<vmem>>, vector<1x16xf32>,
        %mul3A_893 = arith.constant 8 : i32
        %mul3A_894 = arith.muli %scan3A_875, %mul3A_893 : i32
        %add3A_895 = arith.constant 0 : i32
        %add3A_896 = arith.addi %mul3A_894, %add3A_895 : i32
        %swap3A_897 = arith.index_cast %add3A_896 : i32 to index
        %swap3A_898 = arith.constant 32 : index
        %swap3A_899 = tpu.vector_load %arg12[%swap3A_897, %swap3A_898] {strides = array<i32>} : memref<128x128xf32, #tpu.memory_space<vmem>>, vector<1x16xf32>,
        %swap3A_900 = vector.shape_cast %swap3A_899 : vector<1x16xf32> to vector<16xf32>
        %swap3A_901 = vector.shape_cast %get3A_792 : vector<16xf32> to vector<1x16xf32>
        tpu.vector_store %arg12[%swap3A_897, %swap3A_898], %swap3A_901 {add = true, strides = array<i32>} : memref<128x128xf32, #tpu.memory_space<vmem>>, vector<1x16xf32>,
        %mul3A_902 = arith.constant 8 : i32
        %mul3A_903 = arith.muli %scan3A_875, %mul3A_902 : i32
        %add3A_904 = arith.constant 0 : i32
        %add3A_905 = arith.addi %mul3A_903, %add3A_904 : i32
        %swap3A_906 = arith.index_cast %add3A_905 : i32 to index
        %swap3A_907 = arith.constant 48 : index
        %swap3A_908 = tpu.vector_load %arg12[%swap3A_906, %swap3A_907] {strides = array<i32>} : memref<128x128xf32, #tpu.memory_space<vmem>>, vector<1x16xf32>,
        %swap3A_909 = vector.shape_cast %swap3A_908 : vector<1x16xf32> to vector<16xf32>
        %swap3A_910 = vector.shape_cast %get3A_796 : vector<16xf32> to vector<1x16xf32>
        tpu.vector_store %arg12[%swap3A_906, %swap3A_907], %swap3A_910 {add = true, strides = array<i32>} : memref<128x128xf32, #tpu.memory_space<vmem>>, vector<1x16xf32>,
        %mul3A_911 = arith.constant 8 : i32
        %mul3A_912 = arith.muli %scan3A_875, %mul3A_911 : i32
        %add3A_913 = arith.constant 0 : i32
        %add3A_914 = arith.addi %mul3A_912, %add3A_913 : i32
        %swap3A_915 = arith.index_cast %add3A_914 : i32 to index
        %swap3A_916 = arith.constant 64 : index
        %swap3A_917 = tpu.vector_load %arg12[%swap3A_915, %swap3A_916] {strides = array<i32>} : memref<128x128xf32, #tpu.memory_space<vmem>>, vector<1x16xf32>,
        %swap3A_918 = vector.shape_cast %swap3A_917 : vector<1x16xf32> to vector<16xf32>
        %swap3A_919 = vector.shape_cast %get3A_800 : vector<16xf32> to vector<1x16xf32>
        tpu.vector_store %arg12[%swap3A_915, %swap3A_916], %swap3A_919 {add = true, strides = array<i32>} : memref<128x128xf32, #tpu.memory_space<vmem>>, vector<1x16xf32>,
        %mul3A_920 = arith.constant 8 : i32
        %mul3A_921 = arith.muli %scan3A_875, %mul3A_920 : i32
        %add3A_922 = arith.constant 0 : i32
        %add3A_923 = arith.addi %mul3A_921, %add3A_922 : i32
        %swap3A_924 = arith.index_cast %add3A_923 : i32 to index
        %swap3A_925 = arith.constant 80 : index
        %swap3A_926 = tpu.vector_load %arg12[%swap3A_924, %swap3A_925] {strides = array<i32>} : memref<128x128xf32, #tpu.memory_space<vmem>>, vector<1x16xf32>,
        %swap3A_927 = vector.shape_cast %swap3A_926 : vector<1x16xf32> to vector<16xf32>
        %swap3A_928 = vector.shape_cast %get3A_804 : vector<16xf32> to vector<1x16xf32>
        tpu.vector_store %arg12[%swap3A_924, %swap3A_925], %swap3A_928 {add = true, strides = array<i32>} : memref<128x128xf32, #tpu.memory_space<vmem>>, vector<1x16xf32>,
        %mul3A_929 = arith.constant 8 : i32
        %mul3A_930 = arith.muli %scan3A_875, %mul3A_929 : i32
        %add3A_931 = arith.constant 0 : i32
        %add3A_932 = arith.addi %mul3A_930, %add3A_931 : i32
        %swap3A_933 = arith.index_cast %add3A_932 : i32 to index
        %swap3A_934 = arith.constant 96 : index
        %swap3A_935 = tpu.vector_load %arg12[%swap3A_933, %swap3A_934] {strides = array<i32>} : memref<128x128xf32, #tpu.memory_space<vmem>>, vector<1x16xf32>,
        %swap3A_936 = vector.shape_cast %swap3A_935 : vector<1x16xf32> to vector<16xf32>
        %swap3A_937 = vector.shape_cast %get3A_808 : vector<16xf32> to vector<1x16xf32>
        tpu.vector_store %arg12[%swap3A_933, %swap3A_934], %swap3A_937 {add = true, strides = array<i32>} : memref<128x128xf32, #tpu.memory_space<vmem>>, vector<1x16xf32>,
        %mul3A_938 = arith.constant 8 : i32
        %mul3A_939 = arith.muli %scan3A_875, %mul3A_938 : i32
        %add3A_940 = arith.constant 0 : i32
        %add3A_941 = arith.addi %mul3A_939, %add3A_940 : i32
        %swap3A_942 = arith.index_cast %add3A_941 : i32 to index
        %swap3A_943 = arith.constant 112 : index
        %swap3A_944 = tpu.vector_load %arg12[%swap3A_942, %swap3A_943] {strides = array<i32>} : memref<128x128xf32, #tpu.memory_space<vmem>>, vector<1x16xf32>,
        %swap3A_945 = vector.shape_cast %swap3A_944 : vector<1x16xf32> to vector<16xf32>
        %swap3A_946 = vector.shape_cast %get3A_812 : vector<16xf32> to vector<1x16xf32>
        tpu.vector_store %arg12[%swap3A_942, %swap3A_943], %swap3A_946 {add = true, strides = array<i32>} : memref<128x128xf32, #tpu.memory_space<vmem>>, vector<1x16xf32>,
        %mul3A_947 = arith.constant 8 : i32
        %mul3A_948 = arith.muli %scan3A_875, %mul3A_947 : i32
        %add3A_949 = arith.constant 1 : i32
        %add3A_950 = arith.addi %mul3A_948, %add3A_949 : i32
        %swap3A_951 = arith.index_cast %add3A_950 : i32 to index
        %swap3A_952 = arith.constant 0 : index
        %swap3A_953 = tpu.vector_load %arg12[%swap3A_951, %swap3A_952] {strides = array<i32>} : memref<128x128xf32, #tpu.memory_space<vmem>>, vector<1x16xf32>,
        %swap3A_954 = vector.shape_cast %swap3A_953 : vector<1x16xf32> to vector<16xf32>
        %swap3A_955 = vector.shape_cast %get3A_784 : vector<16xf32> to vector<1x16xf32>
        tpu.vector_store %arg12[%swap3A_951, %swap3A_952], %swap3A_955 {add = true, strides = array<i32>} : memref<128x128xf32, #tpu.memory_space<vmem>>, vector<1x16xf32>,
        %mul3A_956 = arith.constant 8 : i32
        %mul3A_957 = arith.muli %scan3A_875, %mul3A_956 : i32
        %add3A_958 = arith.constant 1 : i32
        %add3A_959 = arith.addi %mul3A_957, %add3A_958 : i32
        %swap3A_960 = arith.index_cast %add3A_959 : i32 to index
        %swap3A_961 = arith.constant 16 : index
        %swap3A_962 = tpu.vector_load %arg12[%swap3A_960, %swap3A_961] {strides = array<i32>} : memref<128x128xf32, #tpu.memory_space<vmem>>, vector<1x16xf32>,
        %swap3A_963 = vector.shape_cast %swap3A_962 : vector<1x16xf32> to vector<16xf32>
        %swap3A_964 = vector.shape_cast %get3A_788 : vector<16xf32> to vector<1x16xf32>
        tpu.vector_store %arg12[%swap3A_960, %swap3A_961], %swap3A_964 {add = true, strides = array<i32>} : memref<128x128xf32, #tpu.memory_space<vmem>>, vector<1x16xf32>,
        %mul3A_965 = arith.constant 8 : i32
        %mul3A_966 = arith.muli %scan3A_875, %mul3A_965 : i32
        %add3A_967 = arith.constant 1 : i32
        %add3A_968 = arith.addi %mul3A_966, %add3A_967 : i32
        %swap3A_969 = arith.index_cast %add3A_968 : i32 to index
        %swap3A_970 = arith.constant 32 : index
        %swap3A_971 = tpu.vector_load %arg12[%swap3A_969, %swap3A_970] {strides = array<i32>} : memref<128x128xf32, #tpu.memory_space<vmem>>, vector<1x16xf32>,
        %swap3A_972 = vector.shape_cast %swap3A_971 : vector<1x16xf32> to vector<16xf32>
        %swap3A_973 = vector.shape_cast %get3A_792 : vector<16xf32> to vector<1x16xf32>
        tpu.vector_store %arg12[%swap3A_969, %swap3A_970], %swap3A_973 {add = true, strides = array<i32>} : memref<128x128xf32, #tpu.memory_space<vmem>>, vector<1x16xf32>,
        %mul3A_974 = arith.constant 8 : i32
        %mul3A_975 = arith.muli %scan3A_875, %mul3A_974 : i32
        %add3A_976 = arith.constant 1 : i32
        %add3A_977 = arith.addi %mul3A_975, %add3A_976 : i32
        %swap3A_978 = arith.index_cast %add3A_977 : i32 to index
        %swap3A_979 = arith.constant 48 : index
        %swap3A_980 = tpu.vector_load %arg12[%swap3A_978, %swap3A_979] {strides = array<i32>} : memref<128x128xf32, #tpu.memory_space<vmem>>, vector<1x16xf32>,
        %swap3A_981 = vector.shape_cast %swap3A_980 : vector<1x16xf32> to vector<16xf32>
        %swap3A_982 = vector.shape_cast %get3A_796 : vector<16xf32> to vector<1x16xf32>
        tpu.vector_store %arg12[%swap3A_978, %swap3A_979], %swap3A_982 {add = true, strides = array<i32>} : memref<128x128xf32, #tpu.memory_space<vmem>>, vector<1x16xf32>,
        %mul3A_983 = arith.constant 8 : i32
        %mul3A_984 = arith.muli %scan3A_875, %mul3A_983 : i32
        %add3A_985 = arith.constant 1 : i32
        %add3A_986 = arith.addi %mul3A_984, %add3A_985 : i32
        %swap3A_987 = arith.index_cast %add3A_986 : i32 to index
        %swap3A_988 = arith.constant 64 : index
        %swap3A_989 = tpu.vector_load %arg12[%swap3A_987, %swap3A_988] {strides = array<i32>} : memref<128x128xf32, #tpu.memory_space<vmem>>, vector<1x16xf32>,
        %swap3A_990 = vector.shape_cast %swap3A_989 : vector<1x16xf32> to vector<16xf32>
        %swap3A_991 = vector.shape_cast %get3A_800 : vector<16xf32> to vector<1x16xf32>
        tpu.vector_store %arg12[%swap3A_987, %swap3A_988], %swap3A_991 {add = true, strides = array<i32>} : memref<128x128xf32, #tpu.memory_space<vmem>>, vector<1x16xf32>,
        %mul3A_992 = arith.constant 8 : i32
        %mul3A_993 = arith.muli %scan3A_875, %mul3A_992 : i32
        %add3A_994 = arith.constant 1 : i32
        %add3A_995 = arith.addi %mul3A_993, %add3A_994 : i32
        %swap3A_996 = arith.index_cast %add3A_995 : i32 to index
        %swap3A_997 = arith.constant 80 : index
        %swap3A_998 = tpu.vector_load %arg12[%swap3A_996, %swap3A_997] {strides = array<i32>} : memref<128x128xf32, #tpu.memory_space<vmem>>, vector<1x16xf32>,
        %swap3A_999 = vector.shape_cast %swap3A_998 : vector<1x16xf32> to vector<16xf32>
        %swap3A_1000 = vector.shape_cast %get3A_804 : vector<16xf32> to vector<1x16xf32>
        tpu.vector_store %arg12[%swap3A_996, %swap3A_997], %swap3A_1000 {add = true, strides = array<i32>} : memref<128x128xf32, #tpu.memory_space<vmem>>, vector<1x16xf32>,
        %mul3A_1001 = arith.constant 8 : i32
        %mul3A_1002 = arith.muli %scan3A_875, %mul3A_1001 : i32
        %add3A_1003 = arith.constant 1 : i32
        %add3A_1004 = arith.addi %mul3A_1002, %add3A_1003 : i32
        %swap3A_1005 = arith.index_cast %add3A_1004 : i32 to index
        %swap3A_1006 = arith.constant 96 : index
        %swap3A_1007 = tpu.vector_load %arg12[%swap3A_1005, %swap3A_1006] {strides = array<i32>} : memref<128x128xf32, #tpu.memory_space<vmem>>, vector<1x16xf32>,
        %swap3A_1008 = vector.shape_cast %swap3A_1007 : vector<1x16xf32> to vector<16xf32>
        %swap3A_1009 = vector.shape_cast %get3A_808 : vector<16xf32> to vector<1x16xf32>
        tpu.vector_store %arg12[%swap3A_1005, %swap3A_1006], %swap3A_1009 {add = true, strides = array<i32>} : memref<128x128xf32, #tpu.memory_space<vmem>>, vector<1x16xf32>,
        %mul3A_1010 = arith.constant 8 : i32
        %mul3A_1011 = arith.muli %scan3A_875, %mul3A_1010 : i32
        %add3A_1012 = arith.constant 1 : i32
        %add3A_1013 = arith.addi %mul3A_1011, %add3A_1012 : i32
        %swap3A_1014 = arith.index_cast %add3A_1013 : i32 to index
        %swap3A_1015 = arith.constant 112 : index
        %swap3A_1016 = tpu.vector_load %arg12[%swap3A_1014, %swap3A_1015] {strides = array<i32>} : memref<128x128xf32, #tpu.memory_space<vmem>>, vector<1x16xf32>,
        %swap3A_1017 = vector.shape_cast %swap3A_1016 : vector<1x16xf32> to vector<16xf32>
        %swap3A_1018 = vector.shape_cast %get3A_812 : vector<16xf32> to vector<1x16xf32>
        tpu.vector_store %arg12[%swap3A_1014, %swap3A_1015], %swap3A_1018 {add = true, strides = array<i32>} : memref<128x128xf32, #tpu.memory_space<vmem>>, vector<1x16xf32>,
        %mul3A_1019 = arith.constant 8 : i32
        %mul3A_1020 = arith.muli %scan3A_875, %mul3A_1019 : i32
        %add3A_1021 = arith.constant 2 : i32
        %add3A_1022 = arith.addi %mul3A_1020, %add3A_1021 : i32
        %swap3A_1023 = arith.index_cast %add3A_1022 : i32 to index
        %swap3A_1024 = arith.constant 0 : index
        %swap3A_1025 = tpu.vector_load %arg12[%swap3A_1023, %swap3A_1024] {strides = array<i32>} : memref<128x128xf32, #tpu.memory_space<vmem>>, vector<1x16xf32>,
        %swap3A_1026 = vector.shape_cast %swap3A_1025 : vector<1x16xf32> to vector<16xf32>
        %swap3A_1027 = vector.shape_cast %get3A_784 : vector<16xf32> to vector<1x16xf32>
        tpu.vector_store %arg12[%swap3A_1023, %swap3A_1024], %swap3A_1027 {add = true, strides = array<i32>} : memref<128x128xf32, #tpu.memory_space<vmem>>, vector<1x16xf32>,
        %mul3A_1028 = arith.constant 8 : i32
        %mul3A_1029 = arith.muli %scan3A_875, %mul3A_1028 : i32
        %add3A_1030 = arith.constant 2 : i32
        %add3A_1031 = arith.addi %mul3A_1029, %add3A_1030 : i32
        %swap3A_1032 = arith.index_cast %add3A_1031 : i32 to index
        %swap3A_1033 = arith.constant 16 : index
        %swap3A_1034 = tpu.vector_load %arg12[%swap3A_1032, %swap3A_1033] {strides = array<i32>} : memref<128x128xf32, #tpu.memory_space<vmem>>, vector<1x16xf32>,
        %swap3A_1035 = vector.shape_cast %swap3A_1034 : vector<1x16xf32> to vector<16xf32>
        %swap3A_1036 = vector.shape_cast %get3A_788 : vector<16xf32> to vector<1x16xf32>
        tpu.vector_store %arg12[%swap3A_1032, %swap3A_1033], %swap3A_1036 {add = true, strides = array<i32>} : memref<128x128xf32, #tpu.memory_space<vmem>>, vector<1x16xf32>,
        %mul3A_1037 = arith.constant 8 : i32
        %mul3A_1038 = arith.muli %scan3A_875, %mul3A_1037 : i32
        %add3A_1039 = arith.constant 2 : i32
        %add3A_1040 = arith.addi %mul3A_1038, %add3A_1039 : i32
        %swap3A_1041 = arith.index_cast %add3A_1040 : i32 to index
        %swap3A_1042 = arith.constant 32 : index
        %swap3A_1043 = tpu.vector_load %arg12[%swap3A_1041, %swap3A_1042] {strides = array<i32>} : memref<128x128xf32, #tpu.memory_space<vmem>>, vector<1x16xf32>,
        %swap3A_1044 = vector.shape_cast %swap3A_1043 : vector<1x16xf32> to vector<16xf32>
        %swap3A_1045 = vector.shape_cast %get3A_792 : vector<16xf32> to vector<1x16xf32>
        tpu.vector_store %arg12[%swap3A_1041, %swap3A_1042], %swap3A_1045 {add = true, strides = array<i32>} : memref<128x128xf32, #tpu.memory_space<vmem>>, vector<1x16xf32>,
        %mul3A_1046 = arith.constant 8 : i32
        %mul3A_1047 = arith.muli %scan3A_875, %mul3A_1046 : i32
        %add3A_1048 = arith.constant 2 : i32
        %add3A_1049 = arith.addi %mul3A_1047, %add3A_1048 : i32
        %swap3A_1050 = arith.index_cast %add3A_1049 : i32 to index
        %swap3A_1051 = arith.constant 48 : index
        %swap3A_1052 = tpu.vector_load %arg12[%swap3A_1050, %swap3A_1051] {strides = array<i32>} : memref<128x128xf32, #tpu.memory_space<vmem>>, vector<1x16xf32>,
        %swap3A_1053 = vector.shape_cast %swap3A_1052 : vector<1x16xf32> to vector<16xf32>
        %swap3A_1054 = vector.shape_cast %get3A_796 : vector<16xf32> to vector<1x16xf32>
        tpu.vector_store %arg12[%swap3A_1050, %swap3A_1051], %swap3A_1054 {add = true, strides = array<i32>} : memref<128x128xf32, #tpu.memory_space<vmem>>, vector<1x16xf32>,
        %mul3A_1055 = arith.constant 8 : i32
        %mul3A_1056 = arith.muli %scan3A_875, %mul3A_1055 : i32
        %add3A_1057 = arith.constant 2 : i32
        %add3A_1058 = arith.addi %mul3A_1056, %add3A_1057 : i32
        %swap3A_1059 = arith.index_cast %add3A_1058 : i32 to index
        %swap3A_1060 = arith.constant 64 : index
        %swap3A_1061 = tpu.vector_load %arg12[%swap3A_1059, %swap3A_1060] {strides = array<i32>} : memref<128x128xf32, #tpu.memory_space<vmem>>, vector<1x16xf32>,
        %swap3A_1062 = vector.shape_cast %swap3A_1061 : vector<1x16xf32> to vector<16xf32>
        %swap3A_1063 = vector.shape_cast %get3A_800 : vector<16xf32> to vector<1x16xf32>
        tpu.vector_store %arg12[%swap3A_1059, %swap3A_1060], %swap3A_1063 {add = true, strides = array<i32>} : memref<128x128xf32, #tpu.memory_space<vmem>>, vector<1x16xf32>,
        %mul3A_1064 = arith.constant 8 : i32
        %mul3A_1065 = arith.muli %scan3A_875, %mul3A_1064 : i32
        %add3A_1066 = arith.constant 2 : i32
        %add3A_1067 = arith.addi %mul3A_1065, %add3A_1066 : i32
        %swap3A_1068 = arith.index_cast %add3A_1067 : i32 to index
        %swap3A_1069 = arith.constant 80 : index
        %swap3A_1070 = tpu.vector_load %arg12[%swap3A_1068, %swap3A_1069] {strides = array<i32>} : memref<128x128xf32, #tpu.memory_space<vmem>>, vector<1x16xf32>,
        %swap3A_1071 = vector.shape_cast %swap3A_1070 : vector<1x16xf32> to vector<16xf32>
        %swap3A_1072 = vector.shape_cast %get3A_804 : vector<16xf32> to vector<1x16xf32>
        tpu.vector_store %arg12[%swap3A_1068, %swap3A_1069], %swap3A_1072 {add = true, strides = array<i32>} : memref<128x128xf32, #tpu.memory_space<vmem>>, vector<1x16xf32>,
        %mul3A_1073 = arith.constant 8 : i32
        %mul3A_1074 = arith.muli %scan3A_875, %mul3A_1073 : i32
        %add3A_1075 = arith.constant 2 : i32
        %add3A_1076 = arith.addi %mul3A_1074, %add3A_1075 : i32
        %swap3A_1077 = arith.index_cast %add3A_1076 : i32 to index
        %swap3A_1078 = arith.constant 96 : index
        %swap3A_1079 = tpu.vector_load %arg12[%swap3A_1077, %swap3A_1078] {strides = array<i32>} : memref<128x128xf32, #tpu.memory_space<vmem>>, vector<1x16xf32>,
        %swap3A_1080 = vector.shape_cast %swap3A_1079 : vector<1x16xf32> to vector<16xf32>
        %swap3A_1081 = vector.shape_cast %get3A_808 : vector<16xf32> to vector<1x16xf32>
        tpu.vector_store %arg12[%swap3A_1077, %swap3A_1078], %swap3A_1081 {add = true, strides = array<i32>} : memref<128x128xf32, #tpu.memory_space<vmem>>, vector<1x16xf32>,
        %mul3A_1082 = arith.constant 8 : i32
        %mul3A_1083 = arith.muli %scan3A_875, %mul3A_1082 : i32
        %add3A_1084 = arith.constant 2 : i32
        %add3A_1085 = arith.addi %mul3A_1083, %add3A_1084 : i32
        %swap3A_1086 = arith.index_cast %add3A_1085 : i32 to index
        %swap3A_1087 = arith.constant 112 : index
        %swap3A_1088 = tpu.vector_load %arg12[%swap3A_1086, %swap3A_1087] {strides = array<i32>} : memref<128x128xf32, #tpu.memory_space<vmem>>, vector<1x16xf32>,
        %swap3A_1089 = vector.shape_cast %swap3A_1088 : vector<1x16xf32> to vector<16xf32>
        %swap3A_1090 = vector.shape_cast %get3A_812 : vector<16xf32> to vector<1x16xf32>
        tpu.vector_store %arg12[%swap3A_1086, %swap3A_1087], %swap3A_1090 {add = true, strides = array<i32>} : memref<128x128xf32, #tpu.memory_space<vmem>>, vector<1x16xf32>,
        %mul3A_1091 = arith.constant 8 : i32
        %mul3A_1092 = arith.muli %scan3A_875, %mul3A_1091 : i32
        %add3A_1093 = arith.constant 3 : i32
        %add3A_1094 = arith.addi %mul3A_1092, %add3A_1093 : i32
        %swap3A_1095 = arith.index_cast %add3A_1094 : i32 to index
        %swap3A_1096 = arith.constant 0 : index
        %swap3A_1097 = tpu.vector_load %arg12[%swap3A_1095, %swap3A_1096] {strides = array<i32>} : memref<128x128xf32, #tpu.memory_space<vmem>>, vector<1x16xf32>,
        %swap3A_1098 = vector.shape_cast %swap3A_1097 : vector<1x16xf32> to vector<16xf32>
        %swap3A_1099 = vector.shape_cast %get3A_784 : vector<16xf32> to vector<1x16xf32>
        tpu.vector_store %arg12[%swap3A_1095, %swap3A_1096], %swap3A_1099 {add = true, strides = array<i32>} : memref<128x128xf32, #tpu.memory_space<vmem>>, vector<1x16xf32>,
        %mul3A_1100 = arith.constant 8 : i32
        %mul3A_1101 = arith.muli %scan3A_875, %mul3A_1100 : i32
        %add3A_1102 = arith.constant 3 : i32
        %add3A_1103 = arith.addi %mul3A_1101, %add3A_1102 : i32
        %swap3A_1104 = arith.index_cast %add3A_1103 : i32 to index
        %swap3A_1105 = arith.constant 16 : index
        %swap3A_1106 = tpu.vector_load %arg12[%swap3A_1104, %swap3A_1105] {strides = array<i32>} : memref<128x128xf32, #tpu.memory_space<vmem>>, vector<1x16xf32>,
        %swap3A_1107 = vector.shape_cast %swap3A_1106 : vector<1x16xf32> to vector<16xf32>
        %swap3A_1108 = vector.shape_cast %get3A_788 : vector<16xf32> to vector<1x16xf32>
        tpu.vector_store %arg12[%swap3A_1104, %swap3A_1105], %swap3A_1108 {add = true, strides = array<i32>} : memref<128x128xf32, #tpu.memory_space<vmem>>, vector<1x16xf32>,
        %mul3A_1109 = arith.constant 8 : i32
        %mul3A_1110 = arith.muli %scan3A_875, %mul3A_1109 : i32
        %add3A_1111 = arith.constant 3 : i32
        %add3A_1112 = arith.addi %mul3A_1110, %add3A_1111 : i32
        %swap3A_1113 = arith.index_cast %add3A_1112 : i32 to index
        %swap3A_1114 = arith.constant 32 : index
        %swap3A_1115 = tpu.vector_load %arg12[%swap3A_1113, %swap3A_1114] {strides = array<i32>} : memref<128x128xf32, #tpu.memory_space<vmem>>, vector<1x16xf32>,
        %swap3A_1116 = vector.shape_cast %swap3A_1115 : vector<1x16xf32> to vector<16xf32>
        %swap3A_1117 = vector.shape_cast %get3A_792 : vector<16xf32> to vector<1x16xf32>
        tpu.vector_store %arg12[%swap3A_1113, %swap3A_1114], %swap3A_1117 {add = true, strides = array<i32>} : memref<128x128xf32, #tpu.memory_space<vmem>>, vector<1x16xf32>,
        %mul3A_1118 = arith.constant 8 : i32
        %mul3A_1119 = arith.muli %scan3A_875, %mul3A_1118 : i32
        %add3A_1120 = arith.constant 3 : i32
        %add3A_1121 = arith.addi %mul3A_1119, %add3A_1120 : i32
        %swap3A_1122 = arith.index_cast %add3A_1121 : i32 to index
        %swap3A_1123 = arith.constant 48 : index
        %swap3A_1124 = tpu.vector_load %arg12[%swap3A_1122, %swap3A_1123] {strides = array<i32>} : memref<128x128xf32, #tpu.memory_space<vmem>>, vector<1x16xf32>,
        %swap3A_1125 = vector.shape_cast %swap3A_1124 : vector<1x16xf32> to vector<16xf32>
        %swap3A_1126 = vector.shape_cast %get3A_796 : vector<16xf32> to vector<1x16xf32>
        tpu.vector_store %arg12[%swap3A_1122, %swap3A_1123], %swap3A_1126 {add = true, strides = array<i32>} : memref<128x128xf32, #tpu.memory_space<vmem>>, vector<1x16xf32>,
        %mul3A_1127 = arith.constant 8 : i32
        %mul3A_1128 = arith.muli %scan3A_875, %mul3A_1127 : i32
        %add3A_1129 = arith.constant 3 : i32
        %add3A_1130 = arith.addi %mul3A_1128, %add3A_1129 : i32
        %swap3A_1131 = arith.index_cast %add3A_1130 : i32 to index
        %swap3A_1132 = arith.constant 64 : index
        %swap3A_1133 = tpu.vector_load %arg12[%swap3A_1131, %swap3A_1132] {strides = array<i32>} : memref<128x128xf32, #tpu.memory_space<vmem>>, vector<1x16xf32>,
        %swap3A_1134 = vector.shape_cast %swap3A_1133 : vector<1x16xf32> to vector<16xf32>
        %swap3A_1135 = vector.shape_cast %get3A_800 : vector<16xf32> to vector<1x16xf32>
        tpu.vector_store %arg12[%swap3A_1131, %swap3A_1132], %swap3A_1135 {add = true, strides = array<i32>} : memref<128x128xf32, #tpu.memory_space<vmem>>, vector<1x16xf32>,
        %mul3A_1136 = arith.constant 8 : i32
        %mul3A_1137 = arith.muli %scan3A_875, %mul3A_1136 : i32
        %add3A_1138 = arith.constant 3 : i32
        %add3A_1139 = arith.addi %mul3A_1137, %add3A_1138 : i32
        %swap3A_1140 = arith.index_cast %add3A_1139 : i32 to index
        %swap3A_1141 = arith.constant 80 : index
        %swap3A_1142 = tpu.vector_load %arg12[%swap3A_1140, %swap3A_1141] {strides = array<i32>} : memref<128x128xf32, #tpu.memory_space<vmem>>, vector<1x16xf32>,
        %swap3A_1143 = vector.shape_cast %swap3A_1142 : vector<1x16xf32> to vector<16xf32>
        %swap3A_1144 = vector.shape_cast %get3A_804 : vector<16xf32> to vector<1x16xf32>
        tpu.vector_store %arg12[%swap3A_1140, %swap3A_1141], %swap3A_1144 {add = true, strides = array<i32>} : memref<128x128xf32, #tpu.memory_space<vmem>>, vector<1x16xf32>,
        %mul3A_1145 = arith.constant 8 : i32
        %mul3A_1146 = arith.muli %scan3A_875, %mul3A_1145 : i32
        %add3A_1147 = arith.constant 3 : i32
        %add3A_1148 = arith.addi %mul3A_1146, %add3A_1147 : i32
        %swap3A_1149 = arith.index_cast %add3A_1148 : i32 to index
        %swap3A_1150 = arith.constant 96 : index
        %swap3A_1151 = tpu.vector_load %arg12[%swap3A_1149, %swap3A_1150] {strides = array<i32>} : memref<128x128xf32, #tpu.memory_space<vmem>>, vector<1x16xf32>,
        %swap3A_1152 = vector.shape_cast %swap3A_1151 : vector<1x16xf32> to vector<16xf32>
        %swap3A_1153 = vector.shape_cast %get3A_808 : vector<16xf32> to vector<1x16xf32>
        tpu.vector_store %arg12[%swap3A_1149, %swap3A_1150], %swap3A_1153 {add = true, strides = array<i32>} : memref<128x128xf32, #tpu.memory_space<vmem>>, vector<1x16xf32>,
        %mul3A_1154 = arith.constant 8 : i32
        %mul3A_1155 = arith.muli %scan3A_875, %mul3A_1154 : i32
        %add3A_1156 = arith.constant 3 : i32
        %add3A_1157 = arith.addi %mul3A_1155, %add3A_1156 : i32
        %swap3A_1158 = arith.index_cast %add3A_1157 : i32 to index
        %swap3A_1159 = arith.constant 112 : index
        %swap3A_1160 = tpu.vector_load %arg12[%swap3A_1158, %swap3A_1159] {strides = array<i32>} : memref<128x128xf32, #tpu.memory_space<vmem>>, vector<1x16xf32>,
        %swap3A_1161 = vector.shape_cast %swap3A_1160 : vector<1x16xf32> to vector<16xf32>
        %swap3A_1162 = vector.shape_cast %get3A_812 : vector<16xf32> to vector<1x16xf32>
        tpu.vector_store %arg12[%swap3A_1158, %swap3A_1159], %swap3A_1162 {add = true, strides = array<i32>} : memref<128x128xf32, #tpu.memory_space<vmem>>, vector<1x16xf32>,
        %mul3A_1163 = arith.constant 8 : i32
        %mul3A_1164 = arith.muli %scan3A_875, %mul3A_1163 : i32
        %add3A_1165 = arith.constant 4 : i32
        %add3A_1166 = arith.addi %mul3A_1164, %add3A_1165 : i32
        %swap3A_1167 = arith.index_cast %add3A_1166 : i32 to index
        %swap3A_1168 = arith.constant 0 : index
        %swap3A_1169 = tpu.vector_load %arg12[%swap3A_1167, %swap3A_1168] {strides = array<i32>} : memref<128x128xf32, #tpu.memory_space<vmem>>, vector<1x16xf32>,
        %swap3A_1170 = vector.shape_cast %swap3A_1169 : vector<1x16xf32> to vector<16xf32>
        %swap3A_1171 = vector.shape_cast %get3A_784 : vector<16xf32> to vector<1x16xf32>
        tpu.vector_store %arg12[%swap3A_1167, %swap3A_1168], %swap3A_1171 {add = true, strides = array<i32>} : memref<128x128xf32, #tpu.memory_space<vmem>>, vector<1x16xf32>,
        %mul3A_1172 = arith.constant 8 : i32
        %mul3A_1173 = arith.muli %scan3A_875, %mul3A_1172 : i32
        %add3A_1174 = arith.constant 4 : i32
        %add3A_1175 = arith.addi %mul3A_1173, %add3A_1174 : i32
        %swap3A_1176 = arith.index_cast %add3A_1175 : i32 to index
        %swap3A_1177 = arith.constant 16 : index
        %swap3A_1178 = tpu.vector_load %arg12[%swap3A_1176, %swap3A_1177] {strides = array<i32>} : memref<128x128xf32, #tpu.memory_space<vmem>>, vector<1x16xf32>,
        %swap3A_1179 = vector.shape_cast %swap3A_1178 : vector<1x16xf32> to vector<16xf32>
        %swap3A_1180 = vector.shape_cast %get3A_788 : vector<16xf32> to vector<1x16xf32>
        tpu.vector_store %arg12[%swap3A_1176, %swap3A_1177], %swap3A_1180 {add = true, strides = array<i32>} : memref<128x128xf32, #tpu.memory_space<vmem>>, vector<1x16xf32>,
        %mul3A_1181 = arith.constant 8 : i32
        %mul3A_1182 = arith.muli %scan3A_875, %mul3A_1181 : i32
        %add3A_1183 = arith.constant 4 : i32
        %add3A_1184 = arith.addi %mul3A_1182, %add3A_1183 : i32
        %swap3A_1185 = arith.index_cast %add3A_1184 : i32 to index
        %swap3A_1186 = arith.constant 32 : index
        %swap3A_1187 = tpu.vector_load %arg12[%swap3A_1185, %swap3A_1186] {strides = array<i32>} : memref<128x128xf32, #tpu.memory_space<vmem>>, vector<1x16xf32>,
        %swap3A_1188 = vector.shape_cast %swap3A_1187 : vector<1x16xf32> to vector<16xf32>
        %swap3A_1189 = vector.shape_cast %get3A_792 : vector<16xf32> to vector<1x16xf32>
        tpu.vector_store %arg12[%swap3A_1185, %swap3A_1186], %swap3A_1189 {add = true, strides = array<i32>} : memref<128x128xf32, #tpu.memory_space<vmem>>, vector<1x16xf32>,
        %mul3A_1190 = arith.constant 8 : i32
        %mul3A_1191 = arith.muli %scan3A_875, %mul3A_1190 : i32
        %add3A_1192 = arith.constant 4 : i32
        %add3A_1193 = arith.addi %mul3A_1191, %add3A_1192 : i32
        %swap3A_1194 = arith.index_cast %add3A_1193 : i32 to index
        %swap3A_1195 = arith.constant 48 : index
        %swap3A_1196 = tpu.vector_load %arg12[%swap3A_1194, %swap3A_1195] {strides = array<i32>} : memref<128x128xf32, #tpu.memory_space<vmem>>, vector<1x16xf32>,
        %swap3A_1197 = vector.shape_cast %swap3A_1196 : vector<1x16xf32> to vector<16xf32>
        %swap3A_1198 = vector.shape_cast %get3A_796 : vector<16xf32> to vector<1x16xf32>
        tpu.vector_store %arg12[%swap3A_1194, %swap3A_1195], %swap3A_1198 {add = true, strides = array<i32>} : memref<128x128xf32, #tpu.memory_space<vmem>>, vector<1x16xf32>,
        %mul3A_1199 = arith.constant 8 : i32
        %mul3A_1200 = arith.muli %scan3A_875, %mul3A_1199 : i32
        %add3A_1201 = arith.constant 4 : i32
        %add3A_1202 = arith.addi %mul3A_1200, %add3A_1201 : i32
        %swap3A_1203 = arith.index_cast %add3A_1202 : i32 to index
        %swap3A_1204 = arith.constant 64 : index
        %swap3A_1205 = tpu.vector_load %arg12[%swap3A_1203, %swap3A_1204] {strides = array<i32>} : memref<128x128xf32, #tpu.memory_space<vmem>>, vector<1x16xf32>,
        %swap3A_1206 = vector.shape_cast %swap3A_1205 : vector<1x16xf32> to vector<16xf32>
        %swap3A_1207 = vector.shape_cast %get3A_800 : vector<16xf32> to vector<1x16xf32>
        tpu.vector_store %arg12[%swap3A_1203, %swap3A_1204], %swap3A_1207 {add = true, strides = array<i32>} : memref<128x128xf32, #tpu.memory_space<vmem>>, vector<1x16xf32>,
        %mul3A_1208 = arith.constant 8 : i32
        %mul3A_1209 = arith.muli %scan3A_875, %mul3A_1208 : i32
        %add3A_1210 = arith.constant 4 : i32
        %add3A_1211 = arith.addi %mul3A_1209, %add3A_1210 : i32
        %swap3A_1212 = arith.index_cast %add3A_1211 : i32 to index
        %swap3A_1213 = arith.constant 80 : index
        %swap3A_1214 = tpu.vector_load %arg12[%swap3A_1212, %swap3A_1213] {strides = array<i32>} : memref<128x128xf32, #tpu.memory_space<vmem>>, vector<1x16xf32>,
        %swap3A_1215 = vector.shape_cast %swap3A_1214 : vector<1x16xf32> to vector<16xf32>
        %swap3A_1216 = vector.shape_cast %get3A_804 : vector<16xf32> to vector<1x16xf32>
        tpu.vector_store %arg12[%swap3A_1212, %swap3A_1213], %swap3A_1216 {add = true, strides = array<i32>} : memref<128x128xf32, #tpu.memory_space<vmem>>, vector<1x16xf32>,
        %mul3A_1217 = arith.constant 8 : i32
        %mul3A_1218 = arith.muli %scan3A_875, %mul3A_1217 : i32
        %add3A_1219 = arith.constant 4 : i32
        %add3A_1220 = arith.addi %mul3A_1218, %add3A_1219 : i32
        %swap3A_1221 = arith.index_cast %add3A_1220 : i32 to index
        %swap3A_1222 = arith.constant 96 : index
        %swap3A_1223 = tpu.vector_load %arg12[%swap3A_1221, %swap3A_1222] {strides = array<i32>} : memref<128x128xf32, #tpu.memory_space<vmem>>, vector<1x16xf32>,
        %swap3A_1224 = vector.shape_cast %swap3A_1223 : vector<1x16xf32> to vector<16xf32>
        %swap3A_1225 = vector.shape_cast %get3A_808 : vector<16xf32> to vector<1x16xf32>
        tpu.vector_store %arg12[%swap3A_1221, %swap3A_1222], %swap3A_1225 {add = true, strides = array<i32>} : memref<128x128xf32, #tpu.memory_space<vmem>>, vector<1x16xf32>,
        %mul3A_1226 = arith.constant 8 : i32
        %mul3A_1227 = arith.muli %scan3A_875, %mul3A_1226 : i32
        %add3A_1228 = arith.constant 4 : i32
        %add3A_1229 = arith.addi %mul3A_1227, %add3A_1228 : i32
        %swap3A_1230 = arith.index_cast %add3A_1229 : i32 to index
        %swap3A_1231 = arith.constant 112 : index
        %swap3A_1232 = tpu.vector_load %arg12[%swap3A_1230, %swap3A_1231] {strides = array<i32>} : memref<128x128xf32, #tpu.memory_space<vmem>>, vector<1x16xf32>,
        %swap3A_1233 = vector.shape_cast %swap3A_1232 : vector<1x16xf32> to vector<16xf32>
        %swap3A_1234 = vector.shape_cast %get3A_812 : vector<16xf32> to vector<1x16xf32>
        tpu.vector_store %arg12[%swap3A_1230, %swap3A_1231], %swap3A_1234 {add = true, strides = array<i32>} : memref<128x128xf32, #tpu.memory_space<vmem>>, vector<1x16xf32>,
        %mul3A_1235 = arith.constant 8 : i32
        %mul3A_1236 = arith.muli %scan3A_875, %mul3A_1235 : i32
        %add3A_1237 = arith.constant 5 : i32
        %add3A_1238 = arith.addi %mul3A_1236, %add3A_1237 : i32
        %swap3A_1239 = arith.index_cast %add3A_1238 : i32 to index
        %swap3A_1240 = arith.constant 0 : index
        %swap3A_1241 = tpu.vector_load %arg12[%swap3A_1239, %swap3A_1240] {strides = array<i32>} : memref<128x128xf32, #tpu.memory_space<vmem>>, vector<1x16xf32>,
        %swap3A_1242 = vector.shape_cast %swap3A_1241 : vector<1x16xf32> to vector<16xf32>
        %swap3A_1243 = vector.shape_cast %get3A_784 : vector<16xf32> to vector<1x16xf32>
        tpu.vector_store %arg12[%swap3A_1239, %swap3A_1240], %swap3A_1243 {add = true, strides = array<i32>} : memref<128x128xf32, #tpu.memory_space<vmem>>, vector<1x16xf32>,
        %mul3A_1244 = arith.constant 8 : i32
        %mul3A_1245 = arith.muli %scan3A_875, %mul3A_1244 : i32
        %add3A_1246 = arith.constant 5 : i32
        %add3A_1247 = arith.addi %mul3A_1245, %add3A_1246 : i32
        %swap3A_1248 = arith.index_cast %add3A_1247 : i32 to index
        %swap3A_1249 = arith.constant 16 : index
        %swap3A_1250 = tpu.vector_load %arg12[%swap3A_1248, %swap3A_1249] {strides = array<i32>} : memref<128x128xf32, #tpu.memory_space<vmem>>, vector<1x16xf32>,
        %swap3A_1251 = vector.shape_cast %swap3A_1250 : vector<1x16xf32> to vector<16xf32>
        %swap3A_1252 = vector.shape_cast %get3A_788 : vector<16xf32> to vector<1x16xf32>
        tpu.vector_store %arg12[%swap3A_1248, %swap3A_1249], %swap3A_1252 {add = true, strides = array<i32>} : memref<128x128xf32, #tpu.memory_space<vmem>>, vector<1x16xf32>,
        %mul3A_1253 = arith.constant 8 : i32
        %mul3A_1254 = arith.muli %scan3A_875, %mul3A_1253 : i32
        %add3A_1255 = arith.constant 5 : i32
        %add3A_1256 = arith.addi %mul3A_1254, %add3A_1255 : i32
        %swap3A_1257 = arith.index_cast %add3A_1256 : i32 to index
        %swap3A_1258 = arith.constant 32 : index
        %swap3A_1259 = tpu.vector_load %arg12[%swap3A_1257, %swap3A_1258] {strides = array<i32>} : memref<128x128xf32, #tpu.memory_space<vmem>>, vector<1x16xf32>,
        %swap3A_1260 = vector.shape_cast %swap3A_1259 : vector<1x16xf32> to vector<16xf32>
        %swap3A_1261 = vector.shape_cast %get3A_792 : vector<16xf32> to vector<1x16xf32>
        tpu.vector_store %arg12[%swap3A_1257, %swap3A_1258], %swap3A_1261 {add = true, strides = array<i32>} : memref<128x128xf32, #tpu.memory_space<vmem>>, vector<1x16xf32>,
        %mul3A_1262 = arith.constant 8 : i32
        %mul3A_1263 = arith.muli %scan3A_875, %mul3A_1262 : i32
        %add3A_1264 = arith.constant 5 : i32
        %add3A_1265 = arith.addi %mul3A_1263, %add3A_1264 : i32
        %swap3A_1266 = arith.index_cast %add3A_1265 : i32 to index
        %swap3A_1267 = arith.constant 48 : index
        %swap3A_1268 = tpu.vector_load %arg12[%swap3A_1266, %swap3A_1267] {strides = array<i32>} : memref<128x128xf32, #tpu.memory_space<vmem>>, vector<1x16xf32>,
        %swap3A_1269 = vector.shape_cast %swap3A_1268 : vector<1x16xf32> to vector<16xf32>
        %swap3A_1270 = vector.shape_cast %get3A_796 : vector<16xf32> to vector<1x16xf32>
        tpu.vector_store %arg12[%swap3A_1266, %swap3A_1267], %swap3A_1270 {add = true, strides = array<i32>} : memref<128x128xf32, #tpu.memory_space<vmem>>, vector<1x16xf32>,
        %mul3A_1271 = arith.constant 8 : i32
        %mul3A_1272 = arith.muli %scan3A_875, %mul3A_1271 : i32
        %add3A_1273 = arith.constant 5 : i32
        %add3A_1274 = arith.addi %mul3A_1272, %add3A_1273 : i32
        %swap3A_1275 = arith.index_cast %add3A_1274 : i32 to index
        %swap3A_1276 = arith.constant 64 : index
        %swap3A_1277 = tpu.vector_load %arg12[%swap3A_1275, %swap3A_1276] {strides = array<i32>} : memref<128x128xf32, #tpu.memory_space<vmem>>, vector<1x16xf32>,
        %swap3A_1278 = vector.shape_cast %swap3A_1277 : vector<1x16xf32> to vector<16xf32>
        %swap3A_1279 = vector.shape_cast %get3A_800 : vector<16xf32> to vector<1x16xf32>
        tpu.vector_store %arg12[%swap3A_1275, %swap3A_1276], %swap3A_1279 {add = true, strides = array<i32>} : memref<128x128xf32, #tpu.memory_space<vmem>>, vector<1x16xf32>,
        %mul3A_1280 = arith.constant 8 : i32
        %mul3A_1281 = arith.muli %scan3A_875, %mul3A_1280 : i32
        %add3A_1282 = arith.constant 5 : i32
        %add3A_1283 = arith.addi %mul3A_1281, %add3A_1282 : i32
        %swap3A_1284 = arith.index_cast %add3A_1283 : i32 to index
        %swap3A_1285 = arith.constant 80 : index
        %swap3A_1286 = tpu.vector_load %arg12[%swap3A_1284, %swap3A_1285] {strides = array<i32>} : memref<128x128xf32, #tpu.memory_space<vmem>>, vector<1x16xf32>,
        %swap3A_1287 = vector.shape_cast %swap3A_1286 : vector<1x16xf32> to vector<16xf32>
        %swap3A_1288 = vector.shape_cast %get3A_804 : vector<16xf32> to vector<1x16xf32>
        tpu.vector_store %arg12[%swap3A_1284, %swap3A_1285], %swap3A_1288 {add = true, strides = array<i32>} : memref<128x128xf32, #tpu.memory_space<vmem>>, vector<1x16xf32>,
        %mul3A_1289 = arith.constant 8 : i32
        %mul3A_1290 = arith.muli %scan3A_875, %mul3A_1289 : i32
        %add3A_1291 = arith.constant 5 : i32
        %add3A_1292 = arith.addi %mul3A_1290, %add3A_1291 : i32
        %swap3A_1293 = arith.index_cast %add3A_1292 : i32 to index
        %swap3A_1294 = arith.constant 96 : index
        %swap3A_1295 = tpu.vector_load %arg12[%swap3A_1293, %swap3A_1294] {strides = array<i32>} : memref<128x128xf32, #tpu.memory_space<vmem>>, vector<1x16xf32>,
        %swap3A_1296 = vector.shape_cast %swap3A_1295 : vector<1x16xf32> to vector<16xf32>
        %swap3A_1297 = vector.shape_cast %get3A_808 : vector<16xf32> to vector<1x16xf32>
        tpu.vector_store %arg12[%swap3A_1293, %swap3A_1294], %swap3A_1297 {add = true, strides = array<i32>} : memref<128x128xf32, #tpu.memory_space<vmem>>, vector<1x16xf32>,
        %mul3A_1298 = arith.constant 8 : i32
        %mul3A_1299 = arith.muli %scan3A_875, %mul3A_1298 : i32
        %add3A_1300 = arith.constant 5 : i32
        %add3A_1301 = arith.addi %mul3A_1299, %add3A_1300 : i32
        %swap3A_1302 = arith.index_cast %add3A_1301 : i32 to index
        %swap3A_1303 = arith.constant 112 : index
        %swap3A_1304 = tpu.vector_load %arg12[%swap3A_1302, %swap3A_1303] {strides = array<i32>} : memref<128x128xf32, #tpu.memory_space<vmem>>, vector<1x16xf32>,
        %swap3A_1305 = vector.shape_cast %swap3A_1304 : vector<1x16xf32> to vector<16xf32>
        %swap3A_1306 = vector.shape_cast %get3A_812 : vector<16xf32> to vector<1x16xf32>
        tpu.vector_store %arg12[%swap3A_1302, %swap3A_1303], %swap3A_1306 {add = true, strides = array<i32>} : memref<128x128xf32, #tpu.memory_space<vmem>>, vector<1x16xf32>,
        %mul3A_1307 = arith.constant 8 : i32
        %mul3A_1308 = arith.muli %scan3A_875, %mul3A_1307 : i32
        %add3A_1309 = arith.constant 6 : i32
        %add3A_1310 = arith.addi %mul3A_1308, %add3A_1309 : i32
        %swap3A_1311 = arith.index_cast %add3A_1310 : i32 to index
        %swap3A_1312 = arith.constant 0 : index
        %swap3A_1313 = tpu.vector_load %arg12[%swap3A_1311, %swap3A_1312] {strides = array<i32>} : memref<128x128xf32, #tpu.memory_space<vmem>>, vector<1x16xf32>,
        %swap3A_1314 = vector.shape_cast %swap3A_1313 : vector<1x16xf32> to vector<16xf32>
        %swap3A_1315 = vector.shape_cast %get3A_784 : vector<16xf32> to vector<1x16xf32>
        tpu.vector_store %arg12[%swap3A_1311, %swap3A_1312], %swap3A_1315 {add = true, strides = array<i32>} : memref<128x128xf32, #tpu.memory_space<vmem>>, vector<1x16xf32>,
        %mul3A_1316 = arith.constant 8 : i32
        %mul3A_1317 = arith.muli %scan3A_875, %mul3A_1316 : i32
        %add3A_1318 = arith.constant 6 : i32
        %add3A_1319 = arith.addi %mul3A_1317, %add3A_1318 : i32
        %swap3A_1320 = arith.index_cast %add3A_1319 : i32 to index
        %swap3A_1321 = arith.constant 16 : index
        %swap3A_1322 = tpu.vector_load %arg12[%swap3A_1320, %swap3A_1321] {strides = array<i32>} : memref<128x128xf32, #tpu.memory_space<vmem>>, vector<1x16xf32>,
        %swap3A_1323 = vector.shape_cast %swap3A_1322 : vector<1x16xf32> to vector<16xf32>
        %swap3A_1324 = vector.shape_cast %get3A_788 : vector<16xf32> to vector<1x16xf32>
        tpu.vector_store %arg12[%swap3A_1320, %swap3A_1321], %swap3A_1324 {add = true, strides = array<i32>} : memref<128x128xf32, #tpu.memory_space<vmem>>, vector<1x16xf32>,
        %mul3A_1325 = arith.constant 8 : i32
        %mul3A_1326 = arith.muli %scan3A_875, %mul3A_1325 : i32
        %add3A_1327 = arith.constant 6 : i32
        %add3A_1328 = arith.addi %mul3A_1326, %add3A_1327 : i32
        %swap3A_1329 = arith.index_cast %add3A_1328 : i32 to index
        %swap3A_1330 = arith.constant 32 : index
        %swap3A_1331 = tpu.vector_load %arg12[%swap3A_1329, %swap3A_1330] {strides = array<i32>} : memref<128x128xf32, #tpu.memory_space<vmem>>, vector<1x16xf32>,
        %swap3A_1332 = vector.shape_cast %swap3A_1331 : vector<1x16xf32> to vector<16xf32>
        %swap3A_1333 = vector.shape_cast %get3A_792 : vector<16xf32> to vector<1x16xf32>
        tpu.vector_store %arg12[%swap3A_1329, %swap3A_1330], %swap3A_1333 {add = true, strides = array<i32>} : memref<128x128xf32, #tpu.memory_space<vmem>>, vector<1x16xf32>,
        %mul3A_1334 = arith.constant 8 : i32
        %mul3A_1335 = arith.muli %scan3A_875, %mul3A_1334 : i32
        %add3A_1336 = arith.constant 6 : i32
        %add3A_1337 = arith.addi %mul3A_1335, %add3A_1336 : i32
        %swap3A_1338 = arith.index_cast %add3A_1337 : i32 to index
        %swap3A_1339 = arith.constant 48 : index
        %swap3A_1340 = tpu.vector_load %arg12[%swap3A_1338, %swap3A_1339] {strides = array<i32>} : memref<128x128xf32, #tpu.memory_space<vmem>>, vector<1x16xf32>,
        %swap3A_1341 = vector.shape_cast %swap3A_1340 : vector<1x16xf32> to vector<16xf32>
        %swap3A_1342 = vector.shape_cast %get3A_796 : vector<16xf32> to vector<1x16xf32>
        tpu.vector_store %arg12[%swap3A_1338, %swap3A_1339], %swap3A_1342 {add = true, strides = array<i32>} : memref<128x128xf32, #tpu.memory_space<vmem>>, vector<1x16xf32>,
        %mul3A_1343 = arith.constant 8 : i32
        %mul3A_1344 = arith.muli %scan3A_875, %mul3A_1343 : i32
        %add3A_1345 = arith.constant 6 : i32
        %add3A_1346 = arith.addi %mul3A_1344, %add3A_1345 : i32
        %swap3A_1347 = arith.index_cast %add3A_1346 : i32 to index
        %swap3A_1348 = arith.constant 64 : index
        %swap3A_1349 = tpu.vector_load %arg12[%swap3A_1347, %swap3A_1348] {strides = array<i32>} : memref<128x128xf32, #tpu.memory_space<vmem>>, vector<1x16xf32>,
        %swap3A_1350 = vector.shape_cast %swap3A_1349 : vector<1x16xf32> to vector<16xf32>
        %swap3A_1351 = vector.shape_cast %get3A_800 : vector<16xf32> to vector<1x16xf32>
        tpu.vector_store %arg12[%swap3A_1347, %swap3A_1348], %swap3A_1351 {add = true, strides = array<i32>} : memref<128x128xf32, #tpu.memory_space<vmem>>, vector<1x16xf32>,
        %mul3A_1352 = arith.constant 8 : i32
        %mul3A_1353 = arith.muli %scan3A_875, %mul3A_1352 : i32
        %add3A_1354 = arith.constant 6 : i32
        %add3A_1355 = arith.addi %mul3A_1353, %add3A_1354 : i32
        %swap3A_1356 = arith.index_cast %add3A_1355 : i32 to index
        %swap3A_1357 = arith.constant 80 : index
        %swap3A_1358 = tpu.vector_load %arg12[%swap3A_1356, %swap3A_1357] {strides = array<i32>} : memref<128x128xf32, #tpu.memory_space<vmem>>, vector<1x16xf32>,
        %swap3A_1359 = vector.shape_cast %swap3A_1358 : vector<1x16xf32> to vector<16xf32>
        %swap3A_1360 = vector.shape_cast %get3A_804 : vector<16xf32> to vector<1x16xf32>
        tpu.vector_store %arg12[%swap3A_1356, %swap3A_1357], %swap3A_1360 {add = true, strides = array<i32>} : memref<128x128xf32, #tpu.memory_space<vmem>>, vector<1x16xf32>,
        %mul3A_1361 = arith.constant 8 : i32
        %mul3A_1362 = arith.muli %scan3A_875, %mul3A_1361 : i32
        %add3A_1363 = arith.constant 6 : i32
        %add3A_1364 = arith.addi %mul3A_1362, %add3A_1363 : i32
        %swap3A_1365 = arith.index_cast %add3A_1364 : i32 to index
        %swap3A_1366 = arith.constant 96 : index
        %swap3A_1367 = tpu.vector_load %arg12[%swap3A_1365, %swap3A_1366] {strides = array<i32>} : memref<128x128xf32, #tpu.memory_space<vmem>>, vector<1x16xf32>,
        %swap3A_1368 = vector.shape_cast %swap3A_1367 : vector<1x16xf32> to vector<16xf32>
        %swap3A_1369 = vector.shape_cast %get3A_808 : vector<16xf32> to vector<1x16xf32>
        tpu.vector_store %arg12[%swap3A_1365, %swap3A_1366], %swap3A_1369 {add = true, strides = array<i32>} : memref<128x128xf32, #tpu.memory_space<vmem>>, vector<1x16xf32>,
        %mul3A_1370 = arith.constant 8 : i32
        %mul3A_1371 = arith.muli %scan3A_875, %mul3A_1370 : i32
        %add3A_1372 = arith.constant 6 : i32
        %add3A_1373 = arith.addi %mul3A_1371, %add3A_1372 : i32
        %swap3A_1374 = arith.index_cast %add3A_1373 : i32 to index
        %swap3A_1375 = arith.constant 112 : index
        %swap3A_1376 = tpu.vector_load %arg12[%swap3A_1374, %swap3A_1375] {strides = array<i32>} : memref<128x128xf32, #tpu.memory_space<vmem>>, vector<1x16xf32>,
        %swap3A_1377 = vector.shape_cast %swap3A_1376 : vector<1x16xf32> to vector<16xf32>
        %swap3A_1378 = vector.shape_cast %get3A_812 : vector<16xf32> to vector<1x16xf32>
        tpu.vector_store %arg12[%swap3A_1374, %swap3A_1375], %swap3A_1378 {add = true, strides = array<i32>} : memref<128x128xf32, #tpu.memory_space<vmem>>, vector<1x16xf32>,
        %mul3A_1379 = arith.constant 8 : i32
        %mul3A_1380 = arith.muli %scan3A_875, %mul3A_1379 : i32
        %add3A_1381 = arith.constant 7 : i32
        %add3A_1382 = arith.addi %mul3A_1380, %add3A_1381 : i32
        %swap3A_1383 = arith.index_cast %add3A_1382 : i32 to index
        %swap3A_1384 = arith.constant 0 : index
        %swap3A_1385 = tpu.vector_load %arg12[%swap3A_1383, %swap3A_1384] {strides = array<i32>} : memref<128x128xf32, #tpu.memory_space<vmem>>, vector<1x16xf32>,
        %swap3A_1386 = vector.shape_cast %swap3A_1385 : vector<1x16xf32> to vector<16xf32>
        %swap3A_1387 = vector.shape_cast %get3A_784 : vector<16xf32> to vector<1x16xf32>
        tpu.vector_store %arg12[%swap3A_1383, %swap3A_1384], %swap3A_1387 {add = true, strides = array<i32>} : memref<128x128xf32, #tpu.memory_space<vmem>>, vector<1x16xf32>,
        %mul3A_1388 = arith.constant 8 : i32
        %mul3A_1389 = arith.muli %scan3A_875, %mul3A_1388 : i32
        %add3A_1390 = arith.constant 7 : i32
        %add3A_1391 = arith.addi %mul3A_1389, %add3A_1390 : i32
        %swap3A_1392 = arith.index_cast %add3A_1391 : i32 to index
        %swap3A_1393 = arith.constant 16 : index
        %swap3A_1394 = tpu.vector_load %arg12[%swap3A_1392, %swap3A_1393] {strides = array<i32>} : memref<128x128xf32, #tpu.memory_space<vmem>>, vector<1x16xf32>,
        %swap3A_1395 = vector.shape_cast %swap3A_1394 : vector<1x16xf32> to vector<16xf32>
        %swap3A_1396 = vector.shape_cast %get3A_788 : vector<16xf32> to vector<1x16xf32>
        tpu.vector_store %arg12[%swap3A_1392, %swap3A_1393], %swap3A_1396 {add = true, strides = array<i32>} : memref<128x128xf32, #tpu.memory_space<vmem>>, vector<1x16xf32>,
        %mul3A_1397 = arith.constant 8 : i32
        %mul3A_1398 = arith.muli %scan3A_875, %mul3A_1397 : i32
        %add3A_1399 = arith.constant 7 : i32
        %add3A_1400 = arith.addi %mul3A_1398, %add3A_1399 : i32
        %swap3A_1401 = arith.index_cast %add3A_1400 : i32 to index
        %swap3A_1402 = arith.constant 32 : index
        %swap3A_1403 = tpu.vector_load %arg12[%swap3A_1401, %swap3A_1402] {strides = array<i32>} : memref<128x128xf32, #tpu.memory_space<vmem>>, vector<1x16xf32>,
        %swap3A_1404 = vector.shape_cast %swap3A_1403 : vector<1x16xf32> to vector<16xf32>
        %swap3A_1405 = vector.shape_cast %get3A_792 : vector<16xf32> to vector<1x16xf32>
        tpu.vector_store %arg12[%swap3A_1401, %swap3A_1402], %swap3A_1405 {add = true, strides = array<i32>} : memref<128x128xf32, #tpu.memory_space<vmem>>, vector<1x16xf32>,
        %mul3A_1406 = arith.constant 8 : i32
        %mul3A_1407 = arith.muli %scan3A_875, %mul3A_1406 : i32
        %add3A_1408 = arith.constant 7 : i32
        %add3A_1409 = arith.addi %mul3A_1407, %add3A_1408 : i32
        %swap3A_1410 = arith.index_cast %add3A_1409 : i32 to index
        %swap3A_1411 = arith.constant 48 : index
        %swap3A_1412 = tpu.vector_load %arg12[%swap3A_1410, %swap3A_1411] {strides = array<i32>} : memref<128x128xf32, #tpu.memory_space<vmem>>, vector<1x16xf32>,
        %swap3A_1413 = vector.shape_cast %swap3A_1412 : vector<1x16xf32> to vector<16xf32>
        %swap3A_1414 = vector.shape_cast %get3A_796 : vector<16xf32> to vector<1x16xf32>
        tpu.vector_store %arg12[%swap3A_1410, %swap3A_1411], %swap3A_1414 {add = true, strides = array<i32>} : memref<128x128xf32, #tpu.memory_space<vmem>>, vector<1x16xf32>,
        %mul3A_1415 = arith.constant 8 : i32
        %mul3A_1416 = arith.muli %scan3A_875, %mul3A_1415 : i32
        %add3A_1417 = arith.constant 7 : i32
        %add3A_1418 = arith.addi %mul3A_1416, %add3A_1417 : i32
        %swap3A_1419 = arith.index_cast %add3A_1418 : i32 to index
        %swap3A_1420 = arith.constant 64 : index
        %swap3A_1421 = tpu.vector_load %arg12[%swap3A_1419, %swap3A_1420] {strides = array<i32>} : memref<128x128xf32, #tpu.memory_space<vmem>>, vector<1x16xf32>,
        %swap3A_1422 = vector.shape_cast %swap3A_1421 : vector<1x16xf32> to vector<16xf32>
        %swap3A_1423 = vector.shape_cast %get3A_800 : vector<16xf32> to vector<1x16xf32>
        tpu.vector_store %arg12[%swap3A_1419, %swap3A_1420], %swap3A_1423 {add = true, strides = array<i32>} : memref<128x128xf32, #tpu.memory_space<vmem>>, vector<1x16xf32>,
        %mul3A_1424 = arith.constant 8 : i32
        %mul3A_1425 = arith.muli %scan3A_875, %mul3A_1424 : i32
        %add3A_1426 = arith.constant 7 : i32
        %add3A_1427 = arith.addi %mul3A_1425, %add3A_1426 : i32
        %swap3A_1428 = arith.index_cast %add3A_1427 : i32 to index
        %swap3A_1429 = arith.constant 80 : index
        %swap3A_1430 = tpu.vector_load %arg12[%swap3A_1428, %swap3A_1429] {strides = array<i32>} : memref<128x128xf32, #tpu.memory_space<vmem>>, vector<1x16xf32>,
        %swap3A_1431 = vector.shape_cast %swap3A_1430 : vector<1x16xf32> to vector<16xf32>
        %swap3A_1432 = vector.shape_cast %get3A_804 : vector<16xf32> to vector<1x16xf32>
        tpu.vector_store %arg12[%swap3A_1428, %swap3A_1429], %swap3A_1432 {add = true, strides = array<i32>} : memref<128x128xf32, #tpu.memory_space<vmem>>, vector<1x16xf32>,
        %mul3A_1433 = arith.constant 8 : i32
        %mul3A_1434 = arith.muli %scan3A_875, %mul3A_1433 : i32
        %add3A_1435 = arith.constant 7 : i32
        %add3A_1436 = arith.addi %mul3A_1434, %add3A_1435 : i32
        %swap3A_1437 = arith.index_cast %add3A_1436 : i32 to index
        %swap3A_1438 = arith.constant 96 : index
        %swap3A_1439 = tpu.vector_load %arg12[%swap3A_1437, %swap3A_1438] {strides = array<i32>} : memref<128x128xf32, #tpu.memory_space<vmem>>, vector<1x16xf32>,
        %swap3A_1440 = vector.shape_cast %swap3A_1439 : vector<1x16xf32> to vector<16xf32>
        %swap3A_1441 = vector.shape_cast %get3A_808 : vector<16xf32> to vector<1x16xf32>
        tpu.vector_store %arg12[%swap3A_1437, %swap3A_1438], %swap3A_1441 {add = true, strides = array<i32>} : memref<128x128xf32, #tpu.memory_space<vmem>>, vector<1x16xf32>,
        %mul3A_1442 = arith.constant 8 : i32
        %mul3A_1443 = arith.muli %scan3A_875, %mul3A_1442 : i32
        %add3A_1444 = arith.constant 7 : i32
        %add3A_1445 = arith.addi %mul3A_1443, %add3A_1444 : i32
        %swap3A_1446 = arith.index_cast %add3A_1445 : i32 to index
        %swap3A_1447 = arith.constant 112 : index
        %swap3A_1448 = tpu.vector_load %arg12[%swap3A_1446, %swap3A_1447] {strides = array<i32>} : memref<128x128xf32, #tpu.memory_space<vmem>>, vector<1x16xf32>,
        %swap3A_1449 = vector.shape_cast %swap3A_1448 : vector<1x16xf32> to vector<16xf32>
        %swap3A_1450 = vector.shape_cast %get3A_812 : vector<16xf32> to vector<1x16xf32>
        tpu.vector_store %arg12[%swap3A_1446, %swap3A_1447], %swap3A_1450 {add = true, strides = array<i32>} : memref<128x128xf32, #tpu.memory_space<vmem>>, vector<1x16xf32>,
      }
      %scan3A_818 = arith.constant 16 : i32
      %jit3A_819 = arith.constant 1024 : i32
      %div3A_820 = arith.divsi %add3A_749, %jit3A_819 : i32
      %sign3A_821 = arith.constant 0 : i32
      %sign3A_822 = arith.cmpi sgt, %add3A_749, %sign3A_821 : i32
      %sign3A_823 = arith.extui %sign3A_822 : i1 to i32
      %sign3A_824 = arith.constant 0 : i32
      %sign3A_825 = arith.cmpi slt, %add3A_749, %sign3A_824 : i32
      %sign3A_826 = arith.extui %sign3A_825 : i1 to i32
      %sign3A_827 = arith.subi %sign3A_823, %sign3A_826 : i32
      %sign3A_828 = arith.constant 0 : i32
      %sign3A_829 = arith.cmpi sgt, %jit3A_819, %sign3A_828 : i32
      %sign3A_830 = arith.extui %sign3A_829 : i1 to i32
      %sign3A_831 = arith.constant 0 : i32
      %sign3A_832 = arith.cmpi slt, %jit3A_819, %sign3A_831 : i32
      %sign3A_833 = arith.extui %sign3A_832 : i1 to i32
      %sign3A_834 = arith.subi %sign3A_830, %sign3A_833 : i32
      %ne3A_835 = arith.cmpi ne, %sign3A_827, %sign3A_834 : i32
      %rem3A_836 = arith.remsi %add3A_749, %jit3A_819 : i32
      %ne3A_837 = arith.constant 0 : i32
      %ne3A_838 = arith.cmpi ne, %rem3A_836, %ne3A_837 : i32
      %and3A_839 = arith.andi %ne3A_835, %ne3A_838 : i1
      %sub3A_840 = arith.constant 1 : i32
      %sub3A_841 = arith.subi %div3A_820, %sub3A_840 : i32
      %select_n3A_842 = arith.select %and3A_839, %sub3A_841, %div3A_820 : i32
      %jit3A_843 = arith.constant 1024 : i32
      %eq3A_844 = arith.constant 0 : i32
      %eq3A_845 = arith.cmpi eq, %jit3A_843, %eq3A_844 : i32
      %jit3A_846 = arith.constant 1 : i32
      %select_n3A_847 = arith.select %eq3A_845, %jit3A_846, %jit3A_843 : i32
      %rem3A_848 = arith.remsi %add3A_749, %select_n3A_847 : i32
      %ne3A_849 = arith.constant 0 : i32
      %ne3A_850 = arith.cmpi ne, %rem3A_848, %ne3A_849 : i32
      %lt3A_851 = arith.constant 0 : i32
      %lt3A_852 = arith.cmpi slt, %rem3A_848, %lt3A_851 : i32
      %lt3A_853 = arith.constant 0 : i32
      %lt3A_854 = arith.cmpi slt, %select_n3A_847, %lt3A_853 : i32
      %ne3A_855 = arith.xori %lt3A_852, %lt3A_854 : i1
      %and3A_856 = arith.andi %ne3A_855, %ne3A_850 : i1
      %add3A_857 = arith.addi %rem3A_848, %select_n3A_847 : i32
      %select_n3A_858 = arith.select %and3A_856, %add3A_857, %rem3A_848 : i32
      %dma_start3A_859 = arith.constant 0 : i32
      %dma_start3A_860 = tpu.memref_slice %arg5[%select_n3A_842, %select_n3A_858, %dma_start3A_859] : memref<200x1024x128xf32, #tpu.memory_space<hbm>> -> memref<1x128x128xf32, #tpu.memory_space<hbm>>
      %dma_start3A_861 = tpu.memref_squeeze %dma_start3A_860 : memref<1x128x128xf32, #tpu.memory_space<hbm>> -> memref<128x128xf32, #tpu.memory_space<hbm>>
      %dma_start3A_862 = arith.constant 0 : i32
      %dma_start3A_863 = tpu.memref_slice %arg5[%select_n3A_842, %select_n3A_858, %dma_start3A_862] : memref<200x1024x128xf32, #tpu.memory_space<hbm>> -> memref<1x128x128xf32, #tpu.memory_space<hbm>>
      %dma_start3A_864 = tpu.memref_squeeze %dma_start3A_863 : memref<1x128x128xf32, #tpu.memory_space<hbm>> -> memref<128x128xf32, #tpu.memory_space<hbm>>
      tpu.enqueue_dma source(%arg12 : memref<128x128xf32, #tpu.memory_space<vmem>>) target(%dma_start3A_864 : memref<128x128xf32, #tpu.memory_space<hbm>>) target_semaphore(%arg17 : memref<!tpu.dma_semaphore, #tpu.memory_space<semaphore_mem>>)
      %lt3A_865 = arith.constant 9 : i32
      %lt3A_866 = arith.cmpi slt, %scan3A_244, %lt3A_865 : i32
      %convert_element_type3A_867 = arith.extui %lt3A_866 : i1 to i32
      %cond3A_868 = arith.constant 0 : i32
      %cond3A_869 = arith.cmpi ne, %convert_element_type3A_867, %cond3A_868 : i32
      scf.if %cond3A_869 {
        %jit3A_875 = arith.constant 1024 : i32
        %div3A_876 = arith.divsi %mul3A_2, %jit3A_875 : i32
        %sign3A_877 = arith.constant 0 : i32
        %sign3A_878 = arith.cmpi sgt, %mul3A_2, %sign3A_877 : i32
        %sign3A_879 = arith.extui %sign3A_878 : i1 to i32
        %sign3A_880 = arith.constant 0 : i32
        %sign3A_881 = arith.cmpi slt, %mul3A_2, %sign3A_880 : i32
        %sign3A_882 = arith.extui %sign3A_881 : i1 to i32
        %sign3A_883 = arith.subi %sign3A_879, %sign3A_882 : i32
        %sign3A_884 = arith.constant 0 : i32
        %sign3A_885 = arith.cmpi sgt, %jit3A_875, %sign3A_884 : i32
        %sign3A_886 = arith.extui %sign3A_885 : i1 to i32
        %sign3A_887 = arith.constant 0 : i32
        %sign3A_888 = arith.cmpi slt, %jit3A_875, %sign3A_887 : i32
        %sign3A_889 = arith.extui %sign3A_888 : i1 to i32
        %sign3A_890 = arith.subi %sign3A_886, %sign3A_889 : i32
        %ne3A_891 = arith.cmpi ne, %sign3A_883, %sign3A_890 : i32
        %rem3A_892 = arith.remsi %mul3A_2, %jit3A_875 : i32
        %ne3A_893 = arith.constant 0 : i32
        %ne3A_894 = arith.cmpi ne, %rem3A_892, %ne3A_893 : i32
        %and3A_895 = arith.andi %ne3A_891, %ne3A_894 : i1
        %sub3A_896 = arith.constant 1 : i32
        %sub3A_897 = arith.subi %div3A_876, %sub3A_896 : i32
        %select_n3A_898 = arith.select %and3A_895, %sub3A_897, %div3A_876 : i32
        %dma_wait3A_899 = arith.constant 0 : i32
        %dma_wait3A_900 = arith.constant 0 : i32
        %dma_wait3A_901 = tpu.memref_slice %arg5[%select_n3A_898, %dma_wait3A_899, %dma_wait3A_900] : memref<200x1024x128xf32, #tpu.memory_space<hbm>> -> memref<1x128x128xf32, #tpu.memory_space<hbm>>
        %dma_wait3A_902 = tpu.memref_squeeze %dma_wait3A_901 : memref<1x128x128xf32, #tpu.memory_space<hbm>> -> memref<128x128xf32, #tpu.memory_space<hbm>>
        %dma_wait3A_903 = arith.constant 0 : i32
        %dma_wait3A_904 = arith.constant 0 : i32
        %dma_wait3A_905 = tpu.memref_slice %arg5[%select_n3A_898, %dma_wait3A_903, %dma_wait3A_904] : memref<200x1024x128xf32, #tpu.memory_space<hbm>> -> memref<1x128x128xf32, #tpu.memory_space<hbm>>
        %dma_wait3A_906 = tpu.memref_squeeze %dma_wait3A_905 : memref<1x128x128xf32, #tpu.memory_space<hbm>> -> memref<128x128xf32, #tpu.memory_space<hbm>>
        tpu.wait_dma2 semaphore(%arg16 : memref<!tpu.dma_semaphore, #tpu.memory_space<semaphore_mem>>) src(%arg11 : memref<128x128xf32, #tpu.memory_space<vmem>>) dst(%dma_wait3A_906 : memref<128x128xf32, #tpu.memory_space<hbm>>)
        %add3A_907 = arith.constant 1 : i32
        %add3A_908 = arith.addi %scan3A_244, %add3A_907 : i32
        %mul3A_909 = arith.constant 5 : i32
        %mul3A_910 = arith.muli %add3A_908, %mul3A_909 : i32
        %add3A_911 = arith.constant 4 : i32
        %add3A_912 = arith.addi %mul3A_910, %add3A_911 : i32
        %sub3A_913 = arith.constant 1 : i32
        %sub3A_914 = arith.subi %add3A_912, %sub3A_913 : i32
        %dma_start3A_915 = arith.constant 0 : i32
        %dma_start3A_916 = tpu.memref_slice %arg6[%sub3A_914, %dma_start3A_915] : memref<50x128xi32, #tpu.memory_space<vmem>> -> memref<1x128xi32, #tpu.memory_space<vmem>>
        %dma_start3A_917 = tpu.memref_squeeze %dma_start3A_916 : memref<1x128xi32, #tpu.memory_space<vmem>> -> memref<128xi32, #tpu.memory_space<vmem>>
        %dma_start3A_918 = arith.constant 0 : i32
        %dma_start3A_919 = arith.constant 0 : i32
        %dma_start3A_920 = tpu.memref_slice %arg3[%dma_start3A_918, %dma_start3A_919] : memref<1000000x128xf32, #tpu.memory_space<hbm>> -> memref<1000000x128xf32, #tpu.memory_space<hbm>>
        tpu.enqueue_indirect_dma source(%dma_start3A_920 : memref<1000000x128xf32, #tpu.memory_space<hbm>>) target(%arg11 : memref<128x128xf32, #tpu.memory_space<vmem>>) offsets(%dma_start3A_917 : memref<128xi32, #tpu.memory_space<vmem>>) semaphore(%arg16 : memref<!tpu.dma_semaphore, #tpu.memory_space<semaphore_mem>>)
      } else {
      }
      %lt3A_870 = arith.constant 9 : i32
      %lt3A_871 = arith.cmpi slt, %scan3A_244, %lt3A_870 : i32
      %convert_element_type3A_872 = arith.extui %lt3A_871 : i1 to i32
      %cond3A_873 = arith.constant 0 : i32
      %cond3A_874 = arith.cmpi ne, %convert_element_type3A_872, %cond3A_873 : i32
      scf.if %cond3A_874 {
        %jit3A_875 = arith.constant 1024 : i32
        %div3A_876 = arith.divsi %mul3A_2, %jit3A_875 : i32
        %sign3A_877 = arith.constant 0 : i32
        %sign3A_878 = arith.cmpi sgt, %mul3A_2, %sign3A_877 : i32
        %sign3A_879 = arith.extui %sign3A_878 : i1 to i32
        %sign3A_880 = arith.constant 0 : i32
        %sign3A_881 = arith.cmpi slt, %mul3A_2, %sign3A_880 : i32
        %sign3A_882 = arith.extui %sign3A_881 : i1 to i32
        %sign3A_883 = arith.subi %sign3A_879, %sign3A_882 : i32
        %sign3A_884 = arith.constant 0 : i32
        %sign3A_885 = arith.cmpi sgt, %jit3A_875, %sign3A_884 : i32
        %sign3A_886 = arith.extui %sign3A_885 : i1 to i32
        %sign3A_887 = arith.constant 0 : i32
        %sign3A_888 = arith.cmpi slt, %jit3A_875, %sign3A_887 : i32
        %sign3A_889 = arith.extui %sign3A_888 : i1 to i32
        %sign3A_890 = arith.subi %sign3A_886, %sign3A_889 : i32
        %ne3A_891 = arith.cmpi ne, %sign3A_883, %sign3A_890 : i32
        %rem3A_892 = arith.remsi %mul3A_2, %jit3A_875 : i32
        %ne3A_893 = arith.constant 0 : i32
        %ne3A_894 = arith.cmpi ne, %rem3A_892, %ne3A_893 : i32
        %and3A_895 = arith.andi %ne3A_891, %ne3A_894 : i1
        %sub3A_896 = arith.constant 1 : i32
        %sub3A_897 = arith.subi %div3A_876, %sub3A_896 : i32
        %select_n3A_898 = arith.select %and3A_895, %sub3A_897, %div3A_876 : i32
        %dma_wait3A_899 = arith.constant 0 : i32
        %dma_wait3A_900 = arith.constant 0 : i32
        %dma_wait3A_901 = tpu.memref_slice %arg5[%select_n3A_898, %dma_wait3A_899, %dma_wait3A_900] : memref<200x1024x128xf32, #tpu.memory_space<hbm>> -> memref<1x128x128xf32, #tpu.memory_space<hbm>>
        %dma_wait3A_902 = tpu.memref_squeeze %dma_wait3A_901 : memref<1x128x128xf32, #tpu.memory_space<hbm>> -> memref<128x128xf32, #tpu.memory_space<hbm>>
        %dma_wait3A_903 = arith.constant 0 : i32
        %dma_wait3A_904 = arith.constant 0 : i32
        %dma_wait3A_905 = tpu.memref_slice %arg5[%select_n3A_898, %dma_wait3A_903, %dma_wait3A_904] : memref<200x1024x128xf32, #tpu.memory_space<hbm>> -> memref<1x128x128xf32, #tpu.memory_space<hbm>>
        %dma_wait3A_906 = tpu.memref_squeeze %dma_wait3A_905 : memref<1x128x128xf32, #tpu.memory_space<hbm>> -> memref<128x128xf32, #tpu.memory_space<hbm>>
        tpu.wait_dma2 semaphore(%arg17 : memref<!tpu.dma_semaphore, #tpu.memory_space<semaphore_mem>>) src(%arg12 : memref<128x128xf32, #tpu.memory_space<vmem>>) dst(%dma_wait3A_906 : memref<128x128xf32, #tpu.memory_space<hbm>>)
        %add3A_907 = arith.constant 1 : i32
        %add3A_908 = arith.addi %scan3A_244, %add3A_907 : i32
        %mul3A_909 = arith.constant 5 : i32
        %mul3A_910 = arith.muli %add3A_908, %mul3A_909 : i32
        %add3A_911 = arith.constant 5 : i32
        %add3A_912 = arith.addi %mul3A_910, %add3A_911 : i32
        %sub3A_913 = arith.constant 1 : i32
        %sub3A_914 = arith.subi %add3A_912, %sub3A_913 : i32
        %dma_start3A_915 = arith.constant 0 : i32
        %dma_start3A_916 = tpu.memref_slice %arg6[%sub3A_914, %dma_start3A_915] : memref<50x128xi32, #tpu.memory_space<vmem>> -> memref<1x128xi32, #tpu.memory_space<vmem>>
        %dma_start3A_917 = tpu.memref_squeeze %dma_start3A_916 : memref<1x128xi32, #tpu.memory_space<vmem>> -> memref<128xi32, #tpu.memory_space<vmem>>
        %dma_start3A_918 = arith.constant 0 : i32
        %dma_start3A_919 = arith.constant 0 : i32
        %dma_start3A_920 = tpu.memref_slice %arg3[%dma_start3A_918, %dma_start3A_919] : memref<1000000x128xf32, #tpu.memory_space<hbm>> -> memref<1000000x128xf32, #tpu.memory_space<hbm>>
        tpu.enqueue_indirect_dma source(%dma_start3A_920 : memref<1000000x128xf32, #tpu.memory_space<hbm>>) target(%arg12 : memref<128x128xf32, #tpu.memory_space<vmem>>) offsets(%dma_start3A_917 : memref<128xi32, #tpu.memory_space<vmem>>) semaphore(%arg17 : memref<!tpu.dma_semaphore, #tpu.memory_space<semaphore_mem>>)
      } else {
      }
    }
    %scan3A_84 = arith.constant 10 : i32
    %jit3A_85 = arith.constant 1024 : i32
    %div3A_86 = arith.divsi %mul3A_2, %jit3A_85 : i32
    %sign3A_87 = arith.constant 0 : i32
    %sign3A_88 = arith.cmpi sgt, %mul3A_2, %sign3A_87 : i32
    %sign3A_89 = arith.extui %sign3A_88 : i1 to i32
    %sign3A_90 = arith.constant 0 : i32
    %sign3A_91 = arith.cmpi slt, %mul3A_2, %sign3A_90 : i32
    %sign3A_92 = arith.extui %sign3A_91 : i1 to i32
    %sign3A_93 = arith.subi %sign3A_89, %sign3A_92 : i32
    %sign3A_94 = arith.constant 0 : i32
    %sign3A_95 = arith.cmpi sgt, %jit3A_85, %sign3A_94 : i32
    %sign3A_96 = arith.extui %sign3A_95 : i1 to i32
    %sign3A_97 = arith.constant 0 : i32
    %sign3A_98 = arith.cmpi slt, %jit3A_85, %sign3A_97 : i32
    %sign3A_99 = arith.extui %sign3A_98 : i1 to i32
    %sign3A_100 = arith.subi %sign3A_96, %sign3A_99 : i32
    %ne3A_101 = arith.cmpi ne, %sign3A_93, %sign3A_100 : i32
    %rem3A_102 = arith.remsi %mul3A_2, %jit3A_85 : i32
    %ne3A_103 = arith.constant 0 : i32
    %ne3A_104 = arith.cmpi ne, %rem3A_102, %ne3A_103 : i32
    %and3A_105 = arith.andi %ne3A_101, %ne3A_104 : i1
    %sub3A_106 = arith.constant 1 : i32
    %sub3A_107 = arith.subi %div3A_86, %sub3A_106 : i32
    %select_n3A_108 = arith.select %and3A_105, %sub3A_107, %div3A_86 : i32
    %dma_wait3A = arith.constant 0 : i32
    %dma_wait3A_109 = arith.constant 0 : i32
    %dma_wait3A_110 = tpu.memref_slice %arg5[%select_n3A_108, %dma_wait3A, %dma_wait3A_109] : memref<200x1024x128xf32, #tpu.memory_space<hbm>> -> memref<1x128x128xf32, #tpu.memory_space<hbm>>
    %dma_wait3A_111 = tpu.memref_squeeze %dma_wait3A_110 : memref<1x128x128xf32, #tpu.memory_space<hbm>> -> memref<128x128xf32, #tpu.memory_space<hbm>>
    %dma_wait3A_112 = arith.constant 0 : i32
    %dma_wait3A_113 = arith.constant 0 : i32
    %dma_wait3A_114 = tpu.memref_slice %arg5[%select_n3A_108, %dma_wait3A_112, %dma_wait3A_113] : memref<200x1024x128xf32, #tpu.memory_space<hbm>> -> memref<1x128x128xf32, #tpu.memory_space<hbm>>
    %dma_wait3A_115 = tpu.memref_squeeze %dma_wait3A_114 : memref<1x128x128xf32, #tpu.memory_space<hbm>> -> memref<128x128xf32, #tpu.memory_space<hbm>>
    tpu.wait_dma2 semaphore(%arg13 : memref<!tpu.dma_semaphore, #tpu.memory_space<semaphore_mem>>) src(%arg8 : memref<128x128xf32, #tpu.memory_space<vmem>>) dst(%dma_wait3A_115 : memref<128x128xf32, #tpu.memory_space<hbm>>)
    %jit3A_116 = arith.constant 1024 : i32
    %div3A_117 = arith.divsi %mul3A_2, %jit3A_116 : i32
    %sign3A_118 = arith.constant 0 : i32
    %sign3A_119 = arith.cmpi sgt, %mul3A_2, %sign3A_118 : i32
    %sign3A_120 = arith.extui %sign3A_119 : i1 to i32
    %sign3A_121 = arith.constant 0 : i32
    %sign3A_122 = arith.cmpi slt, %mul3A_2, %sign3A_121 : i32
    %sign3A_123 = arith.extui %sign3A_122 : i1 to i32
    %sign3A_124 = arith.subi %sign3A_120, %sign3A_123 : i32
    %sign3A_125 = arith.constant 0 : i32
    %sign3A_126 = arith.cmpi sgt, %jit3A_116, %sign3A_125 : i32
    %sign3A_127 = arith.extui %sign3A_126 : i1 to i32
    %sign3A_128 = arith.constant 0 : i32
    %sign3A_129 = arith.cmpi slt, %jit3A_116, %sign3A_128 : i32
    %sign3A_130 = arith.extui %sign3A_129 : i1 to i32
    %sign3A_131 = arith.subi %sign3A_127, %sign3A_130 : i32
    %ne3A_132 = arith.cmpi ne, %sign3A_124, %sign3A_131 : i32
    %rem3A_133 = arith.remsi %mul3A_2, %jit3A_116 : i32
    %ne3A_134 = arith.constant 0 : i32
    %ne3A_135 = arith.cmpi ne, %rem3A_133, %ne3A_134 : i32
    %and3A_136 = arith.andi %ne3A_132, %ne3A_135 : i1
    %sub3A_137 = arith.constant 1 : i32
    %sub3A_138 = arith.subi %div3A_117, %sub3A_137 : i32
    %select_n3A_139 = arith.select %and3A_136, %sub3A_138, %div3A_117 : i32
    %dma_wait3A_140 = arith.constant 0 : i32
    %dma_wait3A_141 = arith.constant 0 : i32
    %dma_wait3A_142 = tpu.memref_slice %arg5[%select_n3A_139, %dma_wait3A_140, %dma_wait3A_141] : memref<200x1024x128xf32, #tpu.memory_space<hbm>> -> memref<1x128x128xf32, #tpu.memory_space<hbm>>
    %dma_wait3A_143 = tpu.memref_squeeze %dma_wait3A_142 : memref<1x128x128xf32, #tpu.memory_space<hbm>> -> memref<128x128xf32, #tpu.memory_space<hbm>>
    %dma_wait3A_144 = arith.constant 0 : i32
    %dma_wait3A_145 = arith.constant 0 : i32
    %dma_wait3A_146 = tpu.memref_slice %arg5[%select_n3A_139, %dma_wait3A_144, %dma_wait3A_145] : memref<200x1024x128xf32, #tpu.memory_space<hbm>> -> memref<1x128x128xf32, #tpu.memory_space<hbm>>
    %dma_wait3A_147 = tpu.memref_squeeze %dma_wait3A_146 : memref<1x128x128xf32, #tpu.memory_space<hbm>> -> memref<128x128xf32, #tpu.memory_space<hbm>>
    tpu.wait_dma2 semaphore(%arg14 : memref<!tpu.dma_semaphore, #tpu.memory_space<semaphore_mem>>) src(%arg9 : memref<128x128xf32, #tpu.memory_space<vmem>>) dst(%dma_wait3A_147 : memref<128x128xf32, #tpu.memory_space<hbm>>)
    %jit3A_148 = arith.constant 1024 : i32
    %div3A_149 = arith.divsi %mul3A_2, %jit3A_148 : i32
    %sign3A_150 = arith.constant 0 : i32
    %sign3A_151 = arith.cmpi sgt, %mul3A_2, %sign3A_150 : i32
    %sign3A_152 = arith.extui %sign3A_151 : i1 to i32
    %sign3A_153 = arith.constant 0 : i32
    %sign3A_154 = arith.cmpi slt, %mul3A_2, %sign3A_153 : i32
    %sign3A_155 = arith.extui %sign3A_154 : i1 to i32
    %sign3A_156 = arith.subi %sign3A_152, %sign3A_155 : i32
    %sign3A_157 = arith.constant 0 : i32
    %sign3A_158 = arith.cmpi sgt, %jit3A_148, %sign3A_157 : i32
    %sign3A_159 = arith.extui %sign3A_158 : i1 to i32
    %sign3A_160 = arith.constant 0 : i32
    %sign3A_161 = arith.cmpi slt, %jit3A_148, %sign3A_160 : i32
    %sign3A_162 = arith.extui %sign3A_161 : i1 to i32
    %sign3A_163 = arith.subi %sign3A_159, %sign3A_162 : i32
    %ne3A_164 = arith.cmpi ne, %sign3A_156, %sign3A_163 : i32
    %rem3A_165 = arith.remsi %mul3A_2, %jit3A_148 : i32
    %ne3A_166 = arith.constant 0 : i32
    %ne3A_167 = arith.cmpi ne, %rem3A_165, %ne3A_166 : i32
    %and3A_168 = arith.andi %ne3A_164, %ne3A_167 : i1
    %sub3A_169 = arith.constant 1 : i32
    %sub3A_170 = arith.subi %div3A_149, %sub3A_169 : i32
    %select_n3A_171 = arith.select %and3A_168, %sub3A_170, %div3A_149 : i32
    %dma_wait3A_172 = arith.constant 0 : i32
    %dma_wait3A_173 = arith.constant 0 : i32
    %dma_wait3A_174 = tpu.memref_slice %arg5[%select_n3A_171, %dma_wait3A_172, %dma_wait3A_173] : memref<200x1024x128xf32, #tpu.memory_space<hbm>> -> memref<1x128x128xf32, #tpu.memory_space<hbm>>
    %dma_wait3A_175 = tpu.memref_squeeze %dma_wait3A_174 : memref<1x128x128xf32, #tpu.memory_space<hbm>> -> memref<128x128xf32, #tpu.memory_space<hbm>>
    %dma_wait3A_176 = arith.constant 0 : i32
    %dma_wait3A_177 = arith.constant 0 : i32
    %dma_wait3A_178 = tpu.memref_slice %arg5[%select_n3A_171, %dma_wait3A_176, %dma_wait3A_177] : memref<200x1024x128xf32, #tpu.memory_space<hbm>> -> memref<1x128x128xf32, #tpu.memory_space<hbm>>
    %dma_wait3A_179 = tpu.memref_squeeze %dma_wait3A_178 : memref<1x128x128xf32, #tpu.memory_space<hbm>> -> memref<128x128xf32, #tpu.memory_space<hbm>>
    tpu.wait_dma2 semaphore(%arg15 : memref<!tpu.dma_semaphore, #tpu.memory_space<semaphore_mem>>) src(%arg10 : memref<128x128xf32, #tpu.memory_space<vmem>>) dst(%dma_wait3A_179 : memref<128x128xf32, #tpu.memory_space<hbm>>)
    %jit3A_180 = arith.constant 1024 : i32
    %div3A_181 = arith.divsi %mul3A_2, %jit3A_180 : i32
    %sign3A_182 = arith.constant 0 : i32
    %sign3A_183 = arith.cmpi sgt, %mul3A_2, %sign3A_182 : i32
    %sign3A_184 = arith.extui %sign3A_183 : i1 to i32
    %sign3A_185 = arith.constant 0 : i32
    %sign3A_186 = arith.cmpi slt, %mul3A_2, %sign3A_185 : i32
    %sign3A_187 = arith.extui %sign3A_186 : i1 to i32
    %sign3A_188 = arith.subi %sign3A_184, %sign3A_187 : i32
    %sign3A_189 = arith.constant 0 : i32
    %sign3A_190 = arith.cmpi sgt, %jit3A_180, %sign3A_189 : i32
    %sign3A_191 = arith.extui %sign3A_190 : i1 to i32
    %sign3A_192 = arith.constant 0 : i32
    %sign3A_193 = arith.cmpi slt, %jit3A_180, %sign3A_192 : i32
    %sign3A_194 = arith.extui %sign3A_193 : i1 to i32
    %sign3A_195 = arith.subi %sign3A_191, %sign3A_194 : i32
    %ne3A_196 = arith.cmpi ne, %sign3A_188, %sign3A_195 : i32
    %rem3A_197 = arith.remsi %mul3A_2, %jit3A_180 : i32
    %ne3A_198 = arith.constant 0 : i32
    %ne3A_199 = arith.cmpi ne, %rem3A_197, %ne3A_198 : i32
    %and3A_200 = arith.andi %ne3A_196, %ne3A_199 : i1
    %sub3A_201 = arith.constant 1 : i32
    %sub3A_202 = arith.subi %div3A_181, %sub3A_201 : i32
    %select_n3A_203 = arith.select %and3A_200, %sub3A_202, %div3A_181 : i32
    %dma_wait3A_204 = arith.constant 0 : i32
    %dma_wait3A_205 = arith.constant 0 : i32
    %dma_wait3A_206 = tpu.memref_slice %arg5[%select_n3A_203, %dma_wait3A_204, %dma_wait3A_205] : memref<200x1024x128xf32, #tpu.memory_space<hbm>> -> memref<1x128x128xf32, #tpu.memory_space<hbm>>
    %dma_wait3A_207 = tpu.memref_squeeze %dma_wait3A_206 : memref<1x128x128xf32, #tpu.memory_space<hbm>> -> memref<128x128xf32, #tpu.memory_space<hbm>>
    %dma_wait3A_208 = arith.constant 0 : i32
    %dma_wait3A_209 = arith.constant 0 : i32
    %dma_wait3A_210 = tpu.memref_slice %arg5[%select_n3A_203, %dma_wait3A_208, %dma_wait3A_209] : memref<200x1024x128xf32, #tpu.memory_space<hbm>> -> memref<1x128x128xf32, #tpu.memory_space<hbm>>
    %dma_wait3A_211 = tpu.memref_squeeze %dma_wait3A_210 : memref<1x128x128xf32, #tpu.memory_space<hbm>> -> memref<128x128xf32, #tpu.memory_space<hbm>>
    tpu.wait_dma2 semaphore(%arg16 : memref<!tpu.dma_semaphore, #tpu.memory_space<semaphore_mem>>) src(%arg11 : memref<128x128xf32, #tpu.memory_space<vmem>>) dst(%dma_wait3A_211 : memref<128x128xf32, #tpu.memory_space<hbm>>)
    %jit3A_212 = arith.constant 1024 : i32
    %div3A_213 = arith.divsi %mul3A_2, %jit3A_212 : i32
    %sign3A_214 = arith.constant 0 : i32
    %sign3A_215 = arith.cmpi sgt, %mul3A_2, %sign3A_214 : i32
    %sign3A_216 = arith.extui %sign3A_215 : i1 to i32
    %sign3A_217 = arith.constant 0 : i32
    %sign3A_218 = arith.cmpi slt, %mul3A_2, %sign3A_217 : i32
    %sign3A_219 = arith.extui %sign3A_218 : i1 to i32
    %sign3A_220 = arith.subi %sign3A_216, %sign3A_219 : i32
    %sign3A_221 = arith.constant 0 : i32
    %sign3A_222 = arith.cmpi sgt, %jit3A_212, %sign3A_221 : i32
    %sign3A_223 = arith.extui %sign3A_222 : i1 to i32
    %sign3A_224 = arith.constant 0 : i32
    %sign3A_225 = arith.cmpi slt, %jit3A_212, %sign3A_224 : i32
    %sign3A_226 = arith.extui %sign3A_225 : i1 to i32
    %sign3A_227 = arith.subi %sign3A_223, %sign3A_226 : i32
    %ne3A_228 = arith.cmpi ne, %sign3A_220, %sign3A_227 : i32
    %rem3A_229 = arith.remsi %mul3A_2, %jit3A_212 : i32
    %ne3A_230 = arith.constant 0 : i32
    %ne3A_231 = arith.cmpi ne, %rem3A_229, %ne3A_230 : i32
    %and3A_232 = arith.andi %ne3A_228, %ne3A_231 : i1
    %sub3A_233 = arith.constant 1 : i32
    %sub3A_234 = arith.subi %div3A_213, %sub3A_233 : i32
    %select_n3A_235 = arith.select %and3A_232, %sub3A_234, %div3A_213 : i32
    %dma_wait3A_236 = arith.constant 0 : i32
    %dma_wait3A_237 = arith.constant 0 : i32
    %dma_wait3A_238 = tpu.memref_slice %arg5[%select_n3A_235, %dma_wait3A_236, %dma_wait3A_237] : memref<200x1024x128xf32, #tpu.memory_space<hbm>> -> memref<1x128x128xf32, #tpu.memory_space<hbm>>
    %dma_wait3A_239 = tpu.memref_squeeze %dma_wait3A_238 : memref<1x128x128xf32, #tpu.memory_space<hbm>> -> memref<128x128xf32, #tpu.memory_space<hbm>>
    %dma_wait3A_240 = arith.constant 0 : i32
    %dma_wait3A_241 = arith.constant 0 : i32
    %dma_wait3A_242 = tpu.memref_slice %arg5[%select_n3A_235, %dma_wait3A_240, %dma_wait3A_241] : memref<200x1024x128xf32, #tpu.memory_space<hbm>> -> memref<1x128x128xf32, #tpu.memory_space<hbm>>
    %dma_wait3A_243 = tpu.memref_squeeze %dma_wait3A_242 : memref<1x128x128xf32, #tpu.memory_space<hbm>> -> memref<128x128xf32, #tpu.memory_space<hbm>>
    tpu.wait_dma2 semaphore(%arg17 : memref<!tpu.dma_semaphore, #tpu.memory_space<semaphore_mem>>) src(%arg12 : memref<128x128xf32, #tpu.memory_space<vmem>>) dst(%dma_wait3A_243 : memref<128x128xf32, #tpu.memory_space<hbm>>)
    return
  }
}

</mosaic_0001>

<sc_bundles>
// kernel: kernel.3.cloned.1.call-start
scs
__scs_entry_jumppad:
0x0: {  	(pc) =	sbr.rel $0x88, $3  }
0x1: {  	(tag) =	ssettag $0x0;
	lr =	simm.s32 $0x1  }
0x2: {  	[smem:$0x3F9E] =	sst lr;
	_ =	strace $0xD0000000  }
0x3: {  	_ = 	snop  }
0x4: {  	_ = 	snop  }
0x5: {  	_ = 	snop  }
0x6: {  	_ = 	snop  }
0x7: {  	_ = 	snop  }
__scs_overlays_trampoline_lowered:
0x8: {  	[smem:$0x3FAD] =	sst s0  }
0x9: {  	[smem:$0x3FAE] =	sst s1  }
0xa: {  	[smem:$0x3FAF] =	sst s2  }
0xb: {  	[smem:$0x3FB0] =	sst s3  }
0xc: {  	[smem:$0x3FB1] =	sst s4  }
0xd: {  	[smem:$0x3FB2] =	sst s5  }
0xe: {  	[smem:$0x3FB3] =	sst s6  }
0xf: {  	[smem:$0x3FB4] =	sst s7  }
0x10: {  	[smem:$0x3FB5] =	sst s8  }
0x11: {  	[smem:$0x3FB6] =	sst s9;
	s0 =	simm.s32 @!p0 $0x0  }
0x12: {  	s1 =	sld [smem:$0x3F9C];
	s0 =	simm.s32 @p0 $0x1  }
0x13: {  	[smem:$0x3FB7] =	sst s0;
	s0 =	simm.s32 @!p1 $0x0  }
0x14: {  	s2 =	sld [smem:$0x3F9B];
	s0 =	simm.s32 @p1 $0x1  }
0x15: {  	[smem:$0x3FB8] =	sst s0;
	s0 =	simm.s32 @!p2 $0x0  }
0x16: {  	s3 =	sld [smem:$0x3FDB];
	s0 =	simm.s32 @p2 $0x1  }
0x17: {  	s4 =	simm.s32 $0x1BF5;
	[smem:$0x3FBA] =	sst s0  }
0x18: {  	s0 =	sld [smem:$0x3F9D];
	_ =	swait.ge [sflag:s4], $0x0  }
0x19: {  	s7 =	sld [smem:$0x3F9E]  }
0x1a: {  	s8 =	sadd.s32 $0xFFFFE003, lr  }
0x1b: {  	s9 =	sadd.s32 $0xFFFFFEF7, lr;
	s5 =	simm.s32 $0xFFFFFFFF;
	p2 =	slt.u32 s8, $0xFFFFF086  }
0x1c: {  	p1 =	slt.u32 s9, $0xF7A;
	s5 =	simm.s32 @!p2 $0x0  }
0x1d: {  	s5 =	simm.s32 @p1 $0x1;
	p0 =	seq.s32 s7, s2  }
0x1e: {  	s7 =	smul.u32 @!p0 $0xF7A, s2;
	p2 =	seq.s32 @!p0 s5, $0x0  }
0x1f: {  	s9 =	smul.u32 $0xF7A, s1;
	s8 =	simm.s32 @!p0 $0x1BF5;
	p2 =	por !p2, p0  }
0x20: {  	[sflag:s8] =	ssyncset.s32 @!p0 $0xFFFFF086;
	s6 =	sadd.s32 @!p0 s3, s7;
	s7 =	simm.s32 @!p0 $0x108  }
0x21: {  	s3 =	sadd.s32 s3, s9;
	s6 =	sadd.s32 @!p0 $0x88, s6;
	s7 =	simm.s32 @p2 $0x1082  }
0x22: {  	[simem:s7], [sflag:s8] =	dma.local @!p0 [hbm:s6], $0xF7A  }
0x23: {  	s9 =	sor.u32 $0xD0000000, s2;
	s6 =	simm.s32 $0x108;
	_ =	swait.ge @!p0 [sflag:s8], $0x0  }
0x24: {  	s3 =	sadd.s32 $0x88, s3;
	s6 =	simm.s32 @!p1 $0x1082;
	[sflag:s4] =	ssyncset.s32 $0xFFFFF086  }
0x25: {  	[simem:s6], [sflag:s4] =	dma.local [hbm:s3], $0xF7A  }
0x26: {  	[smem:$0x3F9E] =	sst s1;
	(tag) =	ssettag s2;
	_ =	strace s9  }
0x27: {  	s1 =	sld [smem:$0x3FAE]  }
0x28: {  	s2 =	sld [smem:$0x3FAF]  }
0x29: {  	s4 =	sld [smem:$0x3FB1]  }
0x2a: {  	p0 =	seq.s32 s5, $0x0;
	s5 =	sld [smem:$0x3FB2]  }
0x2b: {  	s6 =	sld [smem:$0x3FB3]  }
0x2c: {  	s7 =	sld [smem:$0x3FB4]  }
0x2d: {  	s3 =	simm.s32 $0x108;
	s8 =	sld [smem:$0x3FB5]  }
0x2e: {  	s3 =	simm.s32 @!p0 $0x1082;
	s9 =	sld [smem:$0x3FB6]  }
0x2f: {  	lr =	sadd.s32 s0, s3;
	s0 =	sld [smem:$0x3FAD]  }
0x30: {  	s3 =	sld [smem:$0x3FB0]  }
0x31: {  	[smem:$0x3FB9] =	sst s10  }
0x32: {  	s10 =	sld [smem:$0x3FB7];
	_ =	sdelay $0x3  }
0x33: {  	p0 =	seq.s32 s10, $0x1;
	s10 =	sld [smem:$0x3FB9];
	_ =	sdelay $0x3  }
0x34: {  	[smem:$0x3FB9] =	sst s10  }
0x35: {  	s10 =	sld [smem:$0x3FB8];
	_ =	sdelay $0x3  }
0x36: {  	p1 =	seq.s32 s10, $0x1;
	s10 =	sld [smem:$0x3FB9];
	_ =	sdelay $0x3  }
0x37: {  	[smem:$0x3FB9] =	sst s10  }
0x38: {  	s10 =	sld [smem:$0x3FBA]  }
0x39: {  	_ = 	snop;
	(pc) =	sbr.ind lr, $3  }
0x3a: {  	_ = 	snop  }
0x3b: {  	_ = 	snop  }
0x3c: {  	p2 =	seq.s32 s10, $0x1;
	s10 =	sld [smem:$0x3FB9]  }
0x3d: {  	_ =	shalt  }
0x3e: {  	_ =	shalt  }
0x3f: {  	_ =	shalt  }
0x40: {  	_ =	shalt  }
0x41: {  	_ =	shalt  }
0x42: {  	_ =	shalt  }
0x43: {  	_ =	shalt  }
0x44: {  	_ =	shalt  }
0x45: {  	_ =	shalt  }
0x46: {  	_ =	shalt  }
0x47: {  	_ =	shalt  }
0x48: {  	_ =	shalt  }
0x49: {  	_ =	shalt  }
0x4a: {  	_ =	shalt  }
0x4b: {  	_ =	shalt  }
0x4c: {  	_ =	shalt  }
0x4d: {  	_ =	shalt  }
0x4e: {  	_ =	shalt  }
0x4f: {  	_ =	shalt  }
0x50: {  	_ =	shalt  }
0x51: {  	_ =	shalt  }
0x52: {  	_ =	shalt  }
0x53: {  	_ =	shalt  }
0x54: {  	_ =	shalt  }
0x55: {  	_ =	shalt  }
0x56: {  	_ =	shalt  }
0x57: {  	_ =	shalt  }
0x58: {  	_ =	shalt  }
0x59: {  	_ =	shalt  }
0x5a: {  	_ =	shalt  }
0x5b: {  	_ =	shalt  }
0x5c: {  	_ =	shalt  }
0x5d: {  	_ =	shalt  }
0x5e: {  	_ =	shalt  }
0x5f: {  	_ =	shalt  }
0x60: {  	_ =	shalt  }
0x61: {  	_ =	shalt  }
0x62: {  	_ =	shalt  }
0x63: {  	_ =	shalt  }
0x64: {  	_ =	shalt  }
0x65: {  	_ =	shalt  }
0x66: {  	_ =	shalt  }
0x67: {  	_ =	shalt  }
0x68: {  	_ =	shalt  }
0x69: {  	_ =	shalt  }
0x6a: {  	_ =	shalt  }
0x6b: {  	_ =	shalt  }
0x6c: {  	_ =	shalt  }
0x6d: {  	_ =	shalt  }
0x6e: {  	_ =	shalt  }
0x6f: {  	_ =	shalt  }
0x70: {  	_ =	shalt  }
0x71: {  	_ =	shalt  }
0x72: {  	_ =	shalt  }
0x73: {  	_ =	shalt  }
0x74: {  	_ =	shalt  }
0x75: {  	_ =	shalt  }
0x76: {  	_ =	shalt  }
0x77: {  	_ =	shalt  }
0x78: {  	_ =	shalt  }
0x79: {  	_ =	shalt  }
0x7a: {  	_ =	shalt  }
0x7b: {  	_ =	shalt  }
0x7c: {  	_ =	shalt  }
0x7d: {  	_ =	shalt  }
0x7e: {  	_ =	shalt  }
0x7f: {  	_ =	shalt  }
0x80: {  	_ =	shalt  }
0x81: {  	_ =	shalt  }
0x82: {  	_ =	shalt  }
0x83: {  	_ =	shalt  }
0x84: {  	_ =	shalt  }
0x85: {  	_ =	shalt  }
0x86: {  	_ =	shalt  }
0x87: {  	_ =	shalt  }
.Lfunc_end0:
.L_simem_size_0:
called_computation_lowered:
.L_overlay_start_0:
0x88: {  	s2 =	sld [smem:$0x3FD9]  }
0x89: {  	s3 =	sld [smem:$0x3FFE];
	_ =	sdelay $0x1  }
0x8a: {  	s1 =	srdreg.scid  }
0x8b: {  	s0 =	sand.u32 $0x1, s1  }
0x8c: {  	s17 =	sshll.u32 s0, $0xA;
	s2 =	sadd.s32 s3, s2  }
0x8d: {  	s2 =	sadd.s32 s2, s17  }
0x8e: {  	[smem:$0x3FC5] =	sst s2  }
0x8f: {  	_ = 	snop  }
0x90: {  	s2 =	sld [smem:$0x3FC8]  }
0x91: {  	s18 =	sld [smem:$0x3FC7]  }
0x92: {  	s4 =	sld [smem:$0x3FD0];
	(tm) =	ssettm $0x1  }
0x93: {  	s5 =	sld [smem:$0x3FFB];
	_ =	sdelay $0x3  }
0x94: {  	_ =	strace s5  }
0x95: {  	s5 =	sld [smem:$0x3FFC];
	_ =	sdelay $0x3  }
0x96: {  	_ =	strace s5  }
0x97: {  	s5 =	sld [smem:$0x3FFD];
	_ =	sdelay $0x3  }
0x98: {  	_ =	strace s5  }
0x99: {  	_ =	strace $0x8FFFFFFF  }
0x9a: {  	s19 =	sld [smem:$0x3FDB];
	_ =	sdelay $0x1  }
0x9b: {  	s6 =	simm.s32 $_scs_section_size  }
0x9c: {  	s7 =	simm.s32 $_size__tile_overlayer_lowered;
	s8 =	simm.s32 $_tile_overlayer_lowered  }
0x9d: {  	s22 =	simm.s32 $0x1BFF;
	s21 =	sshll.u32 s8, $0x1;
	s5 =	sadd.s32 s6, s19  }
0x9e: {  	s9 =	simm.s32 $0x0;
	s20 =	sshll.u32 s7, $0x1;
	s7 =	sadd.s32 s21, s5  }
0x9f: {  	[timem:s9], [sflag:s22] =	dma.local [hbm:s7], s20  }
0xa0: {  	_ =	swait.ge [sflag:s22], s20  }
0xa1: {  	s6 =	ssub.s32 $0x0, s20;
	[sflag:s22] =	ssyncset.done $0x0  }
0xa2: {  	[sflag:s22] =	ssyncadd.s32 s6;
	_ =	sdelay $0x1  }
0xa3: {  	s23 =	simm.s32 $0x1B8B  }
0xa4: {  	_ =	swait.ge [sflag:s23], $0x1  }
0xa5: {  	[sflag:s23] =	ssyncset.done $0x0  }
0xa6: {  	s25 =	simm.s32 $0x1B8E;
	s24 =	sld [smem:$0x3FFE];
	[sflag:s23] =	ssyncadd.s32 $0xFFFFFFFF  }
0xa7: {  	s26 =	simm.s32 $execute0_lowered;
	[smem:$0x3FD2] =	sst s25  }
0xa8: {  	s7 =	sshll.u32 s26, $0x1;
	_ =	strace $0x80000046;
	[dreg:$0x1] =	wrdreg $0xFFFFFFFF  }
0xa9: {  	s28 =	simm.s32 $_size_execute0_lowered;
	s5 =	sadd.s32 s5, s7;
	[dreg:$0x0] =	wrdreg $0x0  }
0xaa: {  	s7 =	sshll.u32 s28, $0x1;
	[dreg:$0x2] =	wrdreg s5  }
0xab: {  	[dreg:$0x3] =	wrdreg s7  }
0xac: {  	[dreg:$0x4] =	wrdreg $0xC0  }
0xad: {  	_ =	task [dreg:s9], $0x5FFFF  }
0xae: {  	[dreg:$0x1] =	wrdreg $0xFFFFFFFF  }
0xaf: {  	[dreg:$0x0] =	wrdreg $0x60  }
0xb0: {  	[dreg:$0x2] =	wrdreg s24  }
0xb1: {  	[dreg:$0x3] =	wrdreg s2  }
0xb2: {  	[dreg:$0x4] =	wrdreg s18  }
0xb3: {  	[dreg:$0x5] =	wrdreg s4  }
0xb4: {  	[dreg:$0x6] =	wrdreg $0x9  }
0xb5: {  	_ =	task.clear_ibuf [dreg:s9], $0x7FFFF;
	_ =	strace $0x90000046  }
0xb6: {  	s29 =	simm.s32 $0x9;
	_ =	strace $0x80000048  }
0xb7: {  	_ =	swait.ge [sflag:s29], $0x1  }
0xb8: {  	[sflag:s29] =	ssyncadd.s32 $0xFFFFFFFF  }
0xb9: {  	_ =	strace $0x90000048  }
0xba: {  	_ =	sfence  }
0xbb: {  	s30 =	sld [smem:$0x0];
	_ =	sdelay $0x2  }
0xbc: {  	s31 =	sshll.u32 s1, $0xD;
	s1 =	sshrl.u32 s1, $0x2  }
0xbd: {  	s3 =	sand.u32 $0x4000, s31;
	s1 =	sadd.s32 s1, s30  }
0xbe: {  	s0 =	sor.u32 s3, s0;
	s1 =	sshll.u32 s1, $0x11  }
0xbf: {  	s0 =	sor.u32 s1, s0  }
0xc0: {  	s0 =	sadd.s32 $0x8F2B, s0  }
0xc1: {  	[sflag:s0] =	ssyncadd.remote.s32 $0x1  }
0xc2: {  	_ =	sfence.sel $0xFFFF  }
0xc3: {  	[dreg:$0x0] =	wrdreg $0xFFFFFFFF;
	(pc) =	sbr.abs _section_cstart, $3  }
0xc4: {  	[dreg:$0x1] =	wrdreg $0xFFFFFFFF  }
0xc5: {  	_ =	task.clear_ibuf [dreg:s9], $0x2FFFF;
	_ =	strace $0x9FFFFFFF  }
0xc6: {  	(tm) =	ssettm $0x7FFFFFFF  }
0xc7: {  	_ =	shalt  }
tec
execute0_lowered:
.L_overlay_start_1:
0x0: {  	(tag) =	ssettag $0x1  }
0x1: {  	s0 =	rddreg [dreg:$0x0]  }
0x2: {  	s2 =	srdreg.scid;
	s1 =	rddreg [dreg:$0x1]  }
0x3: {  	s3 =	stileid.u32;
	s7 =	rddreg [dreg:$0x2]  }
0x4: {  	s5 =	simm.s32 $0x0;
	s14 =	simm.s32 $0x6;
	s15 =	simm.s32 $0x80  }
0x5: {  	s16 =	simm.s32 $0x2400;
	s17 =	simm.s32 $0x6400;
	s19 =	simm.s32 $0xA400  }
0x6: {  	s21 =	simm.s32 $0xE400;
	s23 =	simm.s32 $0x12400;
	s28 =	simm.s32 $0x3  }
0x7: {  	s29 =	simm.s32 $0x4;
	s2 =	sand.u32 $0x1, s2;
	s3 =	sshll.u32 s3, $0x1  }
0x8: {  	s30 =	simm.s32 $0x5;
	s31 =	simm.s32 $0x0;
	s6 =	sor.u32 s2, s3  }
0x9: {  	[smem:$0x7FF] =	sst s5;
	s2 =	ssub.s32 $0x2, s2;
	s4 =	smul.u32 $0x1900, s6  }
0xa: {  	s3 =	rddreg [dreg:$0x3];
	s9 =	smul.u32 $0x380, s6;
	s25 =	sshrl.u32 s2, $0x1  }
0xb: {  	_ =	strace $0x80000047;
	s2 =	ssub.s32 s2, s25;
	s25 =	simm.s32 $0x1  }
.Ltmp0:
0xc: {  	s8 =	sshrl.u32 s4, $0xA;
	s0 =	sadd.s32 s9, s0;
	(pc) =	sbr.rel .LBB2_1-.Ltmp0, $4  }
0xd: {  	s9 =	sor.u32 $0x80, s4;
	s10 =	sadd.s32 $0x100, s4;
	s24 =	sand.u32 $0xF8, s8  }
0xe: {  	s11 =	sadd.s32 $0x180, s4;
	s12 =	sadd.s32 $0x200, s4;
	s6 =	smin.u32 s24, $0xB8  }
0xf: {  	s13 =	smax.u32 s2, $0x1;
	s0 =	sadd.s32 $0x400, s0;
	s26 =	sshll.u32 s6, $0x4  }
0x10: {  	[dreg:$0x5] =	wrdreg s0;
	s8 =	sadd.s32 s7, s26;
	s26 =	simm.s32 $0x2  }
.LBB2_14:
0x11: {  	_ =	swait.ge [sflag:s25], $0x4000  }
0x12: {  	[sflag:s25] =	ssyncset.done $0x0  }
0x13: {  	[sflag:s25] =	ssyncadd.s32 $0xFFFFC000  }
0x14: {  	_ =	swait.ge [sflag:s26], $0x4000  }
0x15: {  	[sflag:s26] =	ssyncset.done $0x0  }
0x16: {  	[sflag:s26] =	ssyncadd.s32 $0xFFFFC000  }
0x17: {  	_ =	swait.ge [sflag:s28], $0x4000  }
0x18: {  	[sflag:s28] =	ssyncset.done $0x0  }
0x19: {  	s31 =	sadd.s32 $0x1, s31;
	[sflag:s28] =	ssyncadd.s32 $0xFFFFC000  }
0x1a: {  	p0 =	sne.s32 s31, s13;
	_ =	swait.ge [sflag:s29], $0x4000  }
.Ltmp1:
0x1b: {  	[sflag:s29] =	ssyncset.done $0x0;
	(pc) =	sbr.rel @!p0 .LBB2_15-.Ltmp1, $4  }
0x1c: {  	[sflag:s29] =	ssyncadd.s32 $0xFFFFC000  }
0x1d: {  	_ =	swait.ge [sflag:s30], $0x4000  }
0x1e: {  	[sflag:s30] =	ssyncset.done $0x0  }
0x1f: {  	[sflag:s30] =	ssyncadd.s32 $0xFFFFC000  }
.LBB2_1:
0x20: {  	s0 =	rddreg [dreg:$0x5]  }
0x21: {  	[tilespmem:s5], [sflag:$0x6] =	stream.linear.gather [hbm4b:s0+s5], $0x1900, $0x38;
	[tilespmem:$0x16400] =	vst v63  }
0x22: {  	_ =	swait.ge [sflag:s14], $0x1900  }
0x23: {  	[sflag:s14] =	ssyncset.done $0x0  }
0x24: {  	[sflag:s14] =	ssyncadd.s32 $0xFFFFE700  }
0x25: {  	[tilespmem:s16], [sflag:$0x1] =	stream.indirect.gather [hbm4b:s1+s15], $0x80, s5, s15, $0xb8;
	[tilespmem:$0x16400] =	vst v63  }
0x26: {  	_ = 	snop  }
0x27: {  	[tilespmem:s17], [sflag:$0x2] =	stream.indirect.gather [hbm4b:s1+s15], $0x80, s15, s15, $0xb8;
	[tilespmem:$0x16400] =	vst v63  }
0x28: {  	s18 =	simm.s32 $0x100  }
0x29: {  	[tilespmem:s19], [sflag:$0x3] =	stream.indirect.gather [hbm4b:s1+s15], $0x80, s18, s15, $0xb8;
	[tilespmem:$0x16400] =	vst v63  }
0x2a: {  	s20 =	simm.s32 $0x180  }
0x2b: {  	[tilespmem:s21], [sflag:$0x4] =	stream.indirect.gather [hbm4b:s1+s15], $0x80, s20, s15, $0xb8;
	[tilespmem:$0x16400] =	vst v63  }
0x2c: {  	s22 =	simm.s32 $0x200  }
0x2d: {  	[tilespmem:s23], [sflag:$0x5] =	stream.indirect.gather [hbm4b:s1+s15], $0x80, s22, s15, $0xb8;
	[tilespmem:$0x16400] =	vst v63  }
0x2e: {  	s24 =	simm.s32 $0x1C00  }
0x2f: {  	[tilespmem:s24], [sflag:$0x6] =	stream.linear.gather [hbm4b:s8+s5], $0x800, $0x38;
	[tilespmem:$0x16400] =	vst v63  }
0x30: {  	_ =	swait.ge [sflag:s14], $0x800  }
0x31: {  	[sflag:s14] =	ssyncset.done $0x0  }
0x32: {  	s2 =	simm.s32 $0x0;
	[sflag:s14] =	ssyncadd.s32 $0xFFFFF800  }
.LBB2_2:
0x33: {  	s0 =	smul.u32 $0x280, s2;
	_ =	sdelay $0x1  }
0x34: {  	s20 =	sadd.s32 s4, s0  }
0x35: {  	s18 =	sshrl.u32 s20, $0xA  }
0x36: {  	_ =	swait.ge [sflag:s25], $0x4000;
	s7 =	ssub.s32 s18, s6  }
0x37: {  	[sflag:s25] =	ssyncset.done $0x0;
	s7 =	sshll.u32 s7, $0x9  }
0x38: {  	[sflag:s25] =	ssyncadd.s32 $0xFFFFC000;
	s7 =	sshra.s32 s7, $0x2  }
0x39: {  	v3 =	vld [tilespmem:s7+$0x1C00]  }
0x3a: {  	v4 =	vld [tilespmem:s7+$0x1C10]  }
0x3b: {  	v5 =	vld [tilespmem:s7+$0x1C20]  }
0x3c: {  	v7 =	vld [tilespmem:s7+$0x1C70]  }
0x3d: {  	v6 =	vld [tilespmem:s7+$0x1C30]  }
0x3e: {  	v2 =	vld [tilespmem:s7+$0x1C40]  }
0x3f: {  	v1 =	vld [tilespmem:s7+$0x1C50]  }
0x40: {  	s22 =	simm.s32 $0x0;
	s24 =	simm.s32 $0x1000;
	v0 =	vld [tilespmem:s7+$0x1C60]  }
.LBB2_3:
0x41: {  	p0 =	sne.s32 s24, $0xF000;
	[tilespmem:s22+$0x27F0] =	vst.add.f32.msk $0xffff, v7  }
0x42: {  	[tilespmem:s22+$0x2400] =	vst.add.f32.msk $0xffff, v3  }
0x43: {  	[tilespmem:s22+$0x2410] =	vst.add.f32.msk $0xffff, v4  }
0x44: {  	[tilespmem:s22+$0x2420] =	vst.add.f32.msk $0xffff, v5  }
0x45: {  	[tilespmem:s22+$0x2430] =	vst.add.f32.msk $0xffff, v6  }
0x46: {  	[tilespmem:s22+$0x2440] =	vst.add.f32.msk $0xffff, v2  }
0x47: {  	[tilespmem:s22+$0x2450] =	vst.add.f32.msk $0xffff, v1  }
0x48: {  	[tilespmem:s22+$0x2460] =	vst.add.f32.msk $0xffff, v0  }
0x49: {  	[tilespmem:s22+$0x2470] =	vst.add.f32.msk $0xffff, v7  }
0x4a: {  	[tilespmem:s22+$0x2480] =	vst.add.f32.msk $0xffff, v3  }
0x4b: {  	[tilespmem:s22+$0x2490] =	vst.add.f32.msk $0xffff, v4  }
0x4c: {  	[tilespmem:s22+$0x24A0] =	vst.add.f32.msk $0xffff, v5  }
0x4d: {  	[tilespmem:s22+$0x24B0] =	vst.add.f32.msk $0xffff, v6  }
0x4e: {  	[tilespmem:s22+$0x24C0] =	vst.add.f32.msk $0xffff, v2  }
0x4f: {  	[tilespmem:s22+$0x24D0] =	vst.add.f32.msk $0xffff, v1  }
0x50: {  	[tilespmem:s22+$0x24E0] =	vst.add.f32.msk $0xffff, v0  }
0x51: {  	[tilespmem:s22+$0x24F0] =	vst.add.f32.msk $0xffff, v7  }
0x52: {  	[tilespmem:s22+$0x2500] =	vst.add.f32.msk $0xffff, v3  }
0x53: {  	[tilespmem:s22+$0x2510] =	vst.add.f32.msk $0xffff, v4  }
0x54: {  	[tilespmem:s22+$0x2520] =	vst.add.f32.msk $0xffff, v5  }
0x55: {  	[tilespmem:s22+$0x2530] =	vst.add.f32.msk $0xffff, v6  }
0x56: {  	[tilespmem:s22+$0x2540] =	vst.add.f32.msk $0xffff, v2  }
0x57: {  	[tilespmem:s22+$0x2550] =	vst.add.f32.msk $0xffff, v1  }
0x58: {  	[tilespmem:s22+$0x2560] =	vst.add.f32.msk $0xffff, v0  }
0x59: {  	[tilespmem:s22+$0x2570] =	vst.add.f32.msk $0xffff, v7  }
0x5a: {  	[tilespmem:s22+$0x2580] =	vst.add.f32.msk $0xffff, v3  }
0x5b: {  	[tilespmem:s22+$0x2590] =	vst.add.f32.msk $0xffff, v4  }
0x5c: {  	[tilespmem:s22+$0x25A0] =	vst.add.f32.msk $0xffff, v5  }
0x5d: {  	[tilespmem:s22+$0x25B0] =	vst.add.f32.msk $0xffff, v6  }
0x5e: {  	[tilespmem:s22+$0x25C0] =	vst.add.f32.msk $0xffff, v2  }
0x5f: {  	[tilespmem:s22+$0x25D0] =	vst.add.f32.msk $0xffff, v1  }
0x60: {  	[tilespmem:s22+$0x25E0] =	vst.add.f32.msk $0xffff, v0  }
0x61: {  	[tilespmem:s22+$0x25F0] =	vst.add.f32.msk $0xffff, v7  }
0x62: {  	[tilespmem:s22+$0x2600] =	vst.add.f32.msk $0xffff, v3  }
0x63: {  	[tilespmem:s22+$0x2610] =	vst.add.f32.msk $0xffff, v4  }
0x64: {  	[tilespmem:s22+$0x2620] =	vst.add.f32.msk $0xffff, v5  }
0x65: {  	[tilespmem:s22+$0x2630] =	vst.add.f32.msk $0xffff, v6  }
0x66: {  	[tilespmem:s22+$0x2640] =	vst.add.f32.msk $0xffff, v2  }
0x67: {  	[tilespmem:s22+$0x2650] =	vst.add.f32.msk $0xffff, v1  }
0x68: {  	[tilespmem:s22+$0x2660] =	vst.add.f32.msk $0xffff, v0  }
0x69: {  	[tilespmem:s22+$0x2670] =	vst.add.f32.msk $0xffff, v7  }
0x6a: {  	[tilespmem:s22+$0x2680] =	vst.add.f32.msk $0xffff, v3  }
0x6b: {  	[tilespmem:s22+$0x2690] =	vst.add.f32.msk $0xffff, v4  }
0x6c: {  	[tilespmem:s22+$0x26A0] =	vst.add.f32.msk $0xffff, v5  }
0x6d: {  	[tilespmem:s22+$0x26B0] =	vst.add.f32.msk $0xffff, v6  }
0x6e: {  	[tilespmem:s22+$0x26C0] =	vst.add.f32.msk $0xffff, v2  }
0x6f: {  	[tilespmem:s22+$0x26D0] =	vst.add.f32.msk $0xffff, v1  }
0x70: {  	[tilespmem:s22+$0x26E0] =	vst.add.f32.msk $0xffff, v0  }
0x71: {  	[tilespmem:s22+$0x26F0] =	vst.add.f32.msk $0xffff, v7  }
0x72: {  	[tilespmem:s22+$0x2700] =	vst.add.f32.msk $0xffff, v3  }
0x73: {  	[tilespmem:s22+$0x2710] =	vst.add.f32.msk $0xffff, v4  }
0x74: {  	[tilespmem:s22+$0x2720] =	vst.add.f32.msk $0xffff, v5  }
0x75: {  	[tilespmem:s22+$0x2730] =	vst.add.f32.msk $0xffff, v6  }
0x76: {  	[tilespmem:s22+$0x2740] =	vst.add.f32.msk $0xffff, v2  }
0x77: {  	[tilespmem:s22+$0x2750] =	vst.add.f32.msk $0xffff, v1  }
0x78: {  	[tilespmem:s22+$0x2760] =	vst.add.f32.msk $0xffff, v0  }
0x79: {  	[tilespmem:s22+$0x2770] =	vst.add.f32.msk $0xffff, v7  }
0x7a: {  	[tilespmem:s22+$0x2780] =	vst.add.f32.msk $0xffff, v3  }
0x7b: {  	[tilespmem:s22+$0x2790] =	vst.add.f32.msk $0xffff, v4  }
.Ltmp2:
0x7c: {  	[tilespmem:s22+$0x27A0] =	vst.add.f32.msk $0xffff, v5;
	(pc) =	sbr.rel @p0 .LBB2_3-.Ltmp2, $4  }
0x7d: {  	[tilespmem:s22+$0x27B0] =	vst.add.f32.msk $0xffff, v6  }
0x7e: {  	[tilespmem:s22+$0x27C0] =	vst.add.f32.msk $0xffff, v2  }
0x7f: {  	[tilespmem:s22+$0x27D0] =	vst.add.f32.msk $0xffff, v1  }
0x80: {  	[tilespmem:s22+$0x27E0] =	vst.add.f32.msk $0xffff, v0;
	s22 =	sshra.s32 s24, $0x2;
	s24 =	sadd.s32 $0x1000, s24  }
0x81: {  	[tilespmem:s22+$0x27F0] =	vst.add.f32.msk $0xffff, v7  }
0x82: {  	[tilespmem:s22+$0x2400] =	vst.add.f32.msk $0xffff, v3  }
0x83: {  	[tilespmem:s22+$0x2410] =	vst.add.f32.msk $0xffff, v4  }
0x84: {  	[tilespmem:s22+$0x2420] =	vst.add.f32.msk $0xffff, v5  }
0x85: {  	[tilespmem:s22+$0x2430] =	vst.add.f32.msk $0xffff, v6  }
0x86: {  	[tilespmem:s22+$0x2440] =	vst.add.f32.msk $0xffff, v2  }
0x87: {  	[tilespmem:s22+$0x2450] =	vst.add.f32.msk $0xffff, v1  }
0x88: {  	[tilespmem:s22+$0x2460] =	vst.add.f32.msk $0xffff, v0  }
0x89: {  	[tilespmem:s22+$0x2470] =	vst.add.f32.msk $0xffff, v7  }
0x8a: {  	[tilespmem:s22+$0x2480] =	vst.add.f32.msk $0xffff, v3  }
0x8b: {  	[tilespmem:s22+$0x2490] =	vst.add.f32.msk $0xffff, v4  }
0x8c: {  	[tilespmem:s22+$0x24A0] =	vst.add.f32.msk $0xffff, v5  }
0x8d: {  	[tilespmem:s22+$0x24B0] =	vst.add.f32.msk $0xffff, v6  }
0x8e: {  	[tilespmem:s22+$0x24C0] =	vst.add.f32.msk $0xffff, v2  }
0x8f: {  	[tilespmem:s22+$0x24D0] =	vst.add.f32.msk $0xffff, v1  }
0x90: {  	[tilespmem:s22+$0x24E0] =	vst.add.f32.msk $0xffff, v0  }
0x91: {  	[tilespmem:s22+$0x24F0] =	vst.add.f32.msk $0xffff, v7  }
0x92: {  	[tilespmem:s22+$0x2500] =	vst.add.f32.msk $0xffff, v3  }
0x93: {  	[tilespmem:s22+$0x2510] =	vst.add.f32.msk $0xffff, v4  }
0x94: {  	[tilespmem:s22+$0x2520] =	vst.add.f32.msk $0xffff, v5  }
0x95: {  	[tilespmem:s22+$0x2530] =	vst.add.f32.msk $0xffff, v6  }
0x96: {  	[tilespmem:s22+$0x2540] =	vst.add.f32.msk $0xffff, v2  }
0x97: {  	[tilespmem:s22+$0x2550] =	vst.add.f32.msk $0xffff, v1  }
0x98: {  	[tilespmem:s22+$0x2560] =	vst.add.f32.msk $0xffff, v0  }
0x99: {  	[tilespmem:s22+$0x2570] =	vst.add.f32.msk $0xffff, v7  }
0x9a: {  	[tilespmem:s22+$0x2580] =	vst.add.f32.msk $0xffff, v3  }
0x9b: {  	[tilespmem:s22+$0x2590] =	vst.add.f32.msk $0xffff, v4  }
0x9c: {  	[tilespmem:s22+$0x25A0] =	vst.add.f32.msk $0xffff, v5  }
0x9d: {  	[tilespmem:s22+$0x25B0] =	vst.add.f32.msk $0xffff, v6  }
0x9e: {  	[tilespmem:s22+$0x25C0] =	vst.add.f32.msk $0xffff, v2  }
0x9f: {  	[tilespmem:s22+$0x25D0] =	vst.add.f32.msk $0xffff, v1  }
0xa0: {  	[tilespmem:s22+$0x25E0] =	vst.add.f32.msk $0xffff, v0  }
0xa1: {  	[tilespmem:s22+$0x25F0] =	vst.add.f32.msk $0xffff, v7  }
0xa2: {  	[tilespmem:s22+$0x2600] =	vst.add.f32.msk $0xffff, v3  }
0xa3: {  	[tilespmem:s22+$0x2610] =	vst.add.f32.msk $0xffff, v4  }
0xa4: {  	[tilespmem:s22+$0x2620] =	vst.add.f32.msk $0xffff, v5  }
0xa5: {  	[tilespmem:s22+$0x2630] =	vst.add.f32.msk $0xffff, v6  }
0xa6: {  	[tilespmem:s22+$0x2640] =	vst.add.f32.msk $0xffff, v2  }
0xa7: {  	[tilespmem:s22+$0x2650] =	vst.add.f32.msk $0xffff, v1  }
0xa8: {  	[tilespmem:s22+$0x2660] =	vst.add.f32.msk $0xffff, v0  }
0xa9: {  	[tilespmem:s22+$0x2670] =	vst.add.f32.msk $0xffff, v7  }
0xaa: {  	[tilespmem:s22+$0x2680] =	vst.add.f32.msk $0xffff, v3  }
0xab: {  	[tilespmem:s22+$0x2690] =	vst.add.f32.msk $0xffff, v4  }
0xac: {  	[tilespmem:s22+$0x26A0] =	vst.add.f32.msk $0xffff, v5  }
0xad: {  	[tilespmem:s22+$0x26B0] =	vst.add.f32.msk $0xffff, v6  }
0xae: {  	[tilespmem:s22+$0x26C0] =	vst.add.f32.msk $0xffff, v2  }
0xaf: {  	[tilespmem:s22+$0x26D0] =	vst.add.f32.msk $0xffff, v1  }
0xb0: {  	[tilespmem:s22+$0x26E0] =	vst.add.f32.msk $0xffff, v0  }
0xb1: {  	[tilespmem:s22+$0x26F0] =	vst.add.f32.msk $0xffff, v7  }
0xb2: {  	[tilespmem:s22+$0x2700] =	vst.add.f32.msk $0xffff, v3  }
0xb3: {  	[tilespmem:s22+$0x2710] =	vst.add.f32.msk $0xffff, v4  }
0xb4: {  	[tilespmem:s22+$0x2720] =	vst.add.f32.msk $0xffff, v5  }
0xb5: {  	[tilespmem:s22+$0x2730] =	vst.add.f32.msk $0xffff, v6  }
0xb6: {  	[tilespmem:s22+$0x2740] =	vst.add.f32.msk $0xffff, v2  }
0xb7: {  	[tilespmem:s22+$0x2750] =	vst.add.f32.msk $0xffff, v1  }
0xb8: {  	[tilespmem:s22+$0x2760] =	vst.add.f32.msk $0xffff, v0  }
0xb9: {  	[tilespmem:s22+$0x2770] =	vst.add.f32.msk $0xffff, v7  }
0xba: {  	[tilespmem:s22+$0x2780] =	vst.add.f32.msk $0xffff, v3  }
0xbb: {  	[tilespmem:s22+$0x2790] =	vst.add.f32.msk $0xffff, v4  }
0xbc: {  	[tilespmem:s22+$0x27A0] =	vst.add.f32.msk $0xffff, v5  }
0xbd: {  	[tilespmem:s22+$0x27B0] =	vst.add.f32.msk $0xffff, v6;
	s7 =	sshll.u32 s20, $0x4  }
0xbe: {  	[tilespmem:s22+$0x27C0] =	vst.add.f32.msk $0xffff, v2;
	s7 =	sand.u32 $0x3800, s7  }
0xbf: {  	[tilespmem:s22+$0x27D0] =	vst.add.f32.msk $0xffff, v1;
	s18 =	sshll.u32 s18, $0xE;
	s20 =	sadd.s32 s0, s9;
	s7 =	sadd.s32 s3, s7  }
0xc0: {  	[tilespmem:s22+$0x27E0] =	vst.add.f32.msk $0xffff, v0;
	s22 =	simm.s32 $0x0;
	s7 =	sadd.s32 s18, s7;
	s18 =	sshrl.u32 s20, $0xA  }
0xc1: {  	[hbm4b:s7+s22] =	stream.linear.scatter [tilespmem:s16], [sflag:$0x1], $0x4000, $0x38;
	[tilespmem:$0x16400] =	vst v63  }
0xc2: {  	s24 =	ssub.s32 s18, s6;
	_ =	swait.ge [sflag:s26], $0x4000  }
0xc3: {  	s7 =	sshll.u32 s24, $0x9;
	[sflag:s26] =	ssyncset.done $0x0  }
0xc4: {  	s7 =	sshra.s32 s7, $0x2;
	[sflag:s26] =	ssyncadd.s32 $0xFFFFC000  }
0xc5: {  	v3 =	vld [tilespmem:s7+$0x1C00]  }
0xc6: {  	v4 =	vld [tilespmem:s7+$0x1C10]  }
0xc7: {  	v5 =	vld [tilespmem:s7+$0x1C20]  }
0xc8: {  	v7 =	vld [tilespmem:s7+$0x1C70]  }
0xc9: {  	v6 =	vld [tilespmem:s7+$0x1C30]  }
0xca: {  	v2 =	vld [tilespmem:s7+$0x1C40]  }
0xcb: {  	v1 =	vld [tilespmem:s7+$0x1C50]  }
0xcc: {  	s22 =	simm.s32 $0x0;
	s24 =	simm.s32 $0x1000;
	v0 =	vld [tilespmem:s7+$0x1C60]  }
.LBB2_5:
0xcd: {  	p0 =	sne.s32 s24, $0xF000;
	[tilespmem:s22+$0x67F0] =	vst.add.f32.msk $0xffff, v7  }
0xce: {  	[tilespmem:s22+$0x6400] =	vst.add.f32.msk $0xffff, v3  }
0xcf: {  	[tilespmem:s22+$0x6410] =	vst.add.f32.msk $0xffff, v4  }
0xd0: {  	[tilespmem:s22+$0x6420] =	vst.add.f32.msk $0xffff, v5  }
0xd1: {  	[tilespmem:s22+$0x6430] =	vst.add.f32.msk $0xffff, v6  }
0xd2: {  	[tilespmem:s22+$0x6440] =	vst.add.f32.msk $0xffff, v2  }
0xd3: {  	[tilespmem:s22+$0x6450] =	vst.add.f32.msk $0xffff, v1  }
0xd4: {  	[tilespmem:s22+$0x6460] =	vst.add.f32.msk $0xffff, v0  }
0xd5: {  	[tilespmem:s22+$0x6470] =	vst.add.f32.msk $0xffff, v7  }
0xd6: {  	[tilespmem:s22+$0x6480] =	vst.add.f32.msk $0xffff, v3  }
0xd7: {  	[tilespmem:s22+$0x6490] =	vst.add.f32.msk $0xffff, v4  }
0xd8: {  	[tilespmem:s22+$0x64A0] =	vst.add.f32.msk $0xffff, v5  }
0xd9: {  	[tilespmem:s22+$0x64B0] =	vst.add.f32.msk $0xffff, v6  }
0xda: {  	[tilespmem:s22+$0x64C0] =	vst.add.f32.msk $0xffff, v2  }
0xdb: {  	[tilespmem:s22+$0x64D0] =	vst.add.f32.msk $0xffff, v1  }
0xdc: {  	[tilespmem:s22+$0x64E0] =	vst.add.f32.msk $0xffff, v0  }
0xdd: {  	[tilespmem:s22+$0x64F0] =	vst.add.f32.msk $0xffff, v7  }
0xde: {  	[tilespmem:s22+$0x6500] =	vst.add.f32.msk $0xffff, v3  }
0xdf: {  	[tilespmem:s22+$0x6510] =	vst.add.f32.msk $0xffff, v4  }
0xe0: {  	[tilespmem:s22+$0x6520] =	vst.add.f32.msk $0xffff, v5  }
0xe1: {  	[tilespmem:s22+$0x6530] =	vst.add.f32.msk $0xffff, v6  }
0xe2: {  	[tilespmem:s22+$0x6540] =	vst.add.f32.msk $0xffff, v2  }
0xe3: {  	[tilespmem:s22+$0x6550] =	vst.add.f32.msk $0xffff, v1  }
0xe4: {  	[tilespmem:s22+$0x6560] =	vst.add.f32.msk $0xffff, v0  }
0xe5: {  	[tilespmem:s22+$0x6570] =	vst.add.f32.msk $0xffff, v7  }
0xe6: {  	[tilespmem:s22+$0x6580] =	vst.add.f32.msk $0xffff, v3  }
0xe7: {  	[tilespmem:s22+$0x6590] =	vst.add.f32.msk $0xffff, v4  }
0xe8: {  	[tilespmem:s22+$0x65A0] =	vst.add.f32.msk $0xffff, v5  }
0xe9: {  	[tilespmem:s22+$0x65B0] =	vst.add.f32.msk $0xffff, v6  }
0xea: {  	[tilespmem:s22+$0x65C0] =	vst.add.f32.msk $0xffff, v2  }
0xeb: {  	[tilespmem:s22+$0x65D0] =	vst.add.f32.msk $0xffff, v1  }
0xec: {  	[tilespmem:s22+$0x65E0] =	vst.add.f32.msk $0xffff, v0  }
0xed: {  	[tilespmem:s22+$0x65F0] =	vst.add.f32.msk $0xffff, v7  }
0xee: {  	[tilespmem:s22+$0x6600] =	vst.add.f32.msk $0xffff, v3  }
0xef: {  	[tilespmem:s22+$0x6610] =	vst.add.f32.msk $0xffff, v4  }
0xf0: {  	[tilespmem:s22+$0x6620] =	vst.add.f32.msk $0xffff, v5  }
0xf1: {  	[tilespmem:s22+$0x6630] =	vst.add.f32.msk $0xffff, v6  }
0xf2: {  	[tilespmem:s22+$0x6640] =	vst.add.f32.msk $0xffff, v2  }
0xf3: {  	[tilespmem:s22+$0x6650] =	vst.add.f32.msk $0xffff, v1  }
0xf4: {  	[tilespmem:s22+$0x6660] =	vst.add.f32.msk $0xffff, v0  }
0xf5: {  	[tilespmem:s22+$0x6670] =	vst.add.f32.msk $0xffff, v7  }
0xf6: {  	[tilespmem:s22+$0x6680] =	vst.add.f32.msk $0xffff, v3  }
0xf7: {  	[tilespmem:s22+$0x6690] =	vst.add.f32.msk $0xffff, v4  }
0xf8: {  	[tilespmem:s22+$0x66A0] =	vst.add.f32.msk $0xffff, v5  }
0xf9: {  	[tilespmem:s22+$0x66B0] =	vst.add.f32.msk $0xffff, v6  }
0xfa: {  	[tilespmem:s22+$0x66C0] =	vst.add.f32.msk $0xffff, v2  }
0xfb: {  	[tilespmem:s22+$0x66D0] =	vst.add.f32.msk $0xffff, v1  }
0xfc: {  	[tilespmem:s22+$0x66E0] =	vst.add.f32.msk $0xffff, v0  }
0xfd: {  	[tilespmem:s22+$0x66F0] =	vst.add.f32.msk $0xffff, v7  }
0xfe: {  	[tilespmem:s22+$0x6700] =	vst.add.f32.msk $0xffff, v3  }
0xff: {  	[tilespmem:s22+$0x6710] =	vst.add.f32.msk $0xffff, v4  }
0x100: {  	[tilespmem:s22+$0x6720] =	vst.add.f32.msk $0xffff, v5  }
0x101: {  	[tilespmem:s22+$0x6730] =	vst.add.f32.msk $0xffff, v6  }
0x102: {  	[tilespmem:s22+$0x6740] =	vst.add.f32.msk $0xffff, v2  }
0x103: {  	[tilespmem:s22+$0x6750] =	vst.add.f32.msk $0xffff, v1  }
0x104: {  	[tilespmem:s22+$0x6760] =	vst.add.f32.msk $0xffff, v0  }
0x105: {  	[tilespmem:s22+$0x6770] =	vst.add.f32.msk $0xffff, v7  }
0x106: {  	[tilespmem:s22+$0x6780] =	vst.add.f32.msk $0xffff, v3  }
0x107: {  	[tilespmem:s22+$0x6790] =	vst.add.f32.msk $0xffff, v4  }
.Ltmp3:
0x108: {  	[tilespmem:s22+$0x67A0] =	vst.add.f32.msk $0xffff, v5;
	(pc) =	sbr.rel @p0 .LBB2_5-.Ltmp3, $4  }
0x109: {  	[tilespmem:s22+$0x67B0] =	vst.add.f32.msk $0xffff, v6  }
0x10a: {  	[tilespmem:s22+$0x67C0] =	vst.add.f32.msk $0xffff, v2  }
0x10b: {  	[tilespmem:s22+$0x67D0] =	vst.add.f32.msk $0xffff, v1  }
0x10c: {  	[tilespmem:s22+$0x67E0] =	vst.add.f32.msk $0xffff, v0;
	s22 =	sshra.s32 s24, $0x2;
	s24 =	sadd.s32 $0x1000, s24  }
0x10d: {  	[tilespmem:s22+$0x67F0] =	vst.add.f32.msk $0xffff, v7  }
0x10e: {  	[tilespmem:s22+$0x6400] =	vst.add.f32.msk $0xffff, v3  }
0x10f: {  	[tilespmem:s22+$0x6410] =	vst.add.f32.msk $0xffff, v4  }
0x110: {  	[tilespmem:s22+$0x6420] =	vst.add.f32.msk $0xffff, v5  }
0x111: {  	[tilespmem:s22+$0x6430] =	vst.add.f32.msk $0xffff, v6  }
0x112: {  	[tilespmem:s22+$0x6440] =	vst.add.f32.msk $0xffff, v2  }
0x113: {  	[tilespmem:s22+$0x6450] =	vst.add.f32.msk $0xffff, v1  }
0x114: {  	[tilespmem:s22+$0x6460] =	vst.add.f32.msk $0xffff, v0  }
0x115: {  	[tilespmem:s22+$0x6470] =	vst.add.f32.msk $0xffff, v7  }
0x116: {  	[tilespmem:s22+$0x6480] =	vst.add.f32.msk $0xffff, v3  }
0x117: {  	[tilespmem:s22+$0x6490] =	vst.add.f32.msk $0xffff, v4  }
0x118: {  	[tilespmem:s22+$0x64A0] =	vst.add.f32.msk $0xffff, v5  }
0x119: {  	[tilespmem:s22+$0x64B0] =	vst.add.f32.msk $0xffff, v6  }
0x11a: {  	[tilespmem:s22+$0x64C0] =	vst.add.f32.msk $0xffff, v2  }
0x11b: {  	[tilespmem:s22+$0x64D0] =	vst.add.f32.msk $0xffff, v1  }
0x11c: {  	[tilespmem:s22+$0x64E0] =	vst.add.f32.msk $0xffff, v0  }
0x11d: {  	[tilespmem:s22+$0x64F0] =	vst.add.f32.msk $0xffff, v7  }
0x11e: {  	[tilespmem:s22+$0x6500] =	vst.add.f32.msk $0xffff, v3  }
0x11f: {  	[tilespmem:s22+$0x6510] =	vst.add.f32.msk $0xffff, v4  }
0x120: {  	[tilespmem:s22+$0x6520] =	vst.add.f32.msk $0xffff, v5  }
0x121: {  	[tilespmem:s22+$0x6530] =	vst.add.f32.msk $0xffff, v6  }
0x122: {  	[tilespmem:s22+$0x6540] =	vst.add.f32.msk $0xffff, v2  }
0x123: {  	[tilespmem:s22+$0x6550] =	vst.add.f32.msk $0xffff, v1  }
0x124: {  	[tilespmem:s22+$0x6560] =	vst.add.f32.msk $0xffff, v0  }
0x125: {  	[tilespmem:s22+$0x6570] =	vst.add.f32.msk $0xffff, v7  }
0x126: {  	[tilespmem:s22+$0x6580] =	vst.add.f32.msk $0xffff, v3  }
0x127: {  	[tilespmem:s22+$0x6590] =	vst.add.f32.msk $0xffff, v4  }
0x128: {  	[tilespmem:s22+$0x65A0] =	vst.add.f32.msk $0xffff, v5  }
0x129: {  	[tilespmem:s22+$0x65B0] =	vst.add.f32.msk $0xffff, v6  }
0x12a: {  	[tilespmem:s22+$0x65C0] =	vst.add.f32.msk $0xffff, v2  }
0x12b: {  	[tilespmem:s22+$0x65D0] =	vst.add.f32.msk $0xffff, v1  }
0x12c: {  	[tilespmem:s22+$0x65E0] =	vst.add.f32.msk $0xffff, v0  }
0x12d: {  	[tilespmem:s22+$0x65F0] =	vst.add.f32.msk $0xffff, v7  }
0x12e: {  	[tilespmem:s22+$0x6600] =	vst.add.f32.msk $0xffff, v3  }
0x12f: {  	[tilespmem:s22+$0x6610] =	vst.add.f32.msk $0xffff, v4  }
0x130: {  	[tilespmem:s22+$0x6620] =	vst.add.f32.msk $0xffff, v5  }
0x131: {  	[tilespmem:s22+$0x6630] =	vst.add.f32.msk $0xffff, v6  }
0x132: {  	[tilespmem:s22+$0x6640] =	vst.add.f32.msk $0xffff, v2  }
0x133: {  	[tilespmem:s22+$0x6650] =	vst.add.f32.msk $0xffff, v1  }
0x134: {  	[tilespmem:s22+$0x6660] =	vst.add.f32.msk $0xffff, v0  }
0x135: {  	[tilespmem:s22+$0x6670] =	vst.add.f32.msk $0xffff, v7  }
0x136: {  	[tilespmem:s22+$0x6680] =	vst.add.f32.msk $0xffff, v3  }
0x137: {  	[tilespmem:s22+$0x6690] =	vst.add.f32.msk $0xffff, v4  }
0x138: {  	[tilespmem:s22+$0x66A0] =	vst.add.f32.msk $0xffff, v5  }
0x139: {  	[tilespmem:s22+$0x66B0] =	vst.add.f32.msk $0xffff, v6  }
0x13a: {  	[tilespmem:s22+$0x66C0] =	vst.add.f32.msk $0xffff, v2  }
0x13b: {  	[tilespmem:s22+$0x66D0] =	vst.add.f32.msk $0xffff, v1  }
0x13c: {  	[tilespmem:s22+$0x66E0] =	vst.add.f32.msk $0xffff, v0  }
0x13d: {  	[tilespmem:s22+$0x66F0] =	vst.add.f32.msk $0xffff, v7  }
0x13e: {  	[tilespmem:s22+$0x6700] =	vst.add.f32.msk $0xffff, v3  }
0x13f: {  	[tilespmem:s22+$0x6710] =	vst.add.f32.msk $0xffff, v4  }
0x140: {  	[tilespmem:s22+$0x6720] =	vst.add.f32.msk $0xffff, v5  }
0x141: {  	[tilespmem:s22+$0x6730] =	vst.add.f32.msk $0xffff, v6  }
0x142: {  	[tilespmem:s22+$0x6740] =	vst.add.f32.msk $0xffff, v2  }
0x143: {  	[tilespmem:s22+$0x6750] =	vst.add.f32.msk $0xffff, v1  }
0x144: {  	[tilespmem:s22+$0x6760] =	vst.add.f32.msk $0xffff, v0  }
0x145: {  	[tilespmem:s22+$0x6770] =	vst.add.f32.msk $0xffff, v7  }
0x146: {  	[tilespmem:s22+$0x6780] =	vst.add.f32.msk $0xffff, v3  }
0x147: {  	[tilespmem:s22+$0x6790] =	vst.add.f32.msk $0xffff, v4  }
0x148: {  	[tilespmem:s22+$0x67A0] =	vst.add.f32.msk $0xffff, v5  }
0x149: {  	[tilespmem:s22+$0x67B0] =	vst.add.f32.msk $0xffff, v6;
	s7 =	sshll.u32 s20, $0x4  }
0x14a: {  	[tilespmem:s22+$0x67C0] =	vst.add.f32.msk $0xffff, v2;
	s7 =	sand.u32 $0x3800, s7  }
0x14b: {  	[tilespmem:s22+$0x67D0] =	vst.add.f32.msk $0xffff, v1;
	s18 =	sshll.u32 s18, $0xE;
	s7 =	sadd.s32 s3, s7  }
0x14c: {  	[tilespmem:s22+$0x67E0] =	vst.add.f32.msk $0xffff, v0;
	p0 =	seq.s32 s2, $0x9;
	s7 =	sadd.s32 s18, s7  }
0x14d: {  	[hbm4b:s7+s5] =	stream.linear.scatter [tilespmem:s17], [sflag:$0x2], $0x4000, $0x38;
	[tilespmem:$0x16400] =	vst v63  }
0x14e: {  	s18 =	smul.u32 @!p0 $0xA00, s2;
	s7 =	simm.s32 @!p0 $0x1  }
0x14f: {  	_ =	swait.ge @!p0 [sflag:s7], $0x4000  }
0x150: {  	s20 =	simm.s32 @!p0 $0x80;
	s18 =	sshra.s32 @!p0 s18, $0x2;
	[sflag:s7] =	ssyncset.done @!p0 $0x0  }
0x151: {  	s22 =	simm.s32 @!p0 $0x2400;
	[sflag:s7] =	ssyncadd.s32 @!p0 $0xFFFFC000;
	s7 =	sadd.s32 @!p0 $0x280, s18  }
0x152: {  	[tilespmem:s22], [sflag:$0x1] =	stream.indirect.gather @!p0 [hbm4b:s1+s20], $0x80, s7, s20, $0xb8;
	[tilespmem:$0x16400] =	vst v63  }
0x153: {  	s22 =	sadd.s32 s0, s10  }
0x154: {  	s20 =	sshrl.u32 s22, $0xA  }
0x155: {  	_ =	swait.ge [sflag:s28], $0x4000;
	s24 =	ssub.s32 s20, s6  }
0x156: {  	[sflag:s28] =	ssyncset.done $0x0;
	s7 =	sshll.u32 s24, $0x9  }
0x157: {  	[sflag:s28] =	ssyncadd.s32 $0xFFFFC000;
	s7 =	sshra.s32 s7, $0x2  }
0x158: {  	v3 =	vld [tilespmem:s7+$0x1C00]  }
0x159: {  	v4 =	vld [tilespmem:s7+$0x1C10]  }
0x15a: {  	v5 =	vld [tilespmem:s7+$0x1C20]  }
0x15b: {  	v7 =	vld [tilespmem:s7+$0x1C70]  }
0x15c: {  	v6 =	vld [tilespmem:s7+$0x1C30]  }
0x15d: {  	v2 =	vld [tilespmem:s7+$0x1C40]  }
0x15e: {  	v1 =	vld [tilespmem:s7+$0x1C50]  }
0x15f: {  	s24 =	simm.s32 $0x0;
	v0 =	vld [tilespmem:s7+$0x1C60];
	s7 =	simm.s32 $0x1000  }
.LBB2_7:
0x160: {  	p1 =	sne.s32 s7, $0xF000;
	[tilespmem:s24+$0xA7F0] =	vst.add.f32.msk $0xffff, v7  }
0x161: {  	[tilespmem:s24+$0xA400] =	vst.add.f32.msk $0xffff, v3  }
0x162: {  	[tilespmem:s24+$0xA410] =	vst.add.f32.msk $0xffff, v4  }
0x163: {  	[tilespmem:s24+$0xA420] =	vst.add.f32.msk $0xffff, v5  }
0x164: {  	[tilespmem:s24+$0xA430] =	vst.add.f32.msk $0xffff, v6  }
0x165: {  	[tilespmem:s24+$0xA440] =	vst.add.f32.msk $0xffff, v2  }
0x166: {  	[tilespmem:s24+$0xA450] =	vst.add.f32.msk $0xffff, v1  }
0x167: {  	[tilespmem:s24+$0xA460] =	vst.add.f32.msk $0xffff, v0  }
0x168: {  	[tilespmem:s24+$0xA470] =	vst.add.f32.msk $0xffff, v7  }
0x169: {  	[tilespmem:s24+$0xA480] =	vst.add.f32.msk $0xffff, v3  }
0x16a: {  	[tilespmem:s24+$0xA490] =	vst.add.f32.msk $0xffff, v4  }
0x16b: {  	[tilespmem:s24+$0xA4A0] =	vst.add.f32.msk $0xffff, v5  }
0x16c: {  	[tilespmem:s24+$0xA4B0] =	vst.add.f32.msk $0xffff, v6  }
0x16d: {  	[tilespmem:s24+$0xA4C0] =	vst.add.f32.msk $0xffff, v2  }
0x16e: {  	[tilespmem:s24+$0xA4D0] =	vst.add.f32.msk $0xffff, v1  }
0x16f: {  	[tilespmem:s24+$0xA4E0] =	vst.add.f32.msk $0xffff, v0  }
0x170: {  	[tilespmem:s24+$0xA4F0] =	vst.add.f32.msk $0xffff, v7  }
0x171: {  	[tilespmem:s24+$0xA500] =	vst.add.f32.msk $0xffff, v3  }
0x172: {  	[tilespmem:s24+$0xA510] =	vst.add.f32.msk $0xffff, v4  }
0x173: {  	[tilespmem:s24+$0xA520] =	vst.add.f32.msk $0xffff, v5  }
0x174: {  	[tilespmem:s24+$0xA530] =	vst.add.f32.msk $0xffff, v6  }
0x175: {  	[tilespmem:s24+$0xA540] =	vst.add.f32.msk $0xffff, v2  }
0x176: {  	[tilespmem:s24+$0xA550] =	vst.add.f32.msk $0xffff, v1  }
0x177: {  	[tilespmem:s24+$0xA560] =	vst.add.f32.msk $0xffff, v0  }
0x178: {  	[tilespmem:s24+$0xA570] =	vst.add.f32.msk $0xffff, v7  }
0x179: {  	[tilespmem:s24+$0xA580] =	vst.add.f32.msk $0xffff, v3  }
0x17a: {  	[tilespmem:s24+$0xA590] =	vst.add.f32.msk $0xffff, v4  }
0x17b: {  	[tilespmem:s24+$0xA5A0] =	vst.add.f32.msk $0xffff, v5  }
0x17c: {  	[tilespmem:s24+$0xA5B0] =	vst.add.f32.msk $0xffff, v6  }
0x17d: {  	[tilespmem:s24+$0xA5C0] =	vst.add.f32.msk $0xffff, v2  }
0x17e: {  	[tilespmem:s24+$0xA5D0] =	vst.add.f32.msk $0xffff, v1  }
0x17f: {  	[tilespmem:s24+$0xA5E0] =	vst.add.f32.msk $0xffff, v0  }
0x180: {  	[tilespmem:s24+$0xA5F0] =	vst.add.f32.msk $0xffff, v7  }
0x181: {  	[tilespmem:s24+$0xA600] =	vst.add.f32.msk $0xffff, v3  }
0x182: {  	[tilespmem:s24+$0xA610] =	vst.add.f32.msk $0xffff, v4  }
0x183: {  	[tilespmem:s24+$0xA620] =	vst.add.f32.msk $0xffff, v5  }
0x184: {  	[tilespmem:s24+$0xA630] =	vst.add.f32.msk $0xffff, v6  }
0x185: {  	[tilespmem:s24+$0xA640] =	vst.add.f32.msk $0xffff, v2  }
0x186: {  	[tilespmem:s24+$0xA650] =	vst.add.f32.msk $0xffff, v1  }
0x187: {  	[tilespmem:s24+$0xA660] =	vst.add.f32.msk $0xffff, v0  }
0x188: {  	[tilespmem:s24+$0xA670] =	vst.add.f32.msk $0xffff, v7  }
0x189: {  	[tilespmem:s24+$0xA680] =	vst.add.f32.msk $0xffff, v3  }
0x18a: {  	[tilespmem:s24+$0xA690] =	vst.add.f32.msk $0xffff, v4  }
0x18b: {  	[tilespmem:s24+$0xA6A0] =	vst.add.f32.msk $0xffff, v5  }
0x18c: {  	[tilespmem:s24+$0xA6B0] =	vst.add.f32.msk $0xffff, v6  }
0x18d: {  	[tilespmem:s24+$0xA6C0] =	vst.add.f32.msk $0xffff, v2  }
0x18e: {  	[tilespmem:s24+$0xA6D0] =	vst.add.f32.msk $0xffff, v1  }
0x18f: {  	[tilespmem:s24+$0xA6E0] =	vst.add.f32.msk $0xffff, v0  }
0x190: {  	[tilespmem:s24+$0xA6F0] =	vst.add.f32.msk $0xffff, v7  }
0x191: {  	[tilespmem:s24+$0xA700] =	vst.add.f32.msk $0xffff, v3  }
0x192: {  	[tilespmem:s24+$0xA710] =	vst.add.f32.msk $0xffff, v4  }
0x193: {  	[tilespmem:s24+$0xA720] =	vst.add.f32.msk $0xffff, v5  }
0x194: {  	[tilespmem:s24+$0xA730] =	vst.add.f32.msk $0xffff, v6  }
0x195: {  	[tilespmem:s24+$0xA740] =	vst.add.f32.msk $0xffff, v2  }
0x196: {  	[tilespmem:s24+$0xA750] =	vst.add.f32.msk $0xffff, v1  }
0x197: {  	[tilespmem:s24+$0xA760] =	vst.add.f32.msk $0xffff, v0  }
0x198: {  	[tilespmem:s24+$0xA770] =	vst.add.f32.msk $0xffff, v7  }
0x199: {  	[tilespmem:s24+$0xA780] =	vst.add.f32.msk $0xffff, v3  }
0x19a: {  	[tilespmem:s24+$0xA790] =	vst.add.f32.msk $0xffff, v4  }
.Ltmp4:
0x19b: {  	[tilespmem:s24+$0xA7A0] =	vst.add.f32.msk $0xffff, v5;
	(pc) =	sbr.rel @p1 .LBB2_7-.Ltmp4, $4  }
0x19c: {  	[tilespmem:s24+$0xA7B0] =	vst.add.f32.msk $0xffff, v6  }
0x19d: {  	[tilespmem:s24+$0xA7C0] =	vst.add.f32.msk $0xffff, v2  }
0x19e: {  	[tilespmem:s24+$0xA7D0] =	vst.add.f32.msk $0xffff, v1  }
0x19f: {  	[tilespmem:s24+$0xA7E0] =	vst.add.f32.msk $0xffff, v0;
	s24 =	sshra.s32 s7, $0x2;
	s7 =	sadd.s32 $0x1000, s7  }
0x1a0: {  	[tilespmem:s24+$0xA7F0] =	vst.add.f32.msk $0xffff, v7  }
0x1a1: {  	[tilespmem:s24+$0xA400] =	vst.add.f32.msk $0xffff, v3  }
0x1a2: {  	[tilespmem:s24+$0xA410] =	vst.add.f32.msk $0xffff, v4  }
0x1a3: {  	[tilespmem:s24+$0xA420] =	vst.add.f32.msk $0xffff, v5  }
0x1a4: {  	[tilespmem:s24+$0xA430] =	vst.add.f32.msk $0xffff, v6  }
0x1a5: {  	[tilespmem:s24+$0xA440] =	vst.add.f32.msk $0xffff, v2  }
0x1a6: {  	[tilespmem:s24+$0xA450] =	vst.add.f32.msk $0xffff, v1  }
0x1a7: {  	[tilespmem:s24+$0xA460] =	vst.add.f32.msk $0xffff, v0  }
0x1a8: {  	[tilespmem:s24+$0xA470] =	vst.add.f32.msk $0xffff, v7  }
0x1a9: {  	[tilespmem:s24+$0xA480] =	vst.add.f32.msk $0xffff, v3  }
0x1aa: {  	[tilespmem:s24+$0xA490] =	vst.add.f32.msk $0xffff, v4  }
0x1ab: {  	[tilespmem:s24+$0xA4A0] =	vst.add.f32.msk $0xffff, v5  }
0x1ac: {  	[tilespmem:s24+$0xA4B0] =	vst.add.f32.msk $0xffff, v6  }
0x1ad: {  	[tilespmem:s24+$0xA4C0] =	vst.add.f32.msk $0xffff, v2  }
0x1ae: {  	[tilespmem:s24+$0xA4D0] =	vst.add.f32.msk $0xffff, v1  }
0x1af: {  	[tilespmem:s24+$0xA4E0] =	vst.add.f32.msk $0xffff, v0  }
0x1b0: {  	[tilespmem:s24+$0xA4F0] =	vst.add.f32.msk $0xffff, v7  }
0x1b1: {  	[tilespmem:s24+$0xA500] =	vst.add.f32.msk $0xffff, v3  }
0x1b2: {  	[tilespmem:s24+$0xA510] =	vst.add.f32.msk $0xffff, v4  }
0x1b3: {  	[tilespmem:s24+$0xA520] =	vst.add.f32.msk $0xffff, v5  }
0x1b4: {  	[tilespmem:s24+$0xA530] =	vst.add.f32.msk $0xffff, v6  }
0x1b5: {  	[tilespmem:s24+$0xA540] =	vst.add.f32.msk $0xffff, v2  }
0x1b6: {  	[tilespmem:s24+$0xA550] =	vst.add.f32.msk $0xffff, v1  }
0x1b7: {  	[tilespmem:s24+$0xA560] =	vst.add.f32.msk $0xffff, v0  }
0x1b8: {  	[tilespmem:s24+$0xA570] =	vst.add.f32.msk $0xffff, v7  }
0x1b9: {  	[tilespmem:s24+$0xA580] =	vst.add.f32.msk $0xffff, v3  }
0x1ba: {  	[tilespmem:s24+$0xA590] =	vst.add.f32.msk $0xffff, v4  }
0x1bb: {  	[tilespmem:s24+$0xA5A0] =	vst.add.f32.msk $0xffff, v5  }
0x1bc: {  	[tilespmem:s24+$0xA5B0] =	vst.add.f32.msk $0xffff, v6  }
0x1bd: {  	[tilespmem:s24+$0xA5C0] =	vst.add.f32.msk $0xffff, v2  }
0x1be: {  	[tilespmem:s24+$0xA5D0] =	vst.add.f32.msk $0xffff, v1  }
0x1bf: {  	[tilespmem:s24+$0xA5E0] =	vst.add.f32.msk $0xffff, v0  }
0x1c0: {  	[tilespmem:s24+$0xA5F0] =	vst.add.f32.msk $0xffff, v7  }
0x1c1: {  	[tilespmem:s24+$0xA600] =	vst.add.f32.msk $0xffff, v3  }
0x1c2: {  	[tilespmem:s24+$0xA610] =	vst.add.f32.msk $0xffff, v4  }
0x1c3: {  	[tilespmem:s24+$0xA620] =	vst.add.f32.msk $0xffff, v5  }
0x1c4: {  	[tilespmem:s24+$0xA630] =	vst.add.f32.msk $0xffff, v6  }
0x1c5: {  	[tilespmem:s24+$0xA640] =	vst.add.f32.msk $0xffff, v2  }
0x1c6: {  	[tilespmem:s24+$0xA650] =	vst.add.f32.msk $0xffff, v1  }
0x1c7: {  	[tilespmem:s24+$0xA660] =	vst.add.f32.msk $0xffff, v0  }
0x1c8: {  	[tilespmem:s24+$0xA670] =	vst.add.f32.msk $0xffff, v7  }
0x1c9: {  	[tilespmem:s24+$0xA680] =	vst.add.f32.msk $0xffff, v3  }
0x1ca: {  	[tilespmem:s24+$0xA690] =	vst.add.f32.msk $0xffff, v4  }
0x1cb: {  	[tilespmem:s24+$0xA6A0] =	vst.add.f32.msk $0xffff, v5  }
0x1cc: {  	[tilespmem:s24+$0xA6B0] =	vst.add.f32.msk $0xffff, v6  }
0x1cd: {  	[tilespmem:s24+$0xA6C0] =	vst.add.f32.msk $0xffff, v2  }
0x1ce: {  	[tilespmem:s24+$0xA6D0] =	vst.add.f32.msk $0xffff, v1  }
0x1cf: {  	[tilespmem:s24+$0xA6E0] =	vst.add.f32.msk $0xffff, v0  }
0x1d0: {  	[tilespmem:s24+$0xA6F0] =	vst.add.f32.msk $0xffff, v7  }
0x1d1: {  	[tilespmem:s24+$0xA700] =	vst.add.f32.msk $0xffff, v3  }
0x1d2: {  	[tilespmem:s24+$0xA710] =	vst.add.f32.msk $0xffff, v4  }
0x1d3: {  	[tilespmem:s24+$0xA720] =	vst.add.f32.msk $0xffff, v5  }
0x1d4: {  	[tilespmem:s24+$0xA730] =	vst.add.f32.msk $0xffff, v6  }
0x1d5: {  	[tilespmem:s24+$0xA740] =	vst.add.f32.msk $0xffff, v2  }
0x1d6: {  	[tilespmem:s24+$0xA750] =	vst.add.f32.msk $0xffff, v1  }
0x1d7: {  	[tilespmem:s24+$0xA760] =	vst.add.f32.msk $0xffff, v0  }
0x1d8: {  	[tilespmem:s24+$0xA770] =	vst.add.f32.msk $0xffff, v7  }
0x1d9: {  	[tilespmem:s24+$0xA780] =	vst.add.f32.msk $0xffff, v3  }
0x1da: {  	[tilespmem:s24+$0xA790] =	vst.add.f32.msk $0xffff, v4  }
0x1db: {  	[tilespmem:s24+$0xA7A0] =	vst.add.f32.msk $0xffff, v5  }
0x1dc: {  	[tilespmem:s24+$0xA7B0] =	vst.add.f32.msk $0xffff, v6;
	s7 =	sshll.u32 s22, $0x4  }
0x1dd: {  	[tilespmem:s24+$0xA7C0] =	vst.add.f32.msk $0xffff, v2;
	s7 =	sand.u32 $0x3800, s7  }
0x1de: {  	[tilespmem:s24+$0xA7D0] =	vst.add.f32.msk $0xffff, v1;
	s20 =	sshll.u32 s20, $0xE;
	s7 =	sadd.s32 s3, s7  }
0x1df: {  	[tilespmem:s24+$0xA7E0] =	vst.add.f32.msk $0xffff, v0;
	s7 =	sadd.s32 s20, s7  }
0x1e0: {  	[hbm4b:s7+s5] =	stream.linear.scatter [tilespmem:s19], [sflag:$0x3], $0x4000, $0x38;
	[tilespmem:$0x16400] =	vst v63  }
0x1e1: {  	s7 =	simm.s32 @!p0 $0x2  }
0x1e2: {  	_ =	swait.ge @!p0 [sflag:s7], $0x4000  }
0x1e3: {  	s22 =	simm.s32 @!p0 $0x6400;
	[sflag:s7] =	ssyncset.done @!p0 $0x0  }
0x1e4: {  	s20 =	simm.s32 @!p0 $0x80;
	[sflag:s7] =	ssyncadd.s32 @!p0 $0xFFFFC000;
	s7 =	sadd.s32 @!p0 $0x300, s18  }
0x1e5: {  	[tilespmem:s22], [sflag:$0x2] =	stream.indirect.gather @!p0 [hbm4b:s1+s20], $0x80, s7, s20, $0xb8;
	[tilespmem:$0x16400] =	vst v63  }
0x1e6: {  	s22 =	sadd.s32 s0, s11  }
0x1e7: {  	s20 =	sshrl.u32 s22, $0xA  }
0x1e8: {  	_ =	swait.ge [sflag:s29], $0x4000;
	s24 =	ssub.s32 s20, s6  }
0x1e9: {  	[sflag:s29] =	ssyncset.done $0x0;
	s7 =	sshll.u32 s24, $0x9  }
0x1ea: {  	[sflag:s29] =	ssyncadd.s32 $0xFFFFC000;
	s7 =	sshra.s32 s7, $0x2  }
0x1eb: {  	v3 =	vld [tilespmem:s7+$0x1C00]  }
0x1ec: {  	v4 =	vld [tilespmem:s7+$0x1C10]  }
0x1ed: {  	v5 =	vld [tilespmem:s7+$0x1C20]  }
0x1ee: {  	v7 =	vld [tilespmem:s7+$0x1C70]  }
0x1ef: {  	v6 =	vld [tilespmem:s7+$0x1C30]  }
0x1f0: {  	v2 =	vld [tilespmem:s7+$0x1C40]  }
0x1f1: {  	v1 =	vld [tilespmem:s7+$0x1C50]  }
0x1f2: {  	s24 =	simm.s32 $0x0;
	v0 =	vld [tilespmem:s7+$0x1C60];
	s7 =	simm.s32 $0x1000  }
.LBB2_9:
0x1f3: {  	p1 =	sne.s32 s7, $0xF000;
	[tilespmem:s24+$0xE7F0] =	vst.add.f32.msk $0xffff, v7  }
0x1f4: {  	[tilespmem:s24+$0xE400] =	vst.add.f32.msk $0xffff, v3  }
0x1f5: {  	[tilespmem:s24+$0xE410] =	vst.add.f32.msk $0xffff, v4  }
0x1f6: {  	[tilespmem:s24+$0xE420] =	vst.add.f32.msk $0xffff, v5  }
0x1f7: {  	[tilespmem:s24+$0xE430] =	vst.add.f32.msk $0xffff, v6  }
0x1f8: {  	[tilespmem:s24+$0xE440] =	vst.add.f32.msk $0xffff, v2  }
0x1f9: {  	[tilespmem:s24+$0xE450] =	vst.add.f32.msk $0xffff, v1  }
0x1fa: {  	[tilespmem:s24+$0xE460] =	vst.add.f32.msk $0xffff, v0  }
0x1fb: {  	[tilespmem:s24+$0xE470] =	vst.add.f32.msk $0xffff, v7  }
0x1fc: {  	[tilespmem:s24+$0xE480] =	vst.add.f32.msk $0xffff, v3  }
0x1fd: {  	[tilespmem:s24+$0xE490] =	vst.add.f32.msk $0xffff, v4  }
0x1fe: {  	[tilespmem:s24+$0xE4A0] =	vst.add.f32.msk $0xffff, v5  }
0x1ff: {  	[tilespmem:s24+$0xE4B0] =	vst.add.f32.msk $0xffff, v6  }
0x200: {  	[tilespmem:s24+$0xE4C0] =	vst.add.f32.msk $0xffff, v2  }
0x201: {  	[tilespmem:s24+$0xE4D0] =	vst.add.f32.msk $0xffff, v1  }
0x202: {  	[tilespmem:s24+$0xE4E0] =	vst.add.f32.msk $0xffff, v0  }
0x203: {  	[tilespmem:s24+$0xE4F0] =	vst.add.f32.msk $0xffff, v7  }
0x204: {  	[tilespmem:s24+$0xE500] =	vst.add.f32.msk $0xffff, v3  }
0x205: {  	[tilespmem:s24+$0xE510] =	vst.add.f32.msk $0xffff, v4  }
0x206: {  	[tilespmem:s24+$0xE520] =	vst.add.f32.msk $0xffff, v5  }
0x207: {  	[tilespmem:s24+$0xE530] =	vst.add.f32.msk $0xffff, v6  }
0x208: {  	[tilespmem:s24+$0xE540] =	vst.add.f32.msk $0xffff, v2  }
0x209: {  	[tilespmem:s24+$0xE550] =	vst.add.f32.msk $0xffff, v1  }
0x20a: {  	[tilespmem:s24+$0xE560] =	vst.add.f32.msk $0xffff, v0  }
0x20b: {  	[tilespmem:s24+$0xE570] =	vst.add.f32.msk $0xffff, v7  }
0x20c: {  	[tilespmem:s24+$0xE580] =	vst.add.f32.msk $0xffff, v3  }
0x20d: {  	[tilespmem:s24+$0xE590] =	vst.add.f32.msk $0xffff, v4  }
0x20e: {  	[tilespmem:s24+$0xE5A0] =	vst.add.f32.msk $0xffff, v5  }
0x20f: {  	[tilespmem:s24+$0xE5B0] =	vst.add.f32.msk $0xffff, v6  }
0x210: {  	[tilespmem:s24+$0xE5C0] =	vst.add.f32.msk $0xffff, v2  }
0x211: {  	[tilespmem:s24+$0xE5D0] =	vst.add.f32.msk $0xffff, v1  }
0x212: {  	[tilespmem:s24+$0xE5E0] =	vst.add.f32.msk $0xffff, v0  }
0x213: {  	[tilespmem:s24+$0xE5F0] =	vst.add.f32.msk $0xffff, v7  }
0x214: {  	[tilespmem:s24+$0xE600] =	vst.add.f32.msk $0xffff, v3  }
0x215: {  	[tilespmem:s24+$0xE610] =	vst.add.f32.msk $0xffff, v4  }
0x216: {  	[tilespmem:s24+$0xE620] =	vst.add.f32.msk $0xffff, v5  }
0x217: {  	[tilespmem:s24+$0xE630] =	vst.add.f32.msk $0xffff, v6  }
0x218: {  	[tilespmem:s24+$0xE640] =	vst.add.f32.msk $0xffff, v2  }
0x219: {  	[tilespmem:s24+$0xE650] =	vst.add.f32.msk $0xffff, v1  }
0x21a: {  	[tilespmem:s24+$0xE660] =	vst.add.f32.msk $0xffff, v0  }
0x21b: {  	[tilespmem:s24+$0xE670] =	vst.add.f32.msk $0xffff, v7  }
0x21c: {  	[tilespmem:s24+$0xE680] =	vst.add.f32.msk $0xffff, v3  }
0x21d: {  	[tilespmem:s24+$0xE690] =	vst.add.f32.msk $0xffff, v4  }
0x21e: {  	[tilespmem:s24+$0xE6A0] =	vst.add.f32.msk $0xffff, v5  }
0x21f: {  	[tilespmem:s24+$0xE6B0] =	vst.add.f32.msk $0xffff, v6  }
0x220: {  	[tilespmem:s24+$0xE6C0] =	vst.add.f32.msk $0xffff, v2  }
0x221: {  	[tilespmem:s24+$0xE6D0] =	vst.add.f32.msk $0xffff, v1  }
0x222: {  	[tilespmem:s24+$0xE6E0] =	vst.add.f32.msk $0xffff, v0  }
0x223: {  	[tilespmem:s24+$0xE6F0] =	vst.add.f32.msk $0xffff, v7  }
0x224: {  	[tilespmem:s24+$0xE700] =	vst.add.f32.msk $0xffff, v3  }
0x225: {  	[tilespmem:s24+$0xE710] =	vst.add.f32.msk $0xffff, v4  }
0x226: {  	[tilespmem:s24+$0xE720] =	vst.add.f32.msk $0xffff, v5  }
0x227: {  	[tilespmem:s24+$0xE730] =	vst.add.f32.msk $0xffff, v6  }
0x228: {  	[tilespmem:s24+$0xE740] =	vst.add.f32.msk $0xffff, v2  }
0x229: {  	[tilespmem:s24+$0xE750] =	vst.add.f32.msk $0xffff, v1  }
0x22a: {  	[tilespmem:s24+$0xE760] =	vst.add.f32.msk $0xffff, v0  }
0x22b: {  	[tilespmem:s24+$0xE770] =	vst.add.f32.msk $0xffff, v7  }
0x22c: {  	[tilespmem:s24+$0xE780] =	vst.add.f32.msk $0xffff, v3  }
0x22d: {  	[tilespmem:s24+$0xE790] =	vst.add.f32.msk $0xffff, v4  }
.Ltmp5:
0x22e: {  	[tilespmem:s24+$0xE7A0] =	vst.add.f32.msk $0xffff, v5;
	(pc) =	sbr.rel @p1 .LBB2_9-.Ltmp5, $4  }
0x22f: {  	[tilespmem:s24+$0xE7B0] =	vst.add.f32.msk $0xffff, v6  }
0x230: {  	[tilespmem:s24+$0xE7C0] =	vst.add.f32.msk $0xffff, v2  }
0x231: {  	[tilespmem:s24+$0xE7D0] =	vst.add.f32.msk $0xffff, v1  }
0x232: {  	[tilespmem:s24+$0xE7E0] =	vst.add.f32.msk $0xffff, v0;
	s24 =	sshra.s32 s7, $0x2;
	s7 =	sadd.s32 $0x1000, s7  }
0x233: {  	[tilespmem:s24+$0xE7F0] =	vst.add.f32.msk $0xffff, v7  }
0x234: {  	[tilespmem:s24+$0xE400] =	vst.add.f32.msk $0xffff, v3  }
0x235: {  	[tilespmem:s24+$0xE410] =	vst.add.f32.msk $0xffff, v4  }
0x236: {  	[tilespmem:s24+$0xE420] =	vst.add.f32.msk $0xffff, v5  }
0x237: {  	[tilespmem:s24+$0xE430] =	vst.add.f32.msk $0xffff, v6  }
0x238: {  	[tilespmem:s24+$0xE440] =	vst.add.f32.msk $0xffff, v2  }
0x239: {  	[tilespmem:s24+$0xE450] =	vst.add.f32.msk $0xffff, v1  }
0x23a: {  	[tilespmem:s24+$0xE460] =	vst.add.f32.msk $0xffff, v0  }
0x23b: {  	[tilespmem:s24+$0xE470] =	vst.add.f32.msk $0xffff, v7  }
0x23c: {  	[tilespmem:s24+$0xE480] =	vst.add.f32.msk $0xffff, v3  }
0x23d: {  	[tilespmem:s24+$0xE490] =	vst.add.f32.msk $0xffff, v4  }
0x23e: {  	[tilespmem:s24+$0xE4A0] =	vst.add.f32.msk $0xffff, v5  }
0x23f: {  	[tilespmem:s24+$0xE4B0] =	vst.add.f32.msk $0xffff, v6  }
0x240: {  	[tilespmem:s24+$0xE4C0] =	vst.add.f32.msk $0xffff, v2  }
0x241: {  	[tilespmem:s24+$0xE4D0] =	vst.add.f32.msk $0xffff, v1  }
0x242: {  	[tilespmem:s24+$0xE4E0] =	vst.add.f32.msk $0xffff, v0  }
0x243: {  	[tilespmem:s24+$0xE4F0] =	vst.add.f32.msk $0xffff, v7  }
0x244: {  	[tilespmem:s24+$0xE500] =	vst.add.f32.msk $0xffff, v3  }
0x245: {  	[tilespmem:s24+$0xE510] =	vst.add.f32.msk $0xffff, v4  }
0x246: {  	[tilespmem:s24+$0xE520] =	vst.add.f32.msk $0xffff, v5  }
0x247: {  	[tilespmem:s24+$0xE530] =	vst.add.f32.msk $0xffff, v6  }
0x248: {  	[tilespmem:s24+$0xE540] =	vst.add.f32.msk $0xffff, v2  }
0x249: {  	[tilespmem:s24+$0xE550] =	vst.add.f32.msk $0xffff, v1  }
0x24a: {  	[tilespmem:s24+$0xE560] =	vst.add.f32.msk $0xffff, v0  }
0x24b: {  	[tilespmem:s24+$0xE570] =	vst.add.f32.msk $0xffff, v7  }
0x24c: {  	[tilespmem:s24+$0xE580] =	vst.add.f32.msk $0xffff, v3  }
0x24d: {  	[tilespmem:s24+$0xE590] =	vst.add.f32.msk $0xffff, v4  }
0x24e: {  	[tilespmem:s24+$0xE5A0] =	vst.add.f32.msk $0xffff, v5  }
0x24f: {  	[tilespmem:s24+$0xE5B0] =	vst.add.f32.msk $0xffff, v6  }
0x250: {  	[tilespmem:s24+$0xE5C0] =	vst.add.f32.msk $0xffff, v2  }
0x251: {  	[tilespmem:s24+$0xE5D0] =	vst.add.f32.msk $0xffff, v1  }
0x252: {  	[tilespmem:s24+$0xE5E0] =	vst.add.f32.msk $0xffff, v0  }
0x253: {  	[tilespmem:s24+$0xE5F0] =	vst.add.f32.msk $0xffff, v7  }
0x254: {  	[tilespmem:s24+$0xE600] =	vst.add.f32.msk $0xffff, v3  }
0x255: {  	[tilespmem:s24+$0xE610] =	vst.add.f32.msk $0xffff, v4  }
0x256: {  	[tilespmem:s24+$0xE620] =	vst.add.f32.msk $0xffff, v5  }
0x257: {  	[tilespmem:s24+$0xE630] =	vst.add.f32.msk $0xffff, v6  }
0x258: {  	[tilespmem:s24+$0xE640] =	vst.add.f32.msk $0xffff, v2  }
0x259: {  	[tilespmem:s24+$0xE650] =	vst.add.f32.msk $0xffff, v1  }
0x25a: {  	[tilespmem:s24+$0xE660] =	vst.add.f32.msk $0xffff, v0  }
0x25b: {  	[tilespmem:s24+$0xE670] =	vst.add.f32.msk $0xffff, v7  }
0x25c: {  	[tilespmem:s24+$0xE680] =	vst.add.f32.msk $0xffff, v3  }
0x25d: {  	[tilespmem:s24+$0xE690] =	vst.add.f32.msk $0xffff, v4  }
0x25e: {  	[tilespmem:s24+$0xE6A0] =	vst.add.f32.msk $0xffff, v5  }
0x25f: {  	[tilespmem:s24+$0xE6B0] =	vst.add.f32.msk $0xffff, v6  }
0x260: {  	[tilespmem:s24+$0xE6C0] =	vst.add.f32.msk $0xffff, v2  }
0x261: {  	[tilespmem:s24+$0xE6D0] =	vst.add.f32.msk $0xffff, v1  }
0x262: {  	[tilespmem:s24+$0xE6E0] =	vst.add.f32.msk $0xffff, v0  }
0x263: {  	[tilespmem:s24+$0xE6F0] =	vst.add.f32.msk $0xffff, v7  }
0x264: {  	[tilespmem:s24+$0xE700] =	vst.add.f32.msk $0xffff, v3  }
0x265: {  	[tilespmem:s24+$0xE710] =	vst.add.f32.msk $0xffff, v4  }
0x266: {  	[tilespmem:s24+$0xE720] =	vst.add.f32.msk $0xffff, v5  }
0x267: {  	[tilespmem:s24+$0xE730] =	vst.add.f32.msk $0xffff, v6  }
0x268: {  	[tilespmem:s24+$0xE740] =	vst.add.f32.msk $0xffff, v2  }
0x269: {  	[tilespmem:s24+$0xE750] =	vst.add.f32.msk $0xffff, v1  }
0x26a: {  	[tilespmem:s24+$0xE760] =	vst.add.f32.msk $0xffff, v0  }
0x26b: {  	[tilespmem:s24+$0xE770] =	vst.add.f32.msk $0xffff, v7  }
0x26c: {  	[tilespmem:s24+$0xE780] =	vst.add.f32.msk $0xffff, v3  }
0x26d: {  	[tilespmem:s24+$0xE790] =	vst.add.f32.msk $0xffff, v4  }
0x26e: {  	[tilespmem:s24+$0xE7A0] =	vst.add.f32.msk $0xffff, v5  }
0x26f: {  	[tilespmem:s24+$0xE7B0] =	vst.add.f32.msk $0xffff, v6;
	s7 =	sshll.u32 s22, $0x4  }
0x270: {  	[tilespmem:s24+$0xE7C0] =	vst.add.f32.msk $0xffff, v2;
	s7 =	sand.u32 $0x3800, s7  }
0x271: {  	[tilespmem:s24+$0xE7D0] =	vst.add.f32.msk $0xffff, v1;
	s20 =	sshll.u32 s20, $0xE;
	s7 =	sadd.s32 s3, s7  }
0x272: {  	[tilespmem:s24+$0xE7E0] =	vst.add.f32.msk $0xffff, v0;
	s7 =	sadd.s32 s20, s7  }
0x273: {  	[hbm4b:s7+s5] =	stream.linear.scatter [tilespmem:s21], [sflag:$0x4], $0x4000, $0x38;
	[tilespmem:$0x16400] =	vst v63  }
0x274: {  	s7 =	simm.s32 @!p0 $0x3  }
0x275: {  	_ =	swait.ge @!p0 [sflag:s7], $0x4000  }
0x276: {  	s20 =	simm.s32 @!p0 $0xA400;
	[sflag:s7] =	ssyncset.done @!p0 $0x0  }
0x277: {  	[sflag:s7] =	ssyncadd.s32 @!p0 $0xFFFFC000;
	s7 =	sadd.s32 @!p0 $0x380, s18;
	s18 =	simm.s32 @!p0 $0x80  }
0x278: {  	[tilespmem:s20], [sflag:$0x3] =	stream.indirect.gather @!p0 [hbm4b:s1+s18], $0x80, s7, s18, $0xb8;
	[tilespmem:$0x16400] =	vst v63  }
0x279: {  	s18 =	sadd.s32 s0, s12  }
0x27a: {  	s0 =	sshrl.u32 s18, $0xA  }
0x27b: {  	_ =	swait.ge [sflag:s30], $0x4000;
	s24 =	ssub.s32 s0, s6  }
0x27c: {  	[sflag:s30] =	ssyncset.done $0x0;
	s7 =	sshll.u32 s24, $0x9  }
0x27d: {  	[sflag:s30] =	ssyncadd.s32 $0xFFFFC000;
	s7 =	sshra.s32 s7, $0x2  }
0x27e: {  	v3 =	vld [tilespmem:s7+$0x1C00]  }
0x27f: {  	v4 =	vld [tilespmem:s7+$0x1C10]  }
0x280: {  	v5 =	vld [tilespmem:s7+$0x1C20]  }
0x281: {  	v7 =	vld [tilespmem:s7+$0x1C70]  }
0x282: {  	v6 =	vld [tilespmem:s7+$0x1C30]  }
0x283: {  	v2 =	vld [tilespmem:s7+$0x1C40]  }
0x284: {  	v1 =	vld [tilespmem:s7+$0x1C50]  }
0x285: {  	s20 =	simm.s32 $0x0;
	v0 =	vld [tilespmem:s7+$0x1C60];
	s7 =	simm.s32 $0x1000  }
.LBB2_11:
0x286: {  	p1 =	sne.s32 s7, $0xF000;
	[tilespmem:s20+$0x127F0] =	vst.add.f32.msk $0xffff, v7  }
0x287: {  	[tilespmem:s20+$0x12400] =	vst.add.f32.msk $0xffff, v3  }
0x288: {  	[tilespmem:s20+$0x12410] =	vst.add.f32.msk $0xffff, v4  }
0x289: {  	[tilespmem:s20+$0x12420] =	vst.add.f32.msk $0xffff, v5  }
0x28a: {  	[tilespmem:s20+$0x12430] =	vst.add.f32.msk $0xffff, v6  }
0x28b: {  	[tilespmem:s20+$0x12440] =	vst.add.f32.msk $0xffff, v2  }
0x28c: {  	[tilespmem:s20+$0x12450] =	vst.add.f32.msk $0xffff, v1  }
0x28d: {  	[tilespmem:s20+$0x12460] =	vst.add.f32.msk $0xffff, v0  }
0x28e: {  	[tilespmem:s20+$0x12470] =	vst.add.f32.msk $0xffff, v7  }
0x28f: {  	[tilespmem:s20+$0x12480] =	vst.add.f32.msk $0xffff, v3  }
0x290: {  	[tilespmem:s20+$0x12490] =	vst.add.f32.msk $0xffff, v4  }
0x291: {  	[tilespmem:s20+$0x124A0] =	vst.add.f32.msk $0xffff, v5  }
0x292: {  	[tilespmem:s20+$0x124B0] =	vst.add.f32.msk $0xffff, v6  }
0x293: {  	[tilespmem:s20+$0x124C0] =	vst.add.f32.msk $0xffff, v2  }
0x294: {  	[tilespmem:s20+$0x124D0] =	vst.add.f32.msk $0xffff, v1  }
0x295: {  	[tilespmem:s20+$0x124E0] =	vst.add.f32.msk $0xffff, v0  }
0x296: {  	[tilespmem:s20+$0x124F0] =	vst.add.f32.msk $0xffff, v7  }
0x297: {  	[tilespmem:s20+$0x12500] =	vst.add.f32.msk $0xffff, v3  }
0x298: {  	[tilespmem:s20+$0x12510] =	vst.add.f32.msk $0xffff, v4  }
0x299: {  	[tilespmem:s20+$0x12520] =	vst.add.f32.msk $0xffff, v5  }
0x29a: {  	[tilespmem:s20+$0x12530] =	vst.add.f32.msk $0xffff, v6  }
0x29b: {  	[tilespmem:s20+$0x12540] =	vst.add.f32.msk $0xffff, v2  }
0x29c: {  	[tilespmem:s20+$0x12550] =	vst.add.f32.msk $0xffff, v1  }
0x29d: {  	[tilespmem:s20+$0x12560] =	vst.add.f32.msk $0xffff, v0  }
0x29e: {  	[tilespmem:s20+$0x12570] =	vst.add.f32.msk $0xffff, v7  }
0x29f: {  	[tilespmem:s20+$0x12580] =	vst.add.f32.msk $0xffff, v3  }
0x2a0: {  	[tilespmem:s20+$0x12590] =	vst.add.f32.msk $0xffff, v4  }
0x2a1: {  	[tilespmem:s20+$0x125A0] =	vst.add.f32.msk $0xffff, v5  }
0x2a2: {  	[tilespmem:s20+$0x125B0] =	vst.add.f32.msk $0xffff, v6  }
0x2a3: {  	[tilespmem:s20+$0x125C0] =	vst.add.f32.msk $0xffff, v2  }
0x2a4: {  	[tilespmem:s20+$0x125D0] =	vst.add.f32.msk $0xffff, v1  }
0x2a5: {  	[tilespmem:s20+$0x125E0] =	vst.add.f32.msk $0xffff, v0  }
0x2a6: {  	[tilespmem:s20+$0x125F0] =	vst.add.f32.msk $0xffff, v7  }
0x2a7: {  	[tilespmem:s20+$0x12600] =	vst.add.f32.msk $0xffff, v3  }
0x2a8: {  	[tilespmem:s20+$0x12610] =	vst.add.f32.msk $0xffff, v4  }
0x2a9: {  	[tilespmem:s20+$0x12620] =	vst.add.f32.msk $0xffff, v5  }
0x2aa: {  	[tilespmem:s20+$0x12630] =	vst.add.f32.msk $0xffff, v6  }
0x2ab: {  	[tilespmem:s20+$0x12640] =	vst.add.f32.msk $0xffff, v2  }
0x2ac: {  	[tilespmem:s20+$0x12650] =	vst.add.f32.msk $0xffff, v1  }
0x2ad: {  	[tilespmem:s20+$0x12660] =	vst.add.f32.msk $0xffff, v0  }
0x2ae: {  	[tilespmem:s20+$0x12670] =	vst.add.f32.msk $0xffff, v7  }
0x2af: {  	[tilespmem:s20+$0x12680] =	vst.add.f32.msk $0xffff, v3  }
0x2b0: {  	[tilespmem:s20+$0x12690] =	vst.add.f32.msk $0xffff, v4  }
0x2b1: {  	[tilespmem:s20+$0x126A0] =	vst.add.f32.msk $0xffff, v5  }
0x2b2: {  	[tilespmem:s20+$0x126B0] =	vst.add.f32.msk $0xffff, v6  }
0x2b3: {  	[tilespmem:s20+$0x126C0] =	vst.add.f32.msk $0xffff, v2  }
0x2b4: {  	[tilespmem:s20+$0x126D0] =	vst.add.f32.msk $0xffff, v1  }
0x2b5: {  	[tilespmem:s20+$0x126E0] =	vst.add.f32.msk $0xffff, v0  }
0x2b6: {  	[tilespmem:s20+$0x126F0] =	vst.add.f32.msk $0xffff, v7  }
0x2b7: {  	[tilespmem:s20+$0x12700] =	vst.add.f32.msk $0xffff, v3  }
0x2b8: {  	[tilespmem:s20+$0x12710] =	vst.add.f32.msk $0xffff, v4  }
0x2b9: {  	[tilespmem:s20+$0x12720] =	vst.add.f32.msk $0xffff, v5  }
0x2ba: {  	[tilespmem:s20+$0x12730] =	vst.add.f32.msk $0xffff, v6  }
0x2bb: {  	[tilespmem:s20+$0x12740] =	vst.add.f32.msk $0xffff, v2  }
0x2bc: {  	[tilespmem:s20+$0x12750] =	vst.add.f32.msk $0xffff, v1  }
0x2bd: {  	[tilespmem:s20+$0x12760] =	vst.add.f32.msk $0xffff, v0  }
0x2be: {  	[tilespmem:s20+$0x12770] =	vst.add.f32.msk $0xffff, v7  }
0x2bf: {  	[tilespmem:s20+$0x12780] =	vst.add.f32.msk $0xffff, v3  }
0x2c0: {  	[tilespmem:s20+$0x12790] =	vst.add.f32.msk $0xffff, v4  }
.Ltmp6:
0x2c1: {  	[tilespmem:s20+$0x127A0] =	vst.add.f32.msk $0xffff, v5;
	(pc) =	sbr.rel @p1 .LBB2_11-.Ltmp6, $4  }
0x2c2: {  	[tilespmem:s20+$0x127B0] =	vst.add.f32.msk $0xffff, v6  }
0x2c3: {  	[tilespmem:s20+$0x127C0] =	vst.add.f32.msk $0xffff, v2  }
0x2c4: {  	[tilespmem:s20+$0x127D0] =	vst.add.f32.msk $0xffff, v1  }
0x2c5: {  	[tilespmem:s20+$0x127E0] =	vst.add.f32.msk $0xffff, v0;
	s20 =	sshra.s32 s7, $0x2;
	s7 =	sadd.s32 $0x1000, s7  }
0x2c6: {  	[tilespmem:s20+$0x127F0] =	vst.add.f32.msk $0xffff, v7  }
0x2c7: {  	[tilespmem:s20+$0x12400] =	vst.add.f32.msk $0xffff, v3  }
0x2c8: {  	[tilespmem:s20+$0x12410] =	vst.add.f32.msk $0xffff, v4  }
0x2c9: {  	[tilespmem:s20+$0x12420] =	vst.add.f32.msk $0xffff, v5  }
0x2ca: {  	[tilespmem:s20+$0x12430] =	vst.add.f32.msk $0xffff, v6  }
0x2cb: {  	[tilespmem:s20+$0x12440] =	vst.add.f32.msk $0xffff, v2  }
0x2cc: {  	[tilespmem:s20+$0x12450] =	vst.add.f32.msk $0xffff, v1  }
0x2cd: {  	[tilespmem:s20+$0x12460] =	vst.add.f32.msk $0xffff, v0  }
0x2ce: {  	[tilespmem:s20+$0x12470] =	vst.add.f32.msk $0xffff, v7  }
0x2cf: {  	[tilespmem:s20+$0x12480] =	vst.add.f32.msk $0xffff, v3  }
0x2d0: {  	[tilespmem:s20+$0x12490] =	vst.add.f32.msk $0xffff, v4  }
0x2d1: {  	[tilespmem:s20+$0x124A0] =	vst.add.f32.msk $0xffff, v5  }
0x2d2: {  	[tilespmem:s20+$0x124B0] =	vst.add.f32.msk $0xffff, v6  }
0x2d3: {  	[tilespmem:s20+$0x124C0] =	vst.add.f32.msk $0xffff, v2  }
0x2d4: {  	[tilespmem:s20+$0x124D0] =	vst.add.f32.msk $0xffff, v1  }
0x2d5: {  	[tilespmem:s20+$0x124E0] =	vst.add.f32.msk $0xffff, v0  }
0x2d6: {  	[tilespmem:s20+$0x124F0] =	vst.add.f32.msk $0xffff, v7  }
0x2d7: {  	[tilespmem:s20+$0x12500] =	vst.add.f32.msk $0xffff, v3  }
0x2d8: {  	[tilespmem:s20+$0x12510] =	vst.add.f32.msk $0xffff, v4  }
0x2d9: {  	[tilespmem:s20+$0x12520] =	vst.add.f32.msk $0xffff, v5  }
0x2da: {  	[tilespmem:s20+$0x12530] =	vst.add.f32.msk $0xffff, v6  }
0x2db: {  	[tilespmem:s20+$0x12540] =	vst.add.f32.msk $0xffff, v2  }
0x2dc: {  	[tilespmem:s20+$0x12550] =	vst.add.f32.msk $0xffff, v1  }
0x2dd: {  	[tilespmem:s20+$0x12560] =	vst.add.f32.msk $0xffff, v0  }
0x2de: {  	[tilespmem:s20+$0x12570] =	vst.add.f32.msk $0xffff, v7  }
0x2df: {  	[tilespmem:s20+$0x12580] =	vst.add.f32.msk $0xffff, v3  }
0x2e0: {  	[tilespmem:s20+$0x12590] =	vst.add.f32.msk $0xffff, v4  }
0x2e1: {  	[tilespmem:s20+$0x125A0] =	vst.add.f32.msk $0xffff, v5  }
0x2e2: {  	[tilespmem:s20+$0x125B0] =	vst.add.f32.msk $0xffff, v6  }
0x2e3: {  	[tilespmem:s20+$0x125C0] =	vst.add.f32.msk $0xffff, v2  }
0x2e4: {  	[tilespmem:s20+$0x125D0] =	vst.add.f32.msk $0xffff, v1  }
0x2e5: {  	[tilespmem:s20+$0x125E0] =	vst.add.f32.msk $0xffff, v0  }
0x2e6: {  	[tilespmem:s20+$0x125F0] =	vst.add.f32.msk $0xffff, v7  }
0x2e7: {  	[tilespmem:s20+$0x12600] =	vst.add.f32.msk $0xffff, v3  }
0x2e8: {  	[tilespmem:s20+$0x12610] =	vst.add.f32.msk $0xffff, v4  }
0x2e9: {  	[tilespmem:s20+$0x12620] =	vst.add.f32.msk $0xffff, v5  }
0x2ea: {  	[tilespmem:s20+$0x12630] =	vst.add.f32.msk $0xffff, v6  }
0x2eb: {  	[tilespmem:s20+$0x12640] =	vst.add.f32.msk $0xffff, v2  }
0x2ec: {  	[tilespmem:s20+$0x12650] =	vst.add.f32.msk $0xffff, v1  }
0x2ed: {  	[tilespmem:s20+$0x12660] =	vst.add.f32.msk $0xffff, v0  }
0x2ee: {  	[tilespmem:s20+$0x12670] =	vst.add.f32.msk $0xffff, v7  }
0x2ef: {  	[tilespmem:s20+$0x12680] =	vst.add.f32.msk $0xffff, v3  }
0x2f0: {  	[tilespmem:s20+$0x12690] =	vst.add.f32.msk $0xffff, v4  }
0x2f1: {  	[tilespmem:s20+$0x126A0] =	vst.add.f32.msk $0xffff, v5  }
0x2f2: {  	[tilespmem:s20+$0x126B0] =	vst.add.f32.msk $0xffff, v6  }
0x2f3: {  	[tilespmem:s20+$0x126C0] =	vst.add.f32.msk $0xffff, v2  }
0x2f4: {  	[tilespmem:s20+$0x126D0] =	vst.add.f32.msk $0xffff, v1  }
0x2f5: {  	[tilespmem:s20+$0x126E0] =	vst.add.f32.msk $0xffff, v0  }
0x2f6: {  	[tilespmem:s20+$0x126F0] =	vst.add.f32.msk $0xffff, v7  }
0x2f7: {  	[tilespmem:s20+$0x12700] =	vst.add.f32.msk $0xffff, v3  }
0x2f8: {  	[tilespmem:s20+$0x12710] =	vst.add.f32.msk $0xffff, v4  }
0x2f9: {  	[tilespmem:s20+$0x12720] =	vst.add.f32.msk $0xffff, v5  }
0x2fa: {  	[tilespmem:s20+$0x12730] =	vst.add.f32.msk $0xffff, v6  }
0x2fb: {  	[tilespmem:s20+$0x12740] =	vst.add.f32.msk $0xffff, v2  }
0x2fc: {  	[tilespmem:s20+$0x12750] =	vst.add.f32.msk $0xffff, v1  }
0x2fd: {  	[tilespmem:s20+$0x12760] =	vst.add.f32.msk $0xffff, v0  }
0x2fe: {  	[tilespmem:s20+$0x12770] =	vst.add.f32.msk $0xffff, v7  }
0x2ff: {  	[tilespmem:s20+$0x12780] =	vst.add.f32.msk $0xffff, v3  }
0x300: {  	[tilespmem:s20+$0x12790] =	vst.add.f32.msk $0xffff, v4  }
0x301: {  	[tilespmem:s20+$0x127A0] =	vst.add.f32.msk $0xffff, v5  }
.Ltmp7:
0x302: {  	[tilespmem:s20+$0x127B0] =	vst.add.f32.msk $0xffff, v6;
	s7 =	sshll.u32 s18, $0x4;
	(pc) =	sbr.rel @p0 .LBB2_14-.Ltmp7, $4  }
0x303: {  	[tilespmem:s20+$0x127C0] =	vst.add.f32.msk $0xffff, v2;
	s7 =	sand.u32 $0x3800, s7  }
0x304: {  	[tilespmem:s20+$0x127D0] =	vst.add.f32.msk $0xffff, v1;
	s0 =	sshll.u32 s0, $0xE;
	s7 =	sadd.s32 s3, s7  }
0x305: {  	[tilespmem:s20+$0x127E0] =	vst.add.f32.msk $0xffff, v0;
	s0 =	sadd.s32 s0, s7  }
0x306: {  	[hbm4b:s0+s5] =	stream.linear.scatter [tilespmem:s23], [sflag:$0x5], $0x4000, $0x38;
	[tilespmem:$0x16400] =	vst v63  }
0x307: {  	s0 =	smul.u32 $0xA00, s2  }
0x308: {  	_ =	swait.ge [sflag:s29], $0x4000  }
0x309: {  	[sflag:s29] =	ssyncset.done $0x0;
	s0 =	sshra.s32 s0, $0x2  }
0x30a: {  	[sflag:s29] =	ssyncadd.s32 $0xFFFFC000;
	s7 =	sadd.s32 $0x400, s0  }
0x30b: {  	[tilespmem:s21], [sflag:$0x4] =	stream.indirect.gather [hbm4b:s1+s15], $0x80, s7, s15, $0xb8;
	[tilespmem:$0x16400] =	vst v63  }
.Ltmp8:
0x30c: {  	_ = 	snop;
	(pc) =	sbr.rel .LBB2_2-.Ltmp8, $4  }
0x30d: {  	_ =	swait.ge [sflag:s30], $0x4000  }
0x30e: {  	[sflag:s30] =	ssyncset.done $0x0  }
0x30f: {  	s2 =	sadd.s32 $0x1, s2;
	s0 =	sadd.s32 $0x480, s0;
	[sflag:s30] =	ssyncadd.s32 $0xFFFFC000  }
0x310: {  	[tilespmem:s23], [sflag:$0x5] =	stream.indirect.gather [hbm4b:s1+s15], $0x80, s0, s15, $0xb8;
	[tilespmem:$0x16400] =	vst v63  }
.LBB2_15:
0x311: {  	_ =	sfence.sel $0x180000  }
0x312: {  	[bflag:$0x0] =	sbarrier.arrive $0xFFFF  }
0x313: {  	_ =	strace $0x90000047  }
0x314: {  	s0 =	stileid.u32;
	[bflag:$0x2] =	sbarrier.arrive $0xFFFF  }
0x315: {  	p0 =	sne.s32 s0, $0x0;
	s0 =	rddreg [dreg:$0x4]  }
0x316: {  	s0 =	sadd.s32 @!p0 $0x100000, s0  }
0x317: {  	[sflag:s0] =	ssyncadd.tile.s32 @!p0 $0x1;
	_ =	shalt  }
.Lfunc_end2:
_tile_overlayer_lowered:
.L_overlay_start_2:
0x318: {  	(tag) =	ssettag $0x2  }
0x319: {  	s0 =	rddreg [dreg:$0x0];
	s2 =	stileid.u32  }
0x31a: {  	s1 =	rddreg [dreg:$0x1];
	p0 =	sne.s32 s2, $0x0  }
0x31b: {  	s3 =	rddreg [dreg:$0x2];
	[bflag:$0x3] =	sbarrier.arrive $0xFFFF;
	s2 =	simm.s32 @!p0 $0x1C06  }
0x31c: {  	[timem:s3], [sflag:s2] =	dma.local @!p0 [hbm:s0], s1  }
0x31d: {  	s0 =	simm.s32 @!p0 $0x6  }
0x31e: {  	_ =	swait.ge @!p0 [sflag:s0], s1  }
0x31f: {  	s1 =	ssub.s32 @!p0 $0x0, s1;
	[sflag:s0] =	ssyncset.done @!p0 $0x0  }
0x320: {  	[sflag:s0] =	ssyncadd.s32 @!p0 s1  }
0x321: {  	[bflag:$0x3] =	sbarrier.arrive $0xFFFF  }
0x322: {  	_ =	shalt  }

</sc_bundles>
